<compile_context>
chip_gen: v7x
topology: tpu7x:2x2x1
jax: 0.10.2.dev20260603
libtpu: 0.0.44.dev20260713+nightly
codegen_flags: <defaults>
</compile_context>

<pallas_src>
import jax
import jax.numpy as jnp
from jax import lax
from jax.experimental import pallas as pl
from jax.experimental.pallas import tpu as pltpu
from jax.experimental.pallas import tpu_sc as plsc

N = 10000
E = 320000
F = 128
G = 8
C = 1000

NC, NS = 2, 16
NW = NC * NS
EPW = E // NW
CH = 80
FH = F // NC
EPT = E // NS
NCHT = EPT // CH
NCHUNK = EPW // CH
RPW = N // NS
NFULL = RPW // CH
TAIL = RPW - NFULL * CH
DEGW = 16

BLK = 1000
NBLK = N // BLK

_MESH = plsc.VectorSubcoreMesh(
    core_axis_name="c", subcore_axis_name="s", num_cores=NC, num_subcores=NS)

_SC_PARAMS = pltpu.CompilerParams(use_tc_tiling_on_sc=False)


def _deg_body(dst_hbm, out_hbm, dst_v, ones_v, z_v, deg_sh, dsem):
    c = lax.axis_index("c")
    s = lax.axis_index("s")
    w = s * NC + c

    pltpu.async_copy(dst_hbm.at[pl.ds(w * NCHUNK, NCHUNK)], dst_v, dsem)

    @pl.loop(0, CH)
    def _(i):
        ones_v[i] = jnp.ones((DEGW,), jnp.float32)

    @pl.loop(0, RPW)
    def _(i):
        z_v[i] = jnp.zeros((DEGW,), jnp.float32)

    pltpu.sync_copy(z_v, deg_sh.at[pl.ds(s * RPW, RPW)])
    pltpu.make_async_copy(dst_hbm.at[pl.ds(w * NCHUNK, NCHUNK)], dst_v,
                          dsem).wait()
    plsc.subcore_barrier()

    @pl.loop(0, NCHUNK)
    def _(j):
        pltpu.async_copy(ones_v, deg_sh.at[dst_v.at[j]], dsem, add=True)

    @pl.loop(0, NCHUNK)
    def _(j):
        pltpu.make_async_copy(ones_v, deg_sh.at[dst_v.at[j]], dsem).wait()

    plsc.subcore_barrier()
    pltpu.sync_copy(deg_sh.at[pl.ds(s * RPW, RPW)], z_v)
    pltpu.sync_copy(z_v, out_hbm.at[c, pl.ds(s * RPW, RPW)])


_deg_call = pl.kernel(
    _deg_body,
    out_type=jax.ShapeDtypeStruct((NC, N, DEGW), jnp.float32),
    mesh=_MESH,
    scratch_types=[
        pltpu.VMEM((NCHUNK, CH), jnp.int32),
        pltpu.VMEM((CH, DEGW), jnp.float32),
        pltpu.VMEM((RPW, DEGW), jnp.float32),
        pltpu.VMEM_SHARED((N, DEGW), jnp.float32),
        pltpu.SemaphoreType.DMA,
    ],
    compiler_params=_SC_PARAMS,
)


def _edge_body(hp_hbm, src_hbm, dst_hbm, out_hbm, src_v, dst_v, rows, gsems,
               ssems, acc_sh):
    c = lax.axis_index("c")
    s = lax.axis_index("s")
    w = s * NC + c

    pltpu.sync_copy(src_hbm.at[pl.ds(w * NCHUNK, NCHUNK)], src_v)
    pltpu.sync_copy(dst_hbm.at[pl.ds(w * NCHUNK, NCHUNK)], dst_v)

    @pl.loop(0, CH)
    def _(i):
        for jj in range(F // 16):
            rows[0][i, pl.ds(jj * 16, 16)] = jnp.zeros((16,), jnp.float32)

    for k in range(NFULL):
        pltpu.async_copy(rows[0], acc_sh.at[pl.ds(s * RPW + k * CH, CH)],
                         ssems[0])
    pltpu.async_copy(rows[0].at[pl.ds(0, TAIL)],
                     acc_sh.at[pl.ds(s * RPW + NFULL * CH, TAIL)], ssems[0])
    for k in range(NFULL):
        pltpu.make_async_copy(rows[0],
                              acc_sh.at[pl.ds(s * RPW + k * CH, CH)],
                              ssems[0]).wait()
    pltpu.make_async_copy(rows[0].at[pl.ds(0, TAIL)],
                          acc_sh.at[pl.ds(s * RPW + NFULL * CH, TAIL)],
                          ssems[0]).wait()
    plsc.subcore_barrier()

    def g_wait(chunk, b):
        pltpu.make_async_copy(hp_hbm.at[src_v.at[chunk]], rows[b],
                              gsems[b]).wait()

    def s_issue(chunk, b):
        pltpu.async_copy(rows[b], acc_sh.at[dst_v.at[chunk]], ssems[b],
                         add=True)

    def s_wait(chunk, b):
        pltpu.make_async_copy(rows[b], acc_sh.at[dst_v.at[chunk]],
                              ssems[b]).wait()

    pltpu.async_copy(hp_hbm.at[src_v.at[0]], rows[0], gsems[0])
    pltpu.async_copy(hp_hbm.at[src_v.at[1]], rows[1], gsems[1])

    @pl.loop(0, NCHUNK - 2, step=3)
    def _(j):
        for b in range(3):
            ch = j + b
            nb = (b + 2) % 3

            @pl.when(ch >= 1)
            def _():
                s_wait(ch - 1, nb)

            @pl.when(ch + 2 <= NCHUNK - 1)
            def _():
                pltpu.async_copy(hp_hbm.at[src_v.at[ch + 2]], rows[nb],
                                 gsems[nb])
            g_wait(ch, b)
            s_issue(ch, b)

    for t in (NCHUNK - 2, NCHUNK - 1):
        b = t % 3
        s_wait(t - 1, (t + 2) % 3)
        g_wait(t, b)
        s_issue(t, b)
    s_wait(NCHUNK - 1, (NCHUNK - 1) % 3)

    plsc.subcore_barrier()
    nw_slices = [(k * CH, CH) for k in range(NFULL)] + [(NFULL * CH, TAIL)]
    for k, (off, ln) in enumerate(nw_slices):
        r = k % 3
        if k >= 3:
            po, pln = nw_slices[k - 3]
            pltpu.make_async_copy(
                rows[r].at[pl.ds(0, pln)],
                out_hbm.at[c, pl.ds(s * RPW + po, pln)], ssems[r]).wait()
        pltpu.async_copy(acc_sh.at[pl.ds(s * RPW + off, ln)],
                         rows[r].at[pl.ds(0, ln)], gsems[r])
        pltpu.make_async_copy(acc_sh.at[pl.ds(s * RPW + off, ln)],
                              rows[r].at[pl.ds(0, ln)], gsems[r]).wait()
        pltpu.async_copy(rows[r].at[pl.ds(0, ln)],
                         out_hbm.at[c, pl.ds(s * RPW + off, ln)], ssems[r])
    for k in range(len(nw_slices) - 3, len(nw_slices)):
        off, ln = nw_slices[k]
        pltpu.make_async_copy(rows[k % 3].at[pl.ds(0, ln)],
                              out_hbm.at[c, pl.ds(s * RPW + off, ln)],
                              ssems[k % 3]).wait()


_edge_call = pl.kernel(
    _edge_body,
    out_type=jax.ShapeDtypeStruct((NC, N, F), jnp.float32),
    mesh=_MESH,
    scratch_types=[
        pltpu.VMEM((NCHUNK, CH), jnp.int32),
        pltpu.VMEM((NCHUNK, CH), jnp.int32),
        tuple(pltpu.VMEM((CH, F), jnp.float32) for _ in range(3)),
        tuple(pltpu.SemaphoreType.DMA for _ in range(3)),
        tuple(pltpu.SemaphoreType.DMA for _ in range(3)),
        pltpu.VMEM_SHARED((N, F), jnp.float32),
    ],
    compiler_params=_SC_PARAMS,
)


def _dinv_of(degp_ref):
    deg = degp_ref[0, :, 0] + degp_ref[1, :, 0] + 1.0
    return lax.rsqrt(jnp.maximum(deg, 1.0))


def _ln_gelu(aggv, g_ref, be_ref):
    mu = jnp.mean(aggv, axis=-1, keepdims=True)
    var = jnp.mean((aggv - mu) ** 2, axis=-1, keepdims=True)
    t = (aggv - mu) * lax.rsqrt(var + 1e-5) * g_ref[...] + be_ref[...]
    return jax.nn.gelu(t)


def _mm1_body(x_ref, w_ref, degp_ref, o_ref):
    dinv = _dinv_of(degp_ref)
    h = jnp.dot(x_ref[...], w_ref[...], preferred_element_type=jnp.float32)
    o_ref[...] = h * dinv[:, None]


_mm1_call = pl.pallas_call(
    _mm1_body,
    grid=(NBLK,),
    in_specs=[
        pl.BlockSpec((BLK, F), lambda i: (i, 0)),
        pl.BlockSpec((F, F), lambda i: (0, 0)),
        pl.BlockSpec((NC, BLK, DEGW), lambda i: (0, i, 0)),
    ],
    out_specs=pl.BlockSpec((BLK, F), lambda i: (i, 0)),
    out_shape=jax.ShapeDtypeStruct((N, F), jnp.float32),
)


def _mid_body(sp_ref, hp_ref, degp_ref, b_ref, g_ref, be_ref, w_ref, o_ref):
    dinv = _dinv_of(degp_ref)
    agg = (sp_ref[0] + sp_ref[1] + hp_ref[...]) * dinv[:, None] + b_ref[...]
    t = _ln_gelu(agg, g_ref, be_ref)
    h2 = jnp.dot(t, w_ref[...], preferred_element_type=jnp.float32)
    o_ref[...] = h2 * dinv[:, None]


_mid_call = pl.pallas_call(
    _mid_body,
    grid=(NBLK,),
    in_specs=[
        pl.BlockSpec((NC, BLK, F), lambda i: (0, i, 0)),
        pl.BlockSpec((BLK, F), lambda i: (i, 0)),
        pl.BlockSpec((NC, BLK, DEGW), lambda i: (0, i, 0)),
        pl.BlockSpec((1, F), lambda i: (0, 0)),
        pl.BlockSpec((1, F), lambda i: (0, 0)),
        pl.BlockSpec((1, F), lambda i: (0, 0)),
        pl.BlockSpec((F, F), lambda i: (0, 0)),
    ],
    out_specs=pl.BlockSpec((BLK, F), lambda i: (i, 0)),
    out_shape=jax.ShapeDtypeStruct((N, F), jnp.float32),
)


def _fin_body(sp_ref, hp_ref, degp_ref, b_ref, g_ref, be_ref, batch_ref,
              fcw_ref, fcb_ref, o_ref, pooled_acc, cnt_acc):
    i = pl.program_id(0)

    @pl.when(i == 0)
    def _():
        pooled_acc[...] = jnp.zeros((G, F), jnp.float32)
        cnt_acc[...] = jnp.zeros((G, F), jnp.float32)

    dinv = _dinv_of(degp_ref)
    agg = (sp_ref[0] + sp_ref[1] + hp_ref[...]) * dinv[:, None] + b_ref[...]
    t = _ln_gelu(agg, g_ref, be_ref)
    bvec = batch_ref[0, 0, :]
    onehot = (lax.broadcasted_iota(jnp.int32, (G, BLK), 0)
              == bvec[None, :]).astype(jnp.float32)
    pooled_acc[...] += jnp.dot(onehot, t, preferred_element_type=jnp.float32)
    cnt = jnp.sum(onehot, axis=1, keepdims=True)
    cnt_acc[...] += jnp.broadcast_to(cnt, (G, F))

    @pl.when(i == NBLK - 1)
    def _():
        pooled = pooled_acc[...] / jnp.maximum(cnt_acc[...], 1.0)
        o_ref[...] = (jnp.dot(pooled, fcw_ref[...],
                              preferred_element_type=jnp.float32)
                      + fcb_ref[...])


_fin_call = pl.pallas_call(
    _fin_body,
    grid=(NBLK,),
    in_specs=[
        pl.BlockSpec((NC, BLK, F), lambda i: (0, i, 0)),
        pl.BlockSpec((BLK, F), lambda i: (i, 0)),
        pl.BlockSpec((NC, BLK, DEGW), lambda i: (0, i, 0)),
        pl.BlockSpec((1, F), lambda i: (0, 0)),
        pl.BlockSpec((1, F), lambda i: (0, 0)),
        pl.BlockSpec((1, F), lambda i: (0, 0)),
        pl.BlockSpec((1, 1, BLK), lambda i: (i, 0, 0)),
        pl.BlockSpec((F, C), lambda i: (0, 0)),
        pl.BlockSpec((1, C), lambda i: (0, 0)),
    ],
    out_specs=pl.BlockSpec((G, C), lambda i: (0, 0)),
    out_shape=jax.ShapeDtypeStruct((G, C), jnp.float32),
    scratch_shapes=[
        pltpu.VMEM((G, F), jnp.float32),
        pltpu.VMEM((G, F), jnp.float32),
    ],
)


def kernel(x, edge_index, batch, W1, b1, g1, be1, W2, b2, g2, be2, fcW, fcb):
    src_r = edge_index[0].reshape(NW * NCHUNK, CH)
    dst_r = edge_index[1].reshape(NW * NCHUNK, CH)
    degp = _deg_call(dst_r)
    hp = _mm1_call(x, W1, degp)
    s1 = _edge_call(hp, src_r, dst_r)
    h2p = _mid_call(s1, hp, degp, b1.reshape(1, F), g1.reshape(1, F),
                    be1.reshape(1, F), W2)
    s2 = _edge_call(h2p, src_r, dst_r)
    out = _fin_call(s2, h2p, degp, b2.reshape(1, F), g2.reshape(1, F),
                    be2.reshape(1, F), batch.reshape(NBLK, 1, BLK), fcW,
                    fcb.reshape(1, C))
    return out

# --- scband reference (transcript-rebuilt; emitter-appended) ---
"""Pipeline reference for scband-my-model-49417893708135 (READ-ONLY COPY).

The authoritative reference and input builder live on the scoring server;
editing this copy changes nothing except your own understanding.
"""

import jax, jax.numpy as jnp
import numpy as np

N = 10000
E = 320000
D = 128
H = 128
O = 128
C = 1000
G = 8


def setup_inputs(seed: int = 0) -> dict:
    key = jax.random.key(seed)
    ks = jax.random.split(key, 12)
    x = jax.random.normal(ks[0], (N, D), dtype=jnp.float32)
    edge_index = jax.random.randint(ks[1], (2, E), 0, N, dtype=jnp.int32)
    batch = jnp.sort(jax.random.randint(ks[2], (N,), 0, G, dtype=jnp.int32))
    s1 = 1.0 / np.sqrt(D)
    s2 = 1.0 / np.sqrt(H)
    s3 = 1.0 / np.sqrt(O)
    W1 = jax.random.normal(ks[3], (D, H), dtype=jnp.float32) * s1
    b1 = jnp.zeros((H,), dtype=jnp.float32)
    g1 = jnp.ones((H,), dtype=jnp.float32)
    be1 = jnp.zeros((H,), dtype=jnp.float32)
    W2 = jax.random.normal(ks[4], (H, O), dtype=jnp.float32) * s2
    b2 = jnp.zeros((O,), dtype=jnp.float32)
    g2 = jnp.ones((O,), dtype=jnp.float32)
    be2 = jnp.zeros((O,), dtype=jnp.float32)
    fcW = jax.random.normal(ks[5], (O, C), dtype=jnp.float32) * s3
    fcb = jnp.zeros((C,), dtype=jnp.float32)
    return {"x": x, "edge_index": edge_index, "batch": batch,
            "W1": W1, "b1": b1, "g1": g1, "be1": be1,
            "W2": W2, "b2": b2, "g2": g2, "be2": be2,
            "fcW": fcW, "fcb": fcb}


def _gcn_conv(x, edge_index, W, b):
    # GCNConv: D^{-1/2} (A + I) D^{-1/2} X W + b
    n = x.shape[0]
    loop = jnp.arange(n, dtype=edge_index.dtype)
    src = jnp.concatenate([edge_index[0], loop])
    dst = jnp.concatenate([edge_index[1], loop])
    deg = jnp.zeros((n,), dtype=x.dtype).at[dst].add(1.0)
    dinv = jax.lax.rsqrt(jnp.maximum(deg, 1.0))
    norm = dinv[src] * dinv[dst]
    h = x @ W
    msg = h[src] * norm[:, None]
    agg = jnp.zeros((n, h.shape[1]), dtype=x.dtype).at[dst].add(msg)
    return agg + b


def _layer_norm(x, g, b):
    mu = jnp.mean(x, axis=-1, keepdims=True)
    var = jnp.mean((x - mu) ** 2, axis=-1, keepdims=True)
    return (x - mu) * jax.lax.rsqrt(var + 1e-5) * g + b


def reference(x, edge_index, batch, W1, b1, g1, be1, W2, b2, g2, be2, fcW, fcb):
    h = _gcn_conv(x, edge_index, W1, b1)
    h = _layer_norm(h, g1, be1)
    h = jax.nn.gelu(h)
    # dropout p=0.0 / eval mode -> identity
    h = _gcn_conv(h, edge_index, W2, b2)
    h = _layer_norm(h, g2, be2)
    h = jax.nn.gelu(h)
    # global_mean_pool over graph ids
    sums = jax.ops.segment_sum(h, batch, num_segments=G)
    cnts = jax.ops.segment_sum(jnp.ones((h.shape[0],), dtype=h.dtype), batch, num_segments=G)
    pooled = sums / jnp.maximum(cnts, 1.0)[:, None]
    out = pooled @ fcW + fcb
    return out

if __name__ == "__main__":
    import jax
    _d = setup_inputs()
    print(jax.jit(kernel)(*tuple(_d.values())))

</pallas_src>

<mosaic_0001>
#map = affine_map<(d0, d1) -> (0, 0)>
#map1 = affine_map<(d0, d1) -> (0, 0, 0)>
module attributes {stable_mosaic.version = 14 : i64} {
  func.func @_edge_body(%arg0: i32, %arg1: i32, %arg2: memref<10000x128xf32, #tpu.memory_space<hbm>>, %arg3: memref<4000x80xi32, #tpu.memory_space<hbm>>, %arg4: memref<4000x80xi32, #tpu.memory_space<hbm>>, %arg5: memref<2x10000x128xf32, #tpu.memory_space<hbm>>, %arg6: memref<125x80xi32, #tpu.memory_space<vmem>>, %arg7: memref<125x80xi32, #tpu.memory_space<vmem>>, %arg8: memref<80x128xf32, #tpu.memory_space<vmem>>, %arg9: memref<80x128xf32, #tpu.memory_space<vmem>>, %arg10: memref<80x128xf32, #tpu.memory_space<vmem>>, %arg11: memref<!tpu.dma_semaphore, #tpu.memory_space<semaphore_mem>>, %arg12: memref<!tpu.dma_semaphore, #tpu.memory_space<semaphore_mem>>, %arg13: memref<!tpu.dma_semaphore, #tpu.memory_space<semaphore_mem>>, %arg14: memref<!tpu.dma_semaphore, #tpu.memory_space<semaphore_mem>>, %arg15: memref<!tpu.dma_semaphore, #tpu.memory_space<semaphore_mem>>, %arg16: memref<!tpu.dma_semaphore, #tpu.memory_space<semaphore_mem>>, %arg17: memref<10000x128xf32, #tpu.memory_space<vmem_shared>>) attributes {dimension_semantics = [#tpu.dimension_semantics<core_parallel>, #tpu.dimension_semantics<subcore_parallel>], iteration_bounds = array<i64: 2, 16>, scalar_prefetch = 0 : i64, scratch_operands = 12 : i64, tpu.core_type = #tpu.core_type<sc_vector_subcore>, window_params = [{transform_indices = #map}, {transform_indices = #map}, {transform_indices = #map}, {transform_indices = #map1}]} {
    %mul3A = arith.constant 2 : i32
    %mul3A_0 = arith.muli %arg1, %mul3A : i32
    %add3A = arith.addi %mul3A_0, %arg0 : i32
    %mul3A_1 = arith.constant 125 : i32
    %mul3A_2 = arith.muli %add3A, %mul3A_1 : i32
    "tpu.region"() ({
      %run_scoped3A = tpu.sem_alloc : memref<!tpu.dma_semaphore, #tpu.memory_space<semaphore_mem>>
      %dma_start3A_696 = arith.constant 0 : i32
      %dma_start3A_697 = tpu.memref_slice %arg3[%mul3A_2, %dma_start3A_696] : memref<4000x80xi32, #tpu.memory_space<hbm>> -> memref<125x80xi32, #tpu.memory_space<hbm>>
      %dma_start3A_698 = arith.constant 0 : i32
      %dma_start3A_699 = tpu.memref_slice %arg3[%mul3A_2, %dma_start3A_698] : memref<4000x80xi32, #tpu.memory_space<hbm>> -> memref<125x80xi32, #tpu.memory_space<hbm>>
      tpu.enqueue_dma source(%dma_start3A_699 : memref<125x80xi32, #tpu.memory_space<hbm>>) target(%arg6 : memref<125x80xi32, #tpu.memory_space<vmem>>) target_semaphore(%run_scoped3A : memref<!tpu.dma_semaphore, #tpu.memory_space<semaphore_mem>>)
      %dma_wait3A_700 = arith.constant 0 : i32
      %dma_wait3A_701 = tpu.memref_slice %arg3[%mul3A_2, %dma_wait3A_700] : memref<4000x80xi32, #tpu.memory_space<hbm>> -> memref<125x80xi32, #tpu.memory_space<hbm>>
      %dma_wait3A_702 = arith.constant 0 : i32
      %dma_wait3A_703 = tpu.memref_slice %arg3[%mul3A_2, %dma_wait3A_702] : memref<4000x80xi32, #tpu.memory_space<hbm>> -> memref<125x80xi32, #tpu.memory_space<hbm>>
      tpu.wait_dma2 semaphore(%run_scoped3A : memref<!tpu.dma_semaphore, #tpu.memory_space<semaphore_mem>>) src(%dma_wait3A_703 : memref<125x80xi32, #tpu.memory_space<hbm>>) dst(%arg6 : memref<125x80xi32, #tpu.memory_space<vmem>>)
      tpu.yield
    }) : () -> ()
    %mul3A_3 = arith.constant 125 : i32
    %mul3A_4 = arith.muli %add3A, %mul3A_3 : i32
    "tpu.region"() ({
      %run_scoped3A = tpu.sem_alloc : memref<!tpu.dma_semaphore, #tpu.memory_space<semaphore_mem>>
      %dma_start3A_696 = arith.constant 0 : i32
      %dma_start3A_697 = tpu.memref_slice %arg4[%mul3A_4, %dma_start3A_696] : memref<4000x80xi32, #tpu.memory_space<hbm>> -> memref<125x80xi32, #tpu.memory_space<hbm>>
      %dma_start3A_698 = arith.constant 0 : i32
      %dma_start3A_699 = tpu.memref_slice %arg4[%mul3A_4, %dma_start3A_698] : memref<4000x80xi32, #tpu.memory_space<hbm>> -> memref<125x80xi32, #tpu.memory_space<hbm>>
      tpu.enqueue_dma source(%dma_start3A_699 : memref<125x80xi32, #tpu.memory_space<hbm>>) target(%arg7 : memref<125x80xi32, #tpu.memory_space<vmem>>) target_semaphore(%run_scoped3A : memref<!tpu.dma_semaphore, #tpu.memory_space<semaphore_mem>>)
      %dma_wait3A_700 = arith.constant 0 : i32
      %dma_wait3A_701 = tpu.memref_slice %arg4[%mul3A_4, %dma_wait3A_700] : memref<4000x80xi32, #tpu.memory_space<hbm>> -> memref<125x80xi32, #tpu.memory_space<hbm>>
      %dma_wait3A_702 = arith.constant 0 : i32
      %dma_wait3A_703 = tpu.memref_slice %arg4[%mul3A_4, %dma_wait3A_702] : memref<4000x80xi32, #tpu.memory_space<hbm>> -> memref<125x80xi32, #tpu.memory_space<hbm>>
      tpu.wait_dma2 semaphore(%run_scoped3A : memref<!tpu.dma_semaphore, #tpu.memory_space<semaphore_mem>>) src(%dma_wait3A_703 : memref<125x80xi32, #tpu.memory_space<hbm>>) dst(%arg7 : memref<125x80xi32, #tpu.memory_space<vmem>>)
      tpu.yield
    }) : () -> ()
    %scan3A = arith.constant 0 : i32
    %scan3A_5 = arith.constant 80 : i32
    %scan3A_6 = arith.addi %scan3A, %scan3A_5 : i32
    %scan3A_7 = arith.constant 1 : i32
    scf.for %scan3A_696 = %scan3A to %scan3A_6 step %scan3A_7  : i32 {
      %mul3A_697 = arith.constant 1 : i32
      %mul3A_698 = arith.muli %scan3A_696, %mul3A_697 : i32
      %add3A_699 = arith.constant 0 : i32
      %add3A_700 = arith.addi %add3A_699, %mul3A_698 : i32
      %broadcast_in_dim3A = arith.constant 0.000000e+00 : f32
      %broadcast_in_dim3A_701 = vector.broadcast %broadcast_in_dim3A : f32 to vector<16xf32>
      %swap3A = arith.index_cast %add3A_700 : i32 to index
      %swap3A_702 = arith.constant 0 : index
      %swap3A_703 = tpu.vector_load %arg8[%swap3A, %swap3A_702] {strides = array<i32>} : memref<80x128xf32, #tpu.memory_space<vmem>>, vector<1x16xf32>,
      %swap3A_704 = vector.shape_cast %swap3A_703 : vector<1x16xf32> to vector<16xf32>
      %swap3A_705 = vector.shape_cast %broadcast_in_dim3A_701 : vector<16xf32> to vector<1x16xf32>
      tpu.vector_store %arg8[%swap3A, %swap3A_702], %swap3A_705 {strides = array<i32>} : memref<80x128xf32, #tpu.memory_space<vmem>>, vector<1x16xf32>,
      %broadcast_in_dim3A_706 = arith.constant 0.000000e+00 : f32
      %broadcast_in_dim3A_707 = vector.broadcast %broadcast_in_dim3A_706 : f32 to vector<16xf32>
      %swap3A_708 = arith.index_cast %add3A_700 : i32 to index
      %swap3A_709 = arith.constant 16 : index
      %swap3A_710 = tpu.vector_load %arg8[%swap3A_708, %swap3A_709] {strides = array<i32>} : memref<80x128xf32, #tpu.memory_space<vmem>>, vector<1x16xf32>,
      %swap3A_711 = vector.shape_cast %swap3A_710 : vector<1x16xf32> to vector<16xf32>
      %swap3A_712 = vector.shape_cast %broadcast_in_dim3A_707 : vector<16xf32> to vector<1x16xf32>
      tpu.vector_store %arg8[%swap3A_708, %swap3A_709], %swap3A_712 {strides = array<i32>} : memref<80x128xf32, #tpu.memory_space<vmem>>, vector<1x16xf32>,
      %broadcast_in_dim3A_713 = arith.constant 0.000000e+00 : f32
      %broadcast_in_dim3A_714 = vector.broadcast %broadcast_in_dim3A_713 : f32 to vector<16xf32>
      %swap3A_715 = arith.index_cast %add3A_700 : i32 to index
      %swap3A_716 = arith.constant 32 : index
      %swap3A_717 = tpu.vector_load %arg8[%swap3A_715, %swap3A_716] {strides = array<i32>} : memref<80x128xf32, #tpu.memory_space<vmem>>, vector<1x16xf32>,
      %swap3A_718 = vector.shape_cast %swap3A_717 : vector<1x16xf32> to vector<16xf32>
      %swap3A_719 = vector.shape_cast %broadcast_in_dim3A_714 : vector<16xf32> to vector<1x16xf32>
      tpu.vector_store %arg8[%swap3A_715, %swap3A_716], %swap3A_719 {strides = array<i32>} : memref<80x128xf32, #tpu.memory_space<vmem>>, vector<1x16xf32>,
      %broadcast_in_dim3A_720 = arith.constant 0.000000e+00 : f32
      %broadcast_in_dim3A_721 = vector.broadcast %broadcast_in_dim3A_720 : f32 to vector<16xf32>
      %swap3A_722 = arith.index_cast %add3A_700 : i32 to index
      %swap3A_723 = arith.constant 48 : index
      %swap3A_724 = tpu.vector_load %arg8[%swap3A_722, %swap3A_723] {strides = array<i32>} : memref<80x128xf32, #tpu.memory_space<vmem>>, vector<1x16xf32>,
      %swap3A_725 = vector.shape_cast %swap3A_724 : vector<1x16xf32> to vector<16xf32>
      %swap3A_726 = vector.shape_cast %broadcast_in_dim3A_721 : vector<16xf32> to vector<1x16xf32>
      tpu.vector_store %arg8[%swap3A_722, %swap3A_723], %swap3A_726 {strides = array<i32>} : memref<80x128xf32, #tpu.memory_space<vmem>>, vector<1x16xf32>,
      %broadcast_in_dim3A_727 = arith.constant 0.000000e+00 : f32
      %broadcast_in_dim3A_728 = vector.broadcast %broadcast_in_dim3A_727 : f32 to vector<16xf32>
      %swap3A_729 = arith.index_cast %add3A_700 : i32 to index
      %swap3A_730 = arith.constant 64 : index
      %swap3A_731 = tpu.vector_load %arg8[%swap3A_729, %swap3A_730] {strides = array<i32>} : memref<80x128xf32, #tpu.memory_space<vmem>>, vector<1x16xf32>,
      %swap3A_732 = vector.shape_cast %swap3A_731 : vector<1x16xf32> to vector<16xf32>
      %swap3A_733 = vector.shape_cast %broadcast_in_dim3A_728 : vector<16xf32> to vector<1x16xf32>
      tpu.vector_store %arg8[%swap3A_729, %swap3A_730], %swap3A_733 {strides = array<i32>} : memref<80x128xf32, #tpu.memory_space<vmem>>, vector<1x16xf32>,
      %broadcast_in_dim3A_734 = arith.constant 0.000000e+00 : f32
      %broadcast_in_dim3A_735 = vector.broadcast %broadcast_in_dim3A_734 : f32 to vector<16xf32>
      %swap3A_736 = arith.index_cast %add3A_700 : i32 to index
      %swap3A_737 = arith.constant 80 : index
      %swap3A_738 = tpu.vector_load %arg8[%swap3A_736, %swap3A_737] {strides = array<i32>} : memref<80x128xf32, #tpu.memory_space<vmem>>, vector<1x16xf32>,
      %swap3A_739 = vector.shape_cast %swap3A_738 : vector<1x16xf32> to vector<16xf32>
      %swap3A_740 = vector.shape_cast %broadcast_in_dim3A_735 : vector<16xf32> to vector<1x16xf32>
      tpu.vector_store %arg8[%swap3A_736, %swap3A_737], %swap3A_740 {strides = array<i32>} : memref<80x128xf32, #tpu.memory_space<vmem>>, vector<1x16xf32>,
      %broadcast_in_dim3A_741 = arith.constant 0.000000e+00 : f32
      %broadcast_in_dim3A_742 = vector.broadcast %broadcast_in_dim3A_741 : f32 to vector<16xf32>
      %swap3A_743 = arith.index_cast %add3A_700 : i32 to index
      %swap3A_744 = arith.constant 96 : index
      %swap3A_745 = tpu.vector_load %arg8[%swap3A_743, %swap3A_744] {strides = array<i32>} : memref<80x128xf32, #tpu.memory_space<vmem>>, vector<1x16xf32>,
      %swap3A_746 = vector.shape_cast %swap3A_745 : vector<1x16xf32> to vector<16xf32>
      %swap3A_747 = vector.shape_cast %broadcast_in_dim3A_742 : vector<16xf32> to vector<1x16xf32>
      tpu.vector_store %arg8[%swap3A_743, %swap3A_744], %swap3A_747 {strides = array<i32>} : memref<80x128xf32, #tpu.memory_space<vmem>>, vector<1x16xf32>,
      %broadcast_in_dim3A_748 = arith.constant 0.000000e+00 : f32
      %broadcast_in_dim3A_749 = vector.broadcast %broadcast_in_dim3A_748 : f32 to vector<16xf32>
      %swap3A_750 = arith.index_cast %add3A_700 : i32 to index
      %swap3A_751 = arith.constant 112 : index
      %swap3A_752 = tpu.vector_load %arg8[%swap3A_750, %swap3A_751] {strides = array<i32>} : memref<80x128xf32, #tpu.memory_space<vmem>>, vector<1x16xf32>,
      %swap3A_753 = vector.shape_cast %swap3A_752 : vector<1x16xf32> to vector<16xf32>
      %swap3A_754 = vector.shape_cast %broadcast_in_dim3A_749 : vector<16xf32> to vector<1x16xf32>
      tpu.vector_store %arg8[%swap3A_750, %swap3A_751], %swap3A_754 {strides = array<i32>} : memref<80x128xf32, #tpu.memory_space<vmem>>, vector<1x16xf32>,
    }
    %scan3A_8 = arith.constant 80 : i32
    %mul3A_9 = arith.constant 625 : i32
    %mul3A_10 = arith.muli %arg1, %mul3A_9 : i32
    %add3A_11 = arith.constant 0 : i32
    %add3A_12 = arith.addi %mul3A_10, %add3A_11 : i32
    %dma_start3A = arith.constant 0 : i32
    %dma_start3A_13 = tpu.memref_slice %arg17[%add3A_12, %dma_start3A] : memref<10000x128xf32, #tpu.memory_space<vmem_shared>> -> memref<80x128xf32, #tpu.memory_space<vmem_shared>>
    %dma_start3A_14 = arith.constant 0 : i32
    %dma_start3A_15 = tpu.memref_slice %arg17[%add3A_12, %dma_start3A_14] : memref<10000x128xf32, #tpu.memory_space<vmem_shared>> -> memref<80x128xf32, #tpu.memory_space<vmem_shared>>
    tpu.enqueue_dma source(%arg8 : memref<80x128xf32, #tpu.memory_space<vmem>>) target(%dma_start3A_15 : memref<80x128xf32, #tpu.memory_space<vmem_shared>>) target_semaphore(%arg14 : memref<!tpu.dma_semaphore, #tpu.memory_space<semaphore_mem>>)
    %mul3A_16 = arith.constant 625 : i32
    %mul3A_17 = arith.muli %arg1, %mul3A_16 : i32
    %add3A_18 = arith.constant 80 : i32
    %add3A_19 = arith.addi %mul3A_17, %add3A_18 : i32
    %dma_start3A_20 = arith.constant 0 : i32
    %dma_start3A_21 = tpu.memref_slice %arg17[%add3A_19, %dma_start3A_20] : memref<10000x128xf32, #tpu.memory_space<vmem_shared>> -> memref<80x128xf32, #tpu.memory_space<vmem_shared>>
    %dma_start3A_22 = arith.constant 0 : i32
    %dma_start3A_23 = tpu.memref_slice %arg17[%add3A_19, %dma_start3A_22] : memref<10000x128xf32, #tpu.memory_space<vmem_shared>> -> memref<80x128xf32, #tpu.memory_space<vmem_shared>>
    tpu.enqueue_dma source(%arg8 : memref<80x128xf32, #tpu.memory_space<vmem>>) target(%dma_start3A_23 : memref<80x128xf32, #tpu.memory_space<vmem_shared>>) target_semaphore(%arg14 : memref<!tpu.dma_semaphore, #tpu.memory_space<semaphore_mem>>)
    %mul3A_24 = arith.constant 625 : i32
    %mul3A_25 = arith.muli %arg1, %mul3A_24 : i32
    %add3A_26 = arith.constant 160 : i32
    %add3A_27 = arith.addi %mul3A_25, %add3A_26 : i32
    %dma_start3A_28 = arith.constant 0 : i32
    %dma_start3A_29 = tpu.memref_slice %arg17[%add3A_27, %dma_start3A_28] : memref<10000x128xf32, #tpu.memory_space<vmem_shared>> -> memref<80x128xf32, #tpu.memory_space<vmem_shared>>
    %dma_start3A_30 = arith.constant 0 : i32
    %dma_start3A_31 = tpu.memref_slice %arg17[%add3A_27, %dma_start3A_30] : memref<10000x128xf32, #tpu.memory_space<vmem_shared>> -> memref<80x128xf32, #tpu.memory_space<vmem_shared>>
    tpu.enqueue_dma source(%arg8 : memref<80x128xf32, #tpu.memory_space<vmem>>) target(%dma_start3A_31 : memref<80x128xf32, #tpu.memory_space<vmem_shared>>) target_semaphore(%arg14 : memref<!tpu.dma_semaphore, #tpu.memory_space<semaphore_mem>>)
    %mul3A_32 = arith.constant 625 : i32
    %mul3A_33 = arith.muli %arg1, %mul3A_32 : i32
    %add3A_34 = arith.constant 240 : i32
    %add3A_35 = arith.addi %mul3A_33, %add3A_34 : i32
    %dma_start3A_36 = arith.constant 0 : i32
    %dma_start3A_37 = tpu.memref_slice %arg17[%add3A_35, %dma_start3A_36] : memref<10000x128xf32, #tpu.memory_space<vmem_shared>> -> memref<80x128xf32, #tpu.memory_space<vmem_shared>>
    %dma_start3A_38 = arith.constant 0 : i32
    %dma_start3A_39 = tpu.memref_slice %arg17[%add3A_35, %dma_start3A_38] : memref<10000x128xf32, #tpu.memory_space<vmem_shared>> -> memref<80x128xf32, #tpu.memory_space<vmem_shared>>
    tpu.enqueue_dma source(%arg8 : memref<80x128xf32, #tpu.memory_space<vmem>>) target(%dma_start3A_39 : memref<80x128xf32, #tpu.memory_space<vmem_shared>>) target_semaphore(%arg14 : memref<!tpu.dma_semaphore, #tpu.memory_space<semaphore_mem>>)
    %mul3A_40 = arith.constant 625 : i32
    %mul3A_41 = arith.muli %arg1, %mul3A_40 : i32
    %add3A_42 = arith.constant 320 : i32
    %add3A_43 = arith.addi %mul3A_41, %add3A_42 : i32
    %dma_start3A_44 = arith.constant 0 : i32
    %dma_start3A_45 = tpu.memref_slice %arg17[%add3A_43, %dma_start3A_44] : memref<10000x128xf32, #tpu.memory_space<vmem_shared>> -> memref<80x128xf32, #tpu.memory_space<vmem_shared>>
    %dma_start3A_46 = arith.constant 0 : i32
    %dma_start3A_47 = tpu.memref_slice %arg17[%add3A_43, %dma_start3A_46] : memref<10000x128xf32, #tpu.memory_space<vmem_shared>> -> memref<80x128xf32, #tpu.memory_space<vmem_shared>>
    tpu.enqueue_dma source(%arg8 : memref<80x128xf32, #tpu.memory_space<vmem>>) target(%dma_start3A_47 : memref<80x128xf32, #tpu.memory_space<vmem_shared>>) target_semaphore(%arg14 : memref<!tpu.dma_semaphore, #tpu.memory_space<semaphore_mem>>)
    %mul3A_48 = arith.constant 625 : i32
    %mul3A_49 = arith.muli %arg1, %mul3A_48 : i32
    %add3A_50 = arith.constant 400 : i32
    %add3A_51 = arith.addi %mul3A_49, %add3A_50 : i32
    %dma_start3A_52 = arith.constant 0 : i32
    %dma_start3A_53 = tpu.memref_slice %arg17[%add3A_51, %dma_start3A_52] : memref<10000x128xf32, #tpu.memory_space<vmem_shared>> -> memref<80x128xf32, #tpu.memory_space<vmem_shared>>
    %dma_start3A_54 = arith.constant 0 : i32
    %dma_start3A_55 = tpu.memref_slice %arg17[%add3A_51, %dma_start3A_54] : memref<10000x128xf32, #tpu.memory_space<vmem_shared>> -> memref<80x128xf32, #tpu.memory_space<vmem_shared>>
    tpu.enqueue_dma source(%arg8 : memref<80x128xf32, #tpu.memory_space<vmem>>) target(%dma_start3A_55 : memref<80x128xf32, #tpu.memory_space<vmem_shared>>) target_semaphore(%arg14 : memref<!tpu.dma_semaphore, #tpu.memory_space<semaphore_mem>>)
    %mul3A_56 = arith.constant 625 : i32
    %mul3A_57 = arith.muli %arg1, %mul3A_56 : i32
    %add3A_58 = arith.constant 480 : i32
    %add3A_59 = arith.addi %mul3A_57, %add3A_58 : i32
    %dma_start3A_60 = arith.constant 0 : i32
    %dma_start3A_61 = tpu.memref_slice %arg17[%add3A_59, %dma_start3A_60] : memref<10000x128xf32, #tpu.memory_space<vmem_shared>> -> memref<80x128xf32, #tpu.memory_space<vmem_shared>>
    %dma_start3A_62 = arith.constant 0 : i32
    %dma_start3A_63 = tpu.memref_slice %arg17[%add3A_59, %dma_start3A_62] : memref<10000x128xf32, #tpu.memory_space<vmem_shared>> -> memref<80x128xf32, #tpu.memory_space<vmem_shared>>
    tpu.enqueue_dma source(%arg8 : memref<80x128xf32, #tpu.memory_space<vmem>>) target(%dma_start3A_63 : memref<80x128xf32, #tpu.memory_space<vmem_shared>>) target_semaphore(%arg14 : memref<!tpu.dma_semaphore, #tpu.memory_space<semaphore_mem>>)
    %mul3A_64 = arith.constant 625 : i32
    %mul3A_65 = arith.muli %arg1, %mul3A_64 : i32
    %add3A_66 = arith.constant 560 : i32
    %add3A_67 = arith.addi %mul3A_65, %add3A_66 : i32
    %dma_start3A_68 = arith.constant 0 : i32
    %dma_start3A_69 = arith.constant 0 : i32
    %dma_start3A_70 = tpu.memref_slice %arg8[%dma_start3A_68, %dma_start3A_69] : memref<80x128xf32, #tpu.memory_space<vmem>> -> memref<65x128xf32, #tpu.memory_space<vmem>>
    %dma_start3A_71 = arith.constant 0 : i32
    %dma_start3A_72 = tpu.memref_slice %arg17[%add3A_67, %dma_start3A_71] : memref<10000x128xf32, #tpu.memory_space<vmem_shared>> -> memref<65x128xf32, #tpu.memory_space<vmem_shared>>
    %dma_start3A_73 = arith.constant 0 : i32
    %dma_start3A_74 = tpu.memref_slice %arg17[%add3A_67, %dma_start3A_73] : memref<10000x128xf32, #tpu.memory_space<vmem_shared>> -> memref<65x128xf32, #tpu.memory_space<vmem_shared>>
    %dma_start3A_75 = arith.constant 0 : i32
    %dma_start3A_76 = arith.constant 0 : i32
    %dma_start3A_77 = tpu.memref_slice %arg8[%dma_start3A_75, %dma_start3A_76] : memref<80x128xf32, #tpu.memory_space<vmem>> -> memref<65x128xf32, #tpu.memory_space<vmem>>
    tpu.enqueue_dma source(%dma_start3A_77 : memref<65x128xf32, #tpu.memory_space<vmem>>) target(%dma_start3A_74 : memref<65x128xf32, #tpu.memory_space<vmem_shared>>) target_semaphore(%arg14 : memref<!tpu.dma_semaphore, #tpu.memory_space<semaphore_mem>>)
    %mul3A_78 = arith.constant 625 : i32
    %mul3A_79 = arith.muli %arg1, %mul3A_78 : i32
    %add3A_80 = arith.constant 0 : i32
    %add3A_81 = arith.addi %mul3A_79, %add3A_80 : i32
    %dma_wait3A = arith.constant 0 : i32
    %dma_wait3A_82 = tpu.memref_slice %arg17[%add3A_81, %dma_wait3A] : memref<10000x128xf32, #tpu.memory_space<vmem_shared>> -> memref<80x128xf32, #tpu.memory_space<vmem_shared>>
    %dma_wait3A_83 = arith.constant 0 : i32
    %dma_wait3A_84 = tpu.memref_slice %arg17[%add3A_81, %dma_wait3A_83] : memref<10000x128xf32, #tpu.memory_space<vmem_shared>> -> memref<80x128xf32, #tpu.memory_space<vmem_shared>>
    tpu.wait_dma2 semaphore(%arg14 : memref<!tpu.dma_semaphore, #tpu.memory_space<semaphore_mem>>) src(%arg8 : memref<80x128xf32, #tpu.memory_space<vmem>>) dst(%dma_wait3A_84 : memref<80x128xf32, #tpu.memory_space<vmem_shared>>)
    %mul3A_85 = arith.constant 625 : i32
    %mul3A_86 = arith.muli %arg1, %mul3A_85 : i32
    %add3A_87 = arith.constant 80 : i32
    %add3A_88 = arith.addi %mul3A_86, %add3A_87 : i32
    %dma_wait3A_89 = arith.constant 0 : i32
    %dma_wait3A_90 = tpu.memref_slice %arg17[%add3A_88, %dma_wait3A_89] : memref<10000x128xf32, #tpu.memory_space<vmem_shared>> -> memref<80x128xf32, #tpu.memory_space<vmem_shared>>
    %dma_wait3A_91 = arith.constant 0 : i32
    %dma_wait3A_92 = tpu.memref_slice %arg17[%add3A_88, %dma_wait3A_91] : memref<10000x128xf32, #tpu.memory_space<vmem_shared>> -> memref<80x128xf32, #tpu.memory_space<vmem_shared>>
    tpu.wait_dma2 semaphore(%arg14 : memref<!tpu.dma_semaphore, #tpu.memory_space<semaphore_mem>>) src(%arg8 : memref<80x128xf32, #tpu.memory_space<vmem>>) dst(%dma_wait3A_92 : memref<80x128xf32, #tpu.memory_space<vmem_shared>>)
    %mul3A_93 = arith.constant 625 : i32
    %mul3A_94 = arith.muli %arg1, %mul3A_93 : i32
    %add3A_95 = arith.constant 160 : i32
    %add3A_96 = arith.addi %mul3A_94, %add3A_95 : i32
    %dma_wait3A_97 = arith.constant 0 : i32
    %dma_wait3A_98 = tpu.memref_slice %arg17[%add3A_96, %dma_wait3A_97] : memref<10000x128xf32, #tpu.memory_space<vmem_shared>> -> memref<80x128xf32, #tpu.memory_space<vmem_shared>>
    %dma_wait3A_99 = arith.constant 0 : i32
    %dma_wait3A_100 = tpu.memref_slice %arg17[%add3A_96, %dma_wait3A_99] : memref<10000x128xf32, #tpu.memory_space<vmem_shared>> -> memref<80x128xf32, #tpu.memory_space<vmem_shared>>
    tpu.wait_dma2 semaphore(%arg14 : memref<!tpu.dma_semaphore, #tpu.memory_space<semaphore_mem>>) src(%arg8 : memref<80x128xf32, #tpu.memory_space<vmem>>) dst(%dma_wait3A_100 : memref<80x128xf32, #tpu.memory_space<vmem_shared>>)
    %mul3A_101 = arith.constant 625 : i32
    %mul3A_102 = arith.muli %arg1, %mul3A_101 : i32
    %add3A_103 = arith.constant 240 : i32
    %add3A_104 = arith.addi %mul3A_102, %add3A_103 : i32
    %dma_wait3A_105 = arith.constant 0 : i32
    %dma_wait3A_106 = tpu.memref_slice %arg17[%add3A_104, %dma_wait3A_105] : memref<10000x128xf32, #tpu.memory_space<vmem_shared>> -> memref<80x128xf32, #tpu.memory_space<vmem_shared>>
    %dma_wait3A_107 = arith.constant 0 : i32
    %dma_wait3A_108 = tpu.memref_slice %arg17[%add3A_104, %dma_wait3A_107] : memref<10000x128xf32, #tpu.memory_space<vmem_shared>> -> memref<80x128xf32, #tpu.memory_space<vmem_shared>>
    tpu.wait_dma2 semaphore(%arg14 : memref<!tpu.dma_semaphore, #tpu.memory_space<semaphore_mem>>) src(%arg8 : memref<80x128xf32, #tpu.memory_space<vmem>>) dst(%dma_wait3A_108 : memref<80x128xf32, #tpu.memory_space<vmem_shared>>)
    %mul3A_109 = arith.constant 625 : i32
    %mul3A_110 = arith.muli %arg1, %mul3A_109 : i32
    %add3A_111 = arith.constant 320 : i32
    %add3A_112 = arith.addi %mul3A_110, %add3A_111 : i32
    %dma_wait3A_113 = arith.constant 0 : i32
    %dma_wait3A_114 = tpu.memref_slice %arg17[%add3A_112, %dma_wait3A_113] : memref<10000x128xf32, #tpu.memory_space<vmem_shared>> -> memref<80x128xf32, #tpu.memory_space<vmem_shared>>
    %dma_wait3A_115 = arith.constant 0 : i32
    %dma_wait3A_116 = tpu.memref_slice %arg17[%add3A_112, %dma_wait3A_115] : memref<10000x128xf32, #tpu.memory_space<vmem_shared>> -> memref<80x128xf32, #tpu.memory_space<vmem_shared>>
    tpu.wait_dma2 semaphore(%arg14 : memref<!tpu.dma_semaphore, #tpu.memory_space<semaphore_mem>>) src(%arg8 : memref<80x128xf32, #tpu.memory_space<vmem>>) dst(%dma_wait3A_116 : memref<80x128xf32, #tpu.memory_space<vmem_shared>>)
    %mul3A_117 = arith.constant 625 : i32
    %mul3A_118 = arith.muli %arg1, %mul3A_117 : i32
    %add3A_119 = arith.constant 400 : i32
    %add3A_120 = arith.addi %mul3A_118, %add3A_119 : i32
    %dma_wait3A_121 = arith.constant 0 : i32
    %dma_wait3A_122 = tpu.memref_slice %arg17[%add3A_120, %dma_wait3A_121] : memref<10000x128xf32, #tpu.memory_space<vmem_shared>> -> memref<80x128xf32, #tpu.memory_space<vmem_shared>>
    %dma_wait3A_123 = arith.constant 0 : i32
    %dma_wait3A_124 = tpu.memref_slice %arg17[%add3A_120, %dma_wait3A_123] : memref<10000x128xf32, #tpu.memory_space<vmem_shared>> -> memref<80x128xf32, #tpu.memory_space<vmem_shared>>
    tpu.wait_dma2 semaphore(%arg14 : memref<!tpu.dma_semaphore, #tpu.memory_space<semaphore_mem>>) src(%arg8 : memref<80x128xf32, #tpu.memory_space<vmem>>) dst(%dma_wait3A_124 : memref<80x128xf32, #tpu.memory_space<vmem_shared>>)
    %mul3A_125 = arith.constant 625 : i32
    %mul3A_126 = arith.muli %arg1, %mul3A_125 : i32
    %add3A_127 = arith.constant 480 : i32
    %add3A_128 = arith.addi %mul3A_126, %add3A_127 : i32
    %dma_wait3A_129 = arith.constant 0 : i32
    %dma_wait3A_130 = tpu.memref_slice %arg17[%add3A_128, %dma_wait3A_129] : memref<10000x128xf32, #tpu.memory_space<vmem_shared>> -> memref<80x128xf32, #tpu.memory_space<vmem_shared>>
    %dma_wait3A_131 = arith.constant 0 : i32
    %dma_wait3A_132 = tpu.memref_slice %arg17[%add3A_128, %dma_wait3A_131] : memref<10000x128xf32, #tpu.memory_space<vmem_shared>> -> memref<80x128xf32, #tpu.memory_space<vmem_shared>>
    tpu.wait_dma2 semaphore(%arg14 : memref<!tpu.dma_semaphore, #tpu.memory_space<semaphore_mem>>) src(%arg8 : memref<80x128xf32, #tpu.memory_space<vmem>>) dst(%dma_wait3A_132 : memref<80x128xf32, #tpu.memory_space<vmem_shared>>)
    %mul3A_133 = arith.constant 625 : i32
    %mul3A_134 = arith.muli %arg1, %mul3A_133 : i32
    %add3A_135 = arith.constant 560 : i32
    %add3A_136 = arith.addi %mul3A_134, %add3A_135 : i32
    %dma_wait3A_137 = arith.constant 0 : i32
    %dma_wait3A_138 = arith.constant 0 : i32
    %dma_wait3A_139 = tpu.memref_slice %arg8[%dma_wait3A_137, %dma_wait3A_138] : memref<80x128xf32, #tpu.memory_space<vmem>> -> memref<65x128xf32, #tpu.memory_space<vmem>>
    %dma_wait3A_140 = arith.constant 0 : i32
    %dma_wait3A_141 = tpu.memref_slice %arg17[%add3A_136, %dma_wait3A_140] : memref<10000x128xf32, #tpu.memory_space<vmem_shared>> -> memref<65x128xf32, #tpu.memory_space<vmem_shared>>
    %dma_wait3A_142 = arith.constant 0 : i32
    %dma_wait3A_143 = tpu.memref_slice %arg17[%add3A_136, %dma_wait3A_142] : memref<10000x128xf32, #tpu.memory_space<vmem_shared>> -> memref<65x128xf32, #tpu.memory_space<vmem_shared>>
    %dma_wait3A_144 = arith.constant 0 : i32
    %dma_wait3A_145 = arith.constant 0 : i32
    %dma_wait3A_146 = tpu.memref_slice %arg8[%dma_wait3A_144, %dma_wait3A_145] : memref<80x128xf32, #tpu.memory_space<vmem>> -> memref<65x128xf32, #tpu.memory_space<vmem>>
    tpu.wait_dma2 semaphore(%arg14 : memref<!tpu.dma_semaphore, #tpu.memory_space<semaphore_mem>>) src(%dma_wait3A_146 : memref<65x128xf32, #tpu.memory_space<vmem>>) dst(%dma_wait3A_143 : memref<65x128xf32, #tpu.memory_space<vmem_shared>>)
    %barrier3A = arith.constant 0 : index
    tpu.barrier barrier_id(%barrier3A)
    %dma_start3A_147 = arith.constant 0 : i32
    %dma_start3A_148 = arith.constant 0 : i32
    %dma_start3A_149 = tpu.memref_slice %arg6[%dma_start3A_147, %dma_start3A_148] : memref<125x80xi32, #tpu.memory_space<vmem>> -> memref<1x80xi32, #tpu.memory_space<vmem>>
    %dma_start3A_150 = tpu.memref_squeeze %dma_start3A_149 : memref<1x80xi32, #tpu.memory_space<vmem>> -> memref<80xi32, #tpu.memory_space<vmem>>
    %dma_start3A_151 = arith.constant 0 : i32
    %dma_start3A_152 = arith.constant 0 : i32
    %dma_start3A_153 = tpu.memref_slice %arg2[%dma_start3A_151, %dma_start3A_152] : memref<10000x128xf32, #tpu.memory_space<hbm>> -> memref<10000x128xf32, #tpu.memory_space<hbm>>
    tpu.enqueue_indirect_dma source(%dma_start3A_153 : memref<10000x128xf32, #tpu.memory_space<hbm>>) target(%arg8 : memref<80x128xf32, #tpu.memory_space<vmem>>) offsets(%dma_start3A_150 : memref<80xi32, #tpu.memory_space<vmem>>) semaphore(%arg11 : memref<!tpu.dma_semaphore, #tpu.memory_space<semaphore_mem>>)
    %dma_start3A_154 = arith.constant 1 : i32
    %dma_start3A_155 = arith.constant 0 : i32
    %dma_start3A_156 = tpu.memref_slice %arg6[%dma_start3A_154, %dma_start3A_155] : memref<125x80xi32, #tpu.memory_space<vmem>> -> memref<1x80xi32, #tpu.memory_space<vmem>>
    %dma_start3A_157 = tpu.memref_squeeze %dma_start3A_156 : memref<1x80xi32, #tpu.memory_space<vmem>> -> memref<80xi32, #tpu.memory_space<vmem>>
    %dma_start3A_158 = arith.constant 0 : i32
    %dma_start3A_159 = arith.constant 0 : i32
    %dma_start3A_160 = tpu.memref_slice %arg2[%dma_start3A_158, %dma_start3A_159] : memref<10000x128xf32, #tpu.memory_space<hbm>> -> memref<10000x128xf32, #tpu.memory_space<hbm>>
    tpu.enqueue_indirect_dma source(%dma_start3A_160 : memref<10000x128xf32, #tpu.memory_space<hbm>>) target(%arg9 : memref<80x128xf32, #tpu.memory_space<vmem>>) offsets(%dma_start3A_157 : memref<80xi32, #tpu.memory_space<vmem>>) semaphore(%arg12 : memref<!tpu.dma_semaphore, #tpu.memory_space<semaphore_mem>>)
    %scan3A_161 = arith.constant 0 : i32
    %scan3A_162 = arith.constant 41 : i32
    %scan3A_163 = arith.addi %scan3A_161, %scan3A_162 : i32
    %scan3A_164 = arith.constant 1 : i32
    scf.for %scan3A_696 = %scan3A_161 to %scan3A_163 step %scan3A_164  : i32 {
      %mul3A_697 = arith.constant 3 : i32
      %mul3A_698 = arith.muli %scan3A_696, %mul3A_697 : i32
      %add3A_699 = arith.constant 0 : i32
      %add3A_700 = arith.addi %add3A_699, %mul3A_698 : i32
      %add3A_701 = arith.constant 0 : i32
      %add3A_702 = arith.addi %add3A_700, %add3A_701 : i32
      %ge3A = arith.constant 1 : i32
      %ge3A_703 = arith.cmpi sge, %add3A_702, %ge3A : i32
      %convert_element_type3A = arith.extui %ge3A_703 : i1 to i32
      %cond3A = arith.constant 0 : i32
      %cond3A_704 = arith.cmpi ne, %convert_element_type3A, %cond3A : i32
      scf.if %cond3A_704 {
        %sub3A = arith.constant 1 : i32
        %sub3A_775 = arith.subi %add3A_702, %sub3A : i32
        %dma_wait3A_776 = arith.constant 0 : i32
        %dma_wait3A_777 = tpu.memref_slice %arg7[%sub3A_775, %dma_wait3A_776] : memref<125x80xi32, #tpu.memory_space<vmem>> -> memref<1x80xi32, #tpu.memory_space<vmem>>
        %dma_wait3A_778 = tpu.memref_squeeze %dma_wait3A_777 : memref<1x80xi32, #tpu.memory_space<vmem>> -> memref<80xi32, #tpu.memory_space<vmem>>
        %dma_wait3A_779 = arith.constant 0 : i32
        %dma_wait3A_780 = arith.constant 0 : i32
        %dma_wait3A_781 = tpu.memref_slice %arg17[%dma_wait3A_779, %dma_wait3A_780] : memref<10000x128xf32, #tpu.memory_space<vmem_shared>> -> memref<10000x128xf32, #tpu.memory_space<vmem_shared>>
        tpu.wait_indirect_dma semaphore(%arg16 : memref<!tpu.dma_semaphore, #tpu.memory_space<semaphore_mem>>) src(%arg10 : memref<80x128xf32, #tpu.memory_space<vmem>>) dst(%dma_wait3A_781 : memref<10000x128xf32, #tpu.memory_space<vmem_shared>>)
      } else {
      }
      %add3A_705 = arith.constant 2 : i32
      %add3A_706 = arith.addi %add3A_702, %add3A_705 : i32
      %le3A = arith.constant 124 : i32
      %le3A_707 = arith.cmpi sle, %add3A_706, %le3A : i32
      %convert_element_type3A_708 = arith.extui %le3A_707 : i1 to i32
      %cond3A_709 = arith.constant 0 : i32
      %cond3A_710 = arith.cmpi ne, %convert_element_type3A_708, %cond3A_709 : i32
      scf.if %cond3A_710 {
        %add3A_775 = arith.constant 2 : i32
        %add3A_776 = arith.addi %add3A_702, %add3A_775 : i32
        %dma_start3A_777 = arith.constant 0 : i32
        %dma_start3A_778 = tpu.memref_slice %arg6[%add3A_776, %dma_start3A_777] : memref<125x80xi32, #tpu.memory_space<vmem>> -> memref<1x80xi32, #tpu.memory_space<vmem>>
        %dma_start3A_779 = tpu.memref_squeeze %dma_start3A_778 : memref<1x80xi32, #tpu.memory_space<vmem>> -> memref<80xi32, #tpu.memory_space<vmem>>
        %dma_start3A_780 = arith.constant 0 : i32
        %dma_start3A_781 = arith.constant 0 : i32
        %dma_start3A_782 = tpu.memref_slice %arg2[%dma_start3A_780, %dma_start3A_781] : memref<10000x128xf32, #tpu.memory_space<hbm>> -> memref<10000x128xf32, #tpu.memory_space<hbm>>
        tpu.enqueue_indirect_dma source(%dma_start3A_782 : memref<10000x128xf32, #tpu.memory_space<hbm>>) target(%arg10 : memref<80x128xf32, #tpu.memory_space<vmem>>) offsets(%dma_start3A_779 : memref<80xi32, #tpu.memory_space<vmem>>) semaphore(%arg13 : memref<!tpu.dma_semaphore, #tpu.memory_space<semaphore_mem>>)
      } else {
      }
      %dma_wait3A_711 = arith.constant 0 : i32
      %dma_wait3A_712 = tpu.memref_slice %arg6[%add3A_702, %dma_wait3A_711] : memref<125x80xi32, #tpu.memory_space<vmem>> -> memref<1x80xi32, #tpu.memory_space<vmem>>
      %dma_wait3A_713 = tpu.memref_squeeze %dma_wait3A_712 : memref<1x80xi32, #tpu.memory_space<vmem>> -> memref<80xi32, #tpu.memory_space<vmem>>
      %dma_wait3A_714 = arith.constant 0 : i32
      %dma_wait3A_715 = arith.constant 0 : i32
      %dma_wait3A_716 = tpu.memref_slice %arg2[%dma_wait3A_714, %dma_wait3A_715] : memref<10000x128xf32, #tpu.memory_space<hbm>> -> memref<10000x128xf32, #tpu.memory_space<hbm>>
      tpu.wait_indirect_dma semaphore(%arg11 : memref<!tpu.dma_semaphore, #tpu.memory_space<semaphore_mem>>) src(%dma_wait3A_716 : memref<10000x128xf32, #tpu.memory_space<hbm>>) dst(%arg8 : memref<80x128xf32, #tpu.memory_space<vmem>>)
      %dma_start3A_717 = arith.constant 0 : i32
      %dma_start3A_718 = tpu.memref_slice %arg7[%add3A_702, %dma_start3A_717] : memref<125x80xi32, #tpu.memory_space<vmem>> -> memref<1x80xi32, #tpu.memory_space<vmem>>
      %dma_start3A_719 = tpu.memref_squeeze %dma_start3A_718 : memref<1x80xi32, #tpu.memory_space<vmem>> -> memref<80xi32, #tpu.memory_space<vmem>>
      %dma_start3A_720 = arith.constant 0 : i32
      %dma_start3A_721 = arith.constant 0 : i32
      %dma_start3A_722 = tpu.memref_slice %arg17[%dma_start3A_720, %dma_start3A_721] : memref<10000x128xf32, #tpu.memory_space<vmem_shared>> -> memref<10000x128xf32, #tpu.memory_space<vmem_shared>>
      tpu.enqueue_indirect_dma source(%arg8 : memref<80x128xf32, #tpu.memory_space<vmem>>) target(%dma_start3A_722 : memref<10000x128xf32, #tpu.memory_space<vmem_shared>>) offsets(%dma_start3A_719 : memref<80xi32, #tpu.memory_space<vmem>>) semaphore(%arg14 : memref<!tpu.dma_semaphore, #tpu.memory_space<semaphore_mem>>) {add = true}
      %add3A_723 = arith.constant 1 : i32
      %add3A_724 = arith.addi %add3A_700, %add3A_723 : i32
      %ge3A_725 = arith.constant 1 : i32
      %ge3A_726 = arith.cmpi sge, %add3A_724, %ge3A_725 : i32
      %convert_element_type3A_727 = arith.extui %ge3A_726 : i1 to i32
      %cond3A_728 = arith.constant 0 : i32
      %cond3A_729 = arith.cmpi ne, %convert_element_type3A_727, %cond3A_728 : i32
      scf.if %cond3A_729 {
        %sub3A = arith.constant 1 : i32
        %sub3A_775 = arith.subi %add3A_724, %sub3A : i32
        %dma_wait3A_776 = arith.constant 0 : i32
        %dma_wait3A_777 = tpu.memref_slice %arg7[%sub3A_775, %dma_wait3A_776] : memref<125x80xi32, #tpu.memory_space<vmem>> -> memref<1x80xi32, #tpu.memory_space<vmem>>
        %dma_wait3A_778 = tpu.memref_squeeze %dma_wait3A_777 : memref<1x80xi32, #tpu.memory_space<vmem>> -> memref<80xi32, #tpu.memory_space<vmem>>
        %dma_wait3A_779 = arith.constant 0 : i32
        %dma_wait3A_780 = arith.constant 0 : i32
        %dma_wait3A_781 = tpu.memref_slice %arg17[%dma_wait3A_779, %dma_wait3A_780] : memref<10000x128xf32, #tpu.memory_space<vmem_shared>> -> memref<10000x128xf32, #tpu.memory_space<vmem_shared>>
        tpu.wait_indirect_dma semaphore(%arg14 : memref<!tpu.dma_semaphore, #tpu.memory_space<semaphore_mem>>) src(%arg8 : memref<80x128xf32, #tpu.memory_space<vmem>>) dst(%dma_wait3A_781 : memref<10000x128xf32, #tpu.memory_space<vmem_shared>>)
      } else {
      }
      %add3A_730 = arith.constant 2 : i32
      %add3A_731 = arith.addi %add3A_724, %add3A_730 : i32
      %le3A_732 = arith.constant 124 : i32
      %le3A_733 = arith.cmpi sle, %add3A_731, %le3A_732 : i32
      %convert_element_type3A_734 = arith.extui %le3A_733 : i1 to i32
      %cond3A_735 = arith.constant 0 : i32
      %cond3A_736 = arith.cmpi ne, %convert_element_type3A_734, %cond3A_735 : i32
      scf.if %cond3A_736 {
        %add3A_775 = arith.constant 2 : i32
        %add3A_776 = arith.addi %add3A_724, %add3A_775 : i32
        %dma_start3A_777 = arith.constant 0 : i32
        %dma_start3A_778 = tpu.memref_slice %arg6[%add3A_776, %dma_start3A_777] : memref<125x80xi32, #tpu.memory_space<vmem>> -> memref<1x80xi32, #tpu.memory_space<vmem>>
        %dma_start3A_779 = tpu.memref_squeeze %dma_start3A_778 : memref<1x80xi32, #tpu.memory_space<vmem>> -> memref<80xi32, #tpu.memory_space<vmem>>
        %dma_start3A_780 = arith.constant 0 : i32
        %dma_start3A_781 = arith.constant 0 : i32
        %dma_start3A_782 = tpu.memref_slice %arg2[%dma_start3A_780, %dma_start3A_781] : memref<10000x128xf32, #tpu.memory_space<hbm>> -> memref<10000x128xf32, #tpu.memory_space<hbm>>
        tpu.enqueue_indirect_dma source(%dma_start3A_782 : memref<10000x128xf32, #tpu.memory_space<hbm>>) target(%arg8 : memref<80x128xf32, #tpu.memory_space<vmem>>) offsets(%dma_start3A_779 : memref<80xi32, #tpu.memory_space<vmem>>) semaphore(%arg11 : memref<!tpu.dma_semaphore, #tpu.memory_space<semaphore_mem>>)
      } else {
      }
      %dma_wait3A_737 = arith.constant 0 : i32
      %dma_wait3A_738 = tpu.memref_slice %arg6[%add3A_724, %dma_wait3A_737] : memref<125x80xi32, #tpu.memory_space<vmem>> -> memref<1x80xi32, #tpu.memory_space<vmem>>
      %dma_wait3A_739 = tpu.memref_squeeze %dma_wait3A_738 : memref<1x80xi32, #tpu.memory_space<vmem>> -> memref<80xi32, #tpu.memory_space<vmem>>
      %dma_wait3A_740 = arith.constant 0 : i32
      %dma_wait3A_741 = arith.constant 0 : i32
      %dma_wait3A_742 = tpu.memref_slice %arg2[%dma_wait3A_740, %dma_wait3A_741] : memref<10000x128xf32, #tpu.memory_space<hbm>> -> memref<10000x128xf32, #tpu.memory_space<hbm>>
      tpu.wait_indirect_dma semaphore(%arg12 : memref<!tpu.dma_semaphore, #tpu.memory_space<semaphore_mem>>) src(%dma_wait3A_742 : memref<10000x128xf32, #tpu.memory_space<hbm>>) dst(%arg9 : memref<80x128xf32, #tpu.memory_space<vmem>>)
      %dma_start3A_743 = arith.constant 0 : i32
      %dma_start3A_744 = tpu.memref_slice %arg7[%add3A_724, %dma_start3A_743] : memref<125x80xi32, #tpu.memory_space<vmem>> -> memref<1x80xi32, #tpu.memory_space<vmem>>
      %dma_start3A_745 = tpu.memref_squeeze %dma_start3A_744 : memref<1x80xi32, #tpu.memory_space<vmem>> -> memref<80xi32, #tpu.memory_space<vmem>>
      %dma_start3A_746 = arith.constant 0 : i32
      %dma_start3A_747 = arith.constant 0 : i32
      %dma_start3A_748 = tpu.memref_slice %arg17[%dma_start3A_746, %dma_start3A_747] : memref<10000x128xf32, #tpu.memory_space<vmem_shared>> -> memref<10000x128xf32, #tpu.memory_space<vmem_shared>>
      tpu.enqueue_indirect_dma source(%arg9 : memref<80x128xf32, #tpu.memory_space<vmem>>) target(%dma_start3A_748 : memref<10000x128xf32, #tpu.memory_space<vmem_shared>>) offsets(%dma_start3A_745 : memref<80xi32, #tpu.memory_space<vmem>>) semaphore(%arg15 : memref<!tpu.dma_semaphore, #tpu.memory_space<semaphore_mem>>) {add = true}
      %add3A_749 = arith.constant 2 : i32
      %add3A_750 = arith.addi %add3A_700, %add3A_749 : i32
      %ge3A_751 = arith.constant 1 : i32
      %ge3A_752 = arith.cmpi sge, %add3A_750, %ge3A_751 : i32
      %convert_element_type3A_753 = arith.extui %ge3A_752 : i1 to i32
      %cond3A_754 = arith.constant 0 : i32
      %cond3A_755 = arith.cmpi ne, %convert_element_type3A_753, %cond3A_754 : i32
      scf.if %cond3A_755 {
        %sub3A = arith.constant 1 : i32
        %sub3A_775 = arith.subi %add3A_750, %sub3A : i32
        %dma_wait3A_776 = arith.constant 0 : i32
        %dma_wait3A_777 = tpu.memref_slice %arg7[%sub3A_775, %dma_wait3A_776] : memref<125x80xi32, #tpu.memory_space<vmem>> -> memref<1x80xi32, #tpu.memory_space<vmem>>
        %dma_wait3A_778 = tpu.memref_squeeze %dma_wait3A_777 : memref<1x80xi32, #tpu.memory_space<vmem>> -> memref<80xi32, #tpu.memory_space<vmem>>
        %dma_wait3A_779 = arith.constant 0 : i32
        %dma_wait3A_780 = arith.constant 0 : i32
        %dma_wait3A_781 = tpu.memref_slice %arg17[%dma_wait3A_779, %dma_wait3A_780] : memref<10000x128xf32, #tpu.memory_space<vmem_shared>> -> memref<10000x128xf32, #tpu.memory_space<vmem_shared>>
        tpu.wait_indirect_dma semaphore(%arg15 : memref<!tpu.dma_semaphore, #tpu.memory_space<semaphore_mem>>) src(%arg9 : memref<80x128xf32, #tpu.memory_space<vmem>>) dst(%dma_wait3A_781 : memref<10000x128xf32, #tpu.memory_space<vmem_shared>>)
      } else {
      }
      %add3A_756 = arith.constant 2 : i32
      %add3A_757 = arith.addi %add3A_750, %add3A_756 : i32
      %le3A_758 = arith.constant 124 : i32
      %le3A_759 = arith.cmpi sle, %add3A_757, %le3A_758 : i32
      %convert_element_type3A_760 = arith.extui %le3A_759 : i1 to i32
      %cond3A_761 = arith.constant 0 : i32
      %cond3A_762 = arith.cmpi ne, %convert_element_type3A_760, %cond3A_761 : i32
      scf.if %cond3A_762 {
        %add3A_775 = arith.constant 2 : i32
        %add3A_776 = arith.addi %add3A_750, %add3A_775 : i32
        %dma_start3A_777 = arith.constant 0 : i32
        %dma_start3A_778 = tpu.memref_slice %arg6[%add3A_776, %dma_start3A_777] : memref<125x80xi32, #tpu.memory_space<vmem>> -> memref<1x80xi32, #tpu.memory_space<vmem>>
        %dma_start3A_779 = tpu.memref_squeeze %dma_start3A_778 : memref<1x80xi32, #tpu.memory_space<vmem>> -> memref<80xi32, #tpu.memory_space<vmem>>
        %dma_start3A_780 = arith.constant 0 : i32
        %dma_start3A_781 = arith.constant 0 : i32
        %dma_start3A_782 = tpu.memref_slice %arg2[%dma_start3A_780, %dma_start3A_781] : memref<10000x128xf32, #tpu.memory_space<hbm>> -> memref<10000x128xf32, #tpu.memory_space<hbm>>
        tpu.enqueue_indirect_dma source(%dma_start3A_782 : memref<10000x128xf32, #tpu.memory_space<hbm>>) target(%arg9 : memref<80x128xf32, #tpu.memory_space<vmem>>) offsets(%dma_start3A_779 : memref<80xi32, #tpu.memory_space<vmem>>) semaphore(%arg12 : memref<!tpu.dma_semaphore, #tpu.memory_space<semaphore_mem>>)
      } else {
      }
      %dma_wait3A_763 = arith.constant 0 : i32
      %dma_wait3A_764 = tpu.memref_slice %arg6[%add3A_750, %dma_wait3A_763] : memref<125x80xi32, #tpu.memory_space<vmem>> -> memref<1x80xi32, #tpu.memory_space<vmem>>
      %dma_wait3A_765 = tpu.memref_squeeze %dma_wait3A_764 : memref<1x80xi32, #tpu.memory_space<vmem>> -> memref<80xi32, #tpu.memory_space<vmem>>
      %dma_wait3A_766 = arith.constant 0 : i32
      %dma_wait3A_767 = arith.constant 0 : i32
      %dma_wait3A_768 = tpu.memref_slice %arg2[%dma_wait3A_766, %dma_wait3A_767] : memref<10000x128xf32, #tpu.memory_space<hbm>> -> memref<10000x128xf32, #tpu.memory_space<hbm>>
      tpu.wait_indirect_dma semaphore(%arg13 : memref<!tpu.dma_semaphore, #tpu.memory_space<semaphore_mem>>) src(%dma_wait3A_768 : memref<10000x128xf32, #tpu.memory_space<hbm>>) dst(%arg10 : memref<80x128xf32, #tpu.memory_space<vmem>>)
      %dma_start3A_769 = arith.constant 0 : i32
      %dma_start3A_770 = tpu.memref_slice %arg7[%add3A_750, %dma_start3A_769] : memref<125x80xi32, #tpu.memory_space<vmem>> -> memref<1x80xi32, #tpu.memory_space<vmem>>
      %dma_start3A_771 = tpu.memref_squeeze %dma_start3A_770 : memref<1x80xi32, #tpu.memory_space<vmem>> -> memref<80xi32, #tpu.memory_space<vmem>>
      %dma_start3A_772 = arith.constant 0 : i32
      %dma_start3A_773 = arith.constant 0 : i32
      %dma_start3A_774 = tpu.memref_slice %arg17[%dma_start3A_772, %dma_start3A_773] : memref<10000x128xf32, #tpu.memory_space<vmem_shared>> -> memref<10000x128xf32, #tpu.memory_space<vmem_shared>>
      tpu.enqueue_indirect_dma source(%arg10 : memref<80x128xf32, #tpu.memory_space<vmem>>) target(%dma_start3A_774 : memref<10000x128xf32, #tpu.memory_space<vmem_shared>>) offsets(%dma_start3A_771 : memref<80xi32, #tpu.memory_space<vmem>>) semaphore(%arg16 : memref<!tpu.dma_semaphore, #tpu.memory_space<semaphore_mem>>) {add = true}
    }
    %scan3A_165 = arith.constant 41 : i32
    %dma_wait3A_166 = arith.constant 122 : i32
    %dma_wait3A_167 = arith.constant 0 : i32
    %dma_wait3A_168 = tpu.memref_slice %arg7[%dma_wait3A_166, %dma_wait3A_167] : memref<125x80xi32, #tpu.memory_space<vmem>> -> memref<1x80xi32, #tpu.memory_space<vmem>>
    %dma_wait3A_169 = tpu.memref_squeeze %dma_wait3A_168 : memref<1x80xi32, #tpu.memory_space<vmem>> -> memref<80xi32, #tpu.memory_space<vmem>>
    %dma_wait3A_170 = arith.constant 0 : i32
    %dma_wait3A_171 = arith.constant 0 : i32
    %dma_wait3A_172 = tpu.memref_slice %arg17[%dma_wait3A_170, %dma_wait3A_171] : memref<10000x128xf32, #tpu.memory_space<vmem_shared>> -> memref<10000x128xf32, #tpu.memory_space<vmem_shared>>
    tpu.wait_indirect_dma semaphore(%arg16 : memref<!tpu.dma_semaphore, #tpu.memory_space<semaphore_mem>>) src(%arg10 : memref<80x128xf32, #tpu.memory_space<vmem>>) dst(%dma_wait3A_172 : memref<10000x128xf32, #tpu.memory_space<vmem_shared>>)
    %dma_wait3A_173 = arith.constant 123 : i32
    %dma_wait3A_174 = arith.constant 0 : i32
    %dma_wait3A_175 = tpu.memref_slice %arg6[%dma_wait3A_173, %dma_wait3A_174] : memref<125x80xi32, #tpu.memory_space<vmem>> -> memref<1x80xi32, #tpu.memory_space<vmem>>
    %dma_wait3A_176 = tpu.memref_squeeze %dma_wait3A_175 : memref<1x80xi32, #tpu.memory_space<vmem>> -> memref<80xi32, #tpu.memory_space<vmem>>
    %dma_wait3A_177 = arith.constant 0 : i32
    %dma_wait3A_178 = arith.constant 0 : i32
    %dma_wait3A_179 = tpu.memref_slice %arg2[%dma_wait3A_177, %dma_wait3A_178] : memref<10000x128xf32, #tpu.memory_space<hbm>> -> memref<10000x128xf32, #tpu.memory_space<hbm>>
    tpu.wait_indirect_dma semaphore(%arg11 : memref<!tpu.dma_semaphore, #tpu.memory_space<semaphore_mem>>) src(%dma_wait3A_179 : memref<10000x128xf32, #tpu.memory_space<hbm>>) dst(%arg8 : memref<80x128xf32, #tpu.memory_space<vmem>>)
    %dma_start3A_180 = arith.constant 123 : i32
    %dma_start3A_181 = arith.constant 0 : i32
    %dma_start3A_182 = tpu.memref_slice %arg7[%dma_start3A_180, %dma_start3A_181] : memref<125x80xi32, #tpu.memory_space<vmem>> -> memref<1x80xi32, #tpu.memory_space<vmem>>
    %dma_start3A_183 = tpu.memref_squeeze %dma_start3A_182 : memref<1x80xi32, #tpu.memory_space<vmem>> -> memref<80xi32, #tpu.memory_space<vmem>>
    %dma_start3A_184 = arith.constant 0 : i32
    %dma_start3A_185 = arith.constant 0 : i32
    %dma_start3A_186 = tpu.memref_slice %arg17[%dma_start3A_184, %dma_start3A_185] : memref<10000x128xf32, #tpu.memory_space<vmem_shared>> -> memref<10000x128xf32, #tpu.memory_space<vmem_shared>>
    tpu.enqueue_indirect_dma source(%arg8 : memref<80x128xf32, #tpu.memory_space<vmem>>) target(%dma_start3A_186 : memref<10000x128xf32, #tpu.memory_space<vmem_shared>>) offsets(%dma_start3A_183 : memref<80xi32, #tpu.memory_space<vmem>>) semaphore(%arg14 : memref<!tpu.dma_semaphore, #tpu.memory_space<semaphore_mem>>) {add = true}
    %dma_wait3A_187 = arith.constant 123 : i32
    %dma_wait3A_188 = arith.constant 0 : i32
    %dma_wait3A_189 = tpu.memref_slice %arg7[%dma_wait3A_187, %dma_wait3A_188] : memref<125x80xi32, #tpu.memory_space<vmem>> -> memref<1x80xi32, #tpu.memory_space<vmem>>
    %dma_wait3A_190 = tpu.memref_squeeze %dma_wait3A_189 : memref<1x80xi32, #tpu.memory_space<vmem>> -> memref<80xi32, #tpu.memory_space<vmem>>
    %dma_wait3A_191 = arith.constant 0 : i32
    %dma_wait3A_192 = arith.constant 0 : i32
    %dma_wait3A_193 = tpu.memref_slice %arg17[%dma_wait3A_191, %dma_wait3A_192] : memref<10000x128xf32, #tpu.memory_space<vmem_shared>> -> memref<10000x128xf32, #tpu.memory_space<vmem_shared>>
    tpu.wait_indirect_dma semaphore(%arg14 : memref<!tpu.dma_semaphore, #tpu.memory_space<semaphore_mem>>) src(%arg8 : memref<80x128xf32, #tpu.memory_space<vmem>>) dst(%dma_wait3A_193 : memref<10000x128xf32, #tpu.memory_space<vmem_shared>>)
    %dma_wait3A_194 = arith.constant 124 : i32
    %dma_wait3A_195 = arith.constant 0 : i32
    %dma_wait3A_196 = tpu.memref_slice %arg6[%dma_wait3A_194, %dma_wait3A_195] : memref<125x80xi32, #tpu.memory_space<vmem>> -> memref<1x80xi32, #tpu.memory_space<vmem>>
    %dma_wait3A_197 = tpu.memref_squeeze %dma_wait3A_196 : memref<1x80xi32, #tpu.memory_space<vmem>> -> memref<80xi32, #tpu.memory_space<vmem>>
    %dma_wait3A_198 = arith.constant 0 : i32
    %dma_wait3A_199 = arith.constant 0 : i32
    %dma_wait3A_200 = tpu.memref_slice %arg2[%dma_wait3A_198, %dma_wait3A_199] : memref<10000x128xf32, #tpu.memory_space<hbm>> -> memref<10000x128xf32, #tpu.memory_space<hbm>>
    tpu.wait_indirect_dma semaphore(%arg12 : memref<!tpu.dma_semaphore, #tpu.memory_space<semaphore_mem>>) src(%dma_wait3A_200 : memref<10000x128xf32, #tpu.memory_space<hbm>>) dst(%arg9 : memref<80x128xf32, #tpu.memory_space<vmem>>)
    %dma_start3A_201 = arith.constant 124 : i32
    %dma_start3A_202 = arith.constant 0 : i32
    %dma_start3A_203 = tpu.memref_slice %arg7[%dma_start3A_201, %dma_start3A_202] : memref<125x80xi32, #tpu.memory_space<vmem>> -> memref<1x80xi32, #tpu.memory_space<vmem>>
    %dma_start3A_204 = tpu.memref_squeeze %dma_start3A_203 : memref<1x80xi32, #tpu.memory_space<vmem>> -> memref<80xi32, #tpu.memory_space<vmem>>
    %dma_start3A_205 = arith.constant 0 : i32
    %dma_start3A_206 = arith.constant 0 : i32
    %dma_start3A_207 = tpu.memref_slice %arg17[%dma_start3A_205, %dma_start3A_206] : memref<10000x128xf32, #tpu.memory_space<vmem_shared>> -> memref<10000x128xf32, #tpu.memory_space<vmem_shared>>
    tpu.enqueue_indirect_dma source(%arg9 : memref<80x128xf32, #tpu.memory_space<vmem>>) target(%dma_start3A_207 : memref<10000x128xf32, #tpu.memory_space<vmem_shared>>) offsets(%dma_start3A_204 : memref<80xi32, #tpu.memory_space<vmem>>) semaphore(%arg15 : memref<!tpu.dma_semaphore, #tpu.memory_space<semaphore_mem>>) {add = true}
    %dma_wait3A_208 = arith.constant 124 : i32
    %dma_wait3A_209 = arith.constant 0 : i32
    %dma_wait3A_210 = tpu.memref_slice %arg7[%dma_wait3A_208, %dma_wait3A_209] : memref<125x80xi32, #tpu.memory_space<vmem>> -> memref<1x80xi32, #tpu.memory_space<vmem>>
    %dma_wait3A_211 = tpu.memref_squeeze %dma_wait3A_210 : memref<1x80xi32, #tpu.memory_space<vmem>> -> memref<80xi32, #tpu.memory_space<vmem>>
    %dma_wait3A_212 = arith.constant 0 : i32
    %dma_wait3A_213 = arith.constant 0 : i32
    %dma_wait3A_214 = tpu.memref_slice %arg17[%dma_wait3A_212, %dma_wait3A_213] : memref<10000x128xf32, #tpu.memory_space<vmem_shared>> -> memref<10000x128xf32, #tpu.memory_space<vmem_shared>>
    tpu.wait_indirect_dma semaphore(%arg15 : memref<!tpu.dma_semaphore, #tpu.memory_space<semaphore_mem>>) src(%arg9 : memref<80x128xf32, #tpu.memory_space<vmem>>) dst(%dma_wait3A_214 : memref<10000x128xf32, #tpu.memory_space<vmem_shared>>)
    %barrier3A_215 = arith.constant 0 : index
    tpu.barrier barrier_id(%barrier3A_215)
    %mul3A_216 = arith.constant 625 : i32
    %mul3A_217 = arith.muli %arg1, %mul3A_216 : i32
    %add3A_218 = arith.constant 0 : i32
    %add3A_219 = arith.addi %mul3A_217, %add3A_218 : i32
    %dma_start3A_220 = arith.constant 0 : i32
    %dma_start3A_221 = arith.constant 0 : i32
    %dma_start3A_222 = tpu.memref_slice %arg8[%dma_start3A_220, %dma_start3A_221] : memref<80x128xf32, #tpu.memory_space<vmem>> -> memref<80x128xf32, #tpu.memory_space<vmem>>
    %dma_start3A_223 = arith.constant 0 : i32
    %dma_start3A_224 = tpu.memref_slice %arg17[%add3A_219, %dma_start3A_223] : memref<10000x128xf32, #tpu.memory_space<vmem_shared>> -> memref<80x128xf32, #tpu.memory_space<vmem_shared>>
    %dma_start3A_225 = arith.constant 0 : i32
    %dma_start3A_226 = arith.constant 0 : i32
    %dma_start3A_227 = tpu.memref_slice %arg8[%dma_start3A_225, %dma_start3A_226] : memref<80x128xf32, #tpu.memory_space<vmem>> -> memref<80x128xf32, #tpu.memory_space<vmem>>
    %dma_start3A_228 = arith.constant 0 : i32
    %dma_start3A_229 = tpu.memref_slice %arg17[%add3A_219, %dma_start3A_228] : memref<10000x128xf32, #tpu.memory_space<vmem_shared>> -> memref<80x128xf32, #tpu.memory_space<vmem_shared>>
    tpu.enqueue_dma source(%dma_start3A_229 : memref<80x128xf32, #tpu.memory_space<vmem_shared>>) target(%dma_start3A_227 : memref<80x128xf32, #tpu.memory_space<vmem>>) target_semaphore(%arg11 : memref<!tpu.dma_semaphore, #tpu.memory_space<semaphore_mem>>)
    %mul3A_230 = arith.constant 625 : i32
    %mul3A_231 = arith.muli %arg1, %mul3A_230 : i32
    %add3A_232 = arith.constant 0 : i32
    %add3A_233 = arith.addi %mul3A_231, %add3A_232 : i32
    %dma_wait3A_234 = arith.constant 0 : i32
    %dma_wait3A_235 = arith.constant 0 : i32
    %dma_wait3A_236 = tpu.memref_slice %arg8[%dma_wait3A_234, %dma_wait3A_235] : memref<80x128xf32, #tpu.memory_space<vmem>> -> memref<80x128xf32, #tpu.memory_space<vmem>>
    %dma_wait3A_237 = arith.constant 0 : i32
    %dma_wait3A_238 = tpu.memref_slice %arg17[%add3A_233, %dma_wait3A_237] : memref<10000x128xf32, #tpu.memory_space<vmem_shared>> -> memref<80x128xf32, #tpu.memory_space<vmem_shared>>
    %dma_wait3A_239 = arith.constant 0 : i32
    %dma_wait3A_240 = arith.constant 0 : i32
    %dma_wait3A_241 = tpu.memref_slice %arg8[%dma_wait3A_239, %dma_wait3A_240] : memref<80x128xf32, #tpu.memory_space<vmem>> -> memref<80x128xf32, #tpu.memory_space<vmem>>
    %dma_wait3A_242 = arith.constant 0 : i32
    %dma_wait3A_243 = tpu.memref_slice %arg17[%add3A_233, %dma_wait3A_242] : memref<10000x128xf32, #tpu.memory_space<vmem_shared>> -> memref<80x128xf32, #tpu.memory_space<vmem_shared>>
    tpu.wait_dma2 semaphore(%arg11 : memref<!tpu.dma_semaphore, #tpu.memory_space<semaphore_mem>>) src(%dma_wait3A_243 : memref<80x128xf32, #tpu.memory_space<vmem_shared>>) dst(%dma_wait3A_241 : memref<80x128xf32, #tpu.memory_space<vmem>>)
    %mul3A_244 = arith.constant 625 : i32
    %mul3A_245 = arith.muli %arg1, %mul3A_244 : i32
    %add3A_246 = arith.constant 0 : i32
    %add3A_247 = arith.addi %mul3A_245, %add3A_246 : i32
    %dma_start3A_248 = arith.constant 0 : i32
    %dma_start3A_249 = arith.constant 0 : i32
    %dma_start3A_250 = tpu.memref_slice %arg8[%dma_start3A_248, %dma_start3A_249] : memref<80x128xf32, #tpu.memory_space<vmem>> -> memref<80x128xf32, #tpu.memory_space<vmem>>
    %dma_start3A_251 = arith.constant 0 : i32
    %dma_start3A_252 = tpu.memref_slice %arg5[%arg0, %add3A_247, %dma_start3A_251] : memref<2x10000x128xf32, #tpu.memory_space<hbm>> -> memref<1x80x128xf32, #tpu.memory_space<hbm>>
    %dma_start3A_253 = tpu.memref_squeeze %dma_start3A_252 : memref<1x80x128xf32, #tpu.memory_space<hbm>> -> memref<80x128xf32, #tpu.memory_space<hbm>>
    %dma_start3A_254 = arith.constant 0 : i32
    %dma_start3A_255 = tpu.memref_slice %arg5[%arg0, %add3A_247, %dma_start3A_254] : memref<2x10000x128xf32, #tpu.memory_space<hbm>> -> memref<1x80x128xf32, #tpu.memory_space<hbm>>
    %dma_start3A_256 = tpu.memref_squeeze %dma_start3A_255 : memref<1x80x128xf32, #tpu.memory_space<hbm>> -> memref<80x128xf32, #tpu.memory_space<hbm>>
    %dma_start3A_257 = arith.constant 0 : i32
    %dma_start3A_258 = arith.constant 0 : i32
    %dma_start3A_259 = tpu.memref_slice %arg8[%dma_start3A_257, %dma_start3A_258] : memref<80x128xf32, #tpu.memory_space<vmem>> -> memref<80x128xf32, #tpu.memory_space<vmem>>
    tpu.enqueue_dma source(%dma_start3A_259 : memref<80x128xf32, #tpu.memory_space<vmem>>) target(%dma_start3A_256 : memref<80x128xf32, #tpu.memory_space<hbm>>) target_semaphore(%arg14 : memref<!tpu.dma_semaphore, #tpu.memory_space<semaphore_mem>>)
    %mul3A_260 = arith.constant 625 : i32
    %mul3A_261 = arith.muli %arg1, %mul3A_260 : i32
    %add3A_262 = arith.constant 80 : i32
    %add3A_263 = arith.addi %mul3A_261, %add3A_262 : i32
    %dma_start3A_264 = arith.constant 0 : i32
    %dma_start3A_265 = arith.constant 0 : i32
    %dma_start3A_266 = tpu.memref_slice %arg9[%dma_start3A_264, %dma_start3A_265] : memref<80x128xf32, #tpu.memory_space<vmem>> -> memref<80x128xf32, #tpu.memory_space<vmem>>
    %dma_start3A_267 = arith.constant 0 : i32
    %dma_start3A_268 = tpu.memref_slice %arg17[%add3A_263, %dma_start3A_267] : memref<10000x128xf32, #tpu.memory_space<vmem_shared>> -> memref<80x128xf32, #tpu.memory_space<vmem_shared>>
    %dma_start3A_269 = arith.constant 0 : i32
    %dma_start3A_270 = arith.constant 0 : i32
    %dma_start3A_271 = tpu.memref_slice %arg9[%dma_start3A_269, %dma_start3A_270] : memref<80x128xf32, #tpu.memory_space<vmem>> -> memref<80x128xf32, #tpu.memory_space<vmem>>
    %dma_start3A_272 = arith.constant 0 : i32
    %dma_start3A_273 = tpu.memref_slice %arg17[%add3A_263, %dma_start3A_272] : memref<10000x128xf32, #tpu.memory_space<vmem_shared>> -> memref<80x128xf32, #tpu.memory_space<vmem_shared>>
    tpu.enqueue_dma source(%dma_start3A_273 : memref<80x128xf32, #tpu.memory_space<vmem_shared>>) target(%dma_start3A_271 : memref<80x128xf32, #tpu.memory_space<vmem>>) target_semaphore(%arg12 : memref<!tpu.dma_semaphore, #tpu.memory_space<semaphore_mem>>)
    %mul3A_274 = arith.constant 625 : i32
    %mul3A_275 = arith.muli %arg1, %mul3A_274 : i32
    %add3A_276 = arith.constant 80 : i32
    %add3A_277 = arith.addi %mul3A_275, %add3A_276 : i32
    %dma_wait3A_278 = arith.constant 0 : i32
    %dma_wait3A_279 = arith.constant 0 : i32
    %dma_wait3A_280 = tpu.memref_slice %arg9[%dma_wait3A_278, %dma_wait3A_279] : memref<80x128xf32, #tpu.memory_space<vmem>> -> memref<80x128xf32, #tpu.memory_space<vmem>>
    %dma_wait3A_281 = arith.constant 0 : i32
    %dma_wait3A_282 = tpu.memref_slice %arg17[%add3A_277, %dma_wait3A_281] : memref<10000x128xf32, #tpu.memory_space<vmem_shared>> -> memref<80x128xf32, #tpu.memory_space<vmem_shared>>
    %dma_wait3A_283 = arith.constant 0 : i32
    %dma_wait3A_284 = arith.constant 0 : i32
    %dma_wait3A_285 = tpu.memref_slice %arg9[%dma_wait3A_283, %dma_wait3A_284] : memref<80x128xf32, #tpu.memory_space<vmem>> -> memref<80x128xf32, #tpu.memory_space<vmem>>
    %dma_wait3A_286 = arith.constant 0 : i32
    %dma_wait3A_287 = tpu.memref_slice %arg17[%add3A_277, %dma_wait3A_286] : memref<10000x128xf32, #tpu.memory_space<vmem_shared>> -> memref<80x128xf32, #tpu.memory_space<vmem_shared>>
    tpu.wait_dma2 semaphore(%arg12 : memref<!tpu.dma_semaphore, #tpu.memory_space<semaphore_mem>>) src(%dma_wait3A_287 : memref<80x128xf32, #tpu.memory_space<vmem_shared>>) dst(%dma_wait3A_285 : memref<80x128xf32, #tpu.memory_space<vmem>>)
    %mul3A_288 = arith.constant 625 : i32
    %mul3A_289 = arith.muli %arg1, %mul3A_288 : i32
    %add3A_290 = arith.constant 80 : i32
    %add3A_291 = arith.addi %mul3A_289, %add3A_290 : i32
    %dma_start3A_292 = arith.constant 0 : i32
    %dma_start3A_293 = arith.constant 0 : i32
    %dma_start3A_294 = tpu.memref_slice %arg9[%dma_start3A_292, %dma_start3A_293] : memref<80x128xf32, #tpu.memory_space<vmem>> -> memref<80x128xf32, #tpu.memory_space<vmem>>
    %dma_start3A_295 = arith.constant 0 : i32
    %dma_start3A_296 = tpu.memref_slice %arg5[%arg0, %add3A_291, %dma_start3A_295] : memref<2x10000x128xf32, #tpu.memory_space<hbm>> -> memref<1x80x128xf32, #tpu.memory_space<hbm>>
    %dma_start3A_297 = tpu.memref_squeeze %dma_start3A_296 : memref<1x80x128xf32, #tpu.memory_space<hbm>> -> memref<80x128xf32, #tpu.memory_space<hbm>>
    %dma_start3A_298 = arith.constant 0 : i32
    %dma_start3A_299 = tpu.memref_slice %arg5[%arg0, %add3A_291, %dma_start3A_298] : memref<2x10000x128xf32, #tpu.memory_space<hbm>> -> memref<1x80x128xf32, #tpu.memory_space<hbm>>
    %dma_start3A_300 = tpu.memref_squeeze %dma_start3A_299 : memref<1x80x128xf32, #tpu.memory_space<hbm>> -> memref<80x128xf32, #tpu.memory_space<hbm>>
    %dma_start3A_301 = arith.constant 0 : i32
    %dma_start3A_302 = arith.constant 0 : i32
    %dma_start3A_303 = tpu.memref_slice %arg9[%dma_start3A_301, %dma_start3A_302] : memref<80x128xf32, #tpu.memory_space<vmem>> -> memref<80x128xf32, #tpu.memory_space<vmem>>
    tpu.enqueue_dma source(%dma_start3A_303 : memref<80x128xf32, #tpu.memory_space<vmem>>) target(%dma_start3A_300 : memref<80x128xf32, #tpu.memory_space<hbm>>) target_semaphore(%arg15 : memref<!tpu.dma_semaphore, #tpu.memory_space<semaphore_mem>>)
    %mul3A_304 = arith.constant 625 : i32
    %mul3A_305 = arith.muli %arg1, %mul3A_304 : i32
    %add3A_306 = arith.constant 160 : i32
    %add3A_307 = arith.addi %mul3A_305, %add3A_306 : i32
    %dma_start3A_308 = arith.constant 0 : i32
    %dma_start3A_309 = arith.constant 0 : i32
    %dma_start3A_310 = tpu.memref_slice %arg10[%dma_start3A_308, %dma_start3A_309] : memref<80x128xf32, #tpu.memory_space<vmem>> -> memref<80x128xf32, #tpu.memory_space<vmem>>
    %dma_start3A_311 = arith.constant 0 : i32
    %dma_start3A_312 = tpu.memref_slice %arg17[%add3A_307, %dma_start3A_311] : memref<10000x128xf32, #tpu.memory_space<vmem_shared>> -> memref<80x128xf32, #tpu.memory_space<vmem_shared>>
    %dma_start3A_313 = arith.constant 0 : i32
    %dma_start3A_314 = arith.constant 0 : i32
    %dma_start3A_315 = tpu.memref_slice %arg10[%dma_start3A_313, %dma_start3A_314] : memref<80x128xf32, #tpu.memory_space<vmem>> -> memref<80x128xf32, #tpu.memory_space<vmem>>
    %dma_start3A_316 = arith.constant 0 : i32
    %dma_start3A_317 = tpu.memref_slice %arg17[%add3A_307, %dma_start3A_316] : memref<10000x128xf32, #tpu.memory_space<vmem_shared>> -> memref<80x128xf32, #tpu.memory_space<vmem_shared>>
    tpu.enqueue_dma source(%dma_start3A_317 : memref<80x128xf32, #tpu.memory_space<vmem_shared>>) target(%dma_start3A_315 : memref<80x128xf32, #tpu.memory_space<vmem>>) target_semaphore(%arg13 : memref<!tpu.dma_semaphore, #tpu.memory_space<semaphore_mem>>)
    %mul3A_318 = arith.constant 625 : i32
    %mul3A_319 = arith.muli %arg1, %mul3A_318 : i32
    %add3A_320 = arith.constant 160 : i32
    %add3A_321 = arith.addi %mul3A_319, %add3A_320 : i32
    %dma_wait3A_322 = arith.constant 0 : i32
    %dma_wait3A_323 = arith.constant 0 : i32
    %dma_wait3A_324 = tpu.memref_slice %arg10[%dma_wait3A_322, %dma_wait3A_323] : memref<80x128xf32, #tpu.memory_space<vmem>> -> memref<80x128xf32, #tpu.memory_space<vmem>>
    %dma_wait3A_325 = arith.constant 0 : i32
    %dma_wait3A_326 = tpu.memref_slice %arg17[%add3A_321, %dma_wait3A_325] : memref<10000x128xf32, #tpu.memory_space<vmem_shared>> -> memref<80x128xf32, #tpu.memory_space<vmem_shared>>
    %dma_wait3A_327 = arith.constant 0 : i32
    %dma_wait3A_328 = arith.constant 0 : i32
    %dma_wait3A_329 = tpu.memref_slice %arg10[%dma_wait3A_327, %dma_wait3A_328] : memref<80x128xf32, #tpu.memory_space<vmem>> -> memref<80x128xf32, #tpu.memory_space<vmem>>
    %dma_wait3A_330 = arith.constant 0 : i32
    %dma_wait3A_331 = tpu.memref_slice %arg17[%add3A_321, %dma_wait3A_330] : memref<10000x128xf32, #tpu.memory_space<vmem_shared>> -> memref<80x128xf32, #tpu.memory_space<vmem_shared>>
    tpu.wait_dma2 semaphore(%arg13 : memref<!tpu.dma_semaphore, #tpu.memory_space<semaphore_mem>>) src(%dma_wait3A_331 : memref<80x128xf32, #tpu.memory_space<vmem_shared>>) dst(%dma_wait3A_329 : memref<80x128xf32, #tpu.memory_space<vmem>>)
    %mul3A_332 = arith.constant 625 : i32
    %mul3A_333 = arith.muli %arg1, %mul3A_332 : i32
    %add3A_334 = arith.constant 160 : i32
    %add3A_335 = arith.addi %mul3A_333, %add3A_334 : i32
    %dma_start3A_336 = arith.constant 0 : i32
    %dma_start3A_337 = arith.constant 0 : i32
    %dma_start3A_338 = tpu.memref_slice %arg10[%dma_start3A_336, %dma_start3A_337] : memref<80x128xf32, #tpu.memory_space<vmem>> -> memref<80x128xf32, #tpu.memory_space<vmem>>
    %dma_start3A_339 = arith.constant 0 : i32
    %dma_start3A_340 = tpu.memref_slice %arg5[%arg0, %add3A_335, %dma_start3A_339] : memref<2x10000x128xf32, #tpu.memory_space<hbm>> -> memref<1x80x128xf32, #tpu.memory_space<hbm>>
    %dma_start3A_341 = tpu.memref_squeeze %dma_start3A_340 : memref<1x80x128xf32, #tpu.memory_space<hbm>> -> memref<80x128xf32, #tpu.memory_space<hbm>>
    %dma_start3A_342 = arith.constant 0 : i32
    %dma_start3A_343 = tpu.memref_slice %arg5[%arg0, %add3A_335, %dma_start3A_342] : memref<2x10000x128xf32, #tpu.memory_space<hbm>> -> memref<1x80x128xf32, #tpu.memory_space<hbm>>
    %dma_start3A_344 = tpu.memref_squeeze %dma_start3A_343 : memref<1x80x128xf32, #tpu.memory_space<hbm>> -> memref<80x128xf32, #tpu.memory_space<hbm>>
    %dma_start3A_345 = arith.constant 0 : i32
    %dma_start3A_346 = arith.constant 0 : i32
    %dma_start3A_347 = tpu.memref_slice %arg10[%dma_start3A_345, %dma_start3A_346] : memref<80x128xf32, #tpu.memory_space<vmem>> -> memref<80x128xf32, #tpu.memory_space<vmem>>
    tpu.enqueue_dma source(%dma_start3A_347 : memref<80x128xf32, #tpu.memory_space<vmem>>) target(%dma_start3A_344 : memref<80x128xf32, #tpu.memory_space<hbm>>) target_semaphore(%arg16 : memref<!tpu.dma_semaphore, #tpu.memory_space<semaphore_mem>>)
    %mul3A_348 = arith.constant 625 : i32
    %mul3A_349 = arith.muli %arg1, %mul3A_348 : i32
    %add3A_350 = arith.constant 0 : i32
    %add3A_351 = arith.addi %mul3A_349, %add3A_350 : i32
    %dma_wait3A_352 = arith.constant 0 : i32
    %dma_wait3A_353 = arith.constant 0 : i32
    %dma_wait3A_354 = tpu.memref_slice %arg8[%dma_wait3A_352, %dma_wait3A_353] : memref<80x128xf32, #tpu.memory_space<vmem>> -> memref<80x128xf32, #tpu.memory_space<vmem>>
    %dma_wait3A_355 = arith.constant 0 : i32
    %dma_wait3A_356 = tpu.memref_slice %arg5[%arg0, %add3A_351, %dma_wait3A_355] : memref<2x10000x128xf32, #tpu.memory_space<hbm>> -> memref<1x80x128xf32, #tpu.memory_space<hbm>>
    %dma_wait3A_357 = tpu.memref_squeeze %dma_wait3A_356 : memref<1x80x128xf32, #tpu.memory_space<hbm>> -> memref<80x128xf32, #tpu.memory_space<hbm>>
    %dma_wait3A_358 = arith.constant 0 : i32
    %dma_wait3A_359 = tpu.memref_slice %arg5[%arg0, %add3A_351, %dma_wait3A_358] : memref<2x10000x128xf32, #tpu.memory_space<hbm>> -> memref<1x80x128xf32, #tpu.memory_space<hbm>>
    %dma_wait3A_360 = tpu.memref_squeeze %dma_wait3A_359 : memref<1x80x128xf32, #tpu.memory_space<hbm>> -> memref<80x128xf32, #tpu.memory_space<hbm>>
    %dma_wait3A_361 = arith.constant 0 : i32
    %dma_wait3A_362 = arith.constant 0 : i32
    %dma_wait3A_363 = tpu.memref_slice %arg8[%dma_wait3A_361, %dma_wait3A_362] : memref<80x128xf32, #tpu.memory_space<vmem>> -> memref<80x128xf32, #tpu.memory_space<vmem>>
    tpu.wait_dma2 semaphore(%arg14 : memref<!tpu.dma_semaphore, #tpu.memory_space<semaphore_mem>>) src(%dma_wait3A_363 : memref<80x128xf32, #tpu.memory_space<vmem>>) dst(%dma_wait3A_360 : memref<80x128xf32, #tpu.memory_space<hbm>>)
    %mul3A_364 = arith.constant 625 : i32
    %mul3A_365 = arith.muli %arg1, %mul3A_364 : i32
    %add3A_366 = arith.constant 240 : i32
    %add3A_367 = arith.addi %mul3A_365, %add3A_366 : i32
    %dma_start3A_368 = arith.constant 0 : i32
    %dma_start3A_369 = arith.constant 0 : i32
    %dma_start3A_370 = tpu.memref_slice %arg8[%dma_start3A_368, %dma_start3A_369] : memref<80x128xf32, #tpu.memory_space<vmem>> -> memref<80x128xf32, #tpu.memory_space<vmem>>
    %dma_start3A_371 = arith.constant 0 : i32
    %dma_start3A_372 = tpu.memref_slice %arg17[%add3A_367, %dma_start3A_371] : memref<10000x128xf32, #tpu.memory_space<vmem_shared>> -> memref<80x128xf32, #tpu.memory_space<vmem_shared>>
    %dma_start3A_373 = arith.constant 0 : i32
    %dma_start3A_374 = arith.constant 0 : i32
    %dma_start3A_375 = tpu.memref_slice %arg8[%dma_start3A_373, %dma_start3A_374] : memref<80x128xf32, #tpu.memory_space<vmem>> -> memref<80x128xf32, #tpu.memory_space<vmem>>
    %dma_start3A_376 = arith.constant 0 : i32
    %dma_start3A_377 = tpu.memref_slice %arg17[%add3A_367, %dma_start3A_376] : memref<10000x128xf32, #tpu.memory_space<vmem_shared>> -> memref<80x128xf32, #tpu.memory_space<vmem_shared>>
    tpu.enqueue_dma source(%dma_start3A_377 : memref<80x128xf32, #tpu.memory_space<vmem_shared>>) target(%dma_start3A_375 : memref<80x128xf32, #tpu.memory_space<vmem>>) target_semaphore(%arg11 : memref<!tpu.dma_semaphore, #tpu.memory_space<semaphore_mem>>)
    %mul3A_378 = arith.constant 625 : i32
    %mul3A_379 = arith.muli %arg1, %mul3A_378 : i32
    %add3A_380 = arith.constant 240 : i32
    %add3A_381 = arith.addi %mul3A_379, %add3A_380 : i32
    %dma_wait3A_382 = arith.constant 0 : i32
    %dma_wait3A_383 = arith.constant 0 : i32
    %dma_wait3A_384 = tpu.memref_slice %arg8[%dma_wait3A_382, %dma_wait3A_383] : memref<80x128xf32, #tpu.memory_space<vmem>> -> memref<80x128xf32, #tpu.memory_space<vmem>>
    %dma_wait3A_385 = arith.constant 0 : i32
    %dma_wait3A_386 = tpu.memref_slice %arg17[%add3A_381, %dma_wait3A_385] : memref<10000x128xf32, #tpu.memory_space<vmem_shared>> -> memref<80x128xf32, #tpu.memory_space<vmem_shared>>
    %dma_wait3A_387 = arith.constant 0 : i32
    %dma_wait3A_388 = arith.constant 0 : i32
    %dma_wait3A_389 = tpu.memref_slice %arg8[%dma_wait3A_387, %dma_wait3A_388] : memref<80x128xf32, #tpu.memory_space<vmem>> -> memref<80x128xf32, #tpu.memory_space<vmem>>
    %dma_wait3A_390 = arith.constant 0 : i32
    %dma_wait3A_391 = tpu.memref_slice %arg17[%add3A_381, %dma_wait3A_390] : memref<10000x128xf32, #tpu.memory_space<vmem_shared>> -> memref<80x128xf32, #tpu.memory_space<vmem_shared>>
    tpu.wait_dma2 semaphore(%arg11 : memref<!tpu.dma_semaphore, #tpu.memory_space<semaphore_mem>>) src(%dma_wait3A_391 : memref<80x128xf32, #tpu.memory_space<vmem_shared>>) dst(%dma_wait3A_389 : memref<80x128xf32, #tpu.memory_space<vmem>>)
    %mul3A_392 = arith.constant 625 : i32
    %mul3A_393 = arith.muli %arg1, %mul3A_392 : i32
    %add3A_394 = arith.constant 240 : i32
    %add3A_395 = arith.addi %mul3A_393, %add3A_394 : i32
    %dma_start3A_396 = arith.constant 0 : i32
    %dma_start3A_397 = arith.constant 0 : i32
    %dma_start3A_398 = tpu.memref_slice %arg8[%dma_start3A_396, %dma_start3A_397] : memref<80x128xf32, #tpu.memory_space<vmem>> -> memref<80x128xf32, #tpu.memory_space<vmem>>
    %dma_start3A_399 = arith.constant 0 : i32
    %dma_start3A_400 = tpu.memref_slice %arg5[%arg0, %add3A_395, %dma_start3A_399] : memref<2x10000x128xf32, #tpu.memory_space<hbm>> -> memref<1x80x128xf32, #tpu.memory_space<hbm>>
    %dma_start3A_401 = tpu.memref_squeeze %dma_start3A_400 : memref<1x80x128xf32, #tpu.memory_space<hbm>> -> memref<80x128xf32, #tpu.memory_space<hbm>>
    %dma_start3A_402 = arith.constant 0 : i32
    %dma_start3A_403 = tpu.memref_slice %arg5[%arg0, %add3A_395, %dma_start3A_402] : memref<2x10000x128xf32, #tpu.memory_space<hbm>> -> memref<1x80x128xf32, #tpu.memory_space<hbm>>
    %dma_start3A_404 = tpu.memref_squeeze %dma_start3A_403 : memref<1x80x128xf32, #tpu.memory_space<hbm>> -> memref<80x128xf32, #tpu.memory_space<hbm>>
    %dma_start3A_405 = arith.constant 0 : i32
    %dma_start3A_406 = arith.constant 0 : i32
    %dma_start3A_407 = tpu.memref_slice %arg8[%dma_start3A_405, %dma_start3A_406] : memref<80x128xf32, #tpu.memory_space<vmem>> -> memref<80x128xf32, #tpu.memory_space<vmem>>
    tpu.enqueue_dma source(%dma_start3A_407 : memref<80x128xf32, #tpu.memory_space<vmem>>) target(%dma_start3A_404 : memref<80x128xf32, #tpu.memory_space<hbm>>) target_semaphore(%arg14 : memref<!tpu.dma_semaphore, #tpu.memory_space<semaphore_mem>>)
    %mul3A_408 = arith.constant 625 : i32
    %mul3A_409 = arith.muli %arg1, %mul3A_408 : i32
    %add3A_410 = arith.constant 80 : i32
    %add3A_411 = arith.addi %mul3A_409, %add3A_410 : i32
    %dma_wait3A_412 = arith.constant 0 : i32
    %dma_wait3A_413 = arith.constant 0 : i32
    %dma_wait3A_414 = tpu.memref_slice %arg9[%dma_wait3A_412, %dma_wait3A_413] : memref<80x128xf32, #tpu.memory_space<vmem>> -> memref<80x128xf32, #tpu.memory_space<vmem>>
    %dma_wait3A_415 = arith.constant 0 : i32
    %dma_wait3A_416 = tpu.memref_slice %arg5[%arg0, %add3A_411, %dma_wait3A_415] : memref<2x10000x128xf32, #tpu.memory_space<hbm>> -> memref<1x80x128xf32, #tpu.memory_space<hbm>>
    %dma_wait3A_417 = tpu.memref_squeeze %dma_wait3A_416 : memref<1x80x128xf32, #tpu.memory_space<hbm>> -> memref<80x128xf32, #tpu.memory_space<hbm>>
    %dma_wait3A_418 = arith.constant 0 : i32
    %dma_wait3A_419 = tpu.memref_slice %arg5[%arg0, %add3A_411, %dma_wait3A_418] : memref<2x10000x128xf32, #tpu.memory_space<hbm>> -> memref<1x80x128xf32, #tpu.memory_space<hbm>>
    %dma_wait3A_420 = tpu.memref_squeeze %dma_wait3A_419 : memref<1x80x128xf32, #tpu.memory_space<hbm>> -> memref<80x128xf32, #tpu.memory_space<hbm>>
    %dma_wait3A_421 = arith.constant 0 : i32
    %dma_wait3A_422 = arith.constant 0 : i32
    %dma_wait3A_423 = tpu.memref_slice %arg9[%dma_wait3A_421, %dma_wait3A_422] : memref<80x128xf32, #tpu.memory_space<vmem>> -> memref<80x128xf32, #tpu.memory_space<vmem>>
    tpu.wait_dma2 semaphore(%arg15 : memref<!tpu.dma_semaphore, #tpu.memory_space<semaphore_mem>>) src(%dma_wait3A_423 : memref<80x128xf32, #tpu.memory_space<vmem>>) dst(%dma_wait3A_420 : memref<80x128xf32, #tpu.memory_space<hbm>>)
    %mul3A_424 = arith.constant 625 : i32
    %mul3A_425 = arith.muli %arg1, %mul3A_424 : i32
    %add3A_426 = arith.constant 320 : i32
    %add3A_427 = arith.addi %mul3A_425, %add3A_426 : i32
    %dma_start3A_428 = arith.constant 0 : i32
    %dma_start3A_429 = arith.constant 0 : i32
    %dma_start3A_430 = tpu.memref_slice %arg9[%dma_start3A_428, %dma_start3A_429] : memref<80x128xf32, #tpu.memory_space<vmem>> -> memref<80x128xf32, #tpu.memory_space<vmem>>
    %dma_start3A_431 = arith.constant 0 : i32
    %dma_start3A_432 = tpu.memref_slice %arg17[%add3A_427, %dma_start3A_431] : memref<10000x128xf32, #tpu.memory_space<vmem_shared>> -> memref<80x128xf32, #tpu.memory_space<vmem_shared>>
    %dma_start3A_433 = arith.constant 0 : i32
    %dma_start3A_434 = arith.constant 0 : i32
    %dma_start3A_435 = tpu.memref_slice %arg9[%dma_start3A_433, %dma_start3A_434] : memref<80x128xf32, #tpu.memory_space<vmem>> -> memref<80x128xf32, #tpu.memory_space<vmem>>
    %dma_start3A_436 = arith.constant 0 : i32
    %dma_start3A_437 = tpu.memref_slice %arg17[%add3A_427, %dma_start3A_436] : memref<10000x128xf32, #tpu.memory_space<vmem_shared>> -> memref<80x128xf32, #tpu.memory_space<vmem_shared>>
    tpu.enqueue_dma source(%dma_start3A_437 : memref<80x128xf32, #tpu.memory_space<vmem_shared>>) target(%dma_start3A_435 : memref<80x128xf32, #tpu.memory_space<vmem>>) target_semaphore(%arg12 : memref<!tpu.dma_semaphore, #tpu.memory_space<semaphore_mem>>)
    %mul3A_438 = arith.constant 625 : i32
    %mul3A_439 = arith.muli %arg1, %mul3A_438 : i32
    %add3A_440 = arith.constant 320 : i32
    %add3A_441 = arith.addi %mul3A_439, %add3A_440 : i32
    %dma_wait3A_442 = arith.constant 0 : i32
    %dma_wait3A_443 = arith.constant 0 : i32
    %dma_wait3A_444 = tpu.memref_slice %arg9[%dma_wait3A_442, %dma_wait3A_443] : memref<80x128xf32, #tpu.memory_space<vmem>> -> memref<80x128xf32, #tpu.memory_space<vmem>>
    %dma_wait3A_445 = arith.constant 0 : i32
    %dma_wait3A_446 = tpu.memref_slice %arg17[%add3A_441, %dma_wait3A_445] : memref<10000x128xf32, #tpu.memory_space<vmem_shared>> -> memref<80x128xf32, #tpu.memory_space<vmem_shared>>
    %dma_wait3A_447 = arith.constant 0 : i32
    %dma_wait3A_448 = arith.constant 0 : i32
    %dma_wait3A_449 = tpu.memref_slice %arg9[%dma_wait3A_447, %dma_wait3A_448] : memref<80x128xf32, #tpu.memory_space<vmem>> -> memref<80x128xf32, #tpu.memory_space<vmem>>
    %dma_wait3A_450 = arith.constant 0 : i32
    %dma_wait3A_451 = tpu.memref_slice %arg17[%add3A_441, %dma_wait3A_450] : memref<10000x128xf32, #tpu.memory_space<vmem_shared>> -> memref<80x128xf32, #tpu.memory_space<vmem_shared>>
    tpu.wait_dma2 semaphore(%arg12 : memref<!tpu.dma_semaphore, #tpu.memory_space<semaphore_mem>>) src(%dma_wait3A_451 : memref<80x128xf32, #tpu.memory_space<vmem_shared>>) dst(%dma_wait3A_449 : memref<80x128xf32, #tpu.memory_space<vmem>>)
    %mul3A_452 = arith.constant 625 : i32
    %mul3A_453 = arith.muli %arg1, %mul3A_452 : i32
    %add3A_454 = arith.constant 320 : i32
    %add3A_455 = arith.addi %mul3A_453, %add3A_454 : i32
    %dma_start3A_456 = arith.constant 0 : i32
    %dma_start3A_457 = arith.constant 0 : i32
    %dma_start3A_458 = tpu.memref_slice %arg9[%dma_start3A_456, %dma_start3A_457] : memref<80x128xf32, #tpu.memory_space<vmem>> -> memref<80x128xf32, #tpu.memory_space<vmem>>
    %dma_start3A_459 = arith.constant 0 : i32
    %dma_start3A_460 = tpu.memref_slice %arg5[%arg0, %add3A_455, %dma_start3A_459] : memref<2x10000x128xf32, #tpu.memory_space<hbm>> -> memref<1x80x128xf32, #tpu.memory_space<hbm>>
    %dma_start3A_461 = tpu.memref_squeeze %dma_start3A_460 : memref<1x80x128xf32, #tpu.memory_space<hbm>> -> memref<80x128xf32, #tpu.memory_space<hbm>>
    %dma_start3A_462 = arith.constant 0 : i32
    %dma_start3A_463 = tpu.memref_slice %arg5[%arg0, %add3A_455, %dma_start3A_462] : memref<2x10000x128xf32, #tpu.memory_space<hbm>> -> memref<1x80x128xf32, #tpu.memory_space<hbm>>
    %dma_start3A_464 = tpu.memref_squeeze %dma_start3A_463 : memref<1x80x128xf32, #tpu.memory_space<hbm>> -> memref<80x128xf32, #tpu.memory_space<hbm>>
    %dma_start3A_465 = arith.constant 0 : i32
    %dma_start3A_466 = arith.constant 0 : i32
    %dma_start3A_467 = tpu.memref_slice %arg9[%dma_start3A_465, %dma_start3A_466] : memref<80x128xf32, #tpu.memory_space<vmem>> -> memref<80x128xf32, #tpu.memory_space<vmem>>
    tpu.enqueue_dma source(%dma_start3A_467 : memref<80x128xf32, #tpu.memory_space<vmem>>) target(%dma_start3A_464 : memref<80x128xf32, #tpu.memory_space<hbm>>) target_semaphore(%arg15 : memref<!tpu.dma_semaphore, #tpu.memory_space<semaphore_mem>>)
    %mul3A_468 = arith.constant 625 : i32
    %mul3A_469 = arith.muli %arg1, %mul3A_468 : i32
    %add3A_470 = arith.constant 160 : i32
    %add3A_471 = arith.addi %mul3A_469, %add3A_470 : i32
    %dma_wait3A_472 = arith.constant 0 : i32
    %dma_wait3A_473 = arith.constant 0 : i32
    %dma_wait3A_474 = tpu.memref_slice %arg10[%dma_wait3A_472, %dma_wait3A_473] : memref<80x128xf32, #tpu.memory_space<vmem>> -> memref<80x128xf32, #tpu.memory_space<vmem>>
    %dma_wait3A_475 = arith.constant 0 : i32
    %dma_wait3A_476 = tpu.memref_slice %arg5[%arg0, %add3A_471, %dma_wait3A_475] : memref<2x10000x128xf32, #tpu.memory_space<hbm>> -> memref<1x80x128xf32, #tpu.memory_space<hbm>>
    %dma_wait3A_477 = tpu.memref_squeeze %dma_wait3A_476 : memref<1x80x128xf32, #tpu.memory_space<hbm>> -> memref<80x128xf32, #tpu.memory_space<hbm>>
    %dma_wait3A_478 = arith.constant 0 : i32
    %dma_wait3A_479 = tpu.memref_slice %arg5[%arg0, %add3A_471, %dma_wait3A_478] : memref<2x10000x128xf32, #tpu.memory_space<hbm>> -> memref<1x80x128xf32, #tpu.memory_space<hbm>>
    %dma_wait3A_480 = tpu.memref_squeeze %dma_wait3A_479 : memref<1x80x128xf32, #tpu.memory_space<hbm>> -> memref<80x128xf32, #tpu.memory_space<hbm>>
    %dma_wait3A_481 = arith.constant 0 : i32
    %dma_wait3A_482 = arith.constant 0 : i32
    %dma_wait3A_483 = tpu.memref_slice %arg10[%dma_wait3A_481, %dma_wait3A_482] : memref<80x128xf32, #tpu.memory_space<vmem>> -> memref<80x128xf32, #tpu.memory_space<vmem>>
    tpu.wait_dma2 semaphore(%arg16 : memref<!tpu.dma_semaphore, #tpu.memory_space<semaphore_mem>>) src(%dma_wait3A_483 : memref<80x128xf32, #tpu.memory_space<vmem>>) dst(%dma_wait3A_480 : memref<80x128xf32, #tpu.memory_space<hbm>>)
    %mul3A_484 = arith.constant 625 : i32
    %mul3A_485 = arith.muli %arg1, %mul3A_484 : i32
    %add3A_486 = arith.constant 400 : i32
    %add3A_487 = arith.addi %mul3A_485, %add3A_486 : i32
    %dma_start3A_488 = arith.constant 0 : i32
    %dma_start3A_489 = arith.constant 0 : i32
    %dma_start3A_490 = tpu.memref_slice %arg10[%dma_start3A_488, %dma_start3A_489] : memref<80x128xf32, #tpu.memory_space<vmem>> -> memref<80x128xf32, #tpu.memory_space<vmem>>
    %dma_start3A_491 = arith.constant 0 : i32
    %dma_start3A_492 = tpu.memref_slice %arg17[%add3A_487, %dma_start3A_491] : memref<10000x128xf32, #tpu.memory_space<vmem_shared>> -> memref<80x128xf32, #tpu.memory_space<vmem_shared>>
    %dma_start3A_493 = arith.constant 0 : i32
    %dma_start3A_494 = arith.constant 0 : i32
    %dma_start3A_495 = tpu.memref_slice %arg10[%dma_start3A_493, %dma_start3A_494] : memref<80x128xf32, #tpu.memory_space<vmem>> -> memref<80x128xf32, #tpu.memory_space<vmem>>
    %dma_start3A_496 = arith.constant 0 : i32
    %dma_start3A_497 = tpu.memref_slice %arg17[%add3A_487, %dma_start3A_496] : memref<10000x128xf32, #tpu.memory_space<vmem_shared>> -> memref<80x128xf32, #tpu.memory_space<vmem_shared>>
    tpu.enqueue_dma source(%dma_start3A_497 : memref<80x128xf32, #tpu.memory_space<vmem_shared>>) target(%dma_start3A_495 : memref<80x128xf32, #tpu.memory_space<vmem>>) target_semaphore(%arg13 : memref<!tpu.dma_semaphore, #tpu.memory_space<semaphore_mem>>)
    %mul3A_498 = arith.constant 625 : i32
    %mul3A_499 = arith.muli %arg1, %mul3A_498 : i32
    %add3A_500 = arith.constant 400 : i32
    %add3A_501 = arith.addi %mul3A_499, %add3A_500 : i32
    %dma_wait3A_502 = arith.constant 0 : i32
    %dma_wait3A_503 = arith.constant 0 : i32
    %dma_wait3A_504 = tpu.memref_slice %arg10[%dma_wait3A_502, %dma_wait3A_503] : memref<80x128xf32, #tpu.memory_space<vmem>> -> memref<80x128xf32, #tpu.memory_space<vmem>>
    %dma_wait3A_505 = arith.constant 0 : i32
    %dma_wait3A_506 = tpu.memref_slice %arg17[%add3A_501, %dma_wait3A_505] : memref<10000x128xf32, #tpu.memory_space<vmem_shared>> -> memref<80x128xf32, #tpu.memory_space<vmem_shared>>
    %dma_wait3A_507 = arith.constant 0 : i32
    %dma_wait3A_508 = arith.constant 0 : i32
    %dma_wait3A_509 = tpu.memref_slice %arg10[%dma_wait3A_507, %dma_wait3A_508] : memref<80x128xf32, #tpu.memory_space<vmem>> -> memref<80x128xf32, #tpu.memory_space<vmem>>
    %dma_wait3A_510 = arith.constant 0 : i32
    %dma_wait3A_511 = tpu.memref_slice %arg17[%add3A_501, %dma_wait3A_510] : memref<10000x128xf32, #tpu.memory_space<vmem_shared>> -> memref<80x128xf32, #tpu.memory_space<vmem_shared>>
    tpu.wait_dma2 semaphore(%arg13 : memref<!tpu.dma_semaphore, #tpu.memory_space<semaphore_mem>>) src(%dma_wait3A_511 : memref<80x128xf32, #tpu.memory_space<vmem_shared>>) dst(%dma_wait3A_509 : memref<80x128xf32, #tpu.memory_space<vmem>>)
    %mul3A_512 = arith.constant 625 : i32
    %mul3A_513 = arith.muli %arg1, %mul3A_512 : i32
    %add3A_514 = arith.constant 400 : i32
    %add3A_515 = arith.addi %mul3A_513, %add3A_514 : i32
    %dma_start3A_516 = arith.constant 0 : i32
    %dma_start3A_517 = arith.constant 0 : i32
    %dma_start3A_518 = tpu.memref_slice %arg10[%dma_start3A_516, %dma_start3A_517] : memref<80x128xf32, #tpu.memory_space<vmem>> -> memref<80x128xf32, #tpu.memory_space<vmem>>
    %dma_start3A_519 = arith.constant 0 : i32
    %dma_start3A_520 = tpu.memref_slice %arg5[%arg0, %add3A_515, %dma_start3A_519] : memref<2x10000x128xf32, #tpu.memory_space<hbm>> -> memref<1x80x128xf32, #tpu.memory_space<hbm>>
    %dma_start3A_521 = tpu.memref_squeeze %dma_start3A_520 : memref<1x80x128xf32, #tpu.memory_space<hbm>> -> memref<80x128xf32, #tpu.memory_space<hbm>>
    %dma_start3A_522 = arith.constant 0 : i32
    %dma_start3A_523 = tpu.memref_slice %arg5[%arg0, %add3A_515, %dma_start3A_522] : memref<2x10000x128xf32, #tpu.memory_space<hbm>> -> memref<1x80x128xf32, #tpu.memory_space<hbm>>
    %dma_start3A_524 = tpu.memref_squeeze %dma_start3A_523 : memref<1x80x128xf32, #tpu.memory_space<hbm>> -> memref<80x128xf32, #tpu.memory_space<hbm>>
    %dma_start3A_525 = arith.constant 0 : i32
    %dma_start3A_526 = arith.constant 0 : i32
    %dma_start3A_527 = tpu.memref_slice %arg10[%dma_start3A_525, %dma_start3A_526] : memref<80x128xf32, #tpu.memory_space<vmem>> -> memref<80x128xf32, #tpu.memory_space<vmem>>
    tpu.enqueue_dma source(%dma_start3A_527 : memref<80x128xf32, #tpu.memory_space<vmem>>) target(%dma_start3A_524 : memref<80x128xf32, #tpu.memory_space<hbm>>) target_semaphore(%arg16 : memref<!tpu.dma_semaphore, #tpu.memory_space<semaphore_mem>>)
    %mul3A_528 = arith.constant 625 : i32
    %mul3A_529 = arith.muli %arg1, %mul3A_528 : i32
    %add3A_530 = arith.constant 240 : i32
    %add3A_531 = arith.addi %mul3A_529, %add3A_530 : i32
    %dma_wait3A_532 = arith.constant 0 : i32
    %dma_wait3A_533 = arith.constant 0 : i32
    %dma_wait3A_534 = tpu.memref_slice %arg8[%dma_wait3A_532, %dma_wait3A_533] : memref<80x128xf32, #tpu.memory_space<vmem>> -> memref<80x128xf32, #tpu.memory_space<vmem>>
    %dma_wait3A_535 = arith.constant 0 : i32
    %dma_wait3A_536 = tpu.memref_slice %arg5[%arg0, %add3A_531, %dma_wait3A_535] : memref<2x10000x128xf32, #tpu.memory_space<hbm>> -> memref<1x80x128xf32, #tpu.memory_space<hbm>>
    %dma_wait3A_537 = tpu.memref_squeeze %dma_wait3A_536 : memref<1x80x128xf32, #tpu.memory_space<hbm>> -> memref<80x128xf32, #tpu.memory_space<hbm>>
    %dma_wait3A_538 = arith.constant 0 : i32
    %dma_wait3A_539 = tpu.memref_slice %arg5[%arg0, %add3A_531, %dma_wait3A_538] : memref<2x10000x128xf32, #tpu.memory_space<hbm>> -> memref<1x80x128xf32, #tpu.memory_space<hbm>>
    %dma_wait3A_540 = tpu.memref_squeeze %dma_wait3A_539 : memref<1x80x128xf32, #tpu.memory_space<hbm>> -> memref<80x128xf32, #tpu.memory_space<hbm>>
    %dma_wait3A_541 = arith.constant 0 : i32
    %dma_wait3A_542 = arith.constant 0 : i32
    %dma_wait3A_543 = tpu.memref_slice %arg8[%dma_wait3A_541, %dma_wait3A_542] : memref<80x128xf32, #tpu.memory_space<vmem>> -> memref<80x128xf32, #tpu.memory_space<vmem>>
    tpu.wait_dma2 semaphore(%arg14 : memref<!tpu.dma_semaphore, #tpu.memory_space<semaphore_mem>>) src(%dma_wait3A_543 : memref<80x128xf32, #tpu.memory_space<vmem>>) dst(%dma_wait3A_540 : memref<80x128xf32, #tpu.memory_space<hbm>>)
    %mul3A_544 = arith.constant 625 : i32
    %mul3A_545 = arith.muli %arg1, %mul3A_544 : i32
    %add3A_546 = arith.constant 480 : i32
    %add3A_547 = arith.addi %mul3A_545, %add3A_546 : i32
    %dma_start3A_548 = arith.constant 0 : i32
    %dma_start3A_549 = arith.constant 0 : i32
    %dma_start3A_550 = tpu.memref_slice %arg8[%dma_start3A_548, %dma_start3A_549] : memref<80x128xf32, #tpu.memory_space<vmem>> -> memref<80x128xf32, #tpu.memory_space<vmem>>
    %dma_start3A_551 = arith.constant 0 : i32
    %dma_start3A_552 = tpu.memref_slice %arg17[%add3A_547, %dma_start3A_551] : memref<10000x128xf32, #tpu.memory_space<vmem_shared>> -> memref<80x128xf32, #tpu.memory_space<vmem_shared>>
    %dma_start3A_553 = arith.constant 0 : i32
    %dma_start3A_554 = arith.constant 0 : i32
    %dma_start3A_555 = tpu.memref_slice %arg8[%dma_start3A_553, %dma_start3A_554] : memref<80x128xf32, #tpu.memory_space<vmem>> -> memref<80x128xf32, #tpu.memory_space<vmem>>
    %dma_start3A_556 = arith.constant 0 : i32
    %dma_start3A_557 = tpu.memref_slice %arg17[%add3A_547, %dma_start3A_556] : memref<10000x128xf32, #tpu.memory_space<vmem_shared>> -> memref<80x128xf32, #tpu.memory_space<vmem_shared>>
    tpu.enqueue_dma source(%dma_start3A_557 : memref<80x128xf32, #tpu.memory_space<vmem_shared>>) target(%dma_start3A_555 : memref<80x128xf32, #tpu.memory_space<vmem>>) target_semaphore(%arg11 : memref<!tpu.dma_semaphore, #tpu.memory_space<semaphore_mem>>)
    %mul3A_558 = arith.constant 625 : i32
    %mul3A_559 = arith.muli %arg1, %mul3A_558 : i32
    %add3A_560 = arith.constant 480 : i32
    %add3A_561 = arith.addi %mul3A_559, %add3A_560 : i32
    %dma_wait3A_562 = arith.constant 0 : i32
    %dma_wait3A_563 = arith.constant 0 : i32
    %dma_wait3A_564 = tpu.memref_slice %arg8[%dma_wait3A_562, %dma_wait3A_563] : memref<80x128xf32, #tpu.memory_space<vmem>> -> memref<80x128xf32, #tpu.memory_space<vmem>>
    %dma_wait3A_565 = arith.constant 0 : i32
    %dma_wait3A_566 = tpu.memref_slice %arg17[%add3A_561, %dma_wait3A_565] : memref<10000x128xf32, #tpu.memory_space<vmem_shared>> -> memref<80x128xf32, #tpu.memory_space<vmem_shared>>
    %dma_wait3A_567 = arith.constant 0 : i32
    %dma_wait3A_568 = arith.constant 0 : i32
    %dma_wait3A_569 = tpu.memref_slice %arg8[%dma_wait3A_567, %dma_wait3A_568] : memref<80x128xf32, #tpu.memory_space<vmem>> -> memref<80x128xf32, #tpu.memory_space<vmem>>
    %dma_wait3A_570 = arith.constant 0 : i32
    %dma_wait3A_571 = tpu.memref_slice %arg17[%add3A_561, %dma_wait3A_570] : memref<10000x128xf32, #tpu.memory_space<vmem_shared>> -> memref<80x128xf32, #tpu.memory_space<vmem_shared>>
    tpu.wait_dma2 semaphore(%arg11 : memref<!tpu.dma_semaphore, #tpu.memory_space<semaphore_mem>>) src(%dma_wait3A_571 : memref<80x128xf32, #tpu.memory_space<vmem_shared>>) dst(%dma_wait3A_569 : memref<80x128xf32, #tpu.memory_space<vmem>>)
    %mul3A_572 = arith.constant 625 : i32
    %mul3A_573 = arith.muli %arg1, %mul3A_572 : i32
    %add3A_574 = arith.constant 480 : i32
    %add3A_575 = arith.addi %mul3A_573, %add3A_574 : i32
    %dma_start3A_576 = arith.constant 0 : i32
    %dma_start3A_577 = arith.constant 0 : i32
    %dma_start3A_578 = tpu.memref_slice %arg8[%dma_start3A_576, %dma_start3A_577] : memref<80x128xf32, #tpu.memory_space<vmem>> -> memref<80x128xf32, #tpu.memory_space<vmem>>
    %dma_start3A_579 = arith.constant 0 : i32
    %dma_start3A_580 = tpu.memref_slice %arg5[%arg0, %add3A_575, %dma_start3A_579] : memref<2x10000x128xf32, #tpu.memory_space<hbm>> -> memref<1x80x128xf32, #tpu.memory_space<hbm>>
    %dma_start3A_581 = tpu.memref_squeeze %dma_start3A_580 : memref<1x80x128xf32, #tpu.memory_space<hbm>> -> memref<80x128xf32, #tpu.memory_space<hbm>>
    %dma_start3A_582 = arith.constant 0 : i32
    %dma_start3A_583 = tpu.memref_slice %arg5[%arg0, %add3A_575, %dma_start3A_582] : memref<2x10000x128xf32, #tpu.memory_space<hbm>> -> memref<1x80x128xf32, #tpu.memory_space<hbm>>
    %dma_start3A_584 = tpu.memref_squeeze %dma_start3A_583 : memref<1x80x128xf32, #tpu.memory_space<hbm>> -> memref<80x128xf32, #tpu.memory_space<hbm>>
    %dma_start3A_585 = arith.constant 0 : i32
    %dma_start3A_586 = arith.constant 0 : i32
    %dma_start3A_587 = tpu.memref_slice %arg8[%dma_start3A_585, %dma_start3A_586] : memref<80x128xf32, #tpu.memory_space<vmem>> -> memref<80x128xf32, #tpu.memory_space<vmem>>
    tpu.enqueue_dma source(%dma_start3A_587 : memref<80x128xf32, #tpu.memory_space<vmem>>) target(%dma_start3A_584 : memref<80x128xf32, #tpu.memory_space<hbm>>) target_semaphore(%arg14 : memref<!tpu.dma_semaphore, #tpu.memory_space<semaphore_mem>>)
    %mul3A_588 = arith.constant 625 : i32
    %mul3A_589 = arith.muli %arg1, %mul3A_588 : i32
    %add3A_590 = arith.constant 320 : i32
    %add3A_591 = arith.addi %mul3A_589, %add3A_590 : i32
    %dma_wait3A_592 = arith.constant 0 : i32
    %dma_wait3A_593 = arith.constant 0 : i32
    %dma_wait3A_594 = tpu.memref_slice %arg9[%dma_wait3A_592, %dma_wait3A_593] : memref<80x128xf32, #tpu.memory_space<vmem>> -> memref<80x128xf32, #tpu.memory_space<vmem>>
    %dma_wait3A_595 = arith.constant 0 : i32
    %dma_wait3A_596 = tpu.memref_slice %arg5[%arg0, %add3A_591, %dma_wait3A_595] : memref<2x10000x128xf32, #tpu.memory_space<hbm>> -> memref<1x80x128xf32, #tpu.memory_space<hbm>>
    %dma_wait3A_597 = tpu.memref_squeeze %dma_wait3A_596 : memref<1x80x128xf32, #tpu.memory_space<hbm>> -> memref<80x128xf32, #tpu.memory_space<hbm>>
    %dma_wait3A_598 = arith.constant 0 : i32
    %dma_wait3A_599 = tpu.memref_slice %arg5[%arg0, %add3A_591, %dma_wait3A_598] : memref<2x10000x128xf32, #tpu.memory_space<hbm>> -> memref<1x80x128xf32, #tpu.memory_space<hbm>>
    %dma_wait3A_600 = tpu.memref_squeeze %dma_wait3A_599 : memref<1x80x128xf32, #tpu.memory_space<hbm>> -> memref<80x128xf32, #tpu.memory_space<hbm>>
    %dma_wait3A_601 = arith.constant 0 : i32
    %dma_wait3A_602 = arith.constant 0 : i32
    %dma_wait3A_603 = tpu.memref_slice %arg9[%dma_wait3A_601, %dma_wait3A_602] : memref<80x128xf32, #tpu.memory_space<vmem>> -> memref<80x128xf32, #tpu.memory_space<vmem>>
    tpu.wait_dma2 semaphore(%arg15 : memref<!tpu.dma_semaphore, #tpu.memory_space<semaphore_mem>>) src(%dma_wait3A_603 : memref<80x128xf32, #tpu.memory_space<vmem>>) dst(%dma_wait3A_600 : memref<80x128xf32, #tpu.memory_space<hbm>>)
    %mul3A_604 = arith.constant 625 : i32
    %mul3A_605 = arith.muli %arg1, %mul3A_604 : i32
    %add3A_606 = arith.constant 560 : i32
    %add3A_607 = arith.addi %mul3A_605, %add3A_606 : i32
    %dma_start3A_608 = arith.constant 0 : i32
    %dma_start3A_609 = arith.constant 0 : i32
    %dma_start3A_610 = tpu.memref_slice %arg9[%dma_start3A_608, %dma_start3A_609] : memref<80x128xf32, #tpu.memory_space<vmem>> -> memref<65x128xf32, #tpu.memory_space<vmem>>
    %dma_start3A_611 = arith.constant 0 : i32
    %dma_start3A_612 = tpu.memref_slice %arg17[%add3A_607, %dma_start3A_611] : memref<10000x128xf32, #tpu.memory_space<vmem_shared>> -> memref<65x128xf32, #tpu.memory_space<vmem_shared>>
    %dma_start3A_613 = arith.constant 0 : i32
    %dma_start3A_614 = arith.constant 0 : i32
    %dma_start3A_615 = tpu.memref_slice %arg9[%dma_start3A_613, %dma_start3A_614] : memref<80x128xf32, #tpu.memory_space<vmem>> -> memref<65x128xf32, #tpu.memory_space<vmem>>
    %dma_start3A_616 = arith.constant 0 : i32
    %dma_start3A_617 = tpu.memref_slice %arg17[%add3A_607, %dma_start3A_616] : memref<10000x128xf32, #tpu.memory_space<vmem_shared>> -> memref<65x128xf32, #tpu.memory_space<vmem_shared>>
    tpu.enqueue_dma source(%dma_start3A_617 : memref<65x128xf32, #tpu.memory_space<vmem_shared>>) target(%dma_start3A_615 : memref<65x128xf32, #tpu.memory_space<vmem>>) target_semaphore(%arg12 : memref<!tpu.dma_semaphore, #tpu.memory_space<semaphore_mem>>)
    %mul3A_618 = arith.constant 625 : i32
    %mul3A_619 = arith.muli %arg1, %mul3A_618 : i32
    %add3A_620 = arith.constant 560 : i32
    %add3A_621 = arith.addi %mul3A_619, %add3A_620 : i32
    %dma_wait3A_622 = arith.constant 0 : i32
    %dma_wait3A_623 = arith.constant 0 : i32
    %dma_wait3A_624 = tpu.memref_slice %arg9[%dma_wait3A_622, %dma_wait3A_623] : memref<80x128xf32, #tpu.memory_space<vmem>> -> memref<65x128xf32, #tpu.memory_space<vmem>>
    %dma_wait3A_625 = arith.constant 0 : i32
    %dma_wait3A_626 = tpu.memref_slice %arg17[%add3A_621, %dma_wait3A_625] : memref<10000x128xf32, #tpu.memory_space<vmem_shared>> -> memref<65x128xf32, #tpu.memory_space<vmem_shared>>
    %dma_wait3A_627 = arith.constant 0 : i32
    %dma_wait3A_628 = arith.constant 0 : i32
    %dma_wait3A_629 = tpu.memref_slice %arg9[%dma_wait3A_627, %dma_wait3A_628] : memref<80x128xf32, #tpu.memory_space<vmem>> -> memref<65x128xf32, #tpu.memory_space<vmem>>
    %dma_wait3A_630 = arith.constant 0 : i32
    %dma_wait3A_631 = tpu.memref_slice %arg17[%add3A_621, %dma_wait3A_630] : memref<10000x128xf32, #tpu.memory_space<vmem_shared>> -> memref<65x128xf32, #tpu.memory_space<vmem_shared>>
    tpu.wait_dma2 semaphore(%arg12 : memref<!tpu.dma_semaphore, #tpu.memory_space<semaphore_mem>>) src(%dma_wait3A_631 : memref<65x128xf32, #tpu.memory_space<vmem_shared>>) dst(%dma_wait3A_629 : memref<65x128xf32, #tpu.memory_space<vmem>>)
    %mul3A_632 = arith.constant 625 : i32
    %mul3A_633 = arith.muli %arg1, %mul3A_632 : i32
    %add3A_634 = arith.constant 560 : i32
    %add3A_635 = arith.addi %mul3A_633, %add3A_634 : i32
    %dma_start3A_636 = arith.constant 0 : i32
    %dma_start3A_637 = arith.constant 0 : i32
    %dma_start3A_638 = tpu.memref_slice %arg9[%dma_start3A_636, %dma_start3A_637] : memref<80x128xf32, #tpu.memory_space<vmem>> -> memref<65x128xf32, #tpu.memory_space<vmem>>
    %dma_start3A_639 = arith.constant 0 : i32
    %dma_start3A_640 = tpu.memref_slice %arg5[%arg0, %add3A_635, %dma_start3A_639] : memref<2x10000x128xf32, #tpu.memory_space<hbm>> -> memref<1x65x128xf32, #tpu.memory_space<hbm>>
    %dma_start3A_641 = tpu.memref_squeeze %dma_start3A_640 : memref<1x65x128xf32, #tpu.memory_space<hbm>> -> memref<65x128xf32, #tpu.memory_space<hbm>>
    %dma_start3A_642 = arith.constant 0 : i32
    %dma_start3A_643 = tpu.memref_slice %arg5[%arg0, %add3A_635, %dma_start3A_642] : memref<2x10000x128xf32, #tpu.memory_space<hbm>> -> memref<1x65x128xf32, #tpu.memory_space<hbm>>
    %dma_start3A_644 = tpu.memref_squeeze %dma_start3A_643 : memref<1x65x128xf32, #tpu.memory_space<hbm>> -> memref<65x128xf32, #tpu.memory_space<hbm>>
    %dma_start3A_645 = arith.constant 0 : i32
    %dma_start3A_646 = arith.constant 0 : i32
    %dma_start3A_647 = tpu.memref_slice %arg9[%dma_start3A_645, %dma_start3A_646] : memref<80x128xf32, #tpu.memory_space<vmem>> -> memref<65x128xf32, #tpu.memory_space<vmem>>
    tpu.enqueue_dma source(%dma_start3A_647 : memref<65x128xf32, #tpu.memory_space<vmem>>) target(%dma_start3A_644 : memref<65x128xf32, #tpu.memory_space<hbm>>) target_semaphore(%arg15 : memref<!tpu.dma_semaphore, #tpu.memory_space<semaphore_mem>>)
    %mul3A_648 = arith.constant 625 : i32
    %mul3A_649 = arith.muli %arg1, %mul3A_648 : i32
    %add3A_650 = arith.constant 400 : i32
    %add3A_651 = arith.addi %mul3A_649, %add3A_650 : i32
    %dma_wait3A_652 = arith.constant 0 : i32
    %dma_wait3A_653 = arith.constant 0 : i32
    %dma_wait3A_654 = tpu.memref_slice %arg10[%dma_wait3A_652, %dma_wait3A_653] : memref<80x128xf32, #tpu.memory_space<vmem>> -> memref<80x128xf32, #tpu.memory_space<vmem>>
    %dma_wait3A_655 = arith.constant 0 : i32
    %dma_wait3A_656 = tpu.memref_slice %arg5[%arg0, %add3A_651, %dma_wait3A_655] : memref<2x10000x128xf32, #tpu.memory_space<hbm>> -> memref<1x80x128xf32, #tpu.memory_space<hbm>>
    %dma_wait3A_657 = tpu.memref_squeeze %dma_wait3A_656 : memref<1x80x128xf32, #tpu.memory_space<hbm>> -> memref<80x128xf32, #tpu.memory_space<hbm>>
    %dma_wait3A_658 = arith.constant 0 : i32
    %dma_wait3A_659 = tpu.memref_slice %arg5[%arg0, %add3A_651, %dma_wait3A_658] : memref<2x10000x128xf32, #tpu.memory_space<hbm>> -> memref<1x80x128xf32, #tpu.memory_space<hbm>>
    %dma_wait3A_660 = tpu.memref_squeeze %dma_wait3A_659 : memref<1x80x128xf32, #tpu.memory_space<hbm>> -> memref<80x128xf32, #tpu.memory_space<hbm>>
    %dma_wait3A_661 = arith.constant 0 : i32
    %dma_wait3A_662 = arith.constant 0 : i32
    %dma_wait3A_663 = tpu.memref_slice %arg10[%dma_wait3A_661, %dma_wait3A_662] : memref<80x128xf32, #tpu.memory_space<vmem>> -> memref<80x128xf32, #tpu.memory_space<vmem>>
    tpu.wait_dma2 semaphore(%arg16 : memref<!tpu.dma_semaphore, #tpu.memory_space<semaphore_mem>>) src(%dma_wait3A_663 : memref<80x128xf32, #tpu.memory_space<vmem>>) dst(%dma_wait3A_660 : memref<80x128xf32, #tpu.memory_space<hbm>>)
    %mul3A_664 = arith.constant 625 : i32
    %mul3A_665 = arith.muli %arg1, %mul3A_664 : i32
    %add3A_666 = arith.constant 480 : i32
    %add3A_667 = arith.addi %mul3A_665, %add3A_666 : i32
    %dma_wait3A_668 = arith.constant 0 : i32
    %dma_wait3A_669 = arith.constant 0 : i32
    %dma_wait3A_670 = tpu.memref_slice %arg8[%dma_wait3A_668, %dma_wait3A_669] : memref<80x128xf32, #tpu.memory_space<vmem>> -> memref<80x128xf32, #tpu.memory_space<vmem>>
    %dma_wait3A_671 = arith.constant 0 : i32
    %dma_wait3A_672 = tpu.memref_slice %arg5[%arg0, %add3A_667, %dma_wait3A_671] : memref<2x10000x128xf32, #tpu.memory_space<hbm>> -> memref<1x80x128xf32, #tpu.memory_space<hbm>>
    %dma_wait3A_673 = tpu.memref_squeeze %dma_wait3A_672 : memref<1x80x128xf32, #tpu.memory_space<hbm>> -> memref<80x128xf32, #tpu.memory_space<hbm>>
    %dma_wait3A_674 = arith.constant 0 : i32
    %dma_wait3A_675 = tpu.memref_slice %arg5[%arg0, %add3A_667, %dma_wait3A_674] : memref<2x10000x128xf32, #tpu.memory_space<hbm>> -> memref<1x80x128xf32, #tpu.memory_space<hbm>>
    %dma_wait3A_676 = tpu.memref_squeeze %dma_wait3A_675 : memref<1x80x128xf32, #tpu.memory_space<hbm>> -> memref<80x128xf32, #tpu.memory_space<hbm>>
    %dma_wait3A_677 = arith.constant 0 : i32
    %dma_wait3A_678 = arith.constant 0 : i32
    %dma_wait3A_679 = tpu.memref_slice %arg8[%dma_wait3A_677, %dma_wait3A_678] : memref<80x128xf32, #tpu.memory_space<vmem>> -> memref<80x128xf32, #tpu.memory_space<vmem>>
    tpu.wait_dma2 semaphore(%arg14 : memref<!tpu.dma_semaphore, #tpu.memory_space<semaphore_mem>>) src(%dma_wait3A_679 : memref<80x128xf32, #tpu.memory_space<vmem>>) dst(%dma_wait3A_676 : memref<80x128xf32, #tpu.memory_space<hbm>>)
    %mul3A_680 = arith.constant 625 : i32
    %mul3A_681 = arith.muli %arg1, %mul3A_680 : i32
    %add3A_682 = arith.constant 560 : i32
    %add3A_683 = arith.addi %mul3A_681, %add3A_682 : i32
    %dma_wait3A_684 = arith.constant 0 : i32
    %dma_wait3A_685 = arith.constant 0 : i32
    %dma_wait3A_686 = tpu.memref_slice %arg9[%dma_wait3A_684, %dma_wait3A_685] : memref<80x128xf32, #tpu.memory_space<vmem>> -> memref<65x128xf32, #tpu.memory_space<vmem>>
    %dma_wait3A_687 = arith.constant 0 : i32
    %dma_wait3A_688 = tpu.memref_slice %arg5[%arg0, %add3A_683, %dma_wait3A_687] : memref<2x10000x128xf32, #tpu.memory_space<hbm>> -> memref<1x65x128xf32, #tpu.memory_space<hbm>>
    %dma_wait3A_689 = tpu.memref_squeeze %dma_wait3A_688 : memref<1x65x128xf32, #tpu.memory_space<hbm>> -> memref<65x128xf32, #tpu.memory_space<hbm>>
    %dma_wait3A_690 = arith.constant 0 : i32
    %dma_wait3A_691 = tpu.memref_slice %arg5[%arg0, %add3A_683, %dma_wait3A_690] : memref<2x10000x128xf32, #tpu.memory_space<hbm>> -> memref<1x65x128xf32, #tpu.memory_space<hbm>>
    %dma_wait3A_692 = tpu.memref_squeeze %dma_wait3A_691 : memref<1x65x128xf32, #tpu.memory_space<hbm>> -> memref<65x128xf32, #tpu.memory_space<hbm>>
    %dma_wait3A_693 = arith.constant 0 : i32
    %dma_wait3A_694 = arith.constant 0 : i32
    %dma_wait3A_695 = tpu.memref_slice %arg9[%dma_wait3A_693, %dma_wait3A_694] : memref<80x128xf32, #tpu.memory_space<vmem>> -> memref<65x128xf32, #tpu.memory_space<vmem>>
    tpu.wait_dma2 semaphore(%arg15 : memref<!tpu.dma_semaphore, #tpu.memory_space<semaphore_mem>>) src(%dma_wait3A_695 : memref<65x128xf32, #tpu.memory_space<vmem>>) dst(%dma_wait3A_692 : memref<65x128xf32, #tpu.memory_space<hbm>>)
    return
  }
}

#map = affine_map<(d0, d1) -> (0, 0)>
#map1 = affine_map<(d0, d1) -> (0, 0, 0)>
module attributes {stable_mosaic.version = 14 : i64} {
  func.func @_deg_body(%arg0: i32, %arg1: i32, %arg2: memref<4000x80xi32, #tpu.memory_space<hbm>>, %arg3: memref<2x10000x16xf32, #tpu.memory_space<hbm>>, %arg4: memref<125x80xi32, #tpu.memory_space<vmem>>, %arg5: memref<80x16xf32, #tpu.memory_space<vmem>>, %arg6: memref<625x16xf32, #tpu.memory_space<vmem>>, %arg7: memref<10000x16xf32, #tpu.memory_space<vmem_shared>>, %arg8: memref<!tpu.dma_semaphore, #tpu.memory_space<semaphore_mem>>) attributes {dimension_semantics = [#tpu.dimension_semantics<core_parallel>, #tpu.dimension_semantics<subcore_parallel>], iteration_bounds = array<i64: 2, 16>, scalar_prefetch = 0 : i64, scratch_operands = 5 : i64, tpu.core_type = #tpu.core_type<sc_vector_subcore>, window_params = [{transform_indices = #map}, {transform_indices = #map1}]} {
    %mul3A = arith.constant 2 : i32
    %mul3A_0 = arith.muli %arg1, %mul3A : i32
    %add3A = arith.addi %mul3A_0, %arg0 : i32
    %mul3A_1 = arith.constant 125 : i32
    %mul3A_2 = arith.muli %add3A, %mul3A_1 : i32
    %dma_start3A = arith.constant 0 : i32
    %dma_start3A_3 = tpu.memref_slice %arg2[%mul3A_2, %dma_start3A] : memref<4000x80xi32, #tpu.memory_space<hbm>> -> memref<125x80xi32, #tpu.memory_space<hbm>>
    %dma_start3A_4 = arith.constant 0 : i32
    %dma_start3A_5 = tpu.memref_slice %arg2[%mul3A_2, %dma_start3A_4] : memref<4000x80xi32, #tpu.memory_space<hbm>> -> memref<125x80xi32, #tpu.memory_space<hbm>>
    tpu.enqueue_dma source(%dma_start3A_5 : memref<125x80xi32, #tpu.memory_space<hbm>>) target(%arg4 : memref<125x80xi32, #tpu.memory_space<vmem>>) target_semaphore(%arg8 : memref<!tpu.dma_semaphore, #tpu.memory_space<semaphore_mem>>)
    %scan3A = arith.constant 0 : i32
    %scan3A_6 = arith.constant 80 : i32
    %scan3A_7 = arith.addi %scan3A, %scan3A_6 : i32
    %scan3A_8 = arith.constant 1 : i32
    scf.for %scan3A_37 = %scan3A to %scan3A_7 step %scan3A_8  : i32 {
      %mul3A_38 = arith.constant 1 : i32
      %mul3A_39 = arith.muli %scan3A_37, %mul3A_38 : i32
      %add3A_40 = arith.constant 0 : i32
      %add3A_41 = arith.addi %add3A_40, %mul3A_39 : i32
      %broadcast_in_dim3A = arith.constant 1.000000e+00 : f32
      %broadcast_in_dim3A_42 = vector.broadcast %broadcast_in_dim3A : f32 to vector<16xf32>
      %swap3A = arith.index_cast %add3A_41 : i32 to index
      %swap3A_43 = arith.constant 0 : index
      %swap3A_44 = tpu.vector_load %arg5[%swap3A, %swap3A_43] {strides = array<i32>} : memref<80x16xf32, #tpu.memory_space<vmem>>, vector<1x16xf32>,
      %swap3A_45 = vector.shape_cast %swap3A_44 : vector<1x16xf32> to vector<16xf32>
      %swap3A_46 = vector.shape_cast %broadcast_in_dim3A_42 : vector<16xf32> to vector<1x16xf32>
      tpu.vector_store %arg5[%swap3A, %swap3A_43], %swap3A_46 {strides = array<i32>} : memref<80x16xf32, #tpu.memory_space<vmem>>, vector<1x16xf32>,
    }
    %scan3A_9 = arith.constant 80 : i32
    %scan3A_10 = arith.constant 0 : i32
    %scan3A_11 = arith.constant 625 : i32
    %scan3A_12 = arith.addi %scan3A_10, %scan3A_11 : i32
    %scan3A_13 = arith.constant 1 : i32
    scf.for %scan3A_37 = %scan3A_10 to %scan3A_12 step %scan3A_13  : i32 {
      %mul3A_38 = arith.constant 1 : i32
      %mul3A_39 = arith.muli %scan3A_37, %mul3A_38 : i32
      %add3A_40 = arith.constant 0 : i32
      %add3A_41 = arith.addi %add3A_40, %mul3A_39 : i32
      %broadcast_in_dim3A = arith.constant 0.000000e+00 : f32
      %broadcast_in_dim3A_42 = vector.broadcast %broadcast_in_dim3A : f32 to vector<16xf32>
      %swap3A = arith.index_cast %add3A_41 : i32 to index
      %swap3A_43 = arith.constant 0 : index
      %swap3A_44 = tpu.vector_load %arg6[%swap3A, %swap3A_43] {strides = array<i32>} : memref<625x16xf32, #tpu.memory_space<vmem>>, vector<1x16xf32>,
      %swap3A_45 = vector.shape_cast %swap3A_44 : vector<1x16xf32> to vector<16xf32>
      %swap3A_46 = vector.shape_cast %broadcast_in_dim3A_42 : vector<16xf32> to vector<1x16xf32>
      tpu.vector_store %arg6[%swap3A, %swap3A_43], %swap3A_46 {strides = array<i32>} : memref<625x16xf32, #tpu.memory_space<vmem>>, vector<1x16xf32>,
    }
    %scan3A_14 = arith.constant 625 : i32
    %mul3A_15 = arith.constant 625 : i32
    %mul3A_16 = arith.muli %arg1, %mul3A_15 : i32
    "tpu.region"() ({
      %run_scoped3A = tpu.sem_alloc : memref<!tpu.dma_semaphore, #tpu.memory_space<semaphore_mem>>
      %dma_start3A_37 = arith.constant 0 : i32
      %dma_start3A_38 = tpu.memref_slice %arg7[%mul3A_16, %dma_start3A_37] : memref<10000x16xf32, #tpu.memory_space<vmem_shared>> -> memref<625x16xf32, #tpu.memory_space<vmem_shared>>
      %dma_start3A_39 = arith.constant 0 : i32
      %dma_start3A_40 = tpu.memref_slice %arg7[%mul3A_16, %dma_start3A_39] : memref<10000x16xf32, #tpu.memory_space<vmem_shared>> -> memref<625x16xf32, #tpu.memory_space<vmem_shared>>
      tpu.enqueue_dma source(%arg6 : memref<625x16xf32, #tpu.memory_space<vmem>>) target(%dma_start3A_40 : memref<625x16xf32, #tpu.memory_space<vmem_shared>>) target_semaphore(%run_scoped3A : memref<!tpu.dma_semaphore, #tpu.memory_space<semaphore_mem>>)
      %dma_wait3A_41 = arith.constant 0 : i32
      %dma_wait3A_42 = tpu.memref_slice %arg7[%mul3A_16, %dma_wait3A_41] : memref<10000x16xf32, #tpu.memory_space<vmem_shared>> -> memref<625x16xf32, #tpu.memory_space<vmem_shared>>
      %dma_wait3A_43 = arith.constant 0 : i32
      %dma_wait3A_44 = tpu.memref_slice %arg7[%mul3A_16, %dma_wait3A_43] : memref<10000x16xf32, #tpu.memory_space<vmem_shared>> -> memref<625x16xf32, #tpu.memory_space<vmem_shared>>
      tpu.wait_dma2 semaphore(%run_scoped3A : memref<!tpu.dma_semaphore, #tpu.memory_space<semaphore_mem>>) src(%arg6 : memref<625x16xf32, #tpu.memory_space<vmem>>) dst(%dma_wait3A_44 : memref<625x16xf32, #tpu.memory_space<vmem_shared>>)
      tpu.yield
    }) : () -> ()
    %mul3A_17 = arith.constant 125 : i32
    %mul3A_18 = arith.muli %add3A, %mul3A_17 : i32
    %dma_wait3A = arith.constant 0 : i32
    %dma_wait3A_19 = tpu.memref_slice %arg2[%mul3A_18, %dma_wait3A] : memref<4000x80xi32, #tpu.memory_space<hbm>> -> memref<125x80xi32, #tpu.memory_space<hbm>>
    %dma_wait3A_20 = arith.constant 0 : i32
    %dma_wait3A_21 = tpu.memref_slice %arg2[%mul3A_18, %dma_wait3A_20] : memref<4000x80xi32, #tpu.memory_space<hbm>> -> memref<125x80xi32, #tpu.memory_space<hbm>>
    tpu.wait_dma2 semaphore(%arg8 : memref<!tpu.dma_semaphore, #tpu.memory_space<semaphore_mem>>) src(%dma_wait3A_21 : memref<125x80xi32, #tpu.memory_space<hbm>>) dst(%arg4 : memref<125x80xi32, #tpu.memory_space<vmem>>)
    %barrier3A = arith.constant 0 : index
    tpu.barrier barrier_id(%barrier3A)
    %scan3A_22 = arith.constant 0 : i32
    %scan3A_23 = arith.constant 125 : i32
    %scan3A_24 = arith.addi %scan3A_22, %scan3A_23 : i32
    %scan3A_25 = arith.constant 1 : i32
    scf.for %scan3A_37 = %scan3A_22 to %scan3A_24 step %scan3A_25  : i32 {
      %mul3A_38 = arith.constant 1 : i32
      %mul3A_39 = arith.muli %scan3A_37, %mul3A_38 : i32
      %add3A_40 = arith.constant 0 : i32
      %add3A_41 = arith.addi %add3A_40, %mul3A_39 : i32
      %dma_start3A_42 = arith.constant 0 : i32
      %dma_start3A_43 = tpu.memref_slice %arg4[%add3A_41, %dma_start3A_42] : memref<125x80xi32, #tpu.memory_space<vmem>> -> memref<1x80xi32, #tpu.memory_space<vmem>>
      %dma_start3A_44 = tpu.memref_squeeze %dma_start3A_43 : memref<1x80xi32, #tpu.memory_space<vmem>> -> memref<80xi32, #tpu.memory_space<vmem>>
      %dma_start3A_45 = arith.constant 0 : i32
      %dma_start3A_46 = arith.constant 0 : i32
      %dma_start3A_47 = tpu.memref_slice %arg7[%dma_start3A_45, %dma_start3A_46] : memref<10000x16xf32, #tpu.memory_space<vmem_shared>> -> memref<10000x16xf32, #tpu.memory_space<vmem_shared>>
      tpu.enqueue_indirect_dma source(%arg5 : memref<80x16xf32, #tpu.memory_space<vmem>>) target(%dma_start3A_47 : memref<10000x16xf32, #tpu.memory_space<vmem_shared>>) offsets(%dma_start3A_44 : memref<80xi32, #tpu.memory_space<vmem>>) semaphore(%arg8 : memref<!tpu.dma_semaphore, #tpu.memory_space<semaphore_mem>>) {add = true}
    }
    %scan3A_26 = arith.constant 125 : i32
    %scan3A_27 = arith.constant 0 : i32
    %scan3A_28 = arith.constant 125 : i32
    %scan3A_29 = arith.addi %scan3A_27, %scan3A_28 : i32
    %scan3A_30 = arith.constant 1 : i32
    scf.for %scan3A_37 = %scan3A_27 to %scan3A_29 step %scan3A_30  : i32 {
      %mul3A_38 = arith.constant 1 : i32
      %mul3A_39 = arith.muli %scan3A_37, %mul3A_38 : i32
      %add3A_40 = arith.constant 0 : i32
      %add3A_41 = arith.addi %add3A_40, %mul3A_39 : i32
      %dma_wait3A_42 = arith.constant 0 : i32
      %dma_wait3A_43 = tpu.memref_slice %arg4[%add3A_41, %dma_wait3A_42] : memref<125x80xi32, #tpu.memory_space<vmem>> -> memref<1x80xi32, #tpu.memory_space<vmem>>
      %dma_wait3A_44 = tpu.memref_squeeze %dma_wait3A_43 : memref<1x80xi32, #tpu.memory_space<vmem>> -> memref<80xi32, #tpu.memory_space<vmem>>
      %dma_wait3A_45 = arith.constant 0 : i32
      %dma_wait3A_46 = arith.constant 0 : i32
      %dma_wait3A_47 = tpu.memref_slice %arg7[%dma_wait3A_45, %dma_wait3A_46] : memref<10000x16xf32, #tpu.memory_space<vmem_shared>> -> memref<10000x16xf32, #tpu.memory_space<vmem_shared>>
      tpu.wait_indirect_dma semaphore(%arg8 : memref<!tpu.dma_semaphore, #tpu.memory_space<semaphore_mem>>) src(%arg5 : memref<80x16xf32, #tpu.memory_space<vmem>>) dst(%dma_wait3A_47 : memref<10000x16xf32, #tpu.memory_space<vmem_shared>>)
    }
    %scan3A_31 = arith.constant 125 : i32
    %barrier3A_32 = arith.constant 0 : index
    tpu.barrier barrier_id(%barrier3A_32)
    %mul3A_33 = arith.constant 625 : i32
    %mul3A_34 = arith.muli %arg1, %mul3A_33 : i32
    "tpu.region"() ({
      %run_scoped3A = tpu.sem_alloc : memref<!tpu.dma_semaphore, #tpu.memory_space<semaphore_mem>>
      %dma_start3A_37 = arith.constant 0 : i32
      %dma_start3A_38 = tpu.memref_slice %arg7[%mul3A_34, %dma_start3A_37] : memref<10000x16xf32, #tpu.memory_space<vmem_shared>> -> memref<625x16xf32, #tpu.memory_space<vmem_shared>>
      %dma_start3A_39 = arith.constant 0 : i32
      %dma_start3A_40 = tpu.memref_slice %arg7[%mul3A_34, %dma_start3A_39] : memref<10000x16xf32, #tpu.memory_space<vmem_shared>> -> memref<625x16xf32, #tpu.memory_space<vmem_shared>>
      tpu.enqueue_dma source(%dma_start3A_40 : memref<625x16xf32, #tpu.memory_space<vmem_shared>>) target(%arg6 : memref<625x16xf32, #tpu.memory_space<vmem>>) target_semaphore(%run_scoped3A : memref<!tpu.dma_semaphore, #tpu.memory_space<semaphore_mem>>)
      %dma_wait3A_41 = arith.constant 0 : i32
      %dma_wait3A_42 = tpu.memref_slice %arg7[%mul3A_34, %dma_wait3A_41] : memref<10000x16xf32, #tpu.memory_space<vmem_shared>> -> memref<625x16xf32, #tpu.memory_space<vmem_shared>>
      %dma_wait3A_43 = arith.constant 0 : i32
      %dma_wait3A_44 = tpu.memref_slice %arg7[%mul3A_34, %dma_wait3A_43] : memref<10000x16xf32, #tpu.memory_space<vmem_shared>> -> memref<625x16xf32, #tpu.memory_space<vmem_shared>>
      tpu.wait_dma2 semaphore(%run_scoped3A : memref<!tpu.dma_semaphore, #tpu.memory_space<semaphore_mem>>) src(%dma_wait3A_44 : memref<625x16xf32, #tpu.memory_space<vmem_shared>>) dst(%arg6 : memref<625x16xf32, #tpu.memory_space<vmem>>)
      tpu.yield
    }) : () -> ()
    %mul3A_35 = arith.constant 625 : i32
    %mul3A_36 = arith.muli %arg1, %mul3A_35 : i32
    "tpu.region"() ({
      %run_scoped3A = tpu.sem_alloc : memref<!tpu.dma_semaphore, #tpu.memory_space<semaphore_mem>>
      %dma_start3A_37 = arith.constant 0 : i32
      %dma_start3A_38 = tpu.memref_slice %arg3[%arg0, %mul3A_36, %dma_start3A_37] : memref<2x10000x16xf32, #tpu.memory_space<hbm>> -> memref<1x625x16xf32, #tpu.memory_space<hbm>>
      %dma_start3A_39 = tpu.memref_squeeze %dma_start3A_38 : memref<1x625x16xf32, #tpu.memory_space<hbm>> -> memref<625x16xf32, #tpu.memory_space<hbm>>
      %dma_start3A_40 = arith.constant 0 : i32
      %dma_start3A_41 = tpu.memref_slice %arg3[%arg0, %mul3A_36, %dma_start3A_40] : memref<2x10000x16xf32, #tpu.memory_space<hbm>> -> memref<1x625x16xf32, #tpu.memory_space<hbm>>
      %dma_start3A_42 = tpu.memref_squeeze %dma_start3A_41 : memref<1x625x16xf32, #tpu.memory_space<hbm>> -> memref<625x16xf32, #tpu.memory_space<hbm>>
      tpu.enqueue_dma source(%arg6 : memref<625x16xf32, #tpu.memory_space<vmem>>) target(%dma_start3A_42 : memref<625x16xf32, #tpu.memory_space<hbm>>) target_semaphore(%run_scoped3A : memref<!tpu.dma_semaphore, #tpu.memory_space<semaphore_mem>>)
      %dma_wait3A_43 = arith.constant 0 : i32
      %dma_wait3A_44 = tpu.memref_slice %arg3[%arg0, %mul3A_36, %dma_wait3A_43] : memref<2x10000x16xf32, #tpu.memory_space<hbm>> -> memref<1x625x16xf32, #tpu.memory_space<hbm>>
      %dma_wait3A_45 = tpu.memref_squeeze %dma_wait3A_44 : memref<1x625x16xf32, #tpu.memory_space<hbm>> -> memref<625x16xf32, #tpu.memory_space<hbm>>
      %dma_wait3A_46 = arith.constant 0 : i32
      %dma_wait3A_47 = tpu.memref_slice %arg3[%arg0, %mul3A_36, %dma_wait3A_46] : memref<2x10000x16xf32, #tpu.memory_space<hbm>> -> memref<1x625x16xf32, #tpu.memory_space<hbm>>
      %dma_wait3A_48 = tpu.memref_squeeze %dma_wait3A_47 : memref<1x625x16xf32, #tpu.memory_space<hbm>> -> memref<625x16xf32, #tpu.memory_space<hbm>>
      tpu.wait_dma2 semaphore(%run_scoped3A : memref<!tpu.dma_semaphore, #tpu.memory_space<semaphore_mem>>) src(%arg6 : memref<625x16xf32, #tpu.memory_space<vmem>>) dst(%dma_wait3A_48 : memref<625x16xf32, #tpu.memory_space<hbm>>)
      tpu.yield
    }) : () -> ()
    return
  }
}

#map = affine_map<(d0, d1) -> (0, 0)>
#map1 = affine_map<(d0, d1) -> (0, 0, 0)>
module attributes {stable_mosaic.version = 14 : i64} {
  func.func @_edge_body(%arg0: i32, %arg1: i32, %arg2: memref<10000x128xf32, #tpu.memory_space<hbm>>, %arg3: memref<4000x80xi32, #tpu.memory_space<hbm>>, %arg4: memref<4000x80xi32, #tpu.memory_space<hbm>>, %arg5: memref<2x10000x128xf32, #tpu.memory_space<hbm>>, %arg6: memref<125x80xi32, #tpu.memory_space<vmem>>, %arg7: memref<125x80xi32, #tpu.memory_space<vmem>>, %arg8: memref<80x128xf32, #tpu.memory_space<vmem>>, %arg9: memref<80x128xf32, #tpu.memory_space<vmem>>, %arg10: memref<80x128xf32, #tpu.memory_space<vmem>>, %arg11: memref<!tpu.dma_semaphore, #tpu.memory_space<semaphore_mem>>, %arg12: memref<!tpu.dma_semaphore, #tpu.memory_space<semaphore_mem>>, %arg13: memref<!tpu.dma_semaphore, #tpu.memory_space<semaphore_mem>>, %arg14: memref<!tpu.dma_semaphore, #tpu.memory_space<semaphore_mem>>, %arg15: memref<!tpu.dma_semaphore, #tpu.memory_space<semaphore_mem>>, %arg16: memref<!tpu.dma_semaphore, #tpu.memory_space<semaphore_mem>>, %arg17: memref<10000x128xf32, #tpu.memory_space<vmem_shared>>) attributes {dimension_semantics = [#tpu.dimension_semantics<core_parallel>, #tpu.dimension_semantics<subcore_parallel>], iteration_bounds = array<i64: 2, 16>, scalar_prefetch = 0 : i64, scratch_operands = 12 : i64, tpu.core_type = #tpu.core_type<sc_vector_subcore>, window_params = [{transform_indices = #map}, {transform_indices = #map}, {transform_indices = #map}, {transform_indices = #map1}]} {
    %mul3A = arith.constant 2 : i32
    %mul3A_0 = arith.muli %arg1, %mul3A : i32
    %add3A = arith.addi %mul3A_0, %arg0 : i32
    %mul3A_1 = arith.constant 125 : i32
    %mul3A_2 = arith.muli %add3A, %mul3A_1 : i32
    "tpu.region"() ({
      %run_scoped3A = tpu.sem_alloc : memref<!tpu.dma_semaphore, #tpu.memory_space<semaphore_mem>>
      %dma_start3A_696 = arith.constant 0 : i32
      %dma_start3A_697 = tpu.memref_slice %arg3[%mul3A_2, %dma_start3A_696] : memref<4000x80xi32, #tpu.memory_space<hbm>> -> memref<125x80xi32, #tpu.memory_space<hbm>>
      %dma_start3A_698 = arith.constant 0 : i32
      %dma_start3A_699 = tpu.memref_slice %arg3[%mul3A_2, %dma_start3A_698] : memref<4000x80xi32, #tpu.memory_space<hbm>> -> memref<125x80xi32, #tpu.memory_space<hbm>>
      tpu.enqueue_dma source(%dma_start3A_699 : memref<125x80xi32, #tpu.memory_space<hbm>>) target(%arg6 : memref<125x80xi32, #tpu.memory_space<vmem>>) target_semaphore(%run_scoped3A : memref<!tpu.dma_semaphore, #tpu.memory_space<semaphore_mem>>)
      %dma_wait3A_700 = arith.constant 0 : i32
      %dma_wait3A_701 = tpu.memref_slice %arg3[%mul3A_2, %dma_wait3A_700] : memref<4000x80xi32, #tpu.memory_space<hbm>> -> memref<125x80xi32, #tpu.memory_space<hbm>>
      %dma_wait3A_702 = arith.constant 0 : i32
      %dma_wait3A_703 = tpu.memref_slice %arg3[%mul3A_2, %dma_wait3A_702] : memref<4000x80xi32, #tpu.memory_space<hbm>> -> memref<125x80xi32, #tpu.memory_space<hbm>>
      tpu.wait_dma2 semaphore(%run_scoped3A : memref<!tpu.dma_semaphore, #tpu.memory_space<semaphore_mem>>) src(%dma_wait3A_703 : memref<125x80xi32, #tpu.memory_space<hbm>>) dst(%arg6 : memref<125x80xi32, #tpu.memory_space<vmem>>)
      tpu.yield
    }) : () -> ()
    %mul3A_3 = arith.constant 125 : i32
    %mul3A_4 = arith.muli %add3A, %mul3A_3 : i32
    "tpu.region"() ({
      %run_scoped3A = tpu.sem_alloc : memref<!tpu.dma_semaphore, #tpu.memory_space<semaphore_mem>>
      %dma_start3A_696 = arith.constant 0 : i32
      %dma_start3A_697 = tpu.memref_slice %arg4[%mul3A_4, %dma_start3A_696] : memref<4000x80xi32, #tpu.memory_space<hbm>> -> memref<125x80xi32, #tpu.memory_space<hbm>>
      %dma_start3A_698 = arith.constant 0 : i32
      %dma_start3A_699 = tpu.memref_slice %arg4[%mul3A_4, %dma_start3A_698] : memref<4000x80xi32, #tpu.memory_space<hbm>> -> memref<125x80xi32, #tpu.memory_space<hbm>>
      tpu.enqueue_dma source(%dma_start3A_699 : memref<125x80xi32, #tpu.memory_space<hbm>>) target(%arg7 : memref<125x80xi32, #tpu.memory_space<vmem>>) target_semaphore(%run_scoped3A : memref<!tpu.dma_semaphore, #tpu.memory_space<semaphore_mem>>)
      %dma_wait3A_700 = arith.constant 0 : i32
      %dma_wait3A_701 = tpu.memref_slice %arg4[%mul3A_4, %dma_wait3A_700] : memref<4000x80xi32, #tpu.memory_space<hbm>> -> memref<125x80xi32, #tpu.memory_space<hbm>>
      %dma_wait3A_702 = arith.constant 0 : i32
      %dma_wait3A_703 = tpu.memref_slice %arg4[%mul3A_4, %dma_wait3A_702] : memref<4000x80xi32, #tpu.memory_space<hbm>> -> memref<125x80xi32, #tpu.memory_space<hbm>>
      tpu.wait_dma2 semaphore(%run_scoped3A : memref<!tpu.dma_semaphore, #tpu.memory_space<semaphore_mem>>) src(%dma_wait3A_703 : memref<125x80xi32, #tpu.memory_space<hbm>>) dst(%arg7 : memref<125x80xi32, #tpu.memory_space<vmem>>)
      tpu.yield
    }) : () -> ()
    %scan3A = arith.constant 0 : i32
    %scan3A_5 = arith.constant 80 : i32
    %scan3A_6 = arith.addi %scan3A, %scan3A_5 : i32
    %scan3A_7 = arith.constant 1 : i32
    scf.for %scan3A_696 = %scan3A to %scan3A_6 step %scan3A_7  : i32 {
      %mul3A_697 = arith.constant 1 : i32
      %mul3A_698 = arith.muli %scan3A_696, %mul3A_697 : i32
      %add3A_699 = arith.constant 0 : i32
      %add3A_700 = arith.addi %add3A_699, %mul3A_698 : i32
      %broadcast_in_dim3A = arith.constant 0.000000e+00 : f32
      %broadcast_in_dim3A_701 = vector.broadcast %broadcast_in_dim3A : f32 to vector<16xf32>
      %swap3A = arith.index_cast %add3A_700 : i32 to index
      %swap3A_702 = arith.constant 0 : index
      %swap3A_703 = tpu.vector_load %arg8[%swap3A, %swap3A_702] {strides = array<i32>} : memref<80x128xf32, #tpu.memory_space<vmem>>, vector<1x16xf32>,
      %swap3A_704 = vector.shape_cast %swap3A_703 : vector<1x16xf32> to vector<16xf32>
      %swap3A_705 = vector.shape_cast %broadcast_in_dim3A_701 : vector<16xf32> to vector<1x16xf32>
      tpu.vector_store %arg8[%swap3A, %swap3A_702], %swap3A_705 {strides = array<i32>} : memref<80x128xf32, #tpu.memory_space<vmem>>, vector<1x16xf32>,
      %broadcast_in_dim3A_706 = arith.constant 0.000000e+00 : f32
      %broadcast_in_dim3A_707 = vector.broadcast %broadcast_in_dim3A_706 : f32 to vector<16xf32>
      %swap3A_708 = arith.index_cast %add3A_700 : i32 to index
      %swap3A_709 = arith.constant 16 : index
      %swap3A_710 = tpu.vector_load %arg8[%swap3A_708, %swap3A_709] {strides = array<i32>} : memref<80x128xf32, #tpu.memory_space<vmem>>, vector<1x16xf32>,
      %swap3A_711 = vector.shape_cast %swap3A_710 : vector<1x16xf32> to vector<16xf32>
      %swap3A_712 = vector.shape_cast %broadcast_in_dim3A_707 : vector<16xf32> to vector<1x16xf32>
      tpu.vector_store %arg8[%swap3A_708, %swap3A_709], %swap3A_712 {strides = array<i32>} : memref<80x128xf32, #tpu.memory_space<vmem>>, vector<1x16xf32>,
      %broadcast_in_dim3A_713 = arith.constant 0.000000e+00 : f32
      %broadcast_in_dim3A_714 = vector.broadcast %broadcast_in_dim3A_713 : f32 to vector<16xf32>
      %swap3A_715 = arith.index_cast %add3A_700 : i32 to index
      %swap3A_716 = arith.constant 32 : index
      %swap3A_717 = tpu.vector_load %arg8[%swap3A_715, %swap3A_716] {strides = array<i32>} : memref<80x128xf32, #tpu.memory_space<vmem>>, vector<1x16xf32>,
      %swap3A_718 = vector.shape_cast %swap3A_717 : vector<1x16xf32> to vector<16xf32>
      %swap3A_719 = vector.shape_cast %broadcast_in_dim3A_714 : vector<16xf32> to vector<1x16xf32>
      tpu.vector_store %arg8[%swap3A_715, %swap3A_716], %swap3A_719 {strides = array<i32>} : memref<80x128xf32, #tpu.memory_space<vmem>>, vector<1x16xf32>,
      %broadcast_in_dim3A_720 = arith.constant 0.000000e+00 : f32
      %broadcast_in_dim3A_721 = vector.broadcast %broadcast_in_dim3A_720 : f32 to vector<16xf32>
      %swap3A_722 = arith.index_cast %add3A_700 : i32 to index
      %swap3A_723 = arith.constant 48 : index
      %swap3A_724 = tpu.vector_load %arg8[%swap3A_722, %swap3A_723] {strides = array<i32>} : memref<80x128xf32, #tpu.memory_space<vmem>>, vector<1x16xf32>,
      %swap3A_725 = vector.shape_cast %swap3A_724 : vector<1x16xf32> to vector<16xf32>
      %swap3A_726 = vector.shape_cast %broadcast_in_dim3A_721 : vector<16xf32> to vector<1x16xf32>
      tpu.vector_store %arg8[%swap3A_722, %swap3A_723], %swap3A_726 {strides = array<i32>} : memref<80x128xf32, #tpu.memory_space<vmem>>, vector<1x16xf32>,
      %broadcast_in_dim3A_727 = arith.constant 0.000000e+00 : f32
      %broadcast_in_dim3A_728 = vector.broadcast %broadcast_in_dim3A_727 : f32 to vector<16xf32>
      %swap3A_729 = arith.index_cast %add3A_700 : i32 to index
      %swap3A_730 = arith.constant 64 : index
      %swap3A_731 = tpu.vector_load %arg8[%swap3A_729, %swap3A_730] {strides = array<i32>} : memref<80x128xf32, #tpu.memory_space<vmem>>, vector<1x16xf32>,
      %swap3A_732 = vector.shape_cast %swap3A_731 : vector<1x16xf32> to vector<16xf32>
      %swap3A_733 = vector.shape_cast %broadcast_in_dim3A_728 : vector<16xf32> to vector<1x16xf32>
      tpu.vector_store %arg8[%swap3A_729, %swap3A_730], %swap3A_733 {strides = array<i32>} : memref<80x128xf32, #tpu.memory_space<vmem>>, vector<1x16xf32>,
      %broadcast_in_dim3A_734 = arith.constant 0.000000e+00 : f32
      %broadcast_in_dim3A_735 = vector.broadcast %broadcast_in_dim3A_734 : f32 to vector<16xf32>
      %swap3A_736 = arith.index_cast %add3A_700 : i32 to index
      %swap3A_737 = arith.constant 80 : index
      %swap3A_738 = tpu.vector_load %arg8[%swap3A_736, %swap3A_737] {strides = array<i32>} : memref<80x128xf32, #tpu.memory_space<vmem>>, vector<1x16xf32>,
      %swap3A_739 = vector.shape_cast %swap3A_738 : vector<1x16xf32> to vector<16xf32>
      %swap3A_740 = vector.shape_cast %broadcast_in_dim3A_735 : vector<16xf32> to vector<1x16xf32>
      tpu.vector_store %arg8[%swap3A_736, %swap3A_737], %swap3A_740 {strides = array<i32>} : memref<80x128xf32, #tpu.memory_space<vmem>>, vector<1x16xf32>,
      %broadcast_in_dim3A_741 = arith.constant 0.000000e+00 : f32
      %broadcast_in_dim3A_742 = vector.broadcast %broadcast_in_dim3A_741 : f32 to vector<16xf32>
      %swap3A_743 = arith.index_cast %add3A_700 : i32 to index
      %swap3A_744 = arith.constant 96 : index
      %swap3A_745 = tpu.vector_load %arg8[%swap3A_743, %swap3A_744] {strides = array<i32>} : memref<80x128xf32, #tpu.memory_space<vmem>>, vector<1x16xf32>,
      %swap3A_746 = vector.shape_cast %swap3A_745 : vector<1x16xf32> to vector<16xf32>
      %swap3A_747 = vector.shape_cast %broadcast_in_dim3A_742 : vector<16xf32> to vector<1x16xf32>
      tpu.vector_store %arg8[%swap3A_743, %swap3A_744], %swap3A_747 {strides = array<i32>} : memref<80x128xf32, #tpu.memory_space<vmem>>, vector<1x16xf32>,
      %broadcast_in_dim3A_748 = arith.constant 0.000000e+00 : f32
      %broadcast_in_dim3A_749 = vector.broadcast %broadcast_in_dim3A_748 : f32 to vector<16xf32>
      %swap3A_750 = arith.index_cast %add3A_700 : i32 to index
      %swap3A_751 = arith.constant 112 : index
      %swap3A_752 = tpu.vector_load %arg8[%swap3A_750, %swap3A_751] {strides = array<i32>} : memref<80x128xf32, #tpu.memory_space<vmem>>, vector<1x16xf32>,
      %swap3A_753 = vector.shape_cast %swap3A_752 : vector<1x16xf32> to vector<16xf32>
      %swap3A_754 = vector.shape_cast %broadcast_in_dim3A_749 : vector<16xf32> to vector<1x16xf32>
      tpu.vector_store %arg8[%swap3A_750, %swap3A_751], %swap3A_754 {strides = array<i32>} : memref<80x128xf32, #tpu.memory_space<vmem>>, vector<1x16xf32>,
    }
    %scan3A_8 = arith.constant 80 : i32
    %mul3A_9 = arith.constant 625 : i32
    %mul3A_10 = arith.muli %arg1, %mul3A_9 : i32
    %add3A_11 = arith.constant 0 : i32
    %add3A_12 = arith.addi %mul3A_10, %add3A_11 : i32
    %dma_start3A = arith.constant 0 : i32
    %dma_start3A_13 = tpu.memref_slice %arg17[%add3A_12, %dma_start3A] : memref<10000x128xf32, #tpu.memory_space<vmem_shared>> -> memref<80x128xf32, #tpu.memory_space<vmem_shared>>
    %dma_start3A_14 = arith.constant 0 : i32
    %dma_start3A_15 = tpu.memref_slice %arg17[%add3A_12, %dma_start3A_14] : memref<10000x128xf32, #tpu.memory_space<vmem_shared>> -> memref<80x128xf32, #tpu.memory_space<vmem_shared>>
    tpu.enqueue_dma source(%arg8 : memref<80x128xf32, #tpu.memory_space<vmem>>) target(%dma_start3A_15 : memref<80x128xf32, #tpu.memory_space<vmem_shared>>) target_semaphore(%arg14 : memref<!tpu.dma_semaphore, #tpu.memory_space<semaphore_mem>>)
    %mul3A_16 = arith.constant 625 : i32
    %mul3A_17 = arith.muli %arg1, %mul3A_16 : i32
    %add3A_18 = arith.constant 80 : i32
    %add3A_19 = arith.addi %mul3A_17, %add3A_18 : i32
    %dma_start3A_20 = arith.constant 0 : i32
    %dma_start3A_21 = tpu.memref_slice %arg17[%add3A_19, %dma_start3A_20] : memref<10000x128xf32, #tpu.memory_space<vmem_shared>> -> memref<80x128xf32, #tpu.memory_space<vmem_shared>>
    %dma_start3A_22 = arith.constant 0 : i32
    %dma_start3A_23 = tpu.memref_slice %arg17[%add3A_19, %dma_start3A_22] : memref<10000x128xf32, #tpu.memory_space<vmem_shared>> -> memref<80x128xf32, #tpu.memory_space<vmem_shared>>
    tpu.enqueue_dma source(%arg8 : memref<80x128xf32, #tpu.memory_space<vmem>>) target(%dma_start3A_23 : memref<80x128xf32, #tpu.memory_space<vmem_shared>>) target_semaphore(%arg14 : memref<!tpu.dma_semaphore, #tpu.memory_space<semaphore_mem>>)
    %mul3A_24 = arith.constant 625 : i32
    %mul3A_25 = arith.muli %arg1, %mul3A_24 : i32
    %add3A_26 = arith.constant 160 : i32
    %add3A_27 = arith.addi %mul3A_25, %add3A_26 : i32
    %dma_start3A_28 = arith.constant 0 : i32
    %dma_start3A_29 = tpu.memref_slice %arg17[%add3A_27, %dma_start3A_28] : memref<10000x128xf32, #tpu.memory_space<vmem_shared>> -> memref<80x128xf32, #tpu.memory_space<vmem_shared>>
    %dma_start3A_30 = arith.constant 0 : i32
    %dma_start3A_31 = tpu.memref_slice %arg17[%add3A_27, %dma_start3A_30] : memref<10000x128xf32, #tpu.memory_space<vmem_shared>> -> memref<80x128xf32, #tpu.memory_space<vmem_shared>>
    tpu.enqueue_dma source(%arg8 : memref<80x128xf32, #tpu.memory_space<vmem>>) target(%dma_start3A_31 : memref<80x128xf32, #tpu.memory_space<vmem_shared>>) target_semaphore(%arg14 : memref<!tpu.dma_semaphore, #tpu.memory_space<semaphore_mem>>)
    %mul3A_32 = arith.constant 625 : i32
    %mul3A_33 = arith.muli %arg1, %mul3A_32 : i32
    %add3A_34 = arith.constant 240 : i32
    %add3A_35 = arith.addi %mul3A_33, %add3A_34 : i32
    %dma_start3A_36 = arith.constant 0 : i32
    %dma_start3A_37 = tpu.memref_slice %arg17[%add3A_35, %dma_start3A_36] : memref<10000x128xf32, #tpu.memory_space<vmem_shared>> -> memref<80x128xf32, #tpu.memory_space<vmem_shared>>
    %dma_start3A_38 = arith.constant 0 : i32
    %dma_start3A_39 = tpu.memref_slice %arg17[%add3A_35, %dma_start3A_38] : memref<10000x128xf32, #tpu.memory_space<vmem_shared>> -> memref<80x128xf32, #tpu.memory_space<vmem_shared>>
    tpu.enqueue_dma source(%arg8 : memref<80x128xf32, #tpu.memory_space<vmem>>) target(%dma_start3A_39 : memref<80x128xf32, #tpu.memory_space<vmem_shared>>) target_semaphore(%arg14 : memref<!tpu.dma_semaphore, #tpu.memory_space<semaphore_mem>>)
    %mul3A_40 = arith.constant 625 : i32
    %mul3A_41 = arith.muli %arg1, %mul3A_40 : i32
    %add3A_42 = arith.constant 320 : i32
    %add3A_43 = arith.addi %mul3A_41, %add3A_42 : i32
    %dma_start3A_44 = arith.constant 0 : i32
    %dma_start3A_45 = tpu.memref_slice %arg17[%add3A_43, %dma_start3A_44] : memref<10000x128xf32, #tpu.memory_space<vmem_shared>> -> memref<80x128xf32, #tpu.memory_space<vmem_shared>>
    %dma_start3A_46 = arith.constant 0 : i32
    %dma_start3A_47 = tpu.memref_slice %arg17[%add3A_43, %dma_start3A_46] : memref<10000x128xf32, #tpu.memory_space<vmem_shared>> -> memref<80x128xf32, #tpu.memory_space<vmem_shared>>
    tpu.enqueue_dma source(%arg8 : memref<80x128xf32, #tpu.memory_space<vmem>>) target(%dma_start3A_47 : memref<80x128xf32, #tpu.memory_space<vmem_shared>>) target_semaphore(%arg14 : memref<!tpu.dma_semaphore, #tpu.memory_space<semaphore_mem>>)
    %mul3A_48 = arith.constant 625 : i32
    %mul3A_49 = arith.muli %arg1, %mul3A_48 : i32
    %add3A_50 = arith.constant 400 : i32
    %add3A_51 = arith.addi %mul3A_49, %add3A_50 : i32
    %dma_start3A_52 = arith.constant 0 : i32
    %dma_start3A_53 = tpu.memref_slice %arg17[%add3A_51, %dma_start3A_52] : memref<10000x128xf32, #tpu.memory_space<vmem_shared>> -> memref<80x128xf32, #tpu.memory_space<vmem_shared>>
    %dma_start3A_54 = arith.constant 0 : i32
    %dma_start3A_55 = tpu.memref_slice %arg17[%add3A_51, %dma_start3A_54] : memref<10000x128xf32, #tpu.memory_space<vmem_shared>> -> memref<80x128xf32, #tpu.memory_space<vmem_shared>>
    tpu.enqueue_dma source(%arg8 : memref<80x128xf32, #tpu.memory_space<vmem>>) target(%dma_start3A_55 : memref<80x128xf32, #tpu.memory_space<vmem_shared>>) target_semaphore(%arg14 : memref<!tpu.dma_semaphore, #tpu.memory_space<semaphore_mem>>)
    %mul3A_56 = arith.constant 625 : i32
    %mul3A_57 = arith.muli %arg1, %mul3A_56 : i32
    %add3A_58 = arith.constant 480 : i32
    %add3A_59 = arith.addi %mul3A_57, %add3A_58 : i32
    %dma_start3A_60 = arith.constant 0 : i32
    %dma_start3A_61 = tpu.memref_slice %arg17[%add3A_59, %dma_start3A_60] : memref<10000x128xf32, #tpu.memory_space<vmem_shared>> -> memref<80x128xf32, #tpu.memory_space<vmem_shared>>
    %dma_start3A_62 = arith.constant 0 : i32
    %dma_start3A_63 = tpu.memref_slice %arg17[%add3A_59, %dma_start3A_62] : memref<10000x128xf32, #tpu.memory_space<vmem_shared>> -> memref<80x128xf32, #tpu.memory_space<vmem_shared>>
    tpu.enqueue_dma source(%arg8 : memref<80x128xf32, #tpu.memory_space<vmem>>) target(%dma_start3A_63 : memref<80x128xf32, #tpu.memory_space<vmem_shared>>) target_semaphore(%arg14 : memref<!tpu.dma_semaphore, #tpu.memory_space<semaphore_mem>>)
    %mul3A_64 = arith.constant 625 : i32
    %mul3A_65 = arith.muli %arg1, %mul3A_64 : i32
    %add3A_66 = arith.constant 560 : i32
    %add3A_67 = arith.addi %mul3A_65, %add3A_66 : i32
    %dma_start3A_68 = arith.constant 0 : i32
    %dma_start3A_69 = arith.constant 0 : i32
    %dma_start3A_70 = tpu.memref_slice %arg8[%dma_start3A_68, %dma_start3A_69] : memref<80x128xf32, #tpu.memory_space<vmem>> -> memref<65x128xf32, #tpu.memory_space<vmem>>
    %dma_start3A_71 = arith.constant 0 : i32
    %dma_start3A_72 = tpu.memref_slice %arg17[%add3A_67, %dma_start3A_71] : memref<10000x128xf32, #tpu.memory_space<vmem_shared>> -> memref<65x128xf32, #tpu.memory_space<vmem_shared>>
    %dma_start3A_73 = arith.constant 0 : i32
    %dma_start3A_74 = tpu.memref_slice %arg17[%add3A_67, %dma_start3A_73] : memref<10000x128xf32, #tpu.memory_space<vmem_shared>> -> memref<65x128xf32, #tpu.memory_space<vmem_shared>>
    %dma_start3A_75 = arith.constant 0 : i32
    %dma_start3A_76 = arith.constant 0 : i32
    %dma_start3A_77 = tpu.memref_slice %arg8[%dma_start3A_75, %dma_start3A_76] : memref<80x128xf32, #tpu.memory_space<vmem>> -> memref<65x128xf32, #tpu.memory_space<vmem>>
    tpu.enqueue_dma source(%dma_start3A_77 : memref<65x128xf32, #tpu.memory_space<vmem>>) target(%dma_start3A_74 : memref<65x128xf32, #tpu.memory_space<vmem_shared>>) target_semaphore(%arg14 : memref<!tpu.dma_semaphore, #tpu.memory_space<semaphore_mem>>)
    %mul3A_78 = arith.constant 625 : i32
    %mul3A_79 = arith.muli %arg1, %mul3A_78 : i32
    %add3A_80 = arith.constant 0 : i32
    %add3A_81 = arith.addi %mul3A_79, %add3A_80 : i32
    %dma_wait3A = arith.constant 0 : i32
    %dma_wait3A_82 = tpu.memref_slice %arg17[%add3A_81, %dma_wait3A] : memref<10000x128xf32, #tpu.memory_space<vmem_shared>> -> memref<80x128xf32, #tpu.memory_space<vmem_shared>>
    %dma_wait3A_83 = arith.constant 0 : i32
    %dma_wait3A_84 = tpu.memref_slice %arg17[%add3A_81, %dma_wait3A_83] : memref<10000x128xf32, #tpu.memory_space<vmem_shared>> -> memref<80x128xf32, #tpu.memory_space<vmem_shared>>
    tpu.wait_dma2 semaphore(%arg14 : memref<!tpu.dma_semaphore, #tpu.memory_space<semaphore_mem>>) src(%arg8 : memref<80x128xf32, #tpu.memory_space<vmem>>) dst(%dma_wait3A_84 : memref<80x128xf32, #tpu.memory_space<vmem_shared>>)
    %mul3A_85 = arith.constant 625 : i32
    %mul3A_86 = arith.muli %arg1, %mul3A_85 : i32
    %add3A_87 = arith.constant 80 : i32
    %add3A_88 = arith.addi %mul3A_86, %add3A_87 : i32
    %dma_wait3A_89 = arith.constant 0 : i32
    %dma_wait3A_90 = tpu.memref_slice %arg17[%add3A_88, %dma_wait3A_89] : memref<10000x128xf32, #tpu.memory_space<vmem_shared>> -> memref<80x128xf32, #tpu.memory_space<vmem_shared>>
    %dma_wait3A_91 = arith.constant 0 : i32
    %dma_wait3A_92 = tpu.memref_slice %arg17[%add3A_88, %dma_wait3A_91] : memref<10000x128xf32, #tpu.memory_space<vmem_shared>> -> memref<80x128xf32, #tpu.memory_space<vmem_shared>>
    tpu.wait_dma2 semaphore(%arg14 : memref<!tpu.dma_semaphore, #tpu.memory_space<semaphore_mem>>) src(%arg8 : memref<80x128xf32, #tpu.memory_space<vmem>>) dst(%dma_wait3A_92 : memref<80x128xf32, #tpu.memory_space<vmem_shared>>)
    %mul3A_93 = arith.constant 625 : i32
    %mul3A_94 = arith.muli %arg1, %mul3A_93 : i32
    %add3A_95 = arith.constant 160 : i32
    %add3A_96 = arith.addi %mul3A_94, %add3A_95 : i32
    %dma_wait3A_97 = arith.constant 0 : i32
    %dma_wait3A_98 = tpu.memref_slice %arg17[%add3A_96, %dma_wait3A_97] : memref<10000x128xf32, #tpu.memory_space<vmem_shared>> -> memref<80x128xf32, #tpu.memory_space<vmem_shared>>
    %dma_wait3A_99 = arith.constant 0 : i32
    %dma_wait3A_100 = tpu.memref_slice %arg17[%add3A_96, %dma_wait3A_99] : memref<10000x128xf32, #tpu.memory_space<vmem_shared>> -> memref<80x128xf32, #tpu.memory_space<vmem_shared>>
    tpu.wait_dma2 semaphore(%arg14 : memref<!tpu.dma_semaphore, #tpu.memory_space<semaphore_mem>>) src(%arg8 : memref<80x128xf32, #tpu.memory_space<vmem>>) dst(%dma_wait3A_100 : memref<80x128xf32, #tpu.memory_space<vmem_shared>>)
    %mul3A_101 = arith.constant 625 : i32
    %mul3A_102 = arith.muli %arg1, %mul3A_101 : i32
    %add3A_103 = arith.constant 240 : i32
    %add3A_104 = arith.addi %mul3A_102, %add3A_103 : i32
    %dma_wait3A_105 = arith.constant 0 : i32
    %dma_wait3A_106 = tpu.memref_slice %arg17[%add3A_104, %dma_wait3A_105] : memref<10000x128xf32, #tpu.memory_space<vmem_shared>> -> memref<80x128xf32, #tpu.memory_space<vmem_shared>>
    %dma_wait3A_107 = arith.constant 0 : i32
    %dma_wait3A_108 = tpu.memref_slice %arg17[%add3A_104, %dma_wait3A_107] : memref<10000x128xf32, #tpu.memory_space<vmem_shared>> -> memref<80x128xf32, #tpu.memory_space<vmem_shared>>
    tpu.wait_dma2 semaphore(%arg14 : memref<!tpu.dma_semaphore, #tpu.memory_space<semaphore_mem>>) src(%arg8 : memref<80x128xf32, #tpu.memory_space<vmem>>) dst(%dma_wait3A_108 : memref<80x128xf32, #tpu.memory_space<vmem_shared>>)
    %mul3A_109 = arith.constant 625 : i32
    %mul3A_110 = arith.muli %arg1, %mul3A_109 : i32
    %add3A_111 = arith.constant 320 : i32
    %add3A_112 = arith.addi %mul3A_110, %add3A_111 : i32
    %dma_wait3A_113 = arith.constant 0 : i32
    %dma_wait3A_114 = tpu.memref_slice %arg17[%add3A_112, %dma_wait3A_113] : memref<10000x128xf32, #tpu.memory_space<vmem_shared>> -> memref<80x128xf32, #tpu.memory_space<vmem_shared>>
    %dma_wait3A_115 = arith.constant 0 : i32
    %dma_wait3A_116 = tpu.memref_slice %arg17[%add3A_112, %dma_wait3A_115] : memref<10000x128xf32, #tpu.memory_space<vmem_shared>> -> memref<80x128xf32, #tpu.memory_space<vmem_shared>>
    tpu.wait_dma2 semaphore(%arg14 : memref<!tpu.dma_semaphore, #tpu.memory_space<semaphore_mem>>) src(%arg8 : memref<80x128xf32, #tpu.memory_space<vmem>>) dst(%dma_wait3A_116 : memref<80x128xf32, #tpu.memory_space<vmem_shared>>)
    %mul3A_117 = arith.constant 625 : i32
    %mul3A_118 = arith.muli %arg1, %mul3A_117 : i32
    %add3A_119 = arith.constant 400 : i32
    %add3A_120 = arith.addi %mul3A_118, %add3A_119 : i32
    %dma_wait3A_121 = arith.constant 0 : i32
    %dma_wait3A_122 = tpu.memref_slice %arg17[%add3A_120, %dma_wait3A_121] : memref<10000x128xf32, #tpu.memory_space<vmem_shared>> -> memref<80x128xf32, #tpu.memory_space<vmem_shared>>
    %dma_wait3A_123 = arith.constant 0 : i32
    %dma_wait3A_124 = tpu.memref_slice %arg17[%add3A_120, %dma_wait3A_123] : memref<10000x128xf32, #tpu.memory_space<vmem_shared>> -> memref<80x128xf32, #tpu.memory_space<vmem_shared>>
    tpu.wait_dma2 semaphore(%arg14 : memref<!tpu.dma_semaphore, #tpu.memory_space<semaphore_mem>>) src(%arg8 : memref<80x128xf32, #tpu.memory_space<vmem>>) dst(%dma_wait3A_124 : memref<80x128xf32, #tpu.memory_space<vmem_shared>>)
    %mul3A_125 = arith.constant 625 : i32
    %mul3A_126 = arith.muli %arg1, %mul3A_125 : i32
    %add3A_127 = arith.constant 480 : i32
    %add3A_128 = arith.addi %mul3A_126, %add3A_127 : i32
    %dma_wait3A_129 = arith.constant 0 : i32
    %dma_wait3A_130 = tpu.memref_slice %arg17[%add3A_128, %dma_wait3A_129] : memref<10000x128xf32, #tpu.memory_space<vmem_shared>> -> memref<80x128xf32, #tpu.memory_space<vmem_shared>>
    %dma_wait3A_131 = arith.constant 0 : i32
    %dma_wait3A_132 = tpu.memref_slice %arg17[%add3A_128, %dma_wait3A_131] : memref<10000x128xf32, #tpu.memory_space<vmem_shared>> -> memref<80x128xf32, #tpu.memory_space<vmem_shared>>
    tpu.wait_dma2 semaphore(%arg14 : memref<!tpu.dma_semaphore, #tpu.memory_space<semaphore_mem>>) src(%arg8 : memref<80x128xf32, #tpu.memory_space<vmem>>) dst(%dma_wait3A_132 : memref<80x128xf32, #tpu.memory_space<vmem_shared>>)
    %mul3A_133 = arith.constant 625 : i32
    %mul3A_134 = arith.muli %arg1, %mul3A_133 : i32
    %add3A_135 = arith.constant 560 : i32
    %add3A_136 = arith.addi %mul3A_134, %add3A_135 : i32
    %dma_wait3A_137 = arith.constant 0 : i32
    %dma_wait3A_138 = arith.constant 0 : i32
    %dma_wait3A_139 = tpu.memref_slice %arg8[%dma_wait3A_137, %dma_wait3A_138] : memref<80x128xf32, #tpu.memory_space<vmem>> -> memref<65x128xf32, #tpu.memory_space<vmem>>
    %dma_wait3A_140 = arith.constant 0 : i32
    %dma_wait3A_141 = tpu.memref_slice %arg17[%add3A_136, %dma_wait3A_140] : memref<10000x128xf32, #tpu.memory_space<vmem_shared>> -> memref<65x128xf32, #tpu.memory_space<vmem_shared>>
    %dma_wait3A_142 = arith.constant 0 : i32
    %dma_wait3A_143 = tpu.memref_slice %arg17[%add3A_136, %dma_wait3A_142] : memref<10000x128xf32, #tpu.memory_space<vmem_shared>> -> memref<65x128xf32, #tpu.memory_space<vmem_shared>>
    %dma_wait3A_144 = arith.constant 0 : i32
    %dma_wait3A_145 = arith.constant 0 : i32
    %dma_wait3A_146 = tpu.memref_slice %arg8[%dma_wait3A_144, %dma_wait3A_145] : memref<80x128xf32, #tpu.memory_space<vmem>> -> memref<65x128xf32, #tpu.memory_space<vmem>>
    tpu.wait_dma2 semaphore(%arg14 : memref<!tpu.dma_semaphore, #tpu.memory_space<semaphore_mem>>) src(%dma_wait3A_146 : memref<65x128xf32, #tpu.memory_space<vmem>>) dst(%dma_wait3A_143 : memref<65x128xf32, #tpu.memory_space<vmem_shared>>)
    %barrier3A = arith.constant 0 : index
    tpu.barrier barrier_id(%barrier3A)
    %dma_start3A_147 = arith.constant 0 : i32
    %dma_start3A_148 = arith.constant 0 : i32
    %dma_start3A_149 = tpu.memref_slice %arg6[%dma_start3A_147, %dma_start3A_148] : memref<125x80xi32, #tpu.memory_space<vmem>> -> memref<1x80xi32, #tpu.memory_space<vmem>>
    %dma_start3A_150 = tpu.memref_squeeze %dma_start3A_149 : memref<1x80xi32, #tpu.memory_space<vmem>> -> memref<80xi32, #tpu.memory_space<vmem>>
    %dma_start3A_151 = arith.constant 0 : i32
    %dma_start3A_152 = arith.constant 0 : i32
    %dma_start3A_153 = tpu.memref_slice %arg2[%dma_start3A_151, %dma_start3A_152] : memref<10000x128xf32, #tpu.memory_space<hbm>> -> memref<10000x128xf32, #tpu.memory_space<hbm>>
    tpu.enqueue_indirect_dma source(%dma_start3A_153 : memref<10000x128xf32, #tpu.memory_space<hbm>>) target(%arg8 : memref<80x128xf32, #tpu.memory_space<vmem>>) offsets(%dma_start3A_150 : memref<80xi32, #tpu.memory_space<vmem>>) semaphore(%arg11 : memref<!tpu.dma_semaphore, #tpu.memory_space<semaphore_mem>>)
    %dma_start3A_154 = arith.constant 1 : i32
    %dma_start3A_155 = arith.constant 0 : i32
    %dma_start3A_156 = tpu.memref_slice %arg6[%dma_start3A_154, %dma_start3A_155] : memref<125x80xi32, #tpu.memory_space<vmem>> -> memref<1x80xi32, #tpu.memory_space<vmem>>
    %dma_start3A_157 = tpu.memref_squeeze %dma_start3A_156 : memref<1x80xi32, #tpu.memory_space<vmem>> -> memref<80xi32, #tpu.memory_space<vmem>>
    %dma_start3A_158 = arith.constant 0 : i32
    %dma_start3A_159 = arith.constant 0 : i32
    %dma_start3A_160 = tpu.memref_slice %arg2[%dma_start3A_158, %dma_start3A_159] : memref<10000x128xf32, #tpu.memory_space<hbm>> -> memref<10000x128xf32, #tpu.memory_space<hbm>>
    tpu.enqueue_indirect_dma source(%dma_start3A_160 : memref<10000x128xf32, #tpu.memory_space<hbm>>) target(%arg9 : memref<80x128xf32, #tpu.memory_space<vmem>>) offsets(%dma_start3A_157 : memref<80xi32, #tpu.memory_space<vmem>>) semaphore(%arg12 : memref<!tpu.dma_semaphore, #tpu.memory_space<semaphore_mem>>)
    %scan3A_161 = arith.constant 0 : i32
    %scan3A_162 = arith.constant 41 : i32
    %scan3A_163 = arith.addi %scan3A_161, %scan3A_162 : i32
    %scan3A_164 = arith.constant 1 : i32
    scf.for %scan3A_696 = %scan3A_161 to %scan3A_163 step %scan3A_164  : i32 {
      %mul3A_697 = arith.constant 3 : i32
      %mul3A_698 = arith.muli %scan3A_696, %mul3A_697 : i32
      %add3A_699 = arith.constant 0 : i32
      %add3A_700 = arith.addi %add3A_699, %mul3A_698 : i32
      %add3A_701 = arith.constant 0 : i32
      %add3A_702 = arith.addi %add3A_700, %add3A_701 : i32
      %ge3A = arith.constant 1 : i32
      %ge3A_703 = arith.cmpi sge, %add3A_702, %ge3A : i32
      %convert_element_type3A = arith.extui %ge3A_703 : i1 to i32
      %cond3A = arith.constant 0 : i32
      %cond3A_704 = arith.cmpi ne, %convert_element_type3A, %cond3A : i32
      scf.if %cond3A_704 {
        %sub3A = arith.constant 1 : i32
        %sub3A_775 = arith.subi %add3A_702, %sub3A : i32
        %dma_wait3A_776 = arith.constant 0 : i32
        %dma_wait3A_777 = tpu.memref_slice %arg7[%sub3A_775, %dma_wait3A_776] : memref<125x80xi32, #tpu.memory_space<vmem>> -> memref<1x80xi32, #tpu.memory_space<vmem>>
        %dma_wait3A_778 = tpu.memref_squeeze %dma_wait3A_777 : memref<1x80xi32, #tpu.memory_space<vmem>> -> memref<80xi32, #tpu.memory_space<vmem>>
        %dma_wait3A_779 = arith.constant 0 : i32
        %dma_wait3A_780 = arith.constant 0 : i32
        %dma_wait3A_781 = tpu.memref_slice %arg17[%dma_wait3A_779, %dma_wait3A_780] : memref<10000x128xf32, #tpu.memory_space<vmem_shared>> -> memref<10000x128xf32, #tpu.memory_space<vmem_shared>>
        tpu.wait_indirect_dma semaphore(%arg16 : memref<!tpu.dma_semaphore, #tpu.memory_space<semaphore_mem>>) src(%arg10 : memref<80x128xf32, #tpu.memory_space<vmem>>) dst(%dma_wait3A_781 : memref<10000x128xf32, #tpu.memory_space<vmem_shared>>)
      } else {
      }
      %add3A_705 = arith.constant 2 : i32
      %add3A_706 = arith.addi %add3A_702, %add3A_705 : i32
      %le3A = arith.constant 124 : i32
      %le3A_707 = arith.cmpi sle, %add3A_706, %le3A : i32
      %convert_element_type3A_708 = arith.extui %le3A_707 : i1 to i32
      %cond3A_709 = arith.constant 0 : i32
      %cond3A_710 = arith.cmpi ne, %convert_element_type3A_708, %cond3A_709 : i32
      scf.if %cond3A_710 {
        %add3A_775 = arith.constant 2 : i32
        %add3A_776 = arith.addi %add3A_702, %add3A_775 : i32
        %dma_start3A_777 = arith.constant 0 : i32
        %dma_start3A_778 = tpu.memref_slice %arg6[%add3A_776, %dma_start3A_777] : memref<125x80xi32, #tpu.memory_space<vmem>> -> memref<1x80xi32, #tpu.memory_space<vmem>>
        %dma_start3A_779 = tpu.memref_squeeze %dma_start3A_778 : memref<1x80xi32, #tpu.memory_space<vmem>> -> memref<80xi32, #tpu.memory_space<vmem>>
        %dma_start3A_780 = arith.constant 0 : i32
        %dma_start3A_781 = arith.constant 0 : i32
        %dma_start3A_782 = tpu.memref_slice %arg2[%dma_start3A_780, %dma_start3A_781] : memref<10000x128xf32, #tpu.memory_space<hbm>> -> memref<10000x128xf32, #tpu.memory_space<hbm>>
        tpu.enqueue_indirect_dma source(%dma_start3A_782 : memref<10000x128xf32, #tpu.memory_space<hbm>>) target(%arg10 : memref<80x128xf32, #tpu.memory_space<vmem>>) offsets(%dma_start3A_779 : memref<80xi32, #tpu.memory_space<vmem>>) semaphore(%arg13 : memref<!tpu.dma_semaphore, #tpu.memory_space<semaphore_mem>>)
      } else {
      }
      %dma_wait3A_711 = arith.constant 0 : i32
      %dma_wait3A_712 = tpu.memref_slice %arg6[%add3A_702, %dma_wait3A_711] : memref<125x80xi32, #tpu.memory_space<vmem>> -> memref<1x80xi32, #tpu.memory_space<vmem>>
      %dma_wait3A_713 = tpu.memref_squeeze %dma_wait3A_712 : memref<1x80xi32, #tpu.memory_space<vmem>> -> memref<80xi32, #tpu.memory_space<vmem>>
      %dma_wait3A_714 = arith.constant 0 : i32
      %dma_wait3A_715 = arith.constant 0 : i32
      %dma_wait3A_716 = tpu.memref_slice %arg2[%dma_wait3A_714, %dma_wait3A_715] : memref<10000x128xf32, #tpu.memory_space<hbm>> -> memref<10000x128xf32, #tpu.memory_space<hbm>>
      tpu.wait_indirect_dma semaphore(%arg11 : memref<!tpu.dma_semaphore, #tpu.memory_space<semaphore_mem>>) src(%dma_wait3A_716 : memref<10000x128xf32, #tpu.memory_space<hbm>>) dst(%arg8 : memref<80x128xf32, #tpu.memory_space<vmem>>)
      %dma_start3A_717 = arith.constant 0 : i32
      %dma_start3A_718 = tpu.memref_slice %arg7[%add3A_702, %dma_start3A_717] : memref<125x80xi32, #tpu.memory_space<vmem>> -> memref<1x80xi32, #tpu.memory_space<vmem>>
      %dma_start3A_719 = tpu.memref_squeeze %dma_start3A_718 : memref<1x80xi32, #tpu.memory_space<vmem>> -> memref<80xi32, #tpu.memory_space<vmem>>
      %dma_start3A_720 = arith.constant 0 : i32
      %dma_start3A_721 = arith.constant 0 : i32
      %dma_start3A_722 = tpu.memref_slice %arg17[%dma_start3A_720, %dma_start3A_721] : memref<10000x128xf32, #tpu.memory_space<vmem_shared>> -> memref<10000x128xf32, #tpu.memory_space<vmem_shared>>
      tpu.enqueue_indirect_dma source(%arg8 : memref<80x128xf32, #tpu.memory_space<vmem>>) target(%dma_start3A_722 : memref<10000x128xf32, #tpu.memory_space<vmem_shared>>) offsets(%dma_start3A_719 : memref<80xi32, #tpu.memory_space<vmem>>) semaphore(%arg14 : memref<!tpu.dma_semaphore, #tpu.memory_space<semaphore_mem>>) {add = true}
      %add3A_723 = arith.constant 1 : i32
      %add3A_724 = arith.addi %add3A_700, %add3A_723 : i32
      %ge3A_725 = arith.constant 1 : i32
      %ge3A_726 = arith.cmpi sge, %add3A_724, %ge3A_725 : i32
      %convert_element_type3A_727 = arith.extui %ge3A_726 : i1 to i32
      %cond3A_728 = arith.constant 0 : i32
      %cond3A_729 = arith.cmpi ne, %convert_element_type3A_727, %cond3A_728 : i32
      scf.if %cond3A_729 {
        %sub3A = arith.constant 1 : i32
        %sub3A_775 = arith.subi %add3A_724, %sub3A : i32
        %dma_wait3A_776 = arith.constant 0 : i32
        %dma_wait3A_777 = tpu.memref_slice %arg7[%sub3A_775, %dma_wait3A_776] : memref<125x80xi32, #tpu.memory_space<vmem>> -> memref<1x80xi32, #tpu.memory_space<vmem>>
        %dma_wait3A_778 = tpu.memref_squeeze %dma_wait3A_777 : memref<1x80xi32, #tpu.memory_space<vmem>> -> memref<80xi32, #tpu.memory_space<vmem>>
        %dma_wait3A_779 = arith.constant 0 : i32
        %dma_wait3A_780 = arith.constant 0 : i32
        %dma_wait3A_781 = tpu.memref_slice %arg17[%dma_wait3A_779, %dma_wait3A_780] : memref<10000x128xf32, #tpu.memory_space<vmem_shared>> -> memref<10000x128xf32, #tpu.memory_space<vmem_shared>>
        tpu.wait_indirect_dma semaphore(%arg14 : memref<!tpu.dma_semaphore, #tpu.memory_space<semaphore_mem>>) src(%arg8 : memref<80x128xf32, #tpu.memory_space<vmem>>) dst(%dma_wait3A_781 : memref<10000x128xf32, #tpu.memory_space<vmem_shared>>)
      } else {
      }
      %add3A_730 = arith.constant 2 : i32
      %add3A_731 = arith.addi %add3A_724, %add3A_730 : i32
      %le3A_732 = arith.constant 124 : i32
      %le3A_733 = arith.cmpi sle, %add3A_731, %le3A_732 : i32
      %convert_element_type3A_734 = arith.extui %le3A_733 : i1 to i32
      %cond3A_735 = arith.constant 0 : i32
      %cond3A_736 = arith.cmpi ne, %convert_element_type3A_734, %cond3A_735 : i32
      scf.if %cond3A_736 {
        %add3A_775 = arith.constant 2 : i32
        %add3A_776 = arith.addi %add3A_724, %add3A_775 : i32
        %dma_start3A_777 = arith.constant 0 : i32
        %dma_start3A_778 = tpu.memref_slice %arg6[%add3A_776, %dma_start3A_777] : memref<125x80xi32, #tpu.memory_space<vmem>> -> memref<1x80xi32, #tpu.memory_space<vmem>>
        %dma_start3A_779 = tpu.memref_squeeze %dma_start3A_778 : memref<1x80xi32, #tpu.memory_space<vmem>> -> memref<80xi32, #tpu.memory_space<vmem>>
        %dma_start3A_780 = arith.constant 0 : i32
        %dma_start3A_781 = arith.constant 0 : i32
        %dma_start3A_782 = tpu.memref_slice %arg2[%dma_start3A_780, %dma_start3A_781] : memref<10000x128xf32, #tpu.memory_space<hbm>> -> memref<10000x128xf32, #tpu.memory_space<hbm>>
        tpu.enqueue_indirect_dma source(%dma_start3A_782 : memref<10000x128xf32, #tpu.memory_space<hbm>>) target(%arg8 : memref<80x128xf32, #tpu.memory_space<vmem>>) offsets(%dma_start3A_779 : memref<80xi32, #tpu.memory_space<vmem>>) semaphore(%arg11 : memref<!tpu.dma_semaphore, #tpu.memory_space<semaphore_mem>>)
      } else {
      }
      %dma_wait3A_737 = arith.constant 0 : i32
      %dma_wait3A_738 = tpu.memref_slice %arg6[%add3A_724, %dma_wait3A_737] : memref<125x80xi32, #tpu.memory_space<vmem>> -> memref<1x80xi32, #tpu.memory_space<vmem>>
      %dma_wait3A_739 = tpu.memref_squeeze %dma_wait3A_738 : memref<1x80xi32, #tpu.memory_space<vmem>> -> memref<80xi32, #tpu.memory_space<vmem>>
      %dma_wait3A_740 = arith.constant 0 : i32
      %dma_wait3A_741 = arith.constant 0 : i32
      %dma_wait3A_742 = tpu.memref_slice %arg2[%dma_wait3A_740, %dma_wait3A_741] : memref<10000x128xf32, #tpu.memory_space<hbm>> -> memref<10000x128xf32, #tpu.memory_space<hbm>>
      tpu.wait_indirect_dma semaphore(%arg12 : memref<!tpu.dma_semaphore, #tpu.memory_space<semaphore_mem>>) src(%dma_wait3A_742 : memref<10000x128xf32, #tpu.memory_space<hbm>>) dst(%arg9 : memref<80x128xf32, #tpu.memory_space<vmem>>)
      %dma_start3A_743 = arith.constant 0 : i32
      %dma_start3A_744 = tpu.memref_slice %arg7[%add3A_724, %dma_start3A_743] : memref<125x80xi32, #tpu.memory_space<vmem>> -> memref<1x80xi32, #tpu.memory_space<vmem>>
      %dma_start3A_745 = tpu.memref_squeeze %dma_start3A_744 : memref<1x80xi32, #tpu.memory_space<vmem>> -> memref<80xi32, #tpu.memory_space<vmem>>
      %dma_start3A_746 = arith.constant 0 : i32
      %dma_start3A_747 = arith.constant 0 : i32
      %dma_start3A_748 = tpu.memref_slice %arg17[%dma_start3A_746, %dma_start3A_747] : memref<10000x128xf32, #tpu.memory_space<vmem_shared>> -> memref<10000x128xf32, #tpu.memory_space<vmem_shared>>
      tpu.enqueue_indirect_dma source(%arg9 : memref<80x128xf32, #tpu.memory_space<vmem>>) target(%dma_start3A_748 : memref<10000x128xf32, #tpu.memory_space<vmem_shared>>) offsets(%dma_start3A_745 : memref<80xi32, #tpu.memory_space<vmem>>) semaphore(%arg15 : memref<!tpu.dma_semaphore, #tpu.memory_space<semaphore_mem>>) {add = true}
      %add3A_749 = arith.constant 2 : i32
      %add3A_750 = arith.addi %add3A_700, %add3A_749 : i32
      %ge3A_751 = arith.constant 1 : i32
      %ge3A_752 = arith.cmpi sge, %add3A_750, %ge3A_751 : i32
      %convert_element_type3A_753 = arith.extui %ge3A_752 : i1 to i32
      %cond3A_754 = arith.constant 0 : i32
      %cond3A_755 = arith.cmpi ne, %convert_element_type3A_753, %cond3A_754 : i32
      scf.if %cond3A_755 {
        %sub3A = arith.constant 1 : i32
        %sub3A_775 = arith.subi %add3A_750, %sub3A : i32
        %dma_wait3A_776 = arith.constant 0 : i32
        %dma_wait3A_777 = tpu.memref_slice %arg7[%sub3A_775, %dma_wait3A_776] : memref<125x80xi32, #tpu.memory_space<vmem>> -> memref<1x80xi32, #tpu.memory_space<vmem>>
        %dma_wait3A_778 = tpu.memref_squeeze %dma_wait3A_777 : memref<1x80xi32, #tpu.memory_space<vmem>> -> memref<80xi32, #tpu.memory_space<vmem>>
        %dma_wait3A_779 = arith.constant 0 : i32
        %dma_wait3A_780 = arith.constant 0 : i32
        %dma_wait3A_781 = tpu.memref_slice %arg17[%dma_wait3A_779, %dma_wait3A_780] : memref<10000x128xf32, #tpu.memory_space<vmem_shared>> -> memref<10000x128xf32, #tpu.memory_space<vmem_shared>>
        tpu.wait_indirect_dma semaphore(%arg15 : memref<!tpu.dma_semaphore, #tpu.memory_space<semaphore_mem>>) src(%arg9 : memref<80x128xf32, #tpu.memory_space<vmem>>) dst(%dma_wait3A_781 : memref<10000x128xf32, #tpu.memory_space<vmem_shared>>)
      } else {
      }
      %add3A_756 = arith.constant 2 : i32
      %add3A_757 = arith.addi %add3A_750, %add3A_756 : i32
      %le3A_758 = arith.constant 124 : i32
      %le3A_759 = arith.cmpi sle, %add3A_757, %le3A_758 : i32
      %convert_element_type3A_760 = arith.extui %le3A_759 : i1 to i32
      %cond3A_761 = arith.constant 0 : i32
      %cond3A_762 = arith.cmpi ne, %convert_element_type3A_760, %cond3A_761 : i32
      scf.if %cond3A_762 {
        %add3A_775 = arith.constant 2 : i32
        %add3A_776 = arith.addi %add3A_750, %add3A_775 : i32
        %dma_start3A_777 = arith.constant 0 : i32
        %dma_start3A_778 = tpu.memref_slice %arg6[%add3A_776, %dma_start3A_777] : memref<125x80xi32, #tpu.memory_space<vmem>> -> memref<1x80xi32, #tpu.memory_space<vmem>>
        %dma_start3A_779 = tpu.memref_squeeze %dma_start3A_778 : memref<1x80xi32, #tpu.memory_space<vmem>> -> memref<80xi32, #tpu.memory_space<vmem>>
        %dma_start3A_780 = arith.constant 0 : i32
        %dma_start3A_781 = arith.constant 0 : i32
        %dma_start3A_782 = tpu.memref_slice %arg2[%dma_start3A_780, %dma_start3A_781] : memref<10000x128xf32, #tpu.memory_space<hbm>> -> memref<10000x128xf32, #tpu.memory_space<hbm>>
        tpu.enqueue_indirect_dma source(%dma_start3A_782 : memref<10000x128xf32, #tpu.memory_space<hbm>>) target(%arg9 : memref<80x128xf32, #tpu.memory_space<vmem>>) offsets(%dma_start3A_779 : memref<80xi32, #tpu.memory_space<vmem>>) semaphore(%arg12 : memref<!tpu.dma_semaphore, #tpu.memory_space<semaphore_mem>>)
      } else {
      }
      %dma_wait3A_763 = arith.constant 0 : i32
      %dma_wait3A_764 = tpu.memref_slice %arg6[%add3A_750, %dma_wait3A_763] : memref<125x80xi32, #tpu.memory_space<vmem>> -> memref<1x80xi32, #tpu.memory_space<vmem>>
      %dma_wait3A_765 = tpu.memref_squeeze %dma_wait3A_764 : memref<1x80xi32, #tpu.memory_space<vmem>> -> memref<80xi32, #tpu.memory_space<vmem>>
      %dma_wait3A_766 = arith.constant 0 : i32
      %dma_wait3A_767 = arith.constant 0 : i32
      %dma_wait3A_768 = tpu.memref_slice %arg2[%dma_wait3A_766, %dma_wait3A_767] : memref<10000x128xf32, #tpu.memory_space<hbm>> -> memref<10000x128xf32, #tpu.memory_space<hbm>>
      tpu.wait_indirect_dma semaphore(%arg13 : memref<!tpu.dma_semaphore, #tpu.memory_space<semaphore_mem>>) src(%dma_wait3A_768 : memref<10000x128xf32, #tpu.memory_space<hbm>>) dst(%arg10 : memref<80x128xf32, #tpu.memory_space<vmem>>)
      %dma_start3A_769 = arith.constant 0 : i32
      %dma_start3A_770 = tpu.memref_slice %arg7[%add3A_750, %dma_start3A_769] : memref<125x80xi32, #tpu.memory_space<vmem>> -> memref<1x80xi32, #tpu.memory_space<vmem>>
      %dma_start3A_771 = tpu.memref_squeeze %dma_start3A_770 : memref<1x80xi32, #tpu.memory_space<vmem>> -> memref<80xi32, #tpu.memory_space<vmem>>
      %dma_start3A_772 = arith.constant 0 : i32
      %dma_start3A_773 = arith.constant 0 : i32
      %dma_start3A_774 = tpu.memref_slice %arg17[%dma_start3A_772, %dma_start3A_773] : memref<10000x128xf32, #tpu.memory_space<vmem_shared>> -> memref<10000x128xf32, #tpu.memory_space<vmem_shared>>
      tpu.enqueue_indirect_dma source(%arg10 : memref<80x128xf32, #tpu.memory_space<vmem>>) target(%dma_start3A_774 : memref<10000x128xf32, #tpu.memory_space<vmem_shared>>) offsets(%dma_start3A_771 : memref<80xi32, #tpu.memory_space<vmem>>) semaphore(%arg16 : memref<!tpu.dma_semaphore, #tpu.memory_space<semaphore_mem>>) {add = true}
    }
    %scan3A_165 = arith.constant 41 : i32
    %dma_wait3A_166 = arith.constant 122 : i32
    %dma_wait3A_167 = arith.constant 0 : i32
    %dma_wait3A_168 = tpu.memref_slice %arg7[%dma_wait3A_166, %dma_wait3A_167] : memref<125x80xi32, #tpu.memory_space<vmem>> -> memref<1x80xi32, #tpu.memory_space<vmem>>
    %dma_wait3A_169 = tpu.memref_squeeze %dma_wait3A_168 : memref<1x80xi32, #tpu.memory_space<vmem>> -> memref<80xi32, #tpu.memory_space<vmem>>
    %dma_wait3A_170 = arith.constant 0 : i32
    %dma_wait3A_171 = arith.constant 0 : i32
    %dma_wait3A_172 = tpu.memref_slice %arg17[%dma_wait3A_170, %dma_wait3A_171] : memref<10000x128xf32, #tpu.memory_space<vmem_shared>> -> memref<10000x128xf32, #tpu.memory_space<vmem_shared>>
    tpu.wait_indirect_dma semaphore(%arg16 : memref<!tpu.dma_semaphore, #tpu.memory_space<semaphore_mem>>) src(%arg10 : memref<80x128xf32, #tpu.memory_space<vmem>>) dst(%dma_wait3A_172 : memref<10000x128xf32, #tpu.memory_space<vmem_shared>>)
    %dma_wait3A_173 = arith.constant 123 : i32
    %dma_wait3A_174 = arith.constant 0 : i32
    %dma_wait3A_175 = tpu.memref_slice %arg6[%dma_wait3A_173, %dma_wait3A_174] : memref<125x80xi32, #tpu.memory_space<vmem>> -> memref<1x80xi32, #tpu.memory_space<vmem>>
    %dma_wait3A_176 = tpu.memref_squeeze %dma_wait3A_175 : memref<1x80xi32, #tpu.memory_space<vmem>> -> memref<80xi32, #tpu.memory_space<vmem>>
    %dma_wait3A_177 = arith.constant 0 : i32
    %dma_wait3A_178 = arith.constant 0 : i32
    %dma_wait3A_179 = tpu.memref_slice %arg2[%dma_wait3A_177, %dma_wait3A_178] : memref<10000x128xf32, #tpu.memory_space<hbm>> -> memref<10000x128xf32, #tpu.memory_space<hbm>>
    tpu.wait_indirect_dma semaphore(%arg11 : memref<!tpu.dma_semaphore, #tpu.memory_space<semaphore_mem>>) src(%dma_wait3A_179 : memref<10000x128xf32, #tpu.memory_space<hbm>>) dst(%arg8 : memref<80x128xf32, #tpu.memory_space<vmem>>)
    %dma_start3A_180 = arith.constant 123 : i32
    %dma_start3A_181 = arith.constant 0 : i32
    %dma_start3A_182 = tpu.memref_slice %arg7[%dma_start3A_180, %dma_start3A_181] : memref<125x80xi32, #tpu.memory_space<vmem>> -> memref<1x80xi32, #tpu.memory_space<vmem>>
    %dma_start3A_183 = tpu.memref_squeeze %dma_start3A_182 : memref<1x80xi32, #tpu.memory_space<vmem>> -> memref<80xi32, #tpu.memory_space<vmem>>
    %dma_start3A_184 = arith.constant 0 : i32
    %dma_start3A_185 = arith.constant 0 : i32
    %dma_start3A_186 = tpu.memref_slice %arg17[%dma_start3A_184, %dma_start3A_185] : memref<10000x128xf32, #tpu.memory_space<vmem_shared>> -> memref<10000x128xf32, #tpu.memory_space<vmem_shared>>
    tpu.enqueue_indirect_dma source(%arg8 : memref<80x128xf32, #tpu.memory_space<vmem>>) target(%dma_start3A_186 : memref<10000x128xf32, #tpu.memory_space<vmem_shared>>) offsets(%dma_start3A_183 : memref<80xi32, #tpu.memory_space<vmem>>) semaphore(%arg14 : memref<!tpu.dma_semaphore, #tpu.memory_space<semaphore_mem>>) {add = true}
    %dma_wait3A_187 = arith.constant 123 : i32
    %dma_wait3A_188 = arith.constant 0 : i32
    %dma_wait3A_189 = tpu.memref_slice %arg7[%dma_wait3A_187, %dma_wait3A_188] : memref<125x80xi32, #tpu.memory_space<vmem>> -> memref<1x80xi32, #tpu.memory_space<vmem>>
    %dma_wait3A_190 = tpu.memref_squeeze %dma_wait3A_189 : memref<1x80xi32, #tpu.memory_space<vmem>> -> memref<80xi32, #tpu.memory_space<vmem>>
    %dma_wait3A_191 = arith.constant 0 : i32
    %dma_wait3A_192 = arith.constant 0 : i32
    %dma_wait3A_193 = tpu.memref_slice %arg17[%dma_wait3A_191, %dma_wait3A_192] : memref<10000x128xf32, #tpu.memory_space<vmem_shared>> -> memref<10000x128xf32, #tpu.memory_space<vmem_shared>>
    tpu.wait_indirect_dma semaphore(%arg14 : memref<!tpu.dma_semaphore, #tpu.memory_space<semaphore_mem>>) src(%arg8 : memref<80x128xf32, #tpu.memory_space<vmem>>) dst(%dma_wait3A_193 : memref<10000x128xf32, #tpu.memory_space<vmem_shared>>)
    %dma_wait3A_194 = arith.constant 124 : i32
    %dma_wait3A_195 = arith.constant 0 : i32
    %dma_wait3A_196 = tpu.memref_slice %arg6[%dma_wait3A_194, %dma_wait3A_195] : memref<125x80xi32, #tpu.memory_space<vmem>> -> memref<1x80xi32, #tpu.memory_space<vmem>>
    %dma_wait3A_197 = tpu.memref_squeeze %dma_wait3A_196 : memref<1x80xi32, #tpu.memory_space<vmem>> -> memref<80xi32, #tpu.memory_space<vmem>>
    %dma_wait3A_198 = arith.constant 0 : i32
    %dma_wait3A_199 = arith.constant 0 : i32
    %dma_wait3A_200 = tpu.memref_slice %arg2[%dma_wait3A_198, %dma_wait3A_199] : memref<10000x128xf32, #tpu.memory_space<hbm>> -> memref<10000x128xf32, #tpu.memory_space<hbm>>
    tpu.wait_indirect_dma semaphore(%arg12 : memref<!tpu.dma_semaphore, #tpu.memory_space<semaphore_mem>>) src(%dma_wait3A_200 : memref<10000x128xf32, #tpu.memory_space<hbm>>) dst(%arg9 : memref<80x128xf32, #tpu.memory_space<vmem>>)
    %dma_start3A_201 = arith.constant 124 : i32
    %dma_start3A_202 = arith.constant 0 : i32
    %dma_start3A_203 = tpu.memref_slice %arg7[%dma_start3A_201, %dma_start3A_202] : memref<125x80xi32, #tpu.memory_space<vmem>> -> memref<1x80xi32, #tpu.memory_space<vmem>>
    %dma_start3A_204 = tpu.memref_squeeze %dma_start3A_203 : memref<1x80xi32, #tpu.memory_space<vmem>> -> memref<80xi32, #tpu.memory_space<vmem>>
    %dma_start3A_205 = arith.constant 0 : i32
    %dma_start3A_206 = arith.constant 0 : i32
    %dma_start3A_207 = tpu.memref_slice %arg17[%dma_start3A_205, %dma_start3A_206] : memref<10000x128xf32, #tpu.memory_space<vmem_shared>> -> memref<10000x128xf32, #tpu.memory_space<vmem_shared>>
    tpu.enqueue_indirect_dma source(%arg9 : memref<80x128xf32, #tpu.memory_space<vmem>>) target(%dma_start3A_207 : memref<10000x128xf32, #tpu.memory_space<vmem_shared>>) offsets(%dma_start3A_204 : memref<80xi32, #tpu.memory_space<vmem>>) semaphore(%arg15 : memref<!tpu.dma_semaphore, #tpu.memory_space<semaphore_mem>>) {add = true}
    %dma_wait3A_208 = arith.constant 124 : i32
    %dma_wait3A_209 = arith.constant 0 : i32
    %dma_wait3A_210 = tpu.memref_slice %arg7[%dma_wait3A_208, %dma_wait3A_209] : memref<125x80xi32, #tpu.memory_space<vmem>> -> memref<1x80xi32, #tpu.memory_space<vmem>>
    %dma_wait3A_211 = tpu.memref_squeeze %dma_wait3A_210 : memref<1x80xi32, #tpu.memory_space<vmem>> -> memref<80xi32, #tpu.memory_space<vmem>>
    %dma_wait3A_212 = arith.constant 0 : i32
    %dma_wait3A_213 = arith.constant 0 : i32
    %dma_wait3A_214 = tpu.memref_slice %arg17[%dma_wait3A_212, %dma_wait3A_213] : memref<10000x128xf32, #tpu.memory_space<vmem_shared>> -> memref<10000x128xf32, #tpu.memory_space<vmem_shared>>
    tpu.wait_indirect_dma semaphore(%arg15 : memref<!tpu.dma_semaphore, #tpu.memory_space<semaphore_mem>>) src(%arg9 : memref<80x128xf32, #tpu.memory_space<vmem>>) dst(%dma_wait3A_214 : memref<10000x128xf32, #tpu.memory_space<vmem_shared>>)
    %barrier3A_215 = arith.constant 0 : index
    tpu.barrier barrier_id(%barrier3A_215)
    %mul3A_216 = arith.constant 625 : i32
    %mul3A_217 = arith.muli %arg1, %mul3A_216 : i32
    %add3A_218 = arith.constant 0 : i32
    %add3A_219 = arith.addi %mul3A_217, %add3A_218 : i32
    %dma_start3A_220 = arith.constant 0 : i32
    %dma_start3A_221 = arith.constant 0 : i32
    %dma_start3A_222 = tpu.memref_slice %arg8[%dma_start3A_220, %dma_start3A_221] : memref<80x128xf32, #tpu.memory_space<vmem>> -> memref<80x128xf32, #tpu.memory_space<vmem>>
    %dma_start3A_223 = arith.constant 0 : i32
    %dma_start3A_224 = tpu.memref_slice %arg17[%add3A_219, %dma_start3A_223] : memref<10000x128xf32, #tpu.memory_space<vmem_shared>> -> memref<80x128xf32, #tpu.memory_space<vmem_shared>>
    %dma_start3A_225 = arith.constant 0 : i32
    %dma_start3A_226 = arith.constant 0 : i32
    %dma_start3A_227 = tpu.memref_slice %arg8[%dma_start3A_225, %dma_start3A_226] : memref<80x128xf32, #tpu.memory_space<vmem>> -> memref<80x128xf32, #tpu.memory_space<vmem>>
    %dma_start3A_228 = arith.constant 0 : i32
    %dma_start3A_229 = tpu.memref_slice %arg17[%add3A_219, %dma_start3A_228] : memref<10000x128xf32, #tpu.memory_space<vmem_shared>> -> memref<80x128xf32, #tpu.memory_space<vmem_shared>>
    tpu.enqueue_dma source(%dma_start3A_229 : memref<80x128xf32, #tpu.memory_space<vmem_shared>>) target(%dma_start3A_227 : memref<80x128xf32, #tpu.memory_space<vmem>>) target_semaphore(%arg11 : memref<!tpu.dma_semaphore, #tpu.memory_space<semaphore_mem>>)
    %mul3A_230 = arith.constant 625 : i32
    %mul3A_231 = arith.muli %arg1, %mul3A_230 : i32
    %add3A_232 = arith.constant 0 : i32
    %add3A_233 = arith.addi %mul3A_231, %add3A_232 : i32
    %dma_wait3A_234 = arith.constant 0 : i32
    %dma_wait3A_235 = arith.constant 0 : i32
    %dma_wait3A_236 = tpu.memref_slice %arg8[%dma_wait3A_234, %dma_wait3A_235] : memref<80x128xf32, #tpu.memory_space<vmem>> -> memref<80x128xf32, #tpu.memory_space<vmem>>
    %dma_wait3A_237 = arith.constant 0 : i32
    %dma_wait3A_238 = tpu.memref_slice %arg17[%add3A_233, %dma_wait3A_237] : memref<10000x128xf32, #tpu.memory_space<vmem_shared>> -> memref<80x128xf32, #tpu.memory_space<vmem_shared>>
    %dma_wait3A_239 = arith.constant 0 : i32
    %dma_wait3A_240 = arith.constant 0 : i32
    %dma_wait3A_241 = tpu.memref_slice %arg8[%dma_wait3A_239, %dma_wait3A_240] : memref<80x128xf32, #tpu.memory_space<vmem>> -> memref<80x128xf32, #tpu.memory_space<vmem>>
    %dma_wait3A_242 = arith.constant 0 : i32
    %dma_wait3A_243 = tpu.memref_slice %arg17[%add3A_233, %dma_wait3A_242] : memref<10000x128xf32, #tpu.memory_space<vmem_shared>> -> memref<80x128xf32, #tpu.memory_space<vmem_shared>>
    tpu.wait_dma2 semaphore(%arg11 : memref<!tpu.dma_semaphore, #tpu.memory_space<semaphore_mem>>) src(%dma_wait3A_243 : memref<80x128xf32, #tpu.memory_space<vmem_shared>>) dst(%dma_wait3A_241 : memref<80x128xf32, #tpu.memory_space<vmem>>)
    %mul3A_244 = arith.constant 625 : i32
    %mul3A_245 = arith.muli %arg1, %mul3A_244 : i32
    %add3A_246 = arith.constant 0 : i32
    %add3A_247 = arith.addi %mul3A_245, %add3A_246 : i32
    %dma_start3A_248 = arith.constant 0 : i32
    %dma_start3A_249 = arith.constant 0 : i32
    %dma_start3A_250 = tpu.memref_slice %arg8[%dma_start3A_248, %dma_start3A_249] : memref<80x128xf32, #tpu.memory_space<vmem>> -> memref<80x128xf32, #tpu.memory_space<vmem>>
    %dma_start3A_251 = arith.constant 0 : i32
    %dma_start3A_252 = tpu.memref_slice %arg5[%arg0, %add3A_247, %dma_start3A_251] : memref<2x10000x128xf32, #tpu.memory_space<hbm>> -> memref<1x80x128xf32, #tpu.memory_space<hbm>>
    %dma_start3A_253 = tpu.memref_squeeze %dma_start3A_252 : memref<1x80x128xf32, #tpu.memory_space<hbm>> -> memref<80x128xf32, #tpu.memory_space<hbm>>
    %dma_start3A_254 = arith.constant 0 : i32
    %dma_start3A_255 = tpu.memref_slice %arg5[%arg0, %add3A_247, %dma_start3A_254] : memref<2x10000x128xf32, #tpu.memory_space<hbm>> -> memref<1x80x128xf32, #tpu.memory_space<hbm>>
    %dma_start3A_256 = tpu.memref_squeeze %dma_start3A_255 : memref<1x80x128xf32, #tpu.memory_space<hbm>> -> memref<80x128xf32, #tpu.memory_space<hbm>>
    %dma_start3A_257 = arith.constant 0 : i32
    %dma_start3A_258 = arith.constant 0 : i32
    %dma_start3A_259 = tpu.memref_slice %arg8[%dma_start3A_257, %dma_start3A_258] : memref<80x128xf32, #tpu.memory_space<vmem>> -> memref<80x128xf32, #tpu.memory_space<vmem>>
    tpu.enqueue_dma source(%dma_start3A_259 : memref<80x128xf32, #tpu.memory_space<vmem>>) target(%dma_start3A_256 : memref<80x128xf32, #tpu.memory_space<hbm>>) target_semaphore(%arg14 : memref<!tpu.dma_semaphore, #tpu.memory_space<semaphore_mem>>)
    %mul3A_260 = arith.constant 625 : i32
    %mul3A_261 = arith.muli %arg1, %mul3A_260 : i32
    %add3A_262 = arith.constant 80 : i32
    %add3A_263 = arith.addi %mul3A_261, %add3A_262 : i32
    %dma_start3A_264 = arith.constant 0 : i32
    %dma_start3A_265 = arith.constant 0 : i32
    %dma_start3A_266 = tpu.memref_slice %arg9[%dma_start3A_264, %dma_start3A_265] : memref<80x128xf32, #tpu.memory_space<vmem>> -> memref<80x128xf32, #tpu.memory_space<vmem>>
    %dma_start3A_267 = arith.constant 0 : i32
    %dma_start3A_268 = tpu.memref_slice %arg17[%add3A_263, %dma_start3A_267] : memref<10000x128xf32, #tpu.memory_space<vmem_shared>> -> memref<80x128xf32, #tpu.memory_space<vmem_shared>>
    %dma_start3A_269 = arith.constant 0 : i32
    %dma_start3A_270 = arith.constant 0 : i32
    %dma_start3A_271 = tpu.memref_slice %arg9[%dma_start3A_269, %dma_start3A_270] : memref<80x128xf32, #tpu.memory_space<vmem>> -> memref<80x128xf32, #tpu.memory_space<vmem>>
    %dma_start3A_272 = arith.constant 0 : i32
    %dma_start3A_273 = tpu.memref_slice %arg17[%add3A_263, %dma_start3A_272] : memref<10000x128xf32, #tpu.memory_space<vmem_shared>> -> memref<80x128xf32, #tpu.memory_space<vmem_shared>>
    tpu.enqueue_dma source(%dma_start3A_273 : memref<80x128xf32, #tpu.memory_space<vmem_shared>>) target(%dma_start3A_271 : memref<80x128xf32, #tpu.memory_space<vmem>>) target_semaphore(%arg12 : memref<!tpu.dma_semaphore, #tpu.memory_space<semaphore_mem>>)
    %mul3A_274 = arith.constant 625 : i32
    %mul3A_275 = arith.muli %arg1, %mul3A_274 : i32
    %add3A_276 = arith.constant 80 : i32
    %add3A_277 = arith.addi %mul3A_275, %add3A_276 : i32
    %dma_wait3A_278 = arith.constant 0 : i32
    %dma_wait3A_279 = arith.constant 0 : i32
    %dma_wait3A_280 = tpu.memref_slice %arg9[%dma_wait3A_278, %dma_wait3A_279] : memref<80x128xf32, #tpu.memory_space<vmem>> -> memref<80x128xf32, #tpu.memory_space<vmem>>
    %dma_wait3A_281 = arith.constant 0 : i32
    %dma_wait3A_282 = tpu.memref_slice %arg17[%add3A_277, %dma_wait3A_281] : memref<10000x128xf32, #tpu.memory_space<vmem_shared>> -> memref<80x128xf32, #tpu.memory_space<vmem_shared>>
    %dma_wait3A_283 = arith.constant 0 : i32
    %dma_wait3A_284 = arith.constant 0 : i32
    %dma_wait3A_285 = tpu.memref_slice %arg9[%dma_wait3A_283, %dma_wait3A_284] : memref<80x128xf32, #tpu.memory_space<vmem>> -> memref<80x128xf32, #tpu.memory_space<vmem>>
    %dma_wait3A_286 = arith.constant 0 : i32
    %dma_wait3A_287 = tpu.memref_slice %arg17[%add3A_277, %dma_wait3A_286] : memref<10000x128xf32, #tpu.memory_space<vmem_shared>> -> memref<80x128xf32, #tpu.memory_space<vmem_shared>>
    tpu.wait_dma2 semaphore(%arg12 : memref<!tpu.dma_semaphore, #tpu.memory_space<semaphore_mem>>) src(%dma_wait3A_287 : memref<80x128xf32, #tpu.memory_space<vmem_shared>>) dst(%dma_wait3A_285 : memref<80x128xf32, #tpu.memory_space<vmem>>)
    %mul3A_288 = arith.constant 625 : i32
    %mul3A_289 = arith.muli %arg1, %mul3A_288 : i32
    %add3A_290 = arith.constant 80 : i32
    %add3A_291 = arith.addi %mul3A_289, %add3A_290 : i32
    %dma_start3A_292 = arith.constant 0 : i32
    %dma_start3A_293 = arith.constant 0 : i32
    %dma_start3A_294 = tpu.memref_slice %arg9[%dma_start3A_292, %dma_start3A_293] : memref<80x128xf32, #tpu.memory_space<vmem>> -> memref<80x128xf32, #tpu.memory_space<vmem>>
    %dma_start3A_295 = arith.constant 0 : i32
    %dma_start3A_296 = tpu.memref_slice %arg5[%arg0, %add3A_291, %dma_start3A_295] : memref<2x10000x128xf32, #tpu.memory_space<hbm>> -> memref<1x80x128xf32, #tpu.memory_space<hbm>>
    %dma_start3A_297 = tpu.memref_squeeze %dma_start3A_296 : memref<1x80x128xf32, #tpu.memory_space<hbm>> -> memref<80x128xf32, #tpu.memory_space<hbm>>
    %dma_start3A_298 = arith.constant 0 : i32
    %dma_start3A_299 = tpu.memref_slice %arg5[%arg0, %add3A_291, %dma_start3A_298] : memref<2x10000x128xf32, #tpu.memory_space<hbm>> -> memref<1x80x128xf32, #tpu.memory_space<hbm>>
    %dma_start3A_300 = tpu.memref_squeeze %dma_start3A_299 : memref<1x80x128xf32, #tpu.memory_space<hbm>> -> memref<80x128xf32, #tpu.memory_space<hbm>>
    %dma_start3A_301 = arith.constant 0 : i32
    %dma_start3A_302 = arith.constant 0 : i32
    %dma_start3A_303 = tpu.memref_slice %arg9[%dma_start3A_301, %dma_start3A_302] : memref<80x128xf32, #tpu.memory_space<vmem>> -> memref<80x128xf32, #tpu.memory_space<vmem>>
    tpu.enqueue_dma source(%dma_start3A_303 : memref<80x128xf32, #tpu.memory_space<vmem>>) target(%dma_start3A_300 : memref<80x128xf32, #tpu.memory_space<hbm>>) target_semaphore(%arg15 : memref<!tpu.dma_semaphore, #tpu.memory_space<semaphore_mem>>)
    %mul3A_304 = arith.constant 625 : i32
    %mul3A_305 = arith.muli %arg1, %mul3A_304 : i32
    %add3A_306 = arith.constant 160 : i32
    %add3A_307 = arith.addi %mul3A_305, %add3A_306 : i32
    %dma_start3A_308 = arith.constant 0 : i32
    %dma_start3A_309 = arith.constant 0 : i32
    %dma_start3A_310 = tpu.memref_slice %arg10[%dma_start3A_308, %dma_start3A_309] : memref<80x128xf32, #tpu.memory_space<vmem>> -> memref<80x128xf32, #tpu.memory_space<vmem>>
    %dma_start3A_311 = arith.constant 0 : i32
    %dma_start3A_312 = tpu.memref_slice %arg17[%add3A_307, %dma_start3A_311] : memref<10000x128xf32, #tpu.memory_space<vmem_shared>> -> memref<80x128xf32, #tpu.memory_space<vmem_shared>>
    %dma_start3A_313 = arith.constant 0 : i32
    %dma_start3A_314 = arith.constant 0 : i32
    %dma_start3A_315 = tpu.memref_slice %arg10[%dma_start3A_313, %dma_start3A_314] : memref<80x128xf32, #tpu.memory_space<vmem>> -> memref<80x128xf32, #tpu.memory_space<vmem>>
    %dma_start3A_316 = arith.constant 0 : i32
    %dma_start3A_317 = tpu.memref_slice %arg17[%add3A_307, %dma_start3A_316] : memref<10000x128xf32, #tpu.memory_space<vmem_shared>> -> memref<80x128xf32, #tpu.memory_space<vmem_shared>>
    tpu.enqueue_dma source(%dma_start3A_317 : memref<80x128xf32, #tpu.memory_space<vmem_shared>>) target(%dma_start3A_315 : memref<80x128xf32, #tpu.memory_space<vmem>>) target_semaphore(%arg13 : memref<!tpu.dma_semaphore, #tpu.memory_space<semaphore_mem>>)
    %mul3A_318 = arith.constant 625 : i32
    %mul3A_319 = arith.muli %arg1, %mul3A_318 : i32
    %add3A_320 = arith.constant 160 : i32
    %add3A_321 = arith.addi %mul3A_319, %add3A_320 : i32
    %dma_wait3A_322 = arith.constant 0 : i32
    %dma_wait3A_323 = arith.constant 0 : i32
    %dma_wait3A_324 = tpu.memref_slice %arg10[%dma_wait3A_322, %dma_wait3A_323] : memref<80x128xf32, #tpu.memory_space<vmem>> -> memref<80x128xf32, #tpu.memory_space<vmem>>
    %dma_wait3A_325 = arith.constant 0 : i32
    %dma_wait3A_326 = tpu.memref_slice %arg17[%add3A_321, %dma_wait3A_325] : memref<10000x128xf32, #tpu.memory_space<vmem_shared>> -> memref<80x128xf32, #tpu.memory_space<vmem_shared>>
    %dma_wait3A_327 = arith.constant 0 : i32
    %dma_wait3A_328 = arith.constant 0 : i32
    %dma_wait3A_329 = tpu.memref_slice %arg10[%dma_wait3A_327, %dma_wait3A_328] : memref<80x128xf32, #tpu.memory_space<vmem>> -> memref<80x128xf32, #tpu.memory_space<vmem>>
    %dma_wait3A_330 = arith.constant 0 : i32
    %dma_wait3A_331 = tpu.memref_slice %arg17[%add3A_321, %dma_wait3A_330] : memref<10000x128xf32, #tpu.memory_space<vmem_shared>> -> memref<80x128xf32, #tpu.memory_space<vmem_shared>>
    tpu.wait_dma2 semaphore(%arg13 : memref<!tpu.dma_semaphore, #tpu.memory_space<semaphore_mem>>) src(%dma_wait3A_331 : memref<80x128xf32, #tpu.memory_space<vmem_shared>>) dst(%dma_wait3A_329 : memref<80x128xf32, #tpu.memory_space<vmem>>)
    %mul3A_332 = arith.constant 625 : i32
    %mul3A_333 = arith.muli %arg1, %mul3A_332 : i32
    %add3A_334 = arith.constant 160 : i32
    %add3A_335 = arith.addi %mul3A_333, %add3A_334 : i32
    %dma_start3A_336 = arith.constant 0 : i32
    %dma_start3A_337 = arith.constant 0 : i32
    %dma_start3A_338 = tpu.memref_slice %arg10[%dma_start3A_336, %dma_start3A_337] : memref<80x128xf32, #tpu.memory_space<vmem>> -> memref<80x128xf32, #tpu.memory_space<vmem>>
    %dma_start3A_339 = arith.constant 0 : i32
    %dma_start3A_340 = tpu.memref_slice %arg5[%arg0, %add3A_335, %dma_start3A_339] : memref<2x10000x128xf32, #tpu.memory_space<hbm>> -> memref<1x80x128xf32, #tpu.memory_space<hbm>>
    %dma_start3A_341 = tpu.memref_squeeze %dma_start3A_340 : memref<1x80x128xf32, #tpu.memory_space<hbm>> -> memref<80x128xf32, #tpu.memory_space<hbm>>
    %dma_start3A_342 = arith.constant 0 : i32
    %dma_start3A_343 = tpu.memref_slice %arg5[%arg0, %add3A_335, %dma_start3A_342] : memref<2x10000x128xf32, #tpu.memory_space<hbm>> -> memref<1x80x128xf32, #tpu.memory_space<hbm>>
    %dma_start3A_344 = tpu.memref_squeeze %dma_start3A_343 : memref<1x80x128xf32, #tpu.memory_space<hbm>> -> memref<80x128xf32, #tpu.memory_space<hbm>>
    %dma_start3A_345 = arith.constant 0 : i32
    %dma_start3A_346 = arith.constant 0 : i32
    %dma_start3A_347 = tpu.memref_slice %arg10[%dma_start3A_345, %dma_start3A_346] : memref<80x128xf32, #tpu.memory_space<vmem>> -> memref<80x128xf32, #tpu.memory_space<vmem>>
    tpu.enqueue_dma source(%dma_start3A_347 : memref<80x128xf32, #tpu.memory_space<vmem>>) target(%dma_start3A_344 : memref<80x128xf32, #tpu.memory_space<hbm>>) target_semaphore(%arg16 : memref<!tpu.dma_semaphore, #tpu.memory_space<semaphore_mem>>)
    %mul3A_348 = arith.constant 625 : i32
    %mul3A_349 = arith.muli %arg1, %mul3A_348 : i32
    %add3A_350 = arith.constant 0 : i32
    %add3A_351 = arith.addi %mul3A_349, %add3A_350 : i32
    %dma_wait3A_352 = arith.constant 0 : i32
    %dma_wait3A_353 = arith.constant 0 : i32
    %dma_wait3A_354 = tpu.memref_slice %arg8[%dma_wait3A_352, %dma_wait3A_353] : memref<80x128xf32, #tpu.memory_space<vmem>> -> memref<80x128xf32, #tpu.memory_space<vmem>>
    %dma_wait3A_355 = arith.constant 0 : i32
    %dma_wait3A_356 = tpu.memref_slice %arg5[%arg0, %add3A_351, %dma_wait3A_355] : memref<2x10000x128xf32, #tpu.memory_space<hbm>> -> memref<1x80x128xf32, #tpu.memory_space<hbm>>
    %dma_wait3A_357 = tpu.memref_squeeze %dma_wait3A_356 : memref<1x80x128xf32, #tpu.memory_space<hbm>> -> memref<80x128xf32, #tpu.memory_space<hbm>>
    %dma_wait3A_358 = arith.constant 0 : i32
    %dma_wait3A_359 = tpu.memref_slice %arg5[%arg0, %add3A_351, %dma_wait3A_358] : memref<2x10000x128xf32, #tpu.memory_space<hbm>> -> memref<1x80x128xf32, #tpu.memory_space<hbm>>
    %dma_wait3A_360 = tpu.memref_squeeze %dma_wait3A_359 : memref<1x80x128xf32, #tpu.memory_space<hbm>> -> memref<80x128xf32, #tpu.memory_space<hbm>>
    %dma_wait3A_361 = arith.constant 0 : i32
    %dma_wait3A_362 = arith.constant 0 : i32
    %dma_wait3A_363 = tpu.memref_slice %arg8[%dma_wait3A_361, %dma_wait3A_362] : memref<80x128xf32, #tpu.memory_space<vmem>> -> memref<80x128xf32, #tpu.memory_space<vmem>>
    tpu.wait_dma2 semaphore(%arg14 : memref<!tpu.dma_semaphore, #tpu.memory_space<semaphore_mem>>) src(%dma_wait3A_363 : memref<80x128xf32, #tpu.memory_space<vmem>>) dst(%dma_wait3A_360 : memref<80x128xf32, #tpu.memory_space<hbm>>)
    %mul3A_364 = arith.constant 625 : i32
    %mul3A_365 = arith.muli %arg1, %mul3A_364 : i32
    %add3A_366 = arith.constant 240 : i32
    %add3A_367 = arith.addi %mul3A_365, %add3A_366 : i32
    %dma_start3A_368 = arith.constant 0 : i32
    %dma_start3A_369 = arith.constant 0 : i32
    %dma_start3A_370 = tpu.memref_slice %arg8[%dma_start3A_368, %dma_start3A_369] : memref<80x128xf32, #tpu.memory_space<vmem>> -> memref<80x128xf32, #tpu.memory_space<vmem>>
    %dma_start3A_371 = arith.constant 0 : i32
    %dma_start3A_372 = tpu.memref_slice %arg17[%add3A_367, %dma_start3A_371] : memref<10000x128xf32, #tpu.memory_space<vmem_shared>> -> memref<80x128xf32, #tpu.memory_space<vmem_shared>>
    %dma_start3A_373 = arith.constant 0 : i32
    %dma_start3A_374 = arith.constant 0 : i32
    %dma_start3A_375 = tpu.memref_slice %arg8[%dma_start3A_373, %dma_start3A_374] : memref<80x128xf32, #tpu.memory_space<vmem>> -> memref<80x128xf32, #tpu.memory_space<vmem>>
    %dma_start3A_376 = arith.constant 0 : i32
    %dma_start3A_377 = tpu.memref_slice %arg17[%add3A_367, %dma_start3A_376] : memref<10000x128xf32, #tpu.memory_space<vmem_shared>> -> memref<80x128xf32, #tpu.memory_space<vmem_shared>>
    tpu.enqueue_dma source(%dma_start3A_377 : memref<80x128xf32, #tpu.memory_space<vmem_shared>>) target(%dma_start3A_375 : memref<80x128xf32, #tpu.memory_space<vmem>>) target_semaphore(%arg11 : memref<!tpu.dma_semaphore, #tpu.memory_space<semaphore_mem>>)
    %mul3A_378 = arith.constant 625 : i32
    %mul3A_379 = arith.muli %arg1, %mul3A_378 : i32
    %add3A_380 = arith.constant 240 : i32
    %add3A_381 = arith.addi %mul3A_379, %add3A_380 : i32
    %dma_wait3A_382 = arith.constant 0 : i32
    %dma_wait3A_383 = arith.constant 0 : i32
    %dma_wait3A_384 = tpu.memref_slice %arg8[%dma_wait3A_382, %dma_wait3A_383] : memref<80x128xf32, #tpu.memory_space<vmem>> -> memref<80x128xf32, #tpu.memory_space<vmem>>
    %dma_wait3A_385 = arith.constant 0 : i32
    %dma_wait3A_386 = tpu.memref_slice %arg17[%add3A_381, %dma_wait3A_385] : memref<10000x128xf32, #tpu.memory_space<vmem_shared>> -> memref<80x128xf32, #tpu.memory_space<vmem_shared>>
    %dma_wait3A_387 = arith.constant 0 : i32
    %dma_wait3A_388 = arith.constant 0 : i32
    %dma_wait3A_389 = tpu.memref_slice %arg8[%dma_wait3A_387, %dma_wait3A_388] : memref<80x128xf32, #tpu.memory_space<vmem>> -> memref<80x128xf32, #tpu.memory_space<vmem>>
    %dma_wait3A_390 = arith.constant 0 : i32
    %dma_wait3A_391 = tpu.memref_slice %arg17[%add3A_381, %dma_wait3A_390] : memref<10000x128xf32, #tpu.memory_space<vmem_shared>> -> memref<80x128xf32, #tpu.memory_space<vmem_shared>>
    tpu.wait_dma2 semaphore(%arg11 : memref<!tpu.dma_semaphore, #tpu.memory_space<semaphore_mem>>) src(%dma_wait3A_391 : memref<80x128xf32, #tpu.memory_space<vmem_shared>>) dst(%dma_wait3A_389 : memref<80x128xf32, #tpu.memory_space<vmem>>)
    %mul3A_392 = arith.constant 625 : i32
    %mul3A_393 = arith.muli %arg1, %mul3A_392 : i32
    %add3A_394 = arith.constant 240 : i32
    %add3A_395 = arith.addi %mul3A_393, %add3A_394 : i32
    %dma_start3A_396 = arith.constant 0 : i32
    %dma_start3A_397 = arith.constant 0 : i32
    %dma_start3A_398 = tpu.memref_slice %arg8[%dma_start3A_396, %dma_start3A_397] : memref<80x128xf32, #tpu.memory_space<vmem>> -> memref<80x128xf32, #tpu.memory_space<vmem>>
    %dma_start3A_399 = arith.constant 0 : i32
    %dma_start3A_400 = tpu.memref_slice %arg5[%arg0, %add3A_395, %dma_start3A_399] : memref<2x10000x128xf32, #tpu.memory_space<hbm>> -> memref<1x80x128xf32, #tpu.memory_space<hbm>>
    %dma_start3A_401 = tpu.memref_squeeze %dma_start3A_400 : memref<1x80x128xf32, #tpu.memory_space<hbm>> -> memref<80x128xf32, #tpu.memory_space<hbm>>
    %dma_start3A_402 = arith.constant 0 : i32
    %dma_start3A_403 = tpu.memref_slice %arg5[%arg0, %add3A_395, %dma_start3A_402] : memref<2x10000x128xf32, #tpu.memory_space<hbm>> -> memref<1x80x128xf32, #tpu.memory_space<hbm>>
    %dma_start3A_404 = tpu.memref_squeeze %dma_start3A_403 : memref<1x80x128xf32, #tpu.memory_space<hbm>> -> memref<80x128xf32, #tpu.memory_space<hbm>>
    %dma_start3A_405 = arith.constant 0 : i32
    %dma_start3A_406 = arith.constant 0 : i32
    %dma_start3A_407 = tpu.memref_slice %arg8[%dma_start3A_405, %dma_start3A_406] : memref<80x128xf32, #tpu.memory_space<vmem>> -> memref<80x128xf32, #tpu.memory_space<vmem>>
    tpu.enqueue_dma source(%dma_start3A_407 : memref<80x128xf32, #tpu.memory_space<vmem>>) target(%dma_start3A_404 : memref<80x128xf32, #tpu.memory_space<hbm>>) target_semaphore(%arg14 : memref<!tpu.dma_semaphore, #tpu.memory_space<semaphore_mem>>)
    %mul3A_408 = arith.constant 625 : i32
    %mul3A_409 = arith.muli %arg1, %mul3A_408 : i32
    %add3A_410 = arith.constant 80 : i32
    %add3A_411 = arith.addi %mul3A_409, %add3A_410 : i32
    %dma_wait3A_412 = arith.constant 0 : i32
    %dma_wait3A_413 = arith.constant 0 : i32
    %dma_wait3A_414 = tpu.memref_slice %arg9[%dma_wait3A_412, %dma_wait3A_413] : memref<80x128xf32, #tpu.memory_space<vmem>> -> memref<80x128xf32, #tpu.memory_space<vmem>>
    %dma_wait3A_415 = arith.constant 0 : i32
    %dma_wait3A_416 = tpu.memref_slice %arg5[%arg0, %add3A_411, %dma_wait3A_415] : memref<2x10000x128xf32, #tpu.memory_space<hbm>> -> memref<1x80x128xf32, #tpu.memory_space<hbm>>
    %dma_wait3A_417 = tpu.memref_squeeze %dma_wait3A_416 : memref<1x80x128xf32, #tpu.memory_space<hbm>> -> memref<80x128xf32, #tpu.memory_space<hbm>>
    %dma_wait3A_418 = arith.constant 0 : i32
    %dma_wait3A_419 = tpu.memref_slice %arg5[%arg0, %add3A_411, %dma_wait3A_418] : memref<2x10000x128xf32, #tpu.memory_space<hbm>> -> memref<1x80x128xf32, #tpu.memory_space<hbm>>
    %dma_wait3A_420 = tpu.memref_squeeze %dma_wait3A_419 : memref<1x80x128xf32, #tpu.memory_space<hbm>> -> memref<80x128xf32, #tpu.memory_space<hbm>>
    %dma_wait3A_421 = arith.constant 0 : i32
    %dma_wait3A_422 = arith.constant 0 : i32
    %dma_wait3A_423 = tpu.memref_slice %arg9[%dma_wait3A_421, %dma_wait3A_422] : memref<80x128xf32, #tpu.memory_space<vmem>> -> memref<80x128xf32, #tpu.memory_space<vmem>>
    tpu.wait_dma2 semaphore(%arg15 : memref<!tpu.dma_semaphore, #tpu.memory_space<semaphore_mem>>) src(%dma_wait3A_423 : memref<80x128xf32, #tpu.memory_space<vmem>>) dst(%dma_wait3A_420 : memref<80x128xf32, #tpu.memory_space<hbm>>)
    %mul3A_424 = arith.constant 625 : i32
    %mul3A_425 = arith.muli %arg1, %mul3A_424 : i32
    %add3A_426 = arith.constant 320 : i32
    %add3A_427 = arith.addi %mul3A_425, %add3A_426 : i32
    %dma_start3A_428 = arith.constant 0 : i32
    %dma_start3A_429 = arith.constant 0 : i32
    %dma_start3A_430 = tpu.memref_slice %arg9[%dma_start3A_428, %dma_start3A_429] : memref<80x128xf32, #tpu.memory_space<vmem>> -> memref<80x128xf32, #tpu.memory_space<vmem>>
    %dma_start3A_431 = arith.constant 0 : i32
    %dma_start3A_432 = tpu.memref_slice %arg17[%add3A_427, %dma_start3A_431] : memref<10000x128xf32, #tpu.memory_space<vmem_shared>> -> memref<80x128xf32, #tpu.memory_space<vmem_shared>>
    %dma_start3A_433 = arith.constant 0 : i32
    %dma_start3A_434 = arith.constant 0 : i32
    %dma_start3A_435 = tpu.memref_slice %arg9[%dma_start3A_433, %dma_start3A_434] : memref<80x128xf32, #tpu.memory_space<vmem>> -> memref<80x128xf32, #tpu.memory_space<vmem>>
    %dma_start3A_436 = arith.constant 0 : i32
    %dma_start3A_437 = tpu.memref_slice %arg17[%add3A_427, %dma_start3A_436] : memref<10000x128xf32, #tpu.memory_space<vmem_shared>> -> memref<80x128xf32, #tpu.memory_space<vmem_shared>>
    tpu.enqueue_dma source(%dma_start3A_437 : memref<80x128xf32, #tpu.memory_space<vmem_shared>>) target(%dma_start3A_435 : memref<80x128xf32, #tpu.memory_space<vmem>>) target_semaphore(%arg12 : memref<!tpu.dma_semaphore, #tpu.memory_space<semaphore_mem>>)
    %mul3A_438 = arith.constant 625 : i32
    %mul3A_439 = arith.muli %arg1, %mul3A_438 : i32
    %add3A_440 = arith.constant 320 : i32
    %add3A_441 = arith.addi %mul3A_439, %add3A_440 : i32
    %dma_wait3A_442 = arith.constant 0 : i32
    %dma_wait3A_443 = arith.constant 0 : i32
    %dma_wait3A_444 = tpu.memref_slice %arg9[%dma_wait3A_442, %dma_wait3A_443] : memref<80x128xf32, #tpu.memory_space<vmem>> -> memref<80x128xf32, #tpu.memory_space<vmem>>
    %dma_wait3A_445 = arith.constant 0 : i32
    %dma_wait3A_446 = tpu.memref_slice %arg17[%add3A_441, %dma_wait3A_445] : memref<10000x128xf32, #tpu.memory_space<vmem_shared>> -> memref<80x128xf32, #tpu.memory_space<vmem_shared>>
    %dma_wait3A_447 = arith.constant 0 : i32
    %dma_wait3A_448 = arith.constant 0 : i32
    %dma_wait3A_449 = tpu.memref_slice %arg9[%dma_wait3A_447, %dma_wait3A_448] : memref<80x128xf32, #tpu.memory_space<vmem>> -> memref<80x128xf32, #tpu.memory_space<vmem>>
    %dma_wait3A_450 = arith.constant 0 : i32
    %dma_wait3A_451 = tpu.memref_slice %arg17[%add3A_441, %dma_wait3A_450] : memref<10000x128xf32, #tpu.memory_space<vmem_shared>> -> memref<80x128xf32, #tpu.memory_space<vmem_shared>>
    tpu.wait_dma2 semaphore(%arg12 : memref<!tpu.dma_semaphore, #tpu.memory_space<semaphore_mem>>) src(%dma_wait3A_451 : memref<80x128xf32, #tpu.memory_space<vmem_shared>>) dst(%dma_wait3A_449 : memref<80x128xf32, #tpu.memory_space<vmem>>)
    %mul3A_452 = arith.constant 625 : i32
    %mul3A_453 = arith.muli %arg1, %mul3A_452 : i32
    %add3A_454 = arith.constant 320 : i32
    %add3A_455 = arith.addi %mul3A_453, %add3A_454 : i32
    %dma_start3A_456 = arith.constant 0 : i32
    %dma_start3A_457 = arith.constant 0 : i32
    %dma_start3A_458 = tpu.memref_slice %arg9[%dma_start3A_456, %dma_start3A_457] : memref<80x128xf32, #tpu.memory_space<vmem>> -> memref<80x128xf32, #tpu.memory_space<vmem>>
    %dma_start3A_459 = arith.constant 0 : i32
    %dma_start3A_460 = tpu.memref_slice %arg5[%arg0, %add3A_455, %dma_start3A_459] : memref<2x10000x128xf32, #tpu.memory_space<hbm>> -> memref<1x80x128xf32, #tpu.memory_space<hbm>>
    %dma_start3A_461 = tpu.memref_squeeze %dma_start3A_460 : memref<1x80x128xf32, #tpu.memory_space<hbm>> -> memref<80x128xf32, #tpu.memory_space<hbm>>
    %dma_start3A_462 = arith.constant 0 : i32
    %dma_start3A_463 = tpu.memref_slice %arg5[%arg0, %add3A_455, %dma_start3A_462] : memref<2x10000x128xf32, #tpu.memory_space<hbm>> -> memref<1x80x128xf32, #tpu.memory_space<hbm>>
    %dma_start3A_464 = tpu.memref_squeeze %dma_start3A_463 : memref<1x80x128xf32, #tpu.memory_space<hbm>> -> memref<80x128xf32, #tpu.memory_space<hbm>>
    %dma_start3A_465 = arith.constant 0 : i32
    %dma_start3A_466 = arith.constant 0 : i32
    %dma_start3A_467 = tpu.memref_slice %arg9[%dma_start3A_465, %dma_start3A_466] : memref<80x128xf32, #tpu.memory_space<vmem>> -> memref<80x128xf32, #tpu.memory_space<vmem>>
    tpu.enqueue_dma source(%dma_start3A_467 : memref<80x128xf32, #tpu.memory_space<vmem>>) target(%dma_start3A_464 : memref<80x128xf32, #tpu.memory_space<hbm>>) target_semaphore(%arg15 : memref<!tpu.dma_semaphore, #tpu.memory_space<semaphore_mem>>)
    %mul3A_468 = arith.constant 625 : i32
    %mul3A_469 = arith.muli %arg1, %mul3A_468 : i32
    %add3A_470 = arith.constant 160 : i32
    %add3A_471 = arith.addi %mul3A_469, %add3A_470 : i32
    %dma_wait3A_472 = arith.constant 0 : i32
    %dma_wait3A_473 = arith.constant 0 : i32
    %dma_wait3A_474 = tpu.memref_slice %arg10[%dma_wait3A_472, %dma_wait3A_473] : memref<80x128xf32, #tpu.memory_space<vmem>> -> memref<80x128xf32, #tpu.memory_space<vmem>>
    %dma_wait3A_475 = arith.constant 0 : i32
    %dma_wait3A_476 = tpu.memref_slice %arg5[%arg0, %add3A_471, %dma_wait3A_475] : memref<2x10000x128xf32, #tpu.memory_space<hbm>> -> memref<1x80x128xf32, #tpu.memory_space<hbm>>
    %dma_wait3A_477 = tpu.memref_squeeze %dma_wait3A_476 : memref<1x80x128xf32, #tpu.memory_space<hbm>> -> memref<80x128xf32, #tpu.memory_space<hbm>>
    %dma_wait3A_478 = arith.constant 0 : i32
    %dma_wait3A_479 = tpu.memref_slice %arg5[%arg0, %add3A_471, %dma_wait3A_478] : memref<2x10000x128xf32, #tpu.memory_space<hbm>> -> memref<1x80x128xf32, #tpu.memory_space<hbm>>
    %dma_wait3A_480 = tpu.memref_squeeze %dma_wait3A_479 : memref<1x80x128xf32, #tpu.memory_space<hbm>> -> memref<80x128xf32, #tpu.memory_space<hbm>>
    %dma_wait3A_481 = arith.constant 0 : i32
    %dma_wait3A_482 = arith.constant 0 : i32
    %dma_wait3A_483 = tpu.memref_slice %arg10[%dma_wait3A_481, %dma_wait3A_482] : memref<80x128xf32, #tpu.memory_space<vmem>> -> memref<80x128xf32, #tpu.memory_space<vmem>>
    tpu.wait_dma2 semaphore(%arg16 : memref<!tpu.dma_semaphore, #tpu.memory_space<semaphore_mem>>) src(%dma_wait3A_483 : memref<80x128xf32, #tpu.memory_space<vmem>>) dst(%dma_wait3A_480 : memref<80x128xf32, #tpu.memory_space<hbm>>)
    %mul3A_484 = arith.constant 625 : i32
    %mul3A_485 = arith.muli %arg1, %mul3A_484 : i32
    %add3A_486 = arith.constant 400 : i32
    %add3A_487 = arith.addi %mul3A_485, %add3A_486 : i32
    %dma_start3A_488 = arith.constant 0 : i32
    %dma_start3A_489 = arith.constant 0 : i32
    %dma_start3A_490 = tpu.memref_slice %arg10[%dma_start3A_488, %dma_start3A_489] : memref<80x128xf32, #tpu.memory_space<vmem>> -> memref<80x128xf32, #tpu.memory_space<vmem>>
    %dma_start3A_491 = arith.constant 0 : i32
    %dma_start3A_492 = tpu.memref_slice %arg17[%add3A_487, %dma_start3A_491] : memref<10000x128xf32, #tpu.memory_space<vmem_shared>> -> memref<80x128xf32, #tpu.memory_space<vmem_shared>>
    %dma_start3A_493 = arith.constant 0 : i32
    %dma_start3A_494 = arith.constant 0 : i32
    %dma_start3A_495 = tpu.memref_slice %arg10[%dma_start3A_493, %dma_start3A_494] : memref<80x128xf32, #tpu.memory_space<vmem>> -> memref<80x128xf32, #tpu.memory_space<vmem>>
    %dma_start3A_496 = arith.constant 0 : i32
    %dma_start3A_497 = tpu.memref_slice %arg17[%add3A_487, %dma_start3A_496] : memref<10000x128xf32, #tpu.memory_space<vmem_shared>> -> memref<80x128xf32, #tpu.memory_space<vmem_shared>>
    tpu.enqueue_dma source(%dma_start3A_497 : memref<80x128xf32, #tpu.memory_space<vmem_shared>>) target(%dma_start3A_495 : memref<80x128xf32, #tpu.memory_space<vmem>>) target_semaphore(%arg13 : memref<!tpu.dma_semaphore, #tpu.memory_space<semaphore_mem>>)
    %mul3A_498 = arith.constant 625 : i32
    %mul3A_499 = arith.muli %arg1, %mul3A_498 : i32
    %add3A_500 = arith.constant 400 : i32
    %add3A_501 = arith.addi %mul3A_499, %add3A_500 : i32
    %dma_wait3A_502 = arith.constant 0 : i32
    %dma_wait3A_503 = arith.constant 0 : i32
    %dma_wait3A_504 = tpu.memref_slice %arg10[%dma_wait3A_502, %dma_wait3A_503] : memref<80x128xf32, #tpu.memory_space<vmem>> -> memref<80x128xf32, #tpu.memory_space<vmem>>
    %dma_wait3A_505 = arith.constant 0 : i32
    %dma_wait3A_506 = tpu.memref_slice %arg17[%add3A_501, %dma_wait3A_505] : memref<10000x128xf32, #tpu.memory_space<vmem_shared>> -> memref<80x128xf32, #tpu.memory_space<vmem_shared>>
    %dma_wait3A_507 = arith.constant 0 : i32
    %dma_wait3A_508 = arith.constant 0 : i32
    %dma_wait3A_509 = tpu.memref_slice %arg10[%dma_wait3A_507, %dma_wait3A_508] : memref<80x128xf32, #tpu.memory_space<vmem>> -> memref<80x128xf32, #tpu.memory_space<vmem>>
    %dma_wait3A_510 = arith.constant 0 : i32
    %dma_wait3A_511 = tpu.memref_slice %arg17[%add3A_501, %dma_wait3A_510] : memref<10000x128xf32, #tpu.memory_space<vmem_shared>> -> memref<80x128xf32, #tpu.memory_space<vmem_shared>>
    tpu.wait_dma2 semaphore(%arg13 : memref<!tpu.dma_semaphore, #tpu.memory_space<semaphore_mem>>) src(%dma_wait3A_511 : memref<80x128xf32, #tpu.memory_space<vmem_shared>>) dst(%dma_wait3A_509 : memref<80x128xf32, #tpu.memory_space<vmem>>)
    %mul3A_512 = arith.constant 625 : i32
    %mul3A_513 = arith.muli %arg1, %mul3A_512 : i32
    %add3A_514 = arith.constant 400 : i32
    %add3A_515 = arith.addi %mul3A_513, %add3A_514 : i32
    %dma_start3A_516 = arith.constant 0 : i32
    %dma_start3A_517 = arith.constant 0 : i32
    %dma_start3A_518 = tpu.memref_slice %arg10[%dma_start3A_516, %dma_start3A_517] : memref<80x128xf32, #tpu.memory_space<vmem>> -> memref<80x128xf32, #tpu.memory_space<vmem>>
    %dma_start3A_519 = arith.constant 0 : i32
    %dma_start3A_520 = tpu.memref_slice %arg5[%arg0, %add3A_515, %dma_start3A_519] : memref<2x10000x128xf32, #tpu.memory_space<hbm>> -> memref<1x80x128xf32, #tpu.memory_space<hbm>>
    %dma_start3A_521 = tpu.memref_squeeze %dma_start3A_520 : memref<1x80x128xf32, #tpu.memory_space<hbm>> -> memref<80x128xf32, #tpu.memory_space<hbm>>
    %dma_start3A_522 = arith.constant 0 : i32
    %dma_start3A_523 = tpu.memref_slice %arg5[%arg0, %add3A_515, %dma_start3A_522] : memref<2x10000x128xf32, #tpu.memory_space<hbm>> -> memref<1x80x128xf32, #tpu.memory_space<hbm>>
    %dma_start3A_524 = tpu.memref_squeeze %dma_start3A_523 : memref<1x80x128xf32, #tpu.memory_space<hbm>> -> memref<80x128xf32, #tpu.memory_space<hbm>>
    %dma_start3A_525 = arith.constant 0 : i32
    %dma_start3A_526 = arith.constant 0 : i32
    %dma_start3A_527 = tpu.memref_slice %arg10[%dma_start3A_525, %dma_start3A_526] : memref<80x128xf32, #tpu.memory_space<vmem>> -> memref<80x128xf32, #tpu.memory_space<vmem>>
    tpu.enqueue_dma source(%dma_start3A_527 : memref<80x128xf32, #tpu.memory_space<vmem>>) target(%dma_start3A_524 : memref<80x128xf32, #tpu.memory_space<hbm>>) target_semaphore(%arg16 : memref<!tpu.dma_semaphore, #tpu.memory_space<semaphore_mem>>)
    %mul3A_528 = arith.constant 625 : i32
    %mul3A_529 = arith.muli %arg1, %mul3A_528 : i32
    %add3A_530 = arith.constant 240 : i32
    %add3A_531 = arith.addi %mul3A_529, %add3A_530 : i32
    %dma_wait3A_532 = arith.constant 0 : i32
    %dma_wait3A_533 = arith.constant 0 : i32
    %dma_wait3A_534 = tpu.memref_slice %arg8[%dma_wait3A_532, %dma_wait3A_533] : memref<80x128xf32, #tpu.memory_space<vmem>> -> memref<80x128xf32, #tpu.memory_space<vmem>>
    %dma_wait3A_535 = arith.constant 0 : i32
    %dma_wait3A_536 = tpu.memref_slice %arg5[%arg0, %add3A_531, %dma_wait3A_535] : memref<2x10000x128xf32, #tpu.memory_space<hbm>> -> memref<1x80x128xf32, #tpu.memory_space<hbm>>
    %dma_wait3A_537 = tpu.memref_squeeze %dma_wait3A_536 : memref<1x80x128xf32, #tpu.memory_space<hbm>> -> memref<80x128xf32, #tpu.memory_space<hbm>>
    %dma_wait3A_538 = arith.constant 0 : i32
    %dma_wait3A_539 = tpu.memref_slice %arg5[%arg0, %add3A_531, %dma_wait3A_538] : memref<2x10000x128xf32, #tpu.memory_space<hbm>> -> memref<1x80x128xf32, #tpu.memory_space<hbm>>
    %dma_wait3A_540 = tpu.memref_squeeze %dma_wait3A_539 : memref<1x80x128xf32, #tpu.memory_space<hbm>> -> memref<80x128xf32, #tpu.memory_space<hbm>>
    %dma_wait3A_541 = arith.constant 0 : i32
    %dma_wait3A_542 = arith.constant 0 : i32
    %dma_wait3A_543 = tpu.memref_slice %arg8[%dma_wait3A_541, %dma_wait3A_542] : memref<80x128xf32, #tpu.memory_space<vmem>> -> memref<80x128xf32, #tpu.memory_space<vmem>>
    tpu.wait_dma2 semaphore(%arg14 : memref<!tpu.dma_semaphore, #tpu.memory_space<semaphore_mem>>) src(%dma_wait3A_543 : memref<80x128xf32, #tpu.memory_space<vmem>>) dst(%dma_wait3A_540 : memref<80x128xf32, #tpu.memory_space<hbm>>)
    %mul3A_544 = arith.constant 625 : i32
    %mul3A_545 = arith.muli %arg1, %mul3A_544 : i32
    %add3A_546 = arith.constant 480 : i32
    %add3A_547 = arith.addi %mul3A_545, %add3A_546 : i32
    %dma_start3A_548 = arith.constant 0 : i32
    %dma_start3A_549 = arith.constant 0 : i32
    %dma_start3A_550 = tpu.memref_slice %arg8[%dma_start3A_548, %dma_start3A_549] : memref<80x128xf32, #tpu.memory_space<vmem>> -> memref<80x128xf32, #tpu.memory_space<vmem>>
    %dma_start3A_551 = arith.constant 0 : i32
    %dma_start3A_552 = tpu.memref_slice %arg17[%add3A_547, %dma_start3A_551] : memref<10000x128xf32, #tpu.memory_space<vmem_shared>> -> memref<80x128xf32, #tpu.memory_space<vmem_shared>>
    %dma_start3A_553 = arith.constant 0 : i32
    %dma_start3A_554 = arith.constant 0 : i32
    %dma_start3A_555 = tpu.memref_slice %arg8[%dma_start3A_553, %dma_start3A_554] : memref<80x128xf32, #tpu.memory_space<vmem>> -> memref<80x128xf32, #tpu.memory_space<vmem>>
    %dma_start3A_556 = arith.constant 0 : i32
    %dma_start3A_557 = tpu.memref_slice %arg17[%add3A_547, %dma_start3A_556] : memref<10000x128xf32, #tpu.memory_space<vmem_shared>> -> memref<80x128xf32, #tpu.memory_space<vmem_shared>>
    tpu.enqueue_dma source(%dma_start3A_557 : memref<80x128xf32, #tpu.memory_space<vmem_shared>>) target(%dma_start3A_555 : memref<80x128xf32, #tpu.memory_space<vmem>>) target_semaphore(%arg11 : memref<!tpu.dma_semaphore, #tpu.memory_space<semaphore_mem>>)
    %mul3A_558 = arith.constant 625 : i32
    %mul3A_559 = arith.muli %arg1, %mul3A_558 : i32
    %add3A_560 = arith.constant 480 : i32
    %add3A_561 = arith.addi %mul3A_559, %add3A_560 : i32
    %dma_wait3A_562 = arith.constant 0 : i32
    %dma_wait3A_563 = arith.constant 0 : i32
    %dma_wait3A_564 = tpu.memref_slice %arg8[%dma_wait3A_562, %dma_wait3A_563] : memref<80x128xf32, #tpu.memory_space<vmem>> -> memref<80x128xf32, #tpu.memory_space<vmem>>
    %dma_wait3A_565 = arith.constant 0 : i32
    %dma_wait3A_566 = tpu.memref_slice %arg17[%add3A_561, %dma_wait3A_565] : memref<10000x128xf32, #tpu.memory_space<vmem_shared>> -> memref<80x128xf32, #tpu.memory_space<vmem_shared>>
    %dma_wait3A_567 = arith.constant 0 : i32
    %dma_wait3A_568 = arith.constant 0 : i32
    %dma_wait3A_569 = tpu.memref_slice %arg8[%dma_wait3A_567, %dma_wait3A_568] : memref<80x128xf32, #tpu.memory_space<vmem>> -> memref<80x128xf32, #tpu.memory_space<vmem>>
    %dma_wait3A_570 = arith.constant 0 : i32
    %dma_wait3A_571 = tpu.memref_slice %arg17[%add3A_561, %dma_wait3A_570] : memref<10000x128xf32, #tpu.memory_space<vmem_shared>> -> memref<80x128xf32, #tpu.memory_space<vmem_shared>>
    tpu.wait_dma2 semaphore(%arg11 : memref<!tpu.dma_semaphore, #tpu.memory_space<semaphore_mem>>) src(%dma_wait3A_571 : memref<80x128xf32, #tpu.memory_space<vmem_shared>>) dst(%dma_wait3A_569 : memref<80x128xf32, #tpu.memory_space<vmem>>)
    %mul3A_572 = arith.constant 625 : i32
    %mul3A_573 = arith.muli %arg1, %mul3A_572 : i32
    %add3A_574 = arith.constant 480 : i32
    %add3A_575 = arith.addi %mul3A_573, %add3A_574 : i32
    %dma_start3A_576 = arith.constant 0 : i32
    %dma_start3A_577 = arith.constant 0 : i32
    %dma_start3A_578 = tpu.memref_slice %arg8[%dma_start3A_576, %dma_start3A_577] : memref<80x128xf32, #tpu.memory_space<vmem>> -> memref<80x128xf32, #tpu.memory_space<vmem>>
    %dma_start3A_579 = arith.constant 0 : i32
    %dma_start3A_580 = tpu.memref_slice %arg5[%arg0, %add3A_575, %dma_start3A_579] : memref<2x10000x128xf32, #tpu.memory_space<hbm>> -> memref<1x80x128xf32, #tpu.memory_space<hbm>>
    %dma_start3A_581 = tpu.memref_squeeze %dma_start3A_580 : memref<1x80x128xf32, #tpu.memory_space<hbm>> -> memref<80x128xf32, #tpu.memory_space<hbm>>
    %dma_start3A_582 = arith.constant 0 : i32
    %dma_start3A_583 = tpu.memref_slice %arg5[%arg0, %add3A_575, %dma_start3A_582] : memref<2x10000x128xf32, #tpu.memory_space<hbm>> -> memref<1x80x128xf32, #tpu.memory_space<hbm>>
    %dma_start3A_584 = tpu.memref_squeeze %dma_start3A_583 : memref<1x80x128xf32, #tpu.memory_space<hbm>> -> memref<80x128xf32, #tpu.memory_space<hbm>>
    %dma_start3A_585 = arith.constant 0 : i32
    %dma_start3A_586 = arith.constant 0 : i32
    %dma_start3A_587 = tpu.memref_slice %arg8[%dma_start3A_585, %dma_start3A_586] : memref<80x128xf32, #tpu.memory_space<vmem>> -> memref<80x128xf32, #tpu.memory_space<vmem>>
    tpu.enqueue_dma source(%dma_start3A_587 : memref<80x128xf32, #tpu.memory_space<vmem>>) target(%dma_start3A_584 : memref<80x128xf32, #tpu.memory_space<hbm>>) target_semaphore(%arg14 : memref<!tpu.dma_semaphore, #tpu.memory_space<semaphore_mem>>)
    %mul3A_588 = arith.constant 625 : i32
    %mul3A_589 = arith.muli %arg1, %mul3A_588 : i32
    %add3A_590 = arith.constant 320 : i32
    %add3A_591 = arith.addi %mul3A_589, %add3A_590 : i32
    %dma_wait3A_592 = arith.constant 0 : i32
    %dma_wait3A_593 = arith.constant 0 : i32
    %dma_wait3A_594 = tpu.memref_slice %arg9[%dma_wait3A_592, %dma_wait3A_593] : memref<80x128xf32, #tpu.memory_space<vmem>> -> memref<80x128xf32, #tpu.memory_space<vmem>>
    %dma_wait3A_595 = arith.constant 0 : i32
    %dma_wait3A_596 = tpu.memref_slice %arg5[%arg0, %add3A_591, %dma_wait3A_595] : memref<2x10000x128xf32, #tpu.memory_space<hbm>> -> memref<1x80x128xf32, #tpu.memory_space<hbm>>
    %dma_wait3A_597 = tpu.memref_squeeze %dma_wait3A_596 : memref<1x80x128xf32, #tpu.memory_space<hbm>> -> memref<80x128xf32, #tpu.memory_space<hbm>>
    %dma_wait3A_598 = arith.constant 0 : i32
    %dma_wait3A_599 = tpu.memref_slice %arg5[%arg0, %add3A_591, %dma_wait3A_598] : memref<2x10000x128xf32, #tpu.memory_space<hbm>> -> memref<1x80x128xf32, #tpu.memory_space<hbm>>
    %dma_wait3A_600 = tpu.memref_squeeze %dma_wait3A_599 : memref<1x80x128xf32, #tpu.memory_space<hbm>> -> memref<80x128xf32, #tpu.memory_space<hbm>>
    %dma_wait3A_601 = arith.constant 0 : i32
    %dma_wait3A_602 = arith.constant 0 : i32
    %dma_wait3A_603 = tpu.memref_slice %arg9[%dma_wait3A_601, %dma_wait3A_602] : memref<80x128xf32, #tpu.memory_space<vmem>> -> memref<80x128xf32, #tpu.memory_space<vmem>>
    tpu.wait_dma2 semaphore(%arg15 : memref<!tpu.dma_semaphore, #tpu.memory_space<semaphore_mem>>) src(%dma_wait3A_603 : memref<80x128xf32, #tpu.memory_space<vmem>>) dst(%dma_wait3A_600 : memref<80x128xf32, #tpu.memory_space<hbm>>)
    %mul3A_604 = arith.constant 625 : i32
    %mul3A_605 = arith.muli %arg1, %mul3A_604 : i32
    %add3A_606 = arith.constant 560 : i32
    %add3A_607 = arith.addi %mul3A_605, %add3A_606 : i32
    %dma_start3A_608 = arith.constant 0 : i32
    %dma_start3A_609 = arith.constant 0 : i32
    %dma_start3A_610 = tpu.memref_slice %arg9[%dma_start3A_608, %dma_start3A_609] : memref<80x128xf32, #tpu.memory_space<vmem>> -> memref<65x128xf32, #tpu.memory_space<vmem>>
    %dma_start3A_611 = arith.constant 0 : i32
    %dma_start3A_612 = tpu.memref_slice %arg17[%add3A_607, %dma_start3A_611] : memref<10000x128xf32, #tpu.memory_space<vmem_shared>> -> memref<65x128xf32, #tpu.memory_space<vmem_shared>>
    %dma_start3A_613 = arith.constant 0 : i32
    %dma_start3A_614 = arith.constant 0 : i32
    %dma_start3A_615 = tpu.memref_slice %arg9[%dma_start3A_613, %dma_start3A_614] : memref<80x128xf32, #tpu.memory_space<vmem>> -> memref<65x128xf32, #tpu.memory_space<vmem>>
    %dma_start3A_616 = arith.constant 0 : i32
    %dma_start3A_617 = tpu.memref_slice %arg17[%add3A_607, %dma_start3A_616] : memref<10000x128xf32, #tpu.memory_space<vmem_shared>> -> memref<65x128xf32, #tpu.memory_space<vmem_shared>>
    tpu.enqueue_dma source(%dma_start3A_617 : memref<65x128xf32, #tpu.memory_space<vmem_shared>>) target(%dma_start3A_615 : memref<65x128xf32, #tpu.memory_space<vmem>>) target_semaphore(%arg12 : memref<!tpu.dma_semaphore, #tpu.memory_space<semaphore_mem>>)
    %mul3A_618 = arith.constant 625 : i32
    %mul3A_619 = arith.muli %arg1, %mul3A_618 : i32
    %add3A_620 = arith.constant 560 : i32
    %add3A_621 = arith.addi %mul3A_619, %add3A_620 : i32
    %dma_wait3A_622 = arith.constant 0 : i32
    %dma_wait3A_623 = arith.constant 0 : i32
    %dma_wait3A_624 = tpu.memref_slice %arg9[%dma_wait3A_622, %dma_wait3A_623] : memref<80x128xf32, #tpu.memory_space<vmem>> -> memref<65x128xf32, #tpu.memory_space<vmem>>
    %dma_wait3A_625 = arith.constant 0 : i32
    %dma_wait3A_626 = tpu.memref_slice %arg17[%add3A_621, %dma_wait3A_625] : memref<10000x128xf32, #tpu.memory_space<vmem_shared>> -> memref<65x128xf32, #tpu.memory_space<vmem_shared>>
    %dma_wait3A_627 = arith.constant 0 : i32
    %dma_wait3A_628 = arith.constant 0 : i32
    %dma_wait3A_629 = tpu.memref_slice %arg9[%dma_wait3A_627, %dma_wait3A_628] : memref<80x128xf32, #tpu.memory_space<vmem>> -> memref<65x128xf32, #tpu.memory_space<vmem>>
    %dma_wait3A_630 = arith.constant 0 : i32
    %dma_wait3A_631 = tpu.memref_slice %arg17[%add3A_621, %dma_wait3A_630] : memref<10000x128xf32, #tpu.memory_space<vmem_shared>> -> memref<65x128xf32, #tpu.memory_space<vmem_shared>>
    tpu.wait_dma2 semaphore(%arg12 : memref<!tpu.dma_semaphore, #tpu.memory_space<semaphore_mem>>) src(%dma_wait3A_631 : memref<65x128xf32, #tpu.memory_space<vmem_shared>>) dst(%dma_wait3A_629 : memref<65x128xf32, #tpu.memory_space<vmem>>)
    %mul3A_632 = arith.constant 625 : i32
    %mul3A_633 = arith.muli %arg1, %mul3A_632 : i32
    %add3A_634 = arith.constant 560 : i32
    %add3A_635 = arith.addi %mul3A_633, %add3A_634 : i32
    %dma_start3A_636 = arith.constant 0 : i32
    %dma_start3A_637 = arith.constant 0 : i32
    %dma_start3A_638 = tpu.memref_slice %arg9[%dma_start3A_636, %dma_start3A_637] : memref<80x128xf32, #tpu.memory_space<vmem>> -> memref<65x128xf32, #tpu.memory_space<vmem>>
    %dma_start3A_639 = arith.constant 0 : i32
    %dma_start3A_640 = tpu.memref_slice %arg5[%arg0, %add3A_635, %dma_start3A_639] : memref<2x10000x128xf32, #tpu.memory_space<hbm>> -> memref<1x65x128xf32, #tpu.memory_space<hbm>>
    %dma_start3A_641 = tpu.memref_squeeze %dma_start3A_640 : memref<1x65x128xf32, #tpu.memory_space<hbm>> -> memref<65x128xf32, #tpu.memory_space<hbm>>
    %dma_start3A_642 = arith.constant 0 : i32
    %dma_start3A_643 = tpu.memref_slice %arg5[%arg0, %add3A_635, %dma_start3A_642] : memref<2x10000x128xf32, #tpu.memory_space<hbm>> -> memref<1x65x128xf32, #tpu.memory_space<hbm>>
    %dma_start3A_644 = tpu.memref_squeeze %dma_start3A_643 : memref<1x65x128xf32, #tpu.memory_space<hbm>> -> memref<65x128xf32, #tpu.memory_space<hbm>>
    %dma_start3A_645 = arith.constant 0 : i32
    %dma_start3A_646 = arith.constant 0 : i32
    %dma_start3A_647 = tpu.memref_slice %arg9[%dma_start3A_645, %dma_start3A_646] : memref<80x128xf32, #tpu.memory_space<vmem>> -> memref<65x128xf32, #tpu.memory_space<vmem>>
    tpu.enqueue_dma source(%dma_start3A_647 : memref<65x128xf32, #tpu.memory_space<vmem>>) target(%dma_start3A_644 : memref<65x128xf32, #tpu.memory_space<hbm>>) target_semaphore(%arg15 : memref<!tpu.dma_semaphore, #tpu.memory_space<semaphore_mem>>)
    %mul3A_648 = arith.constant 625 : i32
    %mul3A_649 = arith.muli %arg1, %mul3A_648 : i32
    %add3A_650 = arith.constant 400 : i32
    %add3A_651 = arith.addi %mul3A_649, %add3A_650 : i32
    %dma_wait3A_652 = arith.constant 0 : i32
    %dma_wait3A_653 = arith.constant 0 : i32
    %dma_wait3A_654 = tpu.memref_slice %arg10[%dma_wait3A_652, %dma_wait3A_653] : memref<80x128xf32, #tpu.memory_space<vmem>> -> memref<80x128xf32, #tpu.memory_space<vmem>>
    %dma_wait3A_655 = arith.constant 0 : i32
    %dma_wait3A_656 = tpu.memref_slice %arg5[%arg0, %add3A_651, %dma_wait3A_655] : memref<2x10000x128xf32, #tpu.memory_space<hbm>> -> memref<1x80x128xf32, #tpu.memory_space<hbm>>
    %dma_wait3A_657 = tpu.memref_squeeze %dma_wait3A_656 : memref<1x80x128xf32, #tpu.memory_space<hbm>> -> memref<80x128xf32, #tpu.memory_space<hbm>>
    %dma_wait3A_658 = arith.constant 0 : i32
    %dma_wait3A_659 = tpu.memref_slice %arg5[%arg0, %add3A_651, %dma_wait3A_658] : memref<2x10000x128xf32, #tpu.memory_space<hbm>> -> memref<1x80x128xf32, #tpu.memory_space<hbm>>
    %dma_wait3A_660 = tpu.memref_squeeze %dma_wait3A_659 : memref<1x80x128xf32, #tpu.memory_space<hbm>> -> memref<80x128xf32, #tpu.memory_space<hbm>>
    %dma_wait3A_661 = arith.constant 0 : i32
    %dma_wait3A_662 = arith.constant 0 : i32
    %dma_wait3A_663 = tpu.memref_slice %arg10[%dma_wait3A_661, %dma_wait3A_662] : memref<80x128xf32, #tpu.memory_space<vmem>> -> memref<80x128xf32, #tpu.memory_space<vmem>>
    tpu.wait_dma2 semaphore(%arg16 : memref<!tpu.dma_semaphore, #tpu.memory_space<semaphore_mem>>) src(%dma_wait3A_663 : memref<80x128xf32, #tpu.memory_space<vmem>>) dst(%dma_wait3A_660 : memref<80x128xf32, #tpu.memory_space<hbm>>)
    %mul3A_664 = arith.constant 625 : i32
    %mul3A_665 = arith.muli %arg1, %mul3A_664 : i32
    %add3A_666 = arith.constant 480 : i32
    %add3A_667 = arith.addi %mul3A_665, %add3A_666 : i32
    %dma_wait3A_668 = arith.constant 0 : i32
    %dma_wait3A_669 = arith.constant 0 : i32
    %dma_wait3A_670 = tpu.memref_slice %arg8[%dma_wait3A_668, %dma_wait3A_669] : memref<80x128xf32, #tpu.memory_space<vmem>> -> memref<80x128xf32, #tpu.memory_space<vmem>>
    %dma_wait3A_671 = arith.constant 0 : i32
    %dma_wait3A_672 = tpu.memref_slice %arg5[%arg0, %add3A_667, %dma_wait3A_671] : memref<2x10000x128xf32, #tpu.memory_space<hbm>> -> memref<1x80x128xf32, #tpu.memory_space<hbm>>
    %dma_wait3A_673 = tpu.memref_squeeze %dma_wait3A_672 : memref<1x80x128xf32, #tpu.memory_space<hbm>> -> memref<80x128xf32, #tpu.memory_space<hbm>>
    %dma_wait3A_674 = arith.constant 0 : i32
    %dma_wait3A_675 = tpu.memref_slice %arg5[%arg0, %add3A_667, %dma_wait3A_674] : memref<2x10000x128xf32, #tpu.memory_space<hbm>> -> memref<1x80x128xf32, #tpu.memory_space<hbm>>
    %dma_wait3A_676 = tpu.memref_squeeze %dma_wait3A_675 : memref<1x80x128xf32, #tpu.memory_space<hbm>> -> memref<80x128xf32, #tpu.memory_space<hbm>>
    %dma_wait3A_677 = arith.constant 0 : i32
    %dma_wait3A_678 = arith.constant 0 : i32
    %dma_wait3A_679 = tpu.memref_slice %arg8[%dma_wait3A_677, %dma_wait3A_678] : memref<80x128xf32, #tpu.memory_space<vmem>> -> memref<80x128xf32, #tpu.memory_space<vmem>>
    tpu.wait_dma2 semaphore(%arg14 : memref<!tpu.dma_semaphore, #tpu.memory_space<semaphore_mem>>) src(%dma_wait3A_679 : memref<80x128xf32, #tpu.memory_space<vmem>>) dst(%dma_wait3A_676 : memref<80x128xf32, #tpu.memory_space<hbm>>)
    %mul3A_680 = arith.constant 625 : i32
    %mul3A_681 = arith.muli %arg1, %mul3A_680 : i32
    %add3A_682 = arith.constant 560 : i32
    %add3A_683 = arith.addi %mul3A_681, %add3A_682 : i32
    %dma_wait3A_684 = arith.constant 0 : i32
    %dma_wait3A_685 = arith.constant 0 : i32
    %dma_wait3A_686 = tpu.memref_slice %arg9[%dma_wait3A_684, %dma_wait3A_685] : memref<80x128xf32, #tpu.memory_space<vmem>> -> memref<65x128xf32, #tpu.memory_space<vmem>>
    %dma_wait3A_687 = arith.constant 0 : i32
    %dma_wait3A_688 = tpu.memref_slice %arg5[%arg0, %add3A_683, %dma_wait3A_687] : memref<2x10000x128xf32, #tpu.memory_space<hbm>> -> memref<1x65x128xf32, #tpu.memory_space<hbm>>
    %dma_wait3A_689 = tpu.memref_squeeze %dma_wait3A_688 : memref<1x65x128xf32, #tpu.memory_space<hbm>> -> memref<65x128xf32, #tpu.memory_space<hbm>>
    %dma_wait3A_690 = arith.constant 0 : i32
    %dma_wait3A_691 = tpu.memref_slice %arg5[%arg0, %add3A_683, %dma_wait3A_690] : memref<2x10000x128xf32, #tpu.memory_space<hbm>> -> memref<1x65x128xf32, #tpu.memory_space<hbm>>
    %dma_wait3A_692 = tpu.memref_squeeze %dma_wait3A_691 : memref<1x65x128xf32, #tpu.memory_space<hbm>> -> memref<65x128xf32, #tpu.memory_space<hbm>>
    %dma_wait3A_693 = arith.constant 0 : i32
    %dma_wait3A_694 = arith.constant 0 : i32
    %dma_wait3A_695 = tpu.memref_slice %arg9[%dma_wait3A_693, %dma_wait3A_694] : memref<80x128xf32, #tpu.memory_space<vmem>> -> memref<65x128xf32, #tpu.memory_space<vmem>>
    tpu.wait_dma2 semaphore(%arg15 : memref<!tpu.dma_semaphore, #tpu.memory_space<semaphore_mem>>) src(%dma_wait3A_695 : memref<65x128xf32, #tpu.memory_space<vmem>>) dst(%dma_wait3A_692 : memref<65x128xf32, #tpu.memory_space<hbm>>)
    return
  }
}

module attributes {stable_mosaic.version = 14 : i64} {
  func.func @_mm1_body(%arg0: i32, %arg1: memref<1000x128xf32, #tpu.memory_space<vmem>>, %arg2: memref<128x128xf32, #tpu.memory_space<vmem>>, %arg3: memref<2x1000x16xf32, #tpu.memory_space<vmem>>, %arg4: memref<1000x128xf32, #tpu.memory_space<vmem>>) attributes {dimension_semantics = [#tpu.dimension_semantics<arbitrary>], iteration_bounds = array<i64: 10>, scalar_prefetch = 0 : i64, scratch_operands = 0 : i64, tpu.core_type = #tpu.core_type<tc>, window_params = [{transform_indices = @transform_0, window_bounds = array<i64: 1000, 128>}, {pipeline_mode = #tpu.pipeline_mode<synchronous>, transform_indices = @transform_1, window_bounds = array<i64: 128, 128>}, {transform_indices = @transform_2, window_bounds = array<i64: 2, 1000, 16>}, {transform_indices = @transform_3, window_bounds = array<i64: 1000, 128>}]} {
    %get3A = arith.constant 0 : index
    %get3A_0 = arith.constant 0 : index
    %get3A_1 = arith.constant 0 : index
    %get3A_2 = vector.load %arg3[%get3A, %get3A_0, %get3A_1] : memref<2x1000x16xf32, #tpu.memory_space<vmem>>, vector<1x1000x1xf32>
    %get3A_3 = vector.shape_cast %get3A_2 : vector<1x1000x1xf32> to vector<1000xf32>
    %get3A_4 = arith.constant 1 : index
    %get3A_5 = arith.constant 0 : index
    %get3A_6 = arith.constant 0 : index
    %get3A_7 = vector.load %arg3[%get3A_4, %get3A_5, %get3A_6] : memref<2x1000x16xf32, #tpu.memory_space<vmem>>, vector<1x1000x1xf32>
    %get3A_8 = vector.shape_cast %get3A_7 : vector<1x1000x1xf32> to vector<1000xf32>
    %add3A = arith.addf %get3A_3, %get3A_8 : vector<1000xf32>
    %add3A_9 = arith.constant 1.000000e+00 : f32
    %add3A_10 = vector.broadcast %add3A_9 : f32 to vector<1000xf32>
    %add3A_11 = arith.addf %add3A, %add3A_10 : vector<1000xf32>
    %max3A = arith.constant 1.000000e+00 : f32
    %max3A_12 = vector.broadcast %max3A : f32 to vector<1000xf32>
    %max3A_13 = arith.maximumf %add3A_11, %max3A_12 : vector<1000xf32>
    %rsqrt3A = math.rsqrt %max3A_13 : vector<1000xf32>
    %get3A_14 = arith.constant 0 : index
    %get3A_15 = arith.constant 0 : index
    %get3A_16 = vector.load %arg1[%get3A_14, %get3A_15] : memref<1000x128xf32, #tpu.memory_space<vmem>>, vector<1000x128xf32>
    %get3A_17 = arith.constant 0 : index
    %get3A_18 = arith.constant 0 : index
    %get3A_19 = vector.load %arg2[%get3A_17, %get3A_18] : memref<128x128xf32, #tpu.memory_space<vmem>>, vector<128x128xf32>
    %dot_general3A = arith.constant dense<0.000000e+00> : vector<1000x128xf32>
    %dot_general3A_20 = tpu.matmul %get3A_16, %get3A_19, %dot_general3A {dimension_numbers = #tpu.dot_dimension_numbers<[1], [0], [0], [1], [0, 0, 1, 1], [], []>, transpose_lhs_hint = false} : vector<1000x128xf32>, vector<128x128xf32>, vector<1000x128xf32> -> vector<1000x128xf32>
    %broadcast_in_dim3A = vector.shape_cast %rsqrt3A : vector<1000xf32> to vector<1000x1xf32>
    %mul3A = vector.broadcast %broadcast_in_dim3A : vector<1000x1xf32> to vector<1000x128xf32>
    %mul3A_21 = arith.mulf %dot_general3A_20, %mul3A : vector<1000x128xf32>
    %swap3A = arith.constant 0 : index
    %swap3A_22 = arith.constant 0 : index
    %swap3A_23 = vector.load %arg4[%swap3A, %swap3A_22] : memref<1000x128xf32, #tpu.memory_space<vmem>>, vector<1000x128xf32>
    tpu.vector_store %arg4[%swap3A, %swap3A_22], %mul3A_21 {strides = array<i32>} : memref<1000x128xf32, #tpu.memory_space<vmem>>, vector<1000x128xf32>,
    return
  }
  func.func @transform_0(%arg0: i32) -> (i32, i32) {
    %c0_i32 = arith.constant 0 : i32
    %c0_i32_0 = arith.constant 0 : i32
    return %arg0, %c0_i32 : i32, i32
  }
  func.func @transform_1(%arg0: i32) -> (i32, i32) {
    %c0_i32 = arith.constant 0 : i32
    %c0_i32_0 = arith.constant 0 : i32
    %c0_i32_1 = arith.constant 0 : i32
    return %c0_i32, %c0_i32_0 : i32, i32
  }
  func.func @transform_2(%arg0: i32) -> (i32, i32, i32) {
    %c0_i32 = arith.constant 0 : i32
    %c0_i32_0 = arith.constant 0 : i32
    %c0_i32_1 = arith.constant 0 : i32
    return %c0_i32, %arg0, %c0_i32_0 : i32, i32, i32
  }
  func.func @transform_3(%arg0: i32) -> (i32, i32) {
    %c0_i32 = arith.constant 0 : i32
    %c0_i32_0 = arith.constant 0 : i32
    return %arg0, %c0_i32 : i32, i32
  }
}

module attributes {stable_mosaic.version = 14 : i64} {
  func.func @_mid_body(%arg0: i32, %arg1: memref<2x1000x128xf32, #tpu.memory_space<vmem>>, %arg2: memref<1000x128xf32, #tpu.memory_space<vmem>>, %arg3: memref<2x1000x16xf32, #tpu.memory_space<vmem>>, %arg4: memref<1x128xf32, #tpu.memory_space<vmem>>, %arg5: memref<1x128xf32, #tpu.memory_space<vmem>>, %arg6: memref<1x128xf32, #tpu.memory_space<vmem>>, %arg7: memref<128x128xf32, #tpu.memory_space<vmem>>, %arg8: memref<1000x128xf32, #tpu.memory_space<vmem>>) attributes {dimension_semantics = [#tpu.dimension_semantics<arbitrary>], iteration_bounds = array<i64: 10>, scalar_prefetch = 0 : i64, scratch_operands = 0 : i64, tpu.core_type = #tpu.core_type<tc>, window_params = [{transform_indices = @transform_0, window_bounds = array<i64: 2, 1000, 128>}, {transform_indices = @transform_1, window_bounds = array<i64: 1000, 128>}, {transform_indices = @transform_2, window_bounds = array<i64: 2, 1000, 16>}, {pipeline_mode = #tpu.pipeline_mode<synchronous>, transform_indices = @transform_3, window_bounds = array<i64: 1, 128>}, {pipeline_mode = #tpu.pipeline_mode<synchronous>, transform_indices = @transform_4, window_bounds = array<i64: 1, 128>}, {pipeline_mode = #tpu.pipeline_mode<synchronous>, transform_indices = @transform_5, window_bounds = array<i64: 1, 128>}, {pipeline_mode = #tpu.pipeline_mode<synchronous>, transform_indices = @transform_6, window_bounds = array<i64: 128, 128>}, {transform_indices = @transform_7, window_bounds = array<i64: 1000, 128>}]} {
    %get3A = arith.constant 0 : index
    %get3A_0 = arith.constant 0 : index
    %get3A_1 = arith.constant 0 : index
    %get3A_2 = vector.load %arg3[%get3A, %get3A_0, %get3A_1] : memref<2x1000x16xf32, #tpu.memory_space<vmem>>, vector<1x1000x1xf32>
    %get3A_3 = vector.shape_cast %get3A_2 : vector<1x1000x1xf32> to vector<1000xf32>
    %get3A_4 = arith.constant 1 : index
    %get3A_5 = arith.constant 0 : index
    %get3A_6 = arith.constant 0 : index
    %get3A_7 = vector.load %arg3[%get3A_4, %get3A_5, %get3A_6] : memref<2x1000x16xf32, #tpu.memory_space<vmem>>, vector<1x1000x1xf32>
    %get3A_8 = vector.shape_cast %get3A_7 : vector<1x1000x1xf32> to vector<1000xf32>
    %add3A = arith.addf %get3A_3, %get3A_8 : vector<1000xf32>
    %add3A_9 = arith.constant 1.000000e+00 : f32
    %add3A_10 = vector.broadcast %add3A_9 : f32 to vector<1000xf32>
    %add3A_11 = arith.addf %add3A, %add3A_10 : vector<1000xf32>
    %max3A = arith.constant 1.000000e+00 : f32
    %max3A_12 = vector.broadcast %max3A : f32 to vector<1000xf32>
    %max3A_13 = arith.maximumf %add3A_11, %max3A_12 : vector<1000xf32>
    %rsqrt3A = math.rsqrt %max3A_13 : vector<1000xf32>
    %get3A_14 = arith.constant 0 : index
    %get3A_15 = arith.constant 0 : index
    %get3A_16 = arith.constant 0 : index
    %get3A_17 = vector.load %arg1[%get3A_14, %get3A_15, %get3A_16] : memref<2x1000x128xf32, #tpu.memory_space<vmem>>, vector<1x1000x128xf32>
    %get3A_18 = vector.shape_cast %get3A_17 : vector<1x1000x128xf32> to vector<1000x128xf32>
    %get3A_19 = arith.constant 1 : index
    %get3A_20 = arith.constant 0 : index
    %get3A_21 = arith.constant 0 : index
    %get3A_22 = vector.load %arg1[%get3A_19, %get3A_20, %get3A_21] : memref<2x1000x128xf32, #tpu.memory_space<vmem>>, vector<1x1000x128xf32>
    %get3A_23 = vector.shape_cast %get3A_22 : vector<1x1000x128xf32> to vector<1000x128xf32>
    %add3A_24 = arith.addf %get3A_18, %get3A_23 : vector<1000x128xf32>
    %get3A_25 = arith.constant 0 : index
    %get3A_26 = arith.constant 0 : index
    %get3A_27 = vector.load %arg2[%get3A_25, %get3A_26] : memref<1000x128xf32, #tpu.memory_space<vmem>>, vector<1000x128xf32>
    %add3A_28 = arith.addf %add3A_24, %get3A_27 : vector<1000x128xf32>
    %broadcast_in_dim3A = vector.shape_cast %rsqrt3A : vector<1000xf32> to vector<1000x1xf32>
    %mul3A = vector.broadcast %broadcast_in_dim3A : vector<1000x1xf32> to vector<1000x128xf32>
    %mul3A_29 = arith.mulf %add3A_28, %mul3A : vector<1000x128xf32>
    %get3A_30 = arith.constant 0 : index
    %get3A_31 = arith.constant 0 : index
    %get3A_32 = vector.load %arg4[%get3A_30, %get3A_31] : memref<1x128xf32, #tpu.memory_space<vmem>>, vector<1x128xf32>
    %add3A_33 = vector.broadcast %get3A_32 : vector<1x128xf32> to vector<1000x128xf32>
    %add3A_34 = arith.addf %mul3A_29, %add3A_33 : vector<1000x128xf32>
    %reduce_sum3A = arith.constant dense<0.000000e+00> : vector<1000xf32>
    %reduce_sum3A_35 = vector.multi_reduction <add>, %add3A_34, %reduce_sum3A [1] : vector<1000x128xf32> to vector<1000xf32>
    %broadcast_in_dim3A_36 = vector.shape_cast %reduce_sum3A_35 : vector<1000xf32> to vector<1000x1xf32>
    %div3A = arith.constant 1.280000e+02 : f32
    %div3A_37 = vector.broadcast %div3A : f32 to vector<1000x1xf32>
    %div3A_38 = arith.divf %broadcast_in_dim3A_36, %div3A_37 : vector<1000x1xf32>
    %sub3A = vector.broadcast %div3A_38 : vector<1000x1xf32> to vector<1000x128xf32>
    %sub3A_39 = arith.subf %add3A_34, %sub3A : vector<1000x128xf32>
    %integer_pow3A = arith.mulf %sub3A_39, %sub3A_39 : vector<1000x128xf32>
    %reduce_sum3A_40 = arith.constant dense<0.000000e+00> : vector<1000xf32>
    %reduce_sum3A_41 = vector.multi_reduction <add>, %integer_pow3A, %reduce_sum3A_40 [1] : vector<1000x128xf32> to vector<1000xf32>
    %broadcast_in_dim3A_42 = vector.shape_cast %reduce_sum3A_41 : vector<1000xf32> to vector<1000x1xf32>
    %div3A_43 = arith.constant 1.280000e+02 : f32
    %div3A_44 = vector.broadcast %div3A_43 : f32 to vector<1000x1xf32>
    %div3A_45 = arith.divf %broadcast_in_dim3A_42, %div3A_44 : vector<1000x1xf32>
    %sub3A_46 = vector.broadcast %div3A_38 : vector<1000x1xf32> to vector<1000x128xf32>
    %sub3A_47 = arith.subf %add3A_34, %sub3A_46 : vector<1000x128xf32>
    %add3A_48 = arith.constant 9.99999974E-6 : f32
    %add3A_49 = vector.broadcast %add3A_48 : f32 to vector<1000x1xf32>
    %add3A_50 = arith.addf %div3A_45, %add3A_49 : vector<1000x1xf32>
    %rsqrt3A_51 = math.rsqrt %add3A_50 : vector<1000x1xf32>
    %mul3A_52 = vector.broadcast %rsqrt3A_51 : vector<1000x1xf32> to vector<1000x128xf32>
    %mul3A_53 = arith.mulf %sub3A_47, %mul3A_52 : vector<1000x128xf32>
    %get3A_54 = arith.constant 0 : index
    %get3A_55 = arith.constant 0 : index
    %get3A_56 = vector.load %arg5[%get3A_54, %get3A_55] : memref<1x128xf32, #tpu.memory_space<vmem>>, vector<1x128xf32>
    %mul3A_57 = vector.broadcast %get3A_56 : vector<1x128xf32> to vector<1000x128xf32>
    %mul3A_58 = arith.mulf %mul3A_53, %mul3A_57 : vector<1000x128xf32>
    %get3A_59 = arith.constant 0 : index
    %get3A_60 = arith.constant 0 : index
    %get3A_61 = vector.load %arg6[%get3A_59, %get3A_60] : memref<1x128xf32, #tpu.memory_space<vmem>>, vector<1x128xf32>
    %add3A_62 = vector.broadcast %get3A_61 : vector<1x128xf32> to vector<1000x128xf32>
    %add3A_63 = arith.addf %mul3A_58, %add3A_62 : vector<1000x128xf32>
    %integer_pow3A_64 = arith.mulf %add3A_63, %add3A_63 : vector<1000x128xf32>
    %integer_pow3A_65 = arith.mulf %add3A_63, %integer_pow3A_64 : vector<1000x128xf32>
    %mul3A_66 = arith.constant 4.471500e-02 : f32
    %mul3A_67 = vector.broadcast %mul3A_66 : f32 to vector<1000x128xf32>
    %mul3A_68 = arith.mulf %mul3A_67, %integer_pow3A_65 : vector<1000x128xf32>
    %add3A_69 = arith.addf %add3A_63, %mul3A_68 : vector<1000x128xf32>
    %mul3A_70 = arith.constant 0.797884583 : f32
    %mul3A_71 = vector.broadcast %mul3A_70 : f32 to vector<1000x128xf32>
    %mul3A_72 = arith.mulf %mul3A_71, %add3A_69 : vector<1000x128xf32>
    %tanh3A = math.tanh %mul3A_72 : vector<1000x128xf32>
    %add3A_73 = arith.constant 1.000000e+00 : f32
    %add3A_74 = vector.broadcast %add3A_73 : f32 to vector<1000x128xf32>
    %add3A_75 = arith.addf %add3A_74, %tanh3A : vector<1000x128xf32>
    %mul3A_76 = arith.constant 5.000000e-01 : f32
    %mul3A_77 = vector.broadcast %mul3A_76 : f32 to vector<1000x128xf32>
    %mul3A_78 = arith.mulf %mul3A_77, %add3A_75 : vector<1000x128xf32>
    %mul3A_79 = arith.mulf %add3A_63, %mul3A_78 : vector<1000x128xf32>
    %get3A_80 = arith.constant 0 : index
    %get3A_81 = arith.constant 0 : index
    %get3A_82 = vector.load %arg7[%get3A_80, %get3A_81] : memref<128x128xf32, #tpu.memory_space<vmem>>, vector<128x128xf32>
    %dot_general3A = arith.constant dense<0.000000e+00> : vector<1000x128xf32>
    %dot_general3A_83 = tpu.matmul %mul3A_79, %get3A_82, %dot_general3A {dimension_numbers = #tpu.dot_dimension_numbers<[1], [0], [0], [1], [0, 0, 1, 1], [], []>, transpose_lhs_hint = false} : vector<1000x128xf32>, vector<128x128xf32>, vector<1000x128xf32> -> vector<1000x128xf32>
    %broadcast_in_dim3A_84 = vector.shape_cast %rsqrt3A : vector<1000xf32> to vector<1000x1xf32>
    %mul3A_85 = vector.broadcast %broadcast_in_dim3A_84 : vector<1000x1xf32> to vector<1000x128xf32>
    %mul3A_86 = arith.mulf %dot_general3A_83, %mul3A_85 : vector<1000x128xf32>
    %swap3A = arith.constant 0 : index
    %swap3A_87 = arith.constant 0 : index
    %swap3A_88 = vector.load %arg8[%swap3A, %swap3A_87] : memref<1000x128xf32, #tpu.memory_space<vmem>>, vector<1000x128xf32>
    tpu.vector_store %arg8[%swap3A, %swap3A_87], %mul3A_86 {strides = array<i32>} : memref<1000x128xf32, #tpu.memory_space<vmem>>, vector<1000x128xf32>,
    return
  }
  func.func @transform_0(%arg0: i32) -> (i32, i32, i32) {
    %c0_i32 = arith.constant 0 : i32
    %c0_i32_0 = arith.constant 0 : i32
    %c0_i32_1 = arith.constant 0 : i32
    return %c0_i32, %arg0, %c0_i32_0 : i32, i32, i32
  }
  func.func @transform_1(%arg0: i32) -> (i32, i32) {
    %c0_i32 = arith.constant 0 : i32
    %c0_i32_0 = arith.constant 0 : i32
    return %arg0, %c0_i32 : i32, i32
  }
  func.func @transform_2(%arg0: i32) -> (i32, i32, i32) {
    %c0_i32 = arith.constant 0 : i32
    %c0_i32_0 = arith.constant 0 : i32
    %c0_i32_1 = arith.constant 0 : i32
    return %c0_i32, %arg0, %c0_i32_0 : i32, i32, i32
  }
  func.func @transform_3(%arg0: i32) -> (i32, i32) {
    %c0_i32 = arith.constant 0 : i32
    %c0_i32_0 = arith.constant 0 : i32
    %c0_i32_1 = arith.constant 0 : i32
    return %c0_i32, %c0_i32_0 : i32, i32
  }
  func.func @transform_4(%arg0: i32) -> (i32, i32) {
    %c0_i32 = arith.constant 0 : i32
    %c0_i32_0 = arith.constant 0 : i32
    %c0_i32_1 = arith.constant 0 : i32
    return %c0_i32, %c0_i32_0 : i32, i32
  }
  func.func @transform_5(%arg0: i32) -> (i32, i32) {
    %c0_i32 = arith.constant 0 : i32
    %c0_i32_0 = arith.constant 0 : i32
    %c0_i32_1 = arith.constant 0 : i32
    return %c0_i32, %c0_i32_0 : i32, i32
  }
  func.func @transform_6(%arg0: i32) -> (i32, i32) {
    %c0_i32 = arith.constant 0 : i32
    %c0_i32_0 = arith.constant 0 : i32
    %c0_i32_1 = arith.constant 0 : i32
    return %c0_i32, %c0_i32_0 : i32, i32
  }
  func.func @transform_7(%arg0: i32) -> (i32, i32) {
    %c0_i32 = arith.constant 0 : i32
    %c0_i32_0 = arith.constant 0 : i32
    return %arg0, %c0_i32 : i32, i32
  }
}

module attributes {stable_mosaic.version = 14 : i64} {
  func.func @_fin_body(%arg0: i32, %arg1: memref<2x1000x128xf32, #tpu.memory_space<vmem>>, %arg2: memref<1000x128xf32, #tpu.memory_space<vmem>>, %arg3: memref<2x1000x16xf32, #tpu.memory_space<vmem>>, %arg4: memref<1x128xf32, #tpu.memory_space<vmem>>, %arg5: memref<1x128xf32, #tpu.memory_space<vmem>>, %arg6: memref<1x128xf32, #tpu.memory_space<vmem>>, %arg7: memref<1x1x1000xi32, #tpu.memory_space<vmem>>, %arg8: memref<128x1000xf32, #tpu.memory_space<vmem>>, %arg9: memref<1x1000xf32, #tpu.memory_space<vmem>>, %arg10: memref<8x1000xf32, #tpu.memory_space<vmem>>, %arg11: memref<8x128xf32, #tpu.memory_space<vmem>>, %arg12: memref<8x128xf32, #tpu.memory_space<vmem>>) attributes {dimension_semantics = [#tpu.dimension_semantics<arbitrary>], iteration_bounds = array<i64: 10>, scalar_prefetch = 0 : i64, scratch_operands = 2 : i64, tpu.core_type = #tpu.core_type<tc>, window_params = [{transform_indices = @transform_0, window_bounds = array<i64: 2, 1000, 128>}, {transform_indices = @transform_1, window_bounds = array<i64: 1000, 128>}, {transform_indices = @transform_2, window_bounds = array<i64: 2, 1000, 16>}, {pipeline_mode = #tpu.pipeline_mode<synchronous>, transform_indices = @transform_3, window_bounds = array<i64: 1, 128>}, {pipeline_mode = #tpu.pipeline_mode<synchronous>, transform_indices = @transform_4, window_bounds = array<i64: 1, 128>}, {pipeline_mode = #tpu.pipeline_mode<synchronous>, transform_indices = @transform_5, window_bounds = array<i64: 1, 128>}, {transform_indices = @transform_6, window_bounds = array<i64: 1, 1, 1000>}, {pipeline_mode = #tpu.pipeline_mode<synchronous>, transform_indices = @transform_7, window_bounds = array<i64: 128, 1000>}, {pipeline_mode = #tpu.pipeline_mode<synchronous>, transform_indices = @transform_8, window_bounds = array<i64: 1, 1000>}, {pipeline_mode = #tpu.pipeline_mode<synchronous>, transform_indices = @transform_9, window_bounds = array<i64: 8, 1000>}]} {
    %eq3A = arith.constant 0 : i32
    %eq3A_0 = arith.cmpi eq, %arg0, %eq3A : i32
    %convert_element_type3A = arith.extui %eq3A_0 : i1 to i32
    %cond3A = arith.constant 0 : i32
    %cond3A_1 = arith.cmpi ne, %convert_element_type3A, %cond3A : i32
    scf.if %cond3A_1 {
      %broadcast_in_dim3A_116 = arith.constant 0.000000e+00 : f32
      %broadcast_in_dim3A_117 = vector.broadcast %broadcast_in_dim3A_116 : f32 to vector<8x128xf32>
      %swap3A_118 = arith.constant 0 : index
      %swap3A_119 = arith.constant 0 : index
      %swap3A_120 = vector.load %arg11[%swap3A_118, %swap3A_119] : memref<8x128xf32, #tpu.memory_space<vmem>>, vector<8x128xf32>
      tpu.vector_store %arg11[%swap3A_118, %swap3A_119], %broadcast_in_dim3A_117 {strides = array<i32>} : memref<8x128xf32, #tpu.memory_space<vmem>>, vector<8x128xf32>,
      %broadcast_in_dim3A_121 = arith.constant 0.000000e+00 : f32
      %broadcast_in_dim3A_122 = vector.broadcast %broadcast_in_dim3A_121 : f32 to vector<8x128xf32>
      %swap3A_123 = arith.constant 0 : index
      %swap3A_124 = arith.constant 0 : index
      %swap3A_125 = vector.load %arg12[%swap3A_123, %swap3A_124] : memref<8x128xf32, #tpu.memory_space<vmem>>, vector<8x128xf32>
      tpu.vector_store %arg12[%swap3A_123, %swap3A_124], %broadcast_in_dim3A_122 {strides = array<i32>} : memref<8x128xf32, #tpu.memory_space<vmem>>, vector<8x128xf32>,
    } else {
    }
    %get3A = arith.constant 0 : index
    %get3A_2 = arith.constant 0 : index
    %get3A_3 = arith.constant 0 : index
    %get3A_4 = vector.load %arg3[%get3A, %get3A_2, %get3A_3] : memref<2x1000x16xf32, #tpu.memory_space<vmem>>, vector<1x1000x1xf32>
    %get3A_5 = vector.shape_cast %get3A_4 : vector<1x1000x1xf32> to vector<1000xf32>
    %get3A_6 = arith.constant 1 : index
    %get3A_7 = arith.constant 0 : index
    %get3A_8 = arith.constant 0 : index
    %get3A_9 = vector.load %arg3[%get3A_6, %get3A_7, %get3A_8] : memref<2x1000x16xf32, #tpu.memory_space<vmem>>, vector<1x1000x1xf32>
    %get3A_10 = vector.shape_cast %get3A_9 : vector<1x1000x1xf32> to vector<1000xf32>
    %add3A = arith.addf %get3A_5, %get3A_10 : vector<1000xf32>
    %add3A_11 = arith.constant 1.000000e+00 : f32
    %add3A_12 = vector.broadcast %add3A_11 : f32 to vector<1000xf32>
    %add3A_13 = arith.addf %add3A, %add3A_12 : vector<1000xf32>
    %max3A = arith.constant 1.000000e+00 : f32
    %max3A_14 = vector.broadcast %max3A : f32 to vector<1000xf32>
    %max3A_15 = arith.maximumf %add3A_13, %max3A_14 : vector<1000xf32>
    %rsqrt3A = math.rsqrt %max3A_15 : vector<1000xf32>
    %get3A_16 = arith.constant 0 : index
    %get3A_17 = arith.constant 0 : index
    %get3A_18 = arith.constant 0 : index
    %get3A_19 = vector.load %arg1[%get3A_16, %get3A_17, %get3A_18] : memref<2x1000x128xf32, #tpu.memory_space<vmem>>, vector<1x1000x128xf32>
    %get3A_20 = vector.shape_cast %get3A_19 : vector<1x1000x128xf32> to vector<1000x128xf32>
    %get3A_21 = arith.constant 1 : index
    %get3A_22 = arith.constant 0 : index
    %get3A_23 = arith.constant 0 : index
    %get3A_24 = vector.load %arg1[%get3A_21, %get3A_22, %get3A_23] : memref<2x1000x128xf32, #tpu.memory_space<vmem>>, vector<1x1000x128xf32>
    %get3A_25 = vector.shape_cast %get3A_24 : vector<1x1000x128xf32> to vector<1000x128xf32>
    %add3A_26 = arith.addf %get3A_20, %get3A_25 : vector<1000x128xf32>
    %get3A_27 = arith.constant 0 : index
    %get3A_28 = arith.constant 0 : index
    %get3A_29 = vector.load %arg2[%get3A_27, %get3A_28] : memref<1000x128xf32, #tpu.memory_space<vmem>>, vector<1000x128xf32>
    %add3A_30 = arith.addf %add3A_26, %get3A_29 : vector<1000x128xf32>
    %broadcast_in_dim3A = vector.shape_cast %rsqrt3A : vector<1000xf32> to vector<1000x1xf32>
    %mul3A = vector.broadcast %broadcast_in_dim3A : vector<1000x1xf32> to vector<1000x128xf32>
    %mul3A_31 = arith.mulf %add3A_30, %mul3A : vector<1000x128xf32>
    %get3A_32 = arith.constant 0 : index
    %get3A_33 = arith.constant 0 : index
    %get3A_34 = vector.load %arg4[%get3A_32, %get3A_33] : memref<1x128xf32, #tpu.memory_space<vmem>>, vector<1x128xf32>
    %add3A_35 = vector.broadcast %get3A_34 : vector<1x128xf32> to vector<1000x128xf32>
    %add3A_36 = arith.addf %mul3A_31, %add3A_35 : vector<1000x128xf32>
    %reduce_sum3A = arith.constant dense<0.000000e+00> : vector<1000xf32>
    %reduce_sum3A_37 = vector.multi_reduction <add>, %add3A_36, %reduce_sum3A [1] : vector<1000x128xf32> to vector<1000xf32>
    %broadcast_in_dim3A_38 = vector.shape_cast %reduce_sum3A_37 : vector<1000xf32> to vector<1000x1xf32>
    %div3A = arith.constant 1.280000e+02 : f32
    %div3A_39 = vector.broadcast %div3A : f32 to vector<1000x1xf32>
    %div3A_40 = arith.divf %broadcast_in_dim3A_38, %div3A_39 : vector<1000x1xf32>
    %sub3A = vector.broadcast %div3A_40 : vector<1000x1xf32> to vector<1000x128xf32>
    %sub3A_41 = arith.subf %add3A_36, %sub3A : vector<1000x128xf32>
    %integer_pow3A = arith.mulf %sub3A_41, %sub3A_41 : vector<1000x128xf32>
    %reduce_sum3A_42 = arith.constant dense<0.000000e+00> : vector<1000xf32>
    %reduce_sum3A_43 = vector.multi_reduction <add>, %integer_pow3A, %reduce_sum3A_42 [1] : vector<1000x128xf32> to vector<1000xf32>
    %broadcast_in_dim3A_44 = vector.shape_cast %reduce_sum3A_43 : vector<1000xf32> to vector<1000x1xf32>
    %div3A_45 = arith.constant 1.280000e+02 : f32
    %div3A_46 = vector.broadcast %div3A_45 : f32 to vector<1000x1xf32>
    %div3A_47 = arith.divf %broadcast_in_dim3A_44, %div3A_46 : vector<1000x1xf32>
    %sub3A_48 = vector.broadcast %div3A_40 : vector<1000x1xf32> to vector<1000x128xf32>
    %sub3A_49 = arith.subf %add3A_36, %sub3A_48 : vector<1000x128xf32>
    %add3A_50 = arith.constant 9.99999974E-6 : f32
    %add3A_51 = vector.broadcast %add3A_50 : f32 to vector<1000x1xf32>
    %add3A_52 = arith.addf %div3A_47, %add3A_51 : vector<1000x1xf32>
    %rsqrt3A_53 = math.rsqrt %add3A_52 : vector<1000x1xf32>
    %mul3A_54 = vector.broadcast %rsqrt3A_53 : vector<1000x1xf32> to vector<1000x128xf32>
    %mul3A_55 = arith.mulf %sub3A_49, %mul3A_54 : vector<1000x128xf32>
    %get3A_56 = arith.constant 0 : index
    %get3A_57 = arith.constant 0 : index
    %get3A_58 = vector.load %arg5[%get3A_56, %get3A_57] : memref<1x128xf32, #tpu.memory_space<vmem>>, vector<1x128xf32>
    %mul3A_59 = vector.broadcast %get3A_58 : vector<1x128xf32> to vector<1000x128xf32>
    %mul3A_60 = arith.mulf %mul3A_55, %mul3A_59 : vector<1000x128xf32>
    %get3A_61 = arith.constant 0 : index
    %get3A_62 = arith.constant 0 : index
    %get3A_63 = vector.load %arg6[%get3A_61, %get3A_62] : memref<1x128xf32, #tpu.memory_space<vmem>>, vector<1x128xf32>
    %add3A_64 = vector.broadcast %get3A_63 : vector<1x128xf32> to vector<1000x128xf32>
    %add3A_65 = arith.addf %mul3A_60, %add3A_64 : vector<1000x128xf32>
    %integer_pow3A_66 = arith.mulf %add3A_65, %add3A_65 : vector<1000x128xf32>
    %integer_pow3A_67 = arith.mulf %add3A_65, %integer_pow3A_66 : vector<1000x128xf32>
    %mul3A_68 = arith.constant 4.471500e-02 : f32
    %mul3A_69 = vector.broadcast %mul3A_68 : f32 to vector<1000x128xf32>
    %mul3A_70 = arith.mulf %mul3A_69, %integer_pow3A_67 : vector<1000x128xf32>
    %add3A_71 = arith.addf %add3A_65, %mul3A_70 : vector<1000x128xf32>
    %mul3A_72 = arith.constant 0.797884583 : f32
    %mul3A_73 = vector.broadcast %mul3A_72 : f32 to vector<1000x128xf32>
    %mul3A_74 = arith.mulf %mul3A_73, %add3A_71 : vector<1000x128xf32>
    %tanh3A = math.tanh %mul3A_74 : vector<1000x128xf32>
    %add3A_75 = arith.constant 1.000000e+00 : f32
    %add3A_76 = vector.broadcast %add3A_75 : f32 to vector<1000x128xf32>
    %add3A_77 = arith.addf %add3A_76, %tanh3A : vector<1000x128xf32>
    %mul3A_78 = arith.constant 5.000000e-01 : f32
    %mul3A_79 = vector.broadcast %mul3A_78 : f32 to vector<1000x128xf32>
    %mul3A_80 = arith.mulf %mul3A_79, %add3A_77 : vector<1000x128xf32>
    %mul3A_81 = arith.mulf %add3A_65, %mul3A_80 : vector<1000x128xf32>
    %get3A_82 = arith.constant 0 : index
    %get3A_83 = arith.constant 0 : index
    %get3A_84 = arith.constant 0 : index
    %get3A_85 = vector.load %arg7[%get3A_82, %get3A_83, %get3A_84] : memref<1x1x1000xi32, #tpu.memory_space<vmem>>, vector<1x1x1000xi32>
    %get3A_86 = vector.shape_cast %get3A_85 : vector<1x1x1000xi32> to vector<1000xi32>
    %iota3A = tpu.iota {dimensions = array<i32: 0>} : vector<8x1000xi32>
    %broadcast_in_dim3A_87 = vector.shape_cast %get3A_86 : vector<1000xi32> to vector<1x1000xi32>
    %eq3A_88 = vector.broadcast %broadcast_in_dim3A_87 : vector<1x1000xi32> to vector<8x1000xi32>
    %eq3A_89 = arith.cmpi eq, %iota3A, %eq3A_88 : vector<8x1000xi32>
    %convert_element_type3A_90 = arith.extui %eq3A_89 : vector<8x1000xi1> to vector<8x1000xi32>
    %convert_element_type3A_91 = arith.sitofp %convert_element_type3A_90 : vector<8x1000xi32> to vector<8x1000xf32>
    %get3A_92 = arith.constant 0 : index
    %get3A_93 = arith.constant 0 : index
    %get3A_94 = vector.load %arg11[%get3A_92, %get3A_93] : memref<8x128xf32, #tpu.memory_space<vmem>>, vector<8x128xf32>
    %dot_general3A = arith.constant dense<0.000000e+00> : vector<8x128xf32>
    %dot_general3A_95 = tpu.matmul %convert_element_type3A_91, %mul3A_81, %dot_general3A {dimension_numbers = #tpu.dot_dimension_numbers<[1], [0], [0], [1], [0, 0, 1, 1], [], []>, transpose_lhs_hint = false} : vector<8x1000xf32>, vector<1000x128xf32>, vector<8x128xf32> -> vector<8x128xf32>
    %add3A_96 = arith.addf %get3A_94, %dot_general3A_95 : vector<8x128xf32>
    %swap3A = arith.constant 0 : index
    %swap3A_97 = arith.constant 0 : index
    %swap3A_98 = vector.load %arg11[%swap3A, %swap3A_97] : memref<8x128xf32, #tpu.memory_space<vmem>>, vector<8x128xf32>
    tpu.vector_store %arg11[%swap3A, %swap3A_97], %add3A_96 {strides = array<i32>} : memref<8x128xf32, #tpu.memory_space<vmem>>, vector<8x128xf32>,
    %reduce_sum3A_99 = arith.constant dense<0.000000e+00> : vector<8xf32>
    %reduce_sum3A_100 = vector.multi_reduction <add>, %convert_element_type3A_91, %reduce_sum3A_99 [1] : vector<8x1000xf32> to vector<8xf32>
    %broadcast_in_dim3A_101 = vector.shape_cast %reduce_sum3A_100 : vector<8xf32> to vector<8x1xf32>
    %get3A_102 = arith.constant 0 : index
    %get3A_103 = arith.constant 0 : index
    %get3A_104 = vector.load %arg12[%get3A_102, %get3A_103] : memref<8x128xf32, #tpu.memory_space<vmem>>, vector<8x128xf32>
    %broadcast_in_dim3A_105 = vector.shape_cast %broadcast_in_dim3A_101 : vector<8x1xf32> to vector<8x1xf32>
    %broadcast_in_dim3A_106 = vector.broadcast %broadcast_in_dim3A_105 : vector<8x1xf32> to vector<8x128xf32>
    %add3A_107 = arith.addf %get3A_104, %broadcast_in_dim3A_106 : vector<8x128xf32>
    %swap3A_108 = arith.constant 0 : index
    %swap3A_109 = arith.constant 0 : index
    %swap3A_110 = vector.load %arg12[%swap3A_108, %swap3A_109] : memref<8x128xf32, #tpu.memory_space<vmem>>, vector<8x128xf32>
    tpu.vector_store %arg12[%swap3A_108, %swap3A_109], %add3A_107 {strides = array<i32>} : memref<8x128xf32, #tpu.memory_space<vmem>>, vector<8x128xf32>,
    %eq3A_111 = arith.constant 9 : i32
    %eq3A_112 = arith.cmpi eq, %arg0, %eq3A_111 : i32
    %convert_element_type3A_113 = arith.extui %eq3A_112 : i1 to i32
    %cond3A_114 = arith.constant 0 : i32
    %cond3A_115 = arith.cmpi ne, %convert_element_type3A_113, %cond3A_114 : i32
    scf.if %cond3A_115 {
      %get3A_116 = arith.constant 0 : index
      %get3A_117 = arith.constant 0 : index
      %get3A_118 = vector.load %arg11[%get3A_116, %get3A_117] : memref<8x128xf32, #tpu.memory_space<vmem>>, vector<8x128xf32>
      %get3A_119 = arith.constant 0 : index
      %get3A_120 = arith.constant 0 : index
      %get3A_121 = vector.load %arg12[%get3A_119, %get3A_120] : memref<8x128xf32, #tpu.memory_space<vmem>>, vector<8x128xf32>
      %max3A_122 = arith.constant 1.000000e+00 : f32
      %max3A_123 = vector.broadcast %max3A_122 : f32 to vector<8x128xf32>
      %max3A_124 = arith.maximumf %get3A_121, %max3A_123 : vector<8x128xf32>
      %div3A_125 = arith.divf %get3A_118, %max3A_124 : vector<8x128xf32>
      %get3A_126 = arith.constant 0 : index
      %get3A_127 = arith.constant 0 : index
      %get3A_128 = vector.load %arg8[%get3A_126, %get3A_127] : memref<128x1000xf32, #tpu.memory_space<vmem>>, vector<128x1000xf32>
      %dot_general3A_129 = arith.constant dense<0.000000e+00> : vector<8x1000xf32>
      %dot_general3A_130 = tpu.matmul %div3A_125, %get3A_128, %dot_general3A_129 {dimension_numbers = #tpu.dot_dimension_numbers<[1], [0], [0], [1], [0, 0, 1, 1], [], []>, transpose_lhs_hint = false} : vector<8x128xf32>, vector<128x1000xf32>, vector<8x1000xf32> -> vector<8x1000xf32>
      %get3A_131 = arith.constant 0 : index
      %get3A_132 = arith.constant 0 : index
      %get3A_133 = vector.load %arg9[%get3A_131, %get3A_132] : memref<1x1000xf32, #tpu.memory_space<vmem>>, vector<1x1000xf32>
      %add3A_134 = vector.broadcast %get3A_133 : vector<1x1000xf32> to vector<8x1000xf32>
      %add3A_135 = arith.addf %dot_general3A_130, %add3A_134 : vector<8x1000xf32>
      %swap3A_136 = arith.constant 0 : index
      %swap3A_137 = arith.constant 0 : index
      %swap3A_138 = vector.load %arg10[%swap3A_136, %swap3A_137] : memref<8x1000xf32, #tpu.memory_space<vmem>>, vector<8x1000xf32>
      tpu.vector_store %arg10[%swap3A_136, %swap3A_137], %add3A_135 {strides = array<i32>} : memref<8x1000xf32, #tpu.memory_space<vmem>>, vector<8x1000xf32>,
    } else {
    }
    return
  }
  func.func @transform_0(%arg0: i32) -> (i32, i32, i32) {
    %c0_i32 = arith.constant 0 : i32
    %c0_i32_0 = arith.constant 0 : i32
    %c0_i32_1 = arith.constant 0 : i32
    return %c0_i32, %arg0, %c0_i32_0 : i32, i32, i32
  }
  func.func @transform_1(%arg0: i32) -> (i32, i32) {
    %c0_i32 = arith.constant 0 : i32
    %c0_i32_0 = arith.constant 0 : i32
    return %arg0, %c0_i32 : i32, i32
  }
  func.func @transform_2(%arg0: i32) -> (i32, i32, i32) {
    %c0_i32 = arith.constant 0 : i32
    %c0_i32_0 = arith.constant 0 : i32
    %c0_i32_1 = arith.constant 0 : i32
    return %c0_i32, %arg0, %c0_i32_0 : i32, i32, i32
  }
  func.func @transform_3(%arg0: i32) -> (i32, i32) {
    %c0_i32 = arith.constant 0 : i32
    %c0_i32_0 = arith.constant 0 : i32
    %c0_i32_1 = arith.constant 0 : i32
    return %c0_i32, %c0_i32_0 : i32, i32
  }
  func.func @transform_4(%arg0: i32) -> (i32, i32) {
    %c0_i32 = arith.constant 0 : i32
    %c0_i32_0 = arith.constant 0 : i32
    %c0_i32_1 = arith.constant 0 : i32
    return %c0_i32, %c0_i32_0 : i32, i32
  }
  func.func @transform_5(%arg0: i32) -> (i32, i32) {
    %c0_i32 = arith.constant 0 : i32
    %c0_i32_0 = arith.constant 0 : i32
    %c0_i32_1 = arith.constant 0 : i32
    return %c0_i32, %c0_i32_0 : i32, i32
  }
  func.func @transform_6(%arg0: i32) -> (i32, i32, i32) {
    %c0_i32 = arith.constant 0 : i32
    %c0_i32_0 = arith.constant 0 : i32
    %c0_i32_1 = arith.constant 0 : i32
    return %arg0, %c0_i32, %c0_i32_0 : i32, i32, i32
  }
  func.func @transform_7(%arg0: i32) -> (i32, i32) {
    %c0_i32 = arith.constant 0 : i32
    %c0_i32_0 = arith.constant 0 : i32
    %c0_i32_1 = arith.constant 0 : i32
    return %c0_i32, %c0_i32_0 : i32, i32
  }
  func.func @transform_8(%arg0: i32) -> (i32, i32) {
    %c0_i32 = arith.constant 0 : i32
    %c0_i32_0 = arith.constant 0 : i32
    %c0_i32_1 = arith.constant 0 : i32
    return %c0_i32, %c0_i32_0 : i32, i32
  }
  func.func @transform_9(%arg0: i32) -> (i32, i32) {
    %c0_i32 = arith.constant 0 : i32
    %c0_i32_0 = arith.constant 0 : i32
    %c0_i32_1 = arith.constant 0 : i32
    return %c0_i32, %c0_i32_0 : i32, i32
  }
}

</mosaic_0001>

<sc_bundles>
// kernel: kernel.11.cloned.1.call-start
scs
__scs_entry_jumppad:
0x0: {  	(pc) =	sbr.rel $0x88, $3  }
0x1: {  	(tag) =	ssettag $0x0;
	lr =	simm.s32 $0x1  }
0x2: {  	[smem:$0x3F94] =	sst lr;
	_ =	strace $0xD0000000  }
0x3: {  	_ = 	snop  }
0x4: {  	_ = 	snop  }
0x5: {  	_ = 	snop  }
0x6: {  	_ = 	snop  }
0x7: {  	_ = 	snop  }
__scs_overlays_trampoline_lowered:
0x8: {  	[smem:$0x3FA3] =	sst s0  }
0x9: {  	[smem:$0x3FA4] =	sst s1  }
0xa: {  	[smem:$0x3FA5] =	sst s2  }
0xb: {  	[smem:$0x3FA6] =	sst s3  }
0xc: {  	[smem:$0x3FA7] =	sst s4  }
0xd: {  	[smem:$0x3FA8] =	sst s5  }
0xe: {  	[smem:$0x3FA9] =	sst s6  }
0xf: {  	[smem:$0x3FAA] =	sst s7  }
0x10: {  	[smem:$0x3FAB] =	sst s8  }
0x11: {  	[smem:$0x3FAC] =	sst s9;
	s0 =	simm.s32 @!p0 $0x0  }
0x12: {  	s1 =	sld [smem:$0x3F92];
	s0 =	simm.s32 @p0 $0x1  }
0x13: {  	[smem:$0x3FAD] =	sst s0;
	s0 =	simm.s32 @!p1 $0x0  }
0x14: {  	s2 =	sld [smem:$0x3F91];
	s0 =	simm.s32 @p1 $0x1  }
0x15: {  	[smem:$0x3FAE] =	sst s0;
	s0 =	simm.s32 @!p2 $0x0  }
0x16: {  	s3 =	sld [smem:$0x3FDB];
	s0 =	simm.s32 @p2 $0x1  }
0x17: {  	s4 =	simm.s32 $0x1BF5;
	[smem:$0x3FB0] =	sst s0  }
0x18: {  	s0 =	sld [smem:$0x3F93];
	_ =	swait.ge [sflag:s4], $0x0  }
0x19: {  	s7 =	sld [smem:$0x3F94]  }
0x1a: {  	s8 =	sadd.s32 $0xFFFFE003, lr  }
0x1b: {  	s9 =	sadd.s32 $0xFFFFFEF7, lr;
	s5 =	simm.s32 $0xFFFFFFFF;
	p2 =	slt.u32 s8, $0xFFFFF086  }
0x1c: {  	p1 =	slt.u32 s9, $0xF7A;
	s5 =	simm.s32 @!p2 $0x0  }
0x1d: {  	s5 =	simm.s32 @p1 $0x1;
	p0 =	seq.s32 s7, s2  }
0x1e: {  	s7 =	smul.u32 @!p0 $0xF7A, s2;
	p2 =	seq.s32 @!p0 s5, $0x0  }
0x1f: {  	s9 =	smul.u32 $0xF7A, s1;
	s8 =	simm.s32 @!p0 $0x1BF5;
	p2 =	por !p2, p0  }
0x20: {  	[sflag:s8] =	ssyncset.s32 @!p0 $0xFFFFF086;
	s6 =	sadd.s32 @!p0 s3, s7;
	s7 =	simm.s32 @!p0 $0x108  }
0x21: {  	s3 =	sadd.s32 s3, s9;
	s6 =	sadd.s32 @!p0 $0x88, s6;
	s7 =	simm.s32 @p2 $0x1082  }
0x22: {  	[simem:s7], [sflag:s8] =	dma.local @!p0 [hbm:s6], $0xF7A  }
0x23: {  	s9 =	sor.u32 $0xD0000000, s2;
	s6 =	simm.s32 $0x108;
	_ =	swait.ge @!p0 [sflag:s8], $0x0  }
0x24: {  	s3 =	sadd.s32 $0x88, s3;
	s6 =	simm.s32 @!p1 $0x1082;
	[sflag:s4] =	ssyncset.s32 $0xFFFFF086  }
0x25: {  	[simem:s6], [sflag:s4] =	dma.local [hbm:s3], $0xF7A  }
0x26: {  	[smem:$0x3F94] =	sst s1;
	(tag) =	ssettag s2;
	_ =	strace s9  }
0x27: {  	s1 =	sld [smem:$0x3FA4]  }
0x28: {  	s2 =	sld [smem:$0x3FA5]  }
0x29: {  	s4 =	sld [smem:$0x3FA7]  }
0x2a: {  	p0 =	seq.s32 s5, $0x0;
	s5 =	sld [smem:$0x3FA8]  }
0x2b: {  	s6 =	sld [smem:$0x3FA9]  }
0x2c: {  	s7 =	sld [smem:$0x3FAA]  }
0x2d: {  	s3 =	simm.s32 $0x108;
	s8 =	sld [smem:$0x3FAB]  }
0x2e: {  	s3 =	simm.s32 @!p0 $0x1082;
	s9 =	sld [smem:$0x3FAC]  }
0x2f: {  	lr =	sadd.s32 s0, s3;
	s0 =	sld [smem:$0x3FA3]  }
0x30: {  	s3 =	sld [smem:$0x3FA6]  }
0x31: {  	[smem:$0x3FAF] =	sst s10  }
0x32: {  	s10 =	sld [smem:$0x3FAD];
	_ =	sdelay $0x3  }
0x33: {  	p0 =	seq.s32 s10, $0x1;
	s10 =	sld [smem:$0x3FAF];
	_ =	sdelay $0x3  }
0x34: {  	[smem:$0x3FAF] =	sst s10  }
0x35: {  	s10 =	sld [smem:$0x3FAE];
	_ =	sdelay $0x3  }
0x36: {  	p1 =	seq.s32 s10, $0x1;
	s10 =	sld [smem:$0x3FAF];
	_ =	sdelay $0x3  }
0x37: {  	[smem:$0x3FAF] =	sst s10  }
0x38: {  	s10 =	sld [smem:$0x3FB0]  }
0x39: {  	_ = 	snop;
	(pc) =	sbr.ind lr, $3  }
0x3a: {  	_ = 	snop  }
0x3b: {  	_ = 	snop  }
0x3c: {  	p2 =	seq.s32 s10, $0x1;
	s10 =	sld [smem:$0x3FAF]  }
0x3d: {  	_ =	shalt  }
0x3e: {  	_ =	shalt  }
0x3f: {  	_ =	shalt  }
0x40: {  	_ =	shalt  }
0x41: {  	_ =	shalt  }
0x42: {  	_ =	shalt  }
0x43: {  	_ =	shalt  }
0x44: {  	_ =	shalt  }
0x45: {  	_ =	shalt  }
0x46: {  	_ =	shalt  }
0x47: {  	_ =	shalt  }
0x48: {  	_ =	shalt  }
0x49: {  	_ =	shalt  }
0x4a: {  	_ =	shalt  }
0x4b: {  	_ =	shalt  }
0x4c: {  	_ =	shalt  }
0x4d: {  	_ =	shalt  }
0x4e: {  	_ =	shalt  }
0x4f: {  	_ =	shalt  }
0x50: {  	_ =	shalt  }
0x51: {  	_ =	shalt  }
0x52: {  	_ =	shalt  }
0x53: {  	_ =	shalt  }
0x54: {  	_ =	shalt  }
0x55: {  	_ =	shalt  }
0x56: {  	_ =	shalt  }
0x57: {  	_ =	shalt  }
0x58: {  	_ =	shalt  }
0x59: {  	_ =	shalt  }
0x5a: {  	_ =	shalt  }
0x5b: {  	_ =	shalt  }
0x5c: {  	_ =	shalt  }
0x5d: {  	_ =	shalt  }
0x5e: {  	_ =	shalt  }
0x5f: {  	_ =	shalt  }
0x60: {  	_ =	shalt  }
0x61: {  	_ =	shalt  }
0x62: {  	_ =	shalt  }
0x63: {  	_ =	shalt  }
0x64: {  	_ =	shalt  }
0x65: {  	_ =	shalt  }
0x66: {  	_ =	shalt  }
0x67: {  	_ =	shalt  }
0x68: {  	_ =	shalt  }
0x69: {  	_ =	shalt  }
0x6a: {  	_ =	shalt  }
0x6b: {  	_ =	shalt  }
0x6c: {  	_ =	shalt  }
0x6d: {  	_ =	shalt  }
0x6e: {  	_ =	shalt  }
0x6f: {  	_ =	shalt  }
0x70: {  	_ =	shalt  }
0x71: {  	_ =	shalt  }
0x72: {  	_ =	shalt  }
0x73: {  	_ =	shalt  }
0x74: {  	_ =	shalt  }
0x75: {  	_ =	shalt  }
0x76: {  	_ =	shalt  }
0x77: {  	_ =	shalt  }
0x78: {  	_ =	shalt  }
0x79: {  	_ =	shalt  }
0x7a: {  	_ =	shalt  }
0x7b: {  	_ =	shalt  }
0x7c: {  	_ =	shalt  }
0x7d: {  	_ =	shalt  }
0x7e: {  	_ =	shalt  }
0x7f: {  	_ =	shalt  }
0x80: {  	_ =	shalt  }
0x81: {  	_ =	shalt  }
0x82: {  	_ =	shalt  }
0x83: {  	_ =	shalt  }
0x84: {  	_ =	shalt  }
0x85: {  	_ =	shalt  }
0x86: {  	_ =	shalt  }
0x87: {  	_ =	shalt  }
.Lfunc_end0:
.L_simem_size_0:
called_computation.1_lowered:
.L_overlay_start_0:
0x88: {  	s2 =	sld [smem:$0x3FD9]  }
0x89: {  	s3 =	sld [smem:$0x3FFE];
	_ =	sdelay $0x1  }
0x8a: {  	s1 =	srdreg.scid  }
0x8b: {  	s0 =	sand.u32 $0x1, s1  }
0x8c: {  	s16 =	sshll.u32 s0, $0xA;
	s2 =	sadd.s32 s3, s2  }
0x8d: {  	s2 =	sadd.s32 s2, s16  }
0x8e: {  	[smem:$0x3FBB] =	sst s2  }
0x8f: {  	_ = 	snop  }
0x90: {  	(tm) =	ssettm $0x1  }
0x91: {  	s17 =	sld [smem:$0x3FFB];
	_ =	sdelay $0x3  }
0x92: {  	_ =	strace s17  }
0x93: {  	s2 =	sld [smem:$0x3FFC];
	_ =	sdelay $0x3  }
0x94: {  	_ =	strace s2  }
0x95: {  	s2 =	sld [smem:$0x3FFD];
	_ =	sdelay $0x3  }
0x96: {  	_ =	strace s2  }
0x97: {  	_ =	strace $0x8FFFFFFF  }
0x98: {  	s18 =	sld [smem:$0x3FDB];
	_ =	sdelay $0x1  }
0x99: {  	s19 =	simm.s32 $_scs_section_size  }
0x9a: {  	s4 =	simm.s32 $_size__tile_overlayer_lowered;
	s5 =	simm.s32 $_tile_overlayer_lowered  }
0x9b: {  	s22 =	simm.s32 $0x1BFF;
	s21 =	sshll.u32 s5, $0x1;
	s2 =	sadd.s32 s19, s18  }
0x9c: {  	s6 =	simm.s32 $0x0;
	s20 =	sshll.u32 s4, $0x1;
	s4 =	sadd.s32 s21, s2  }
0x9d: {  	[timem:s6], [sflag:s22] =	dma.local [hbm:s4], s20  }
0x9e: {  	_ =	swait.ge [sflag:s22], s20  }
0x9f: {  	s3 =	ssub.s32 $0x0, s20;
	[sflag:s22] =	ssyncset.done $0x0  }
0xa0: {  	[sflag:s22] =	ssyncadd.s32 s3;
	_ =	sdelay $0x1  }
0xa1: {  	s23 =	simm.s32 $0x1B8B  }
0xa2: {  	_ =	swait.ge [sflag:s23], $0x1  }
0xa3: {  	[sflag:s23] =	ssyncset.done $0x0  }
0xa4: {  	s25 =	simm.s32 $0x1B8E;
	s24 =	sld [smem:$0x3FFE];
	[sflag:s23] =	ssyncadd.s32 $0xFFFFFFFF  }
0xa5: {  	s26 =	simm.s32 $execute0_lowered;
	[smem:$0x3FD2] =	sst s25  }
0xa6: {  	s4 =	sshll.u32 s26, $0x1;
	_ =	strace $0x80000049;
	[dreg:$0x1] =	wrdreg $0xFFFFFFFF  }
0xa7: {  	s28 =	simm.s32 $_size_execute0_lowered;
	s2 =	sadd.s32 s2, s4;
	[dreg:$0x0] =	wrdreg $0x0  }
0xa8: {  	s4 =	sshll.u32 s28, $0x1;
	[dreg:$0x2] =	wrdreg s2  }
0xa9: {  	[dreg:$0x3] =	wrdreg s4  }
0xaa: {  	[dreg:$0x4] =	wrdreg $0xC0  }
0xab: {  	_ =	task [dreg:s6], $0x5FFFF  }
0xac: {  	[dreg:$0x1] =	wrdreg $0xFFFFFFFF  }
0xad: {  	[dreg:$0x0] =	wrdreg $0x60  }
0xae: {  	[dreg:$0x2] =	wrdreg s24  }
0xaf: {  	[dreg:$0x3] =	wrdreg $0xC6200  }
0xb0: {  	[dreg:$0x4] =	wrdreg $0x9  }
0xb1: {  	_ =	task.clear_ibuf [dreg:s6], $0x5FFFF;
	_ =	strace $0x90000049  }
0xb2: {  	s29 =	simm.s32 $0x9;
	_ =	strace $0x8000004B  }
0xb3: {  	_ =	swait.ge [sflag:s29], $0x1  }
0xb4: {  	[sflag:s29] =	ssyncadd.s32 $0xFFFFFFFF  }
0xb5: {  	_ =	strace $0x9000004B  }
0xb6: {  	_ =	sfence  }
0xb7: {  	s30 =	sld [smem:$0x0];
	_ =	sdelay $0x2  }
0xb8: {  	s31 =	sshll.u32 s1, $0xD;
	s1 =	sshrl.u32 s1, $0x2  }
0xb9: {  	s3 =	sand.u32 $0x4000, s31;
	s1 =	sadd.s32 s1, s30  }
0xba: {  	s0 =	sor.u32 s3, s0;
	s1 =	sshll.u32 s1, $0x11  }
0xbb: {  	s0 =	sor.u32 s1, s0  }
0xbc: {  	s0 =	sadd.s32 $0x8F2B, s0  }
0xbd: {  	[sflag:s0] =	ssyncadd.remote.s32 $0x1  }
0xbe: {  	_ =	sfence.sel $0xFFFF  }
0xbf: {  	[dreg:$0x0] =	wrdreg $0xFFFFFFFF;
	(pc) =	sbr.abs _section_cstart, $3  }
0xc0: {  	[dreg:$0x1] =	wrdreg $0xFFFFFFFF  }
0xc1: {  	_ =	task.clear_ibuf [dreg:s6], $0x2FFFF;
	_ =	strace $0x9FFFFFFF  }
0xc2: {  	(tm) =	ssettm $0x7FFFFFFF  }
0xc3: {  	_ =	shalt  }
tec
execute0_lowered:
.L_overlay_start_1:
0x0: {  	(tag) =	ssettag $0x1  }
0x1: {  	s0 =	rddreg [dreg:$0x0]  }
0x2: {  	s2 =	rddreg [dreg:$0x1];
	s1 =	srdreg.scid  }
0x3: {  	s8 =	stileid.u32;
	s3 =	simm.s32 $0x0;
	s28 =	simm.s32 $0x4  }
0x4: {  	s29 =	simm.s32 $0x50;
	s30 =	simm.s32 $0x7620;
	s1 =	sand.u32 $0x1, s1  }
0x5: {  	s4 =	sshll.u32 s8, $0x1;
	[smem:$0x7FF] =	sst s3;
	s14 =	smul.u32 $0x13880, s8  }
0x6: {  	s4 =	sor.u32 s1, s4;
	s6 =	ssub.s32 $0x2, s1;
	s1 =	smul.u32 $0x138800, s1  }
0x7: {  	s31 =	simm.s32 $0x2;
	_ =	strace $0x8000004A;
	s5 =	smul.u32 $0x4E2, s4  }
0x8: {  	s4 =	sadd.s32 $0x65A00, s0;
	s7 =	sshrl.u32 s6, $0x1;
	s26 =	sadd.s32 $0x2800, s14  }
0x9: {  	s15 =	sadd.s32 $0x5000, s14;
	s16 =	sadd.s32 $0x7800, s14;
	s17 =	sadd.s32 $0xA000, s14  }
0xa: {  	s18 =	sadd.s32 $0xC800, s14;
	s20 =	sadd.s32 $0xF000, s14;
	s21 =	sadd.s32 $0x11800, s14  }
0xb: {  	s6 =	ssub.s32 s6, s7;
	s7 =	sadd.s32 s14, s2;
	s8 =	sadd.s32 s26, s2  }
0xc: {  	s9 =	sadd.s32 s15, s2;
	s10 =	sadd.s32 s16, s2;
	s11 =	sadd.s32 s17, s2  }
0xd: {  	s12 =	sadd.s32 s18, s2;
	s13 =	sadd.s32 s20, s2;
	s19 =	sadd.s32 s14, s1  }
0xe: {  	s14 =	sadd.s32 s21, s2;
	s15 =	sadd.s32 s1, s15;
	s5 =	sadd.s32 s5, s0  }
0xf: {  	s22 =	sadd.s32 s1, s17;
	s0 =	sadd.s32 $0x8CC00, s0;
	s25 =	sadd.s32 $0x3C00, s5  }
0x10: {  	s19 =	sshrl.u32 s19, $0x3;
	s5 =	sadd.s32 $0xDA00, s5;
	[dreg:$0x3] =	wrdreg s25  }
0x11: {  	s19 =	sadd.s32 s0, s19;
	[dreg:$0x4] =	wrdreg s5;
	s5 =	sadd.s32 s1, s26  }
0x12: {  	[dreg:$0x5] =	wrdreg s19;
	s19 =	sadd.s32 s1, s16;
	s16 =	sshrl.u32 s22, $0x3  }
0x13: {  	s25 =	sadd.s32 s1, s18;
	s26 =	sadd.s32 s1, s20;
	s1 =	sadd.s32 s1, s21  }
0x14: {  	s5 =	sshrl.u32 s5, $0x3;
	s24 =	sadd.s32 s0, s16;
	s1 =	sshrl.u32 s1, $0x3  }
0x15: {  	s16 =	simm.s32 $0x0;
	s5 =	sadd.s32 s0, s5;
	[dreg:$0x9] =	wrdreg s24  }
0x16: {  	s22 =	sadd.s32 s0, s1;
	[dreg:$0x6] =	wrdreg s5;
	s5 =	sshrl.u32 s15, $0x3  }
0x17: {  	s24 =	simm.s32 $0x7;
	s15 =	sshrl.u32 s19, $0x3;
	s5 =	sadd.s32 s0, s5  }
0x18: {  	s1 =	simm.s32 $0x1;
	s23 =	sadd.s32 s0, s15;
	[dreg:$0x7] =	wrdreg s5  }
0x19: {  	s15 =	sshrl.u32 s26, $0x3;
	s26 =	simm.s32 $0x4E20;
	[dreg:$0x8] =	wrdreg s23  }
0x1a: {  	s5 =	sshrl.u32 s25, $0x3;
	s21 =	sadd.s32 s0, s15;
	s23 =	smax.u32 s6, $0x1  }
0x1b: {  	s25 =	simm.s32 $0x2710;
	s6 =	simm.s32 $0x3;
	s15 =	simm.s32 $0x6  }
0x1c: {  	v0 =	vimm.f32 $0.0e+00;
	s20 =	sadd.s32 s0, s5;
	s0 =	simm.s32 $0x9E20;
	s5 =	simm.s32 $0x5  }
.LBB2_1:
0x1d: {  	s17 =	rddreg [dreg:$0x3]  }
0x1e: {  	[tilespmem:s3], [sflag:$0x7] =	stream.linear.gather [hbm4b:s17+s3], $0x2710, $0x38;
	[tilespmem:$0x1FEA0] =	vst v63  }
0x1f: {  	_ =	swait.ge [sflag:s24], $0x2710  }
0x20: {  	[sflag:s24] =	ssyncset.done $0x0  }
0x21: {  	s19 =	rddreg [dreg:$0x4];
	[sflag:s24] =	ssyncadd.s32 $0xFFFFD8F0  }
0x22: {  	[tilespmem:s25], [sflag:$0x7] =	stream.linear.gather [hbm4b:s19+s3], $0x2710, $0x38;
	[tilespmem:$0x1FEA0] =	vst v63  }
0x23: {  	_ =	swait.ge [sflag:s24], $0x2710  }
0x24: {  	[sflag:s24] =	ssyncset.done $0x0  }
0x25: {  	s18 =	simm.s32 $0x200;
	s17 =	simm.s32 $0x0;
	[sflag:s24] =	ssyncadd.s32 $0xFFFFD8F0  }
.LBB2_2:
0x26: {  	p0 =	sne.s32 s18, $0x9E00;
	[tilespmem:s17+$0x4E90] =	vst v0  }
0x27: {  	[tilespmem:s17+$0x4E20] =	vst v0  }
0x28: {  	[tilespmem:s17+$0x4E30] =	vst v0  }
.Ltmp0:
0x29: {  	[tilespmem:s17+$0x4E40] =	vst v0;
	(pc) =	sbr.rel @p0 .LBB2_2-.Ltmp0, $4  }
0x2a: {  	[tilespmem:s17+$0x4E50] =	vst v0  }
0x2b: {  	[tilespmem:s17+$0x4E60] =	vst v0  }
0x2c: {  	[tilespmem:s17+$0x4E70] =	vst v0  }
0x2d: {  	[tilespmem:s17+$0x4E80] =	vst v0;
	s17 =	sshra.s32 s18, $0x2;
	s18 =	sadd.s32 $0x200, s18  }
0x2e: {  	[tilespmem:s17+$0x4E90] =	vst v0  }
0x2f: {  	[tilespmem:s17+$0x4E20] =	vst v0  }
0x30: {  	[tilespmem:s17+$0x4E30] =	vst v0  }
0x31: {  	[tilespmem:s17+$0x4E40] =	vst v0  }
0x32: {  	[tilespmem:s17+$0x4E50] =	vst v0  }
0x33: {  	[tilespmem:s17+$0x4E60] =	vst v0  }
0x34: {  	[tilespmem:s17+$0x4E70] =	vst v0  }
0x35: {  	[tilespmem:s17+$0x4E80] =	vst v0  }
0x36: {  	[spmem:s7] =	stream.linear.scatter [tilespmem:s26], [sflag:$0x4], $0x2800, $0x38;
	[tilespmem:$0x1FEA0] =	vst v63  }
0x37: {  	_ = 	snop  }
0x38: {  	[spmem:s8] =	stream.linear.scatter [tilespmem:s26], [sflag:$0x4], $0x2800, $0x38;
	[tilespmem:$0x1FEA0] =	vst v63  }
0x39: {  	_ = 	snop  }
0x3a: {  	[spmem:s9] =	stream.linear.scatter [tilespmem:s26], [sflag:$0x4], $0x2800, $0x38;
	[tilespmem:$0x1FEA0] =	vst v63  }
0x3b: {  	_ = 	snop  }
0x3c: {  	[spmem:s10] =	stream.linear.scatter [tilespmem:s26], [sflag:$0x4], $0x2800, $0x38;
	[tilespmem:$0x1FEA0] =	vst v63  }
0x3d: {  	_ = 	snop  }
0x3e: {  	[spmem:s11] =	stream.linear.scatter [tilespmem:s26], [sflag:$0x4], $0x2800, $0x38;
	[tilespmem:$0x1FEA0] =	vst v63  }
0x3f: {  	_ = 	snop  }
0x40: {  	[spmem:s12] =	stream.linear.scatter [tilespmem:s26], [sflag:$0x4], $0x2800, $0x38;
	[tilespmem:$0x1FEA0] =	vst v63  }
0x41: {  	_ = 	snop  }
0x42: {  	[spmem:s13] =	stream.linear.scatter [tilespmem:s26], [sflag:$0x4], $0x2800, $0x38;
	[tilespmem:$0x1FEA0] =	vst v63  }
0x43: {  	_ = 	snop  }
0x44: {  	[spmem:s14] =	stream.linear.scatter [tilespmem:s26], [sflag:$0x4], $0x2080, $0x38;
	[tilespmem:$0x1FEA0] =	vst v63  }
0x45: {  	_ =	swait.ge [sflag:s28], $0x2800  }
0x46: {  	[sflag:s28] =	ssyncset.done $0x0  }
0x47: {  	[sflag:s28] =	ssyncadd.s32 $0xFFFFD800  }
0x48: {  	_ =	swait.ge [sflag:s28], $0x2800  }
0x49: {  	[sflag:s28] =	ssyncset.done $0x0  }
0x4a: {  	[sflag:s28] =	ssyncadd.s32 $0xFFFFD800  }
0x4b: {  	_ =	swait.ge [sflag:s28], $0x2800  }
0x4c: {  	[sflag:s28] =	ssyncset.done $0x0  }
0x4d: {  	[sflag:s28] =	ssyncadd.s32 $0xFFFFD800  }
0x4e: {  	_ =	swait.ge [sflag:s28], $0x2800  }
0x4f: {  	[sflag:s28] =	ssyncset.done $0x0  }
0x50: {  	[sflag:s28] =	ssyncadd.s32 $0xFFFFD800  }
0x51: {  	_ =	swait.ge [sflag:s28], $0x2800  }
0x52: {  	[sflag:s28] =	ssyncset.done $0x0  }
0x53: {  	[sflag:s28] =	ssyncadd.s32 $0xFFFFD800  }
0x54: {  	_ =	swait.ge [sflag:s28], $0x2800  }
0x55: {  	[sflag:s28] =	ssyncset.done $0x0  }
0x56: {  	[sflag:s28] =	ssyncadd.s32 $0xFFFFD800  }
0x57: {  	_ =	swait.ge [sflag:s28], $0x2800  }
0x58: {  	[sflag:s28] =	ssyncset.done $0x0  }
0x59: {  	[sflag:s28] =	ssyncadd.s32 $0xFFFFD800  }
0x5a: {  	_ =	swait.ge [sflag:s28], $0x2080  }
0x5b: {  	[sflag:s28] =	ssyncset.done $0x0  }
0x5c: {  	[sflag:s28] =	ssyncadd.s32 $0xFFFFDF80  }
0x5d: {  	s19 =	simm.s32 $0x0;
	[bflag:$0x0] =	sbarrier.arrive $0xFFFF  }
0x5e: {  	[tilespmem:s26], [sflag:$0x1] =	stream.indirect.gather [hbm4b:s4+s29], $0x80, s19, s29, $0xb8;
	[tilespmem:$0x1FEA0] =	vst v63  }
0x5f: {  	_ = 	snop  }
0x60: {  	[tilespmem:s30], [sflag:$0x2] =	stream.indirect.gather [hbm4b:s4+s29], $0x80, s29, s29, $0xb8;
	[tilespmem:$0x1FEA0] =	vst v63  }
0x61: {  	s18 =	simm.s32 $0xA0  }
0x62: {  	[tilespmem:s0], [sflag:$0x3] =	stream.indirect.gather [hbm4b:s4+s29], $0x80, s18, s29, $0xb8;
	[tilespmem:$0x1FEA0] =	vst v63  }
0x63: {  	_ =	swait.ge [sflag:s1], $0x2800  }
0x64: {  	[sflag:s1] =	ssyncset.done $0x0  }
0x65: {  	[sflag:s1] =	ssyncadd.s32 $0xFFFFD800  }
0x66: {  	[spmem:s2] =	stream.indirect.scatter.add.f32 [tilespmem:s26], [sflag:$0x4], $0x80, s25, s29, $0xb8;
	[tilespmem:$0x1FEA0] =	vst v63  }
0x67: {  	_ =	swait.ge [sflag:s28], $0x2800  }
0x68: {  	[sflag:s28] =	ssyncset.done $0x0  }
0x69: {  	s19 =	simm.s32 $0xF0;
	[sflag:s28] =	ssyncadd.s32 $0xFFFFD800  }
0x6a: {  	[tilespmem:s26], [sflag:$0x1] =	stream.indirect.gather [hbm4b:s4+s29], $0x80, s19, s29, $0xb8;
	[tilespmem:$0x1FEA0] =	vst v63  }
0x6b: {  	_ =	swait.ge [sflag:s31], $0x2800  }
0x6c: {  	[sflag:s31] =	ssyncset.done $0x0  }
0x6d: {  	s18 =	simm.s32 $0x2760;
	[sflag:s31] =	ssyncadd.s32 $0xFFFFD800  }
0x6e: {  	[spmem:s2] =	stream.indirect.scatter.add.f32 [tilespmem:s30], [sflag:$0x5], $0x80, s18, s29, $0xb8;
	[tilespmem:$0x1FEA0] =	vst v63  }
0x6f: {  	_ =	swait.ge [sflag:s5], $0x2800  }
0x70: {  	[sflag:s5] =	ssyncset.done $0x0  }
0x71: {  	s19 =	simm.s32 $0x140;
	[sflag:s5] =	ssyncadd.s32 $0xFFFFD800  }
0x72: {  	[tilespmem:s30], [sflag:$0x2] =	stream.indirect.gather [hbm4b:s4+s29], $0x80, s19, s29, $0xb8;
	[tilespmem:$0x1FEA0] =	vst v63  }
0x73: {  	_ =	swait.ge [sflag:s6], $0x2800  }
0x74: {  	[sflag:s6] =	ssyncset.done $0x0  }
0x75: {  	s18 =	simm.s32 $0x27B0;
	[sflag:s6] =	ssyncadd.s32 $0xFFFFD800  }
0x76: {  	[spmem:s2] =	stream.indirect.scatter.add.f32 [tilespmem:s0], [sflag:$0x6], $0x80, s18, s29, $0xb8;
	[tilespmem:$0x1FEA0] =	vst v63  }
0x77: {  	_ =	swait.ge [sflag:s15], $0x2800  }
0x78: {  	[sflag:s15] =	ssyncset.done $0x0  }
0x79: {  	s19 =	simm.s32 $0x190;
	[sflag:s15] =	ssyncadd.s32 $0xFFFFD800  }
0x7a: {  	[tilespmem:s0], [sflag:$0x3] =	stream.indirect.gather [hbm4b:s4+s29], $0x80, s19, s29, $0xb8;
	[tilespmem:$0x1FEA0] =	vst v63  }
0x7b: {  	_ =	swait.ge [sflag:s1], $0x2800  }
0x7c: {  	[sflag:s1] =	ssyncset.done $0x0  }
0x7d: {  	s18 =	simm.s32 $0x2800;
	[sflag:s1] =	ssyncadd.s32 $0xFFFFD800  }
0x7e: {  	[spmem:s2] =	stream.indirect.scatter.add.f32 [tilespmem:s26], [sflag:$0x4], $0x80, s18, s29, $0xb8;
	[tilespmem:$0x1FEA0] =	vst v63  }
0x7f: {  	_ =	swait.ge [sflag:s28], $0x2800  }
0x80: {  	[sflag:s28] =	ssyncset.done $0x0  }
0x81: {  	s19 =	simm.s32 $0x1E0;
	[sflag:s28] =	ssyncadd.s32 $0xFFFFD800  }
0x82: {  	[tilespmem:s26], [sflag:$0x1] =	stream.indirect.gather [hbm4b:s4+s29], $0x80, s19, s29, $0xb8;
	[tilespmem:$0x1FEA0] =	vst v63  }
0x83: {  	_ =	swait.ge [sflag:s31], $0x2800  }
0x84: {  	[sflag:s31] =	ssyncset.done $0x0  }
0x85: {  	s18 =	simm.s32 $0x2850;
	[sflag:s31] =	ssyncadd.s32 $0xFFFFD800  }
0x86: {  	[spmem:s2] =	stream.indirect.scatter.add.f32 [tilespmem:s30], [sflag:$0x5], $0x80, s18, s29, $0xb8;
	[tilespmem:$0x1FEA0] =	vst v63  }
0x87: {  	_ =	swait.ge [sflag:s5], $0x2800  }
0x88: {  	[sflag:s5] =	ssyncset.done $0x0  }
0x89: {  	s19 =	simm.s32 $0x230;
	[sflag:s5] =	ssyncadd.s32 $0xFFFFD800  }
0x8a: {  	[tilespmem:s30], [sflag:$0x2] =	stream.indirect.gather [hbm4b:s4+s29], $0x80, s19, s29, $0xb8;
	[tilespmem:$0x1FEA0] =	vst v63  }
0x8b: {  	_ =	swait.ge [sflag:s6], $0x2800  }
0x8c: {  	[sflag:s6] =	ssyncset.done $0x0  }
0x8d: {  	s17 =	simm.s32 $0x3C0;
	s18 =	simm.s32 $0x28A0;
	[sflag:s6] =	ssyncadd.s32 $0xFFFFD800  }
.LBB2_4:
0x8e: {  	[spmem:s2] =	stream.indirect.scatter.add.f32 [tilespmem:s0], [sflag:$0x6], $0x80, s18, s29, $0xb8;
	[tilespmem:$0x1FEA0] =	vst v63  }
0x8f: {  	s18 =	smov.u32 s17  }
0x90: {  	p0 =	sne.s32 s17, $0x9240;
	s17 =	sadd.s32 $0x3C0, s17;
	_ =	swait.ge [sflag:s15], $0x2800  }
0x91: {  	s18 =	sshra.s32 s18, $0x2;
	[sflag:s15] =	ssyncset.done $0x0  }
0x92: {  	s19 =	sadd.s32 $0x190, s18;
	[sflag:s15] =	ssyncadd.s32 $0xFFFFD800  }
0x93: {  	[tilespmem:s0], [sflag:$0x3] =	stream.indirect.gather [hbm4b:s4+s29], $0x80, s19, s29, $0xb8;
	[tilespmem:$0x1FEA0] =	vst v63  }
0x94: {  	_ =	swait.ge [sflag:s1], $0x2800  }
0x95: {  	[sflag:s1] =	ssyncset.done $0x0  }
0x96: {  	s19 =	sadd.s32 $0x2800, s18;
	[sflag:s1] =	ssyncadd.s32 $0xFFFFD800  }
0x97: {  	[spmem:s2] =	stream.indirect.scatter.add.f32 [tilespmem:s26], [sflag:$0x4], $0x80, s19, s29, $0xb8;
	[tilespmem:$0x1FEA0] =	vst v63  }
0x98: {  	_ =	swait.ge [sflag:s28], $0x2800  }
0x99: {  	[sflag:s28] =	ssyncset.done $0x0  }
0x9a: {  	s19 =	sadd.s32 $0x1E0, s18;
	[sflag:s28] =	ssyncadd.s32 $0xFFFFD800  }
0x9b: {  	[tilespmem:s26], [sflag:$0x1] =	stream.indirect.gather [hbm4b:s4+s29], $0x80, s19, s29, $0xb8;
	[tilespmem:$0x1FEA0] =	vst v63  }
0x9c: {  	_ =	swait.ge [sflag:s31], $0x2800  }
0x9d: {  	[sflag:s31] =	ssyncset.done $0x0  }
0x9e: {  	s19 =	sadd.s32 $0x2850, s18;
	[sflag:s31] =	ssyncadd.s32 $0xFFFFD800  }
0x9f: {  	[spmem:s2] =	stream.indirect.scatter.add.f32 [tilespmem:s30], [sflag:$0x5], $0x80, s19, s29, $0xb8;
	[tilespmem:$0x1FEA0] =	vst v63  }
0xa0: {  	_ =	swait.ge [sflag:s5], $0x2800  }
0xa1: {  	[sflag:s5] =	ssyncset.done $0x0  }
.Ltmp1:
0xa2: {  	s19 =	sadd.s32 $0x230, s18;
	[sflag:s5] =	ssyncadd.s32 $0xFFFFD800;
	(pc) =	sbr.rel @p0 .LBB2_4-.Ltmp1, $4  }
0xa3: {  	[tilespmem:s30], [sflag:$0x2] =	stream.indirect.gather [hbm4b:s4+s29], $0x80, s19, s29, $0xb8;
	[tilespmem:$0x1FEA0] =	vst v63  }
0xa4: {  	_ =	swait.ge [sflag:s6], $0x2800  }
0xa5: {  	[sflag:s6] =	ssyncset.done $0x0  }
0xa6: {  	s18 =	sadd.s32 $0x28A0, s18;
	[sflag:s6] =	ssyncadd.s32 $0xFFFFD800  }
0xa7: {  	[spmem:s2] =	stream.indirect.scatter.add.f32 [tilespmem:s0], [sflag:$0x6], $0x80, s18, s29, $0xb8;
	[tilespmem:$0x1FEA0] =	vst v63  }
0xa8: {  	_ =	swait.ge [sflag:s15], $0x2800  }
0xa9: {  	[sflag:s15] =	ssyncset.done $0x0  }
0xaa: {  	[sflag:s15] =	ssyncadd.s32 $0xFFFFD800  }
0xab: {  	_ =	swait.ge [sflag:s1], $0x2800  }
0xac: {  	[sflag:s1] =	ssyncset.done $0x0  }
0xad: {  	s17 =	simm.s32 $0x4D80;
	[sflag:s1] =	ssyncadd.s32 $0xFFFFD800  }
0xae: {  	[spmem:s2] =	stream.indirect.scatter.add.f32 [tilespmem:s26], [sflag:$0x4], $0x80, s17, s29, $0xb8;
	[tilespmem:$0x1FEA0] =	vst v63  }
0xaf: {  	_ =	swait.ge [sflag:s28], $0x2800  }
0xb0: {  	[sflag:s28] =	ssyncset.done $0x0  }
0xb1: {  	[sflag:s28] =	ssyncadd.s32 $0xFFFFD800  }
0xb2: {  	_ =	swait.ge [sflag:s31], $0x2800  }
0xb3: {  	[sflag:s31] =	ssyncset.done $0x0  }
0xb4: {  	s18 =	simm.s32 $0x4DD0;
	[sflag:s31] =	ssyncadd.s32 $0xFFFFD800  }
0xb5: {  	[spmem:s2] =	stream.indirect.scatter.add.f32 [tilespmem:s30], [sflag:$0x5], $0x80, s18, s29, $0xb8;
	[tilespmem:$0x1FEA0] =	vst v63  }
0xb6: {  	_ =	swait.ge [sflag:s5], $0x2800  }
0xb7: {  	[sflag:s5] =	ssyncset.done $0x0  }
0xb8: {  	[sflag:s5] =	ssyncadd.s32 $0xFFFFD800  }
0xb9: {  	[bflag:$0x0] =	sbarrier.arrive $0xFFFF  }
0xba: {  	[tilespmem:s26], [sflag:$0x1] =	stream.linear.gather [spmem:s7], $0x2800, $0x38;
	[tilespmem:$0x1FEA0] =	vst v63  }
0xbb: {  	_ =	swait.ge [sflag:s1], $0x2800  }
0xbc: {  	[sflag:s1] =	ssyncset.done $0x0  }
0xbd: {  	s19 =	rddreg [dreg:$0x5];
	[sflag:s1] =	ssyncadd.s32 $0xFFFFD800  }
0xbe: {  	[hbm4b:s19+s3] =	stream.linear.scatter [tilespmem:s26], [sflag:$0x4], $0x2800, $0x38;
	[tilespmem:$0x1FEA0] =	vst v63  }
0xbf: {  	_ = 	snop  }
0xc0: {  	[tilespmem:s30], [sflag:$0x2] =	stream.linear.gather [spmem:s8], $0x2800, $0x38;
	[tilespmem:$0x1FEA0] =	vst v63  }
0xc1: {  	_ =	swait.ge [sflag:s31], $0x2800  }
0xc2: {  	[sflag:s31] =	ssyncset.done $0x0  }
0xc3: {  	s18 =	rddreg [dreg:$0x6];
	[sflag:s31] =	ssyncadd.s32 $0xFFFFD800  }
0xc4: {  	[hbm4b:s18+s3] =	stream.linear.scatter [tilespmem:s30], [sflag:$0x5], $0x2800, $0x38;
	[tilespmem:$0x1FEA0] =	vst v63  }
0xc5: {  	_ = 	snop  }
0xc6: {  	[tilespmem:s0], [sflag:$0x3] =	stream.linear.gather [spmem:s9], $0x2800, $0x38;
	[tilespmem:$0x1FEA0] =	vst v63  }
0xc7: {  	_ =	swait.ge [sflag:s6], $0x2800  }
0xc8: {  	[sflag:s6] =	ssyncset.done $0x0  }
0xc9: {  	s19 =	rddreg [dreg:$0x7];
	[sflag:s6] =	ssyncadd.s32 $0xFFFFD800  }
0xca: {  	[hbm4b:s19+s3] =	stream.linear.scatter [tilespmem:s0], [sflag:$0x6], $0x2800, $0x38;
	[tilespmem:$0x1FEA0] =	vst v63  }
0xcb: {  	_ =	swait.ge [sflag:s28], $0x2800  }
0xcc: {  	[sflag:s28] =	ssyncset.done $0x0  }
0xcd: {  	[sflag:s28] =	ssyncadd.s32 $0xFFFFD800  }
0xce: {  	[tilespmem:s26], [sflag:$0x1] =	stream.linear.gather [spmem:s10], $0x2800, $0x38;
	[tilespmem:$0x1FEA0] =	vst v63  }
0xcf: {  	_ =	swait.ge [sflag:s1], $0x2800  }
0xd0: {  	[sflag:s1] =	ssyncset.done $0x0  }
0xd1: {  	s18 =	rddreg [dreg:$0x8];
	[sflag:s1] =	ssyncadd.s32 $0xFFFFD800  }
0xd2: {  	[hbm4b:s18+s3] =	stream.linear.scatter [tilespmem:s26], [sflag:$0x4], $0x2800, $0x38;
	[tilespmem:$0x1FEA0] =	vst v63  }
0xd3: {  	_ =	swait.ge [sflag:s5], $0x2800  }
0xd4: {  	[sflag:s5] =	ssyncset.done $0x0  }
0xd5: {  	[sflag:s5] =	ssyncadd.s32 $0xFFFFD800  }
0xd6: {  	[tilespmem:s30], [sflag:$0x2] =	stream.linear.gather [spmem:s11], $0x2800, $0x38;
	[tilespmem:$0x1FEA0] =	vst v63  }
0xd7: {  	_ =	swait.ge [sflag:s31], $0x2800  }
0xd8: {  	[sflag:s31] =	ssyncset.done $0x0  }
0xd9: {  	s19 =	rddreg [dreg:$0x9];
	[sflag:s31] =	ssyncadd.s32 $0xFFFFD800  }
0xda: {  	[hbm4b:s19+s3] =	stream.linear.scatter [tilespmem:s30], [sflag:$0x5], $0x2800, $0x38;
	[tilespmem:$0x1FEA0] =	vst v63  }
0xdb: {  	_ =	swait.ge [sflag:s15], $0x2800  }
0xdc: {  	[sflag:s15] =	ssyncset.done $0x0  }
0xdd: {  	[sflag:s15] =	ssyncadd.s32 $0xFFFFD800  }
0xde: {  	[tilespmem:s0], [sflag:$0x3] =	stream.linear.gather [spmem:s12], $0x2800, $0x38;
	[tilespmem:$0x1FEA0] =	vst v63  }
0xdf: {  	_ =	swait.ge [sflag:s6], $0x2800  }
0xe0: {  	[sflag:s6] =	ssyncset.done $0x0  }
0xe1: {  	[sflag:s6] =	ssyncadd.s32 $0xFFFFD800  }
0xe2: {  	[hbm4b:s20+s3] =	stream.linear.scatter [tilespmem:s0], [sflag:$0x6], $0x2800, $0x38;
	[tilespmem:$0x1FEA0] =	vst v63  }
0xe3: {  	_ =	swait.ge [sflag:s28], $0x2800  }
0xe4: {  	[sflag:s28] =	ssyncset.done $0x0  }
0xe5: {  	[sflag:s28] =	ssyncadd.s32 $0xFFFFD800  }
0xe6: {  	[tilespmem:s26], [sflag:$0x1] =	stream.linear.gather [spmem:s13], $0x2800, $0x38;
	[tilespmem:$0x1FEA0] =	vst v63  }
0xe7: {  	_ =	swait.ge [sflag:s1], $0x2800  }
0xe8: {  	[sflag:s1] =	ssyncset.done $0x0  }
0xe9: {  	[sflag:s1] =	ssyncadd.s32 $0xFFFFD800  }
0xea: {  	[hbm4b:s21+s3] =	stream.linear.scatter [tilespmem:s26], [sflag:$0x4], $0x2800, $0x38;
	[tilespmem:$0x1FEA0] =	vst v63  }
0xeb: {  	_ =	swait.ge [sflag:s5], $0x2800  }
0xec: {  	[sflag:s5] =	ssyncset.done $0x0  }
0xed: {  	[sflag:s5] =	ssyncadd.s32 $0xFFFFD800  }
0xee: {  	[tilespmem:s30], [sflag:$0x2] =	stream.linear.gather [spmem:s14], $0x2080, $0x38;
	[tilespmem:$0x1FEA0] =	vst v63  }
0xef: {  	_ =	swait.ge [sflag:s31], $0x2080  }
0xf0: {  	[sflag:s31] =	ssyncset.done $0x0  }
0xf1: {  	[sflag:s31] =	ssyncadd.s32 $0xFFFFDF80  }
0xf2: {  	[hbm4b:s22+s3] =	stream.linear.scatter [tilespmem:s30], [sflag:$0x5], $0x2080, $0x38;
	[tilespmem:$0x1FEA0] =	vst v63  }
0xf3: {  	_ =	swait.ge [sflag:s15], $0x2800  }
0xf4: {  	[sflag:s15] =	ssyncset.done $0x0  }
0xf5: {  	s16 =	sadd.s32 $0x1, s16;
	[sflag:s15] =	ssyncadd.s32 $0xFFFFD800  }
0xf6: {  	p0 =	sne.s32 s16, s23;
	_ =	swait.ge [sflag:s28], $0x2800  }
.Ltmp2:
0xf7: {  	[sflag:s28] =	ssyncset.done $0x0;
	(pc) =	sbr.rel @p0 .LBB2_1-.Ltmp2, $4  }
0xf8: {  	[sflag:s28] =	ssyncadd.s32 $0xFFFFD800  }
0xf9: {  	_ =	swait.ge [sflag:s5], $0x2080  }
0xfa: {  	[sflag:s5] =	ssyncset.done $0x0  }
0xfb: {  	[sflag:s5] =	ssyncadd.s32 $0xFFFFDF80  }
0xfc: {  	_ =	sfence.sel $0x180000  }
0xfd: {  	[bflag:$0x0] =	sbarrier.arrive $0xFFFF  }
0xfe: {  	_ =	strace $0x9000004A  }
0xff: {  	s0 =	stileid.u32;
	[bflag:$0x2] =	sbarrier.arrive $0xFFFF  }
0x100: {  	p0 =	sne.s32 s0, $0x0;
	s0 =	rddreg [dreg:$0x2]  }
0x101: {  	s0 =	sadd.s32 @!p0 $0x100000, s0  }
0x102: {  	[sflag:s0] =	ssyncadd.tile.s32 @!p0 $0x1;
	_ =	shalt  }
.Lfunc_end2:
_tile_overlayer_lowered:
.L_overlay_start_2:
0x103: {  	(tag) =	ssettag $0x2  }
0x104: {  	s0 =	rddreg [dreg:$0x0];
	s2 =	stileid.u32  }
0x105: {  	s1 =	rddreg [dreg:$0x1];
	p0 =	sne.s32 s2, $0x0  }
0x106: {  	s3 =	rddreg [dreg:$0x2];
	[bflag:$0x3] =	sbarrier.arrive $0xFFFF;
	s2 =	simm.s32 @!p0 $0x1C07  }
0x107: {  	[timem:s3], [sflag:s2] =	dma.local @!p0 [hbm:s0], s1  }
0x108: {  	s0 =	simm.s32 @!p0 $0x7  }
0x109: {  	_ =	swait.ge @!p0 [sflag:s0], s1  }
0x10a: {  	s1 =	ssub.s32 @!p0 $0x0, s1;
	[sflag:s0] =	ssyncset.done @!p0 $0x0  }
0x10b: {  	[sflag:s0] =	ssyncadd.s32 @!p0 s1  }
0x10c: {  	[bflag:$0x3] =	sbarrier.arrive $0xFFFF  }
0x10d: {  	_ =	shalt  }

// kernel: kernel.14.cloned.1.call-start
scs
__scs_entry_jumppad:
0x0: {  	(pc) =	sbr.rel $0x88, $3  }
0x1: {  	(tag) =	ssettag $0x0;
	lr =	simm.s32 $0x1  }
0x2: {  	[smem:$0x3F94] =	sst lr;
	_ =	strace $0xD0000000  }
0x3: {  	_ = 	snop  }
0x4: {  	_ = 	snop  }
0x5: {  	_ = 	snop  }
0x6: {  	_ = 	snop  }
0x7: {  	_ = 	snop  }
__scs_overlays_trampoline_lowered:
0x8: {  	[smem:$0x3FA3] =	sst s0  }
0x9: {  	[smem:$0x3FA4] =	sst s1  }
0xa: {  	[smem:$0x3FA5] =	sst s2  }
0xb: {  	[smem:$0x3FA6] =	sst s3  }
0xc: {  	[smem:$0x3FA7] =	sst s4  }
0xd: {  	[smem:$0x3FA8] =	sst s5  }
0xe: {  	[smem:$0x3FA9] =	sst s6  }
0xf: {  	[smem:$0x3FAA] =	sst s7  }
0x10: {  	[smem:$0x3FAB] =	sst s8  }
0x11: {  	[smem:$0x3FAC] =	sst s9;
	s0 =	simm.s32 @!p0 $0x0  }
0x12: {  	s1 =	sld [smem:$0x3F92];
	s0 =	simm.s32 @p0 $0x1  }
0x13: {  	[smem:$0x3FAD] =	sst s0;
	s0 =	simm.s32 @!p1 $0x0  }
0x14: {  	s2 =	sld [smem:$0x3F91];
	s0 =	simm.s32 @p1 $0x1  }
0x15: {  	[smem:$0x3FAE] =	sst s0;
	s0 =	simm.s32 @!p2 $0x0  }
0x16: {  	s3 =	sld [smem:$0x3FDB];
	s0 =	simm.s32 @p2 $0x1  }
0x17: {  	s4 =	simm.s32 $0x1BF5;
	[smem:$0x3FB0] =	sst s0  }
0x18: {  	s0 =	sld [smem:$0x3F93];
	_ =	swait.ge [sflag:s4], $0x0  }
0x19: {  	s7 =	sld [smem:$0x3F94]  }
0x1a: {  	s8 =	sadd.s32 $0xFFFFE003, lr  }
0x1b: {  	s9 =	sadd.s32 $0xFFFFFEF7, lr;
	s5 =	simm.s32 $0xFFFFFFFF;
	p2 =	slt.u32 s8, $0xFFFFF086  }
0x1c: {  	p1 =	slt.u32 s9, $0xF7A;
	s5 =	simm.s32 @!p2 $0x0  }
0x1d: {  	s5 =	simm.s32 @p1 $0x1;
	p0 =	seq.s32 s7, s2  }
0x1e: {  	s7 =	smul.u32 @!p0 $0xF7A, s2;
	p2 =	seq.s32 @!p0 s5, $0x0  }
0x1f: {  	s9 =	smul.u32 $0xF7A, s1;
	s8 =	simm.s32 @!p0 $0x1BF5;
	p2 =	por !p2, p0  }
0x20: {  	[sflag:s8] =	ssyncset.s32 @!p0 $0xFFFFF086;
	s6 =	sadd.s32 @!p0 s3, s7;
	s7 =	simm.s32 @!p0 $0x108  }
0x21: {  	s3 =	sadd.s32 s3, s9;
	s6 =	sadd.s32 @!p0 $0x88, s6;
	s7 =	simm.s32 @p2 $0x1082  }
0x22: {  	[simem:s7], [sflag:s8] =	dma.local @!p0 [hbm:s6], $0xF7A  }
0x23: {  	s9 =	sor.u32 $0xD0000000, s2;
	s6 =	simm.s32 $0x108;
	_ =	swait.ge @!p0 [sflag:s8], $0x0  }
0x24: {  	s3 =	sadd.s32 $0x88, s3;
	s6 =	simm.s32 @!p1 $0x1082;
	[sflag:s4] =	ssyncset.s32 $0xFFFFF086  }
0x25: {  	[simem:s6], [sflag:s4] =	dma.local [hbm:s3], $0xF7A  }
0x26: {  	[smem:$0x3F94] =	sst s1;
	(tag) =	ssettag s2;
	_ =	strace s9  }
0x27: {  	s1 =	sld [smem:$0x3FA4]  }
0x28: {  	s2 =	sld [smem:$0x3FA5]  }
0x29: {  	s4 =	sld [smem:$0x3FA7]  }
0x2a: {  	p0 =	seq.s32 s5, $0x0;
	s5 =	sld [smem:$0x3FA8]  }
0x2b: {  	s6 =	sld [smem:$0x3FA9]  }
0x2c: {  	s7 =	sld [smem:$0x3FAA]  }
0x2d: {  	s3 =	simm.s32 $0x108;
	s8 =	sld [smem:$0x3FAB]  }
0x2e: {  	s3 =	simm.s32 @!p0 $0x1082;
	s9 =	sld [smem:$0x3FAC]  }
0x2f: {  	lr =	sadd.s32 s0, s3;
	s0 =	sld [smem:$0x3FA3]  }
0x30: {  	s3 =	sld [smem:$0x3FA6]  }
0x31: {  	[smem:$0x3FAF] =	sst s10  }
0x32: {  	s10 =	sld [smem:$0x3FAD];
	_ =	sdelay $0x3  }
0x33: {  	p0 =	seq.s32 s10, $0x1;
	s10 =	sld [smem:$0x3FAF];
	_ =	sdelay $0x3  }
0x34: {  	[smem:$0x3FAF] =	sst s10  }
0x35: {  	s10 =	sld [smem:$0x3FAE];
	_ =	sdelay $0x3  }
0x36: {  	p1 =	seq.s32 s10, $0x1;
	s10 =	sld [smem:$0x3FAF];
	_ =	sdelay $0x3  }
0x37: {  	[smem:$0x3FAF] =	sst s10  }
0x38: {  	s10 =	sld [smem:$0x3FB0]  }
0x39: {  	_ = 	snop;
	(pc) =	sbr.ind lr, $3  }
0x3a: {  	_ = 	snop  }
0x3b: {  	_ = 	snop  }
0x3c: {  	p2 =	seq.s32 s10, $0x1;
	s10 =	sld [smem:$0x3FAF]  }
0x3d: {  	_ =	shalt  }
0x3e: {  	_ =	shalt  }
0x3f: {  	_ =	shalt  }
0x40: {  	_ =	shalt  }
0x41: {  	_ =	shalt  }
0x42: {  	_ =	shalt  }
0x43: {  	_ =	shalt  }
0x44: {  	_ =	shalt  }
0x45: {  	_ =	shalt  }
0x46: {  	_ =	shalt  }
0x47: {  	_ =	shalt  }
0x48: {  	_ =	shalt  }
0x49: {  	_ =	shalt  }
0x4a: {  	_ =	shalt  }
0x4b: {  	_ =	shalt  }
0x4c: {  	_ =	shalt  }
0x4d: {  	_ =	shalt  }
0x4e: {  	_ =	shalt  }
0x4f: {  	_ =	shalt  }
0x50: {  	_ =	shalt  }
0x51: {  	_ =	shalt  }
0x52: {  	_ =	shalt  }
0x53: {  	_ =	shalt  }
0x54: {  	_ =	shalt  }
0x55: {  	_ =	shalt  }
0x56: {  	_ =	shalt  }
0x57: {  	_ =	shalt  }
0x58: {  	_ =	shalt  }
0x59: {  	_ =	shalt  }
0x5a: {  	_ =	shalt  }
0x5b: {  	_ =	shalt  }
0x5c: {  	_ =	shalt  }
0x5d: {  	_ =	shalt  }
0x5e: {  	_ =	shalt  }
0x5f: {  	_ =	shalt  }
0x60: {  	_ =	shalt  }
0x61: {  	_ =	shalt  }
0x62: {  	_ =	shalt  }
0x63: {  	_ =	shalt  }
0x64: {  	_ =	shalt  }
0x65: {  	_ =	shalt  }
0x66: {  	_ =	shalt  }
0x67: {  	_ =	shalt  }
0x68: {  	_ =	shalt  }
0x69: {  	_ =	shalt  }
0x6a: {  	_ =	shalt  }
0x6b: {  	_ =	shalt  }
0x6c: {  	_ =	shalt  }
0x6d: {  	_ =	shalt  }
0x6e: {  	_ =	shalt  }
0x6f: {  	_ =	shalt  }
0x70: {  	_ =	shalt  }
0x71: {  	_ =	shalt  }
0x72: {  	_ =	shalt  }
0x73: {  	_ =	shalt  }
0x74: {  	_ =	shalt  }
0x75: {  	_ =	shalt  }
0x76: {  	_ =	shalt  }
0x77: {  	_ =	shalt  }
0x78: {  	_ =	shalt  }
0x79: {  	_ =	shalt  }
0x7a: {  	_ =	shalt  }
0x7b: {  	_ =	shalt  }
0x7c: {  	_ =	shalt  }
0x7d: {  	_ =	shalt  }
0x7e: {  	_ =	shalt  }
0x7f: {  	_ =	shalt  }
0x80: {  	_ =	shalt  }
0x81: {  	_ =	shalt  }
0x82: {  	_ =	shalt  }
0x83: {  	_ =	shalt  }
0x84: {  	_ =	shalt  }
0x85: {  	_ =	shalt  }
0x86: {  	_ =	shalt  }
0x87: {  	_ =	shalt  }
.Lfunc_end0:
.L_simem_size_0:
called_computation.2_lowered:
.L_overlay_start_0:
0x88: {  	s2 =	sld [smem:$0x3FD9]  }
0x89: {  	s3 =	sld [smem:$0x3FFE];
	_ =	sdelay $0x1  }
0x8a: {  	s1 =	srdreg.scid  }
0x8b: {  	s0 =	sand.u32 $0x1, s1  }
0x8c: {  	s16 =	sshll.u32 s0, $0xA;
	s2 =	sadd.s32 s3, s2  }
0x8d: {  	s2 =	sadd.s32 s2, s16  }
0x8e: {  	[smem:$0x3FBB] =	sst s2  }
0x8f: {  	_ = 	snop  }
0x90: {  	(tm) =	ssettm $0x1  }
0x91: {  	s17 =	sld [smem:$0x3FFB];
	_ =	sdelay $0x3  }
0x92: {  	_ =	strace s17  }
0x93: {  	s2 =	sld [smem:$0x3FFC];
	_ =	sdelay $0x3  }
0x94: {  	_ =	strace s2  }
0x95: {  	s2 =	sld [smem:$0x3FFD];
	_ =	sdelay $0x3  }
0x96: {  	_ =	strace s2  }
0x97: {  	_ =	strace $0x8FFFFFFF  }
0x98: {  	s18 =	sld [smem:$0x3FDB];
	_ =	sdelay $0x1  }
0x99: {  	s19 =	simm.s32 $_scs_section_size  }
0x9a: {  	s4 =	simm.s32 $_size__tile_overlayer_lowered;
	s5 =	simm.s32 $_tile_overlayer_lowered  }
0x9b: {  	s22 =	simm.s32 $0x1BFF;
	s21 =	sshll.u32 s5, $0x1;
	s2 =	sadd.s32 s19, s18  }
0x9c: {  	s6 =	simm.s32 $0x0;
	s20 =	sshll.u32 s4, $0x1;
	s4 =	sadd.s32 s21, s2  }
0x9d: {  	[timem:s6], [sflag:s22] =	dma.local [hbm:s4], s20  }
0x9e: {  	_ =	swait.ge [sflag:s22], s20  }
0x9f: {  	s3 =	ssub.s32 $0x0, s20;
	[sflag:s22] =	ssyncset.done $0x0  }
0xa0: {  	[sflag:s22] =	ssyncadd.s32 s3;
	_ =	sdelay $0x1  }
0xa1: {  	s23 =	simm.s32 $0x1B8B  }
0xa2: {  	_ =	swait.ge [sflag:s23], $0x1  }
0xa3: {  	[sflag:s23] =	ssyncset.done $0x0  }
0xa4: {  	s25 =	simm.s32 $0x1B8E;
	s24 =	sld [smem:$0x3FFE];
	[sflag:s23] =	ssyncadd.s32 $0xFFFFFFFF  }
0xa5: {  	s26 =	simm.s32 $execute0_lowered;
	[smem:$0x3FD2] =	sst s25  }
0xa6: {  	s4 =	sshll.u32 s26, $0x1;
	_ =	strace $0x8000004C;
	[dreg:$0x1] =	wrdreg $0xFFFFFFFF  }
0xa7: {  	s28 =	simm.s32 $_size_execute0_lowered;
	s2 =	sadd.s32 s2, s4;
	[dreg:$0x0] =	wrdreg $0x0  }
0xa8: {  	s4 =	sshll.u32 s28, $0x1;
	[dreg:$0x2] =	wrdreg s2  }
0xa9: {  	[dreg:$0x3] =	wrdreg s4  }
0xaa: {  	[dreg:$0x4] =	wrdreg $0xC0  }
0xab: {  	_ =	task [dreg:s6], $0x5FFFF  }
0xac: {  	[dreg:$0x1] =	wrdreg $0xFFFFFFFF  }
0xad: {  	[dreg:$0x0] =	wrdreg $0x60  }
0xae: {  	[dreg:$0x2] =	wrdreg s24  }
0xaf: {  	[dreg:$0x3] =	wrdreg $0xC6200  }
0xb0: {  	[dreg:$0x4] =	wrdreg $0x9  }
0xb1: {  	_ =	task.clear_ibuf [dreg:s6], $0x5FFFF;
	_ =	strace $0x9000004C  }
0xb2: {  	s29 =	simm.s32 $0x9;
	_ =	strace $0x8000004E  }
0xb3: {  	_ =	swait.ge [sflag:s29], $0x1  }
0xb4: {  	[sflag:s29] =	ssyncadd.s32 $0xFFFFFFFF  }
0xb5: {  	_ =	strace $0x9000004E  }
0xb6: {  	_ =	sfence  }
0xb7: {  	s30 =	sld [smem:$0x0];
	_ =	sdelay $0x2  }
0xb8: {  	s31 =	sshll.u32 s1, $0xD;
	s1 =	sshrl.u32 s1, $0x2  }
0xb9: {  	s3 =	sand.u32 $0x4000, s31;
	s1 =	sadd.s32 s1, s30  }
0xba: {  	s0 =	sor.u32 s3, s0;
	s1 =	sshll.u32 s1, $0x11  }
0xbb: {  	s0 =	sor.u32 s1, s0  }
0xbc: {  	s0 =	sadd.s32 $0x8F2B, s0  }
0xbd: {  	[sflag:s0] =	ssyncadd.remote.s32 $0x1  }
0xbe: {  	_ =	sfence.sel $0xFFFF  }
0xbf: {  	[dreg:$0x0] =	wrdreg $0xFFFFFFFF;
	(pc) =	sbr.abs _section_cstart, $3  }
0xc0: {  	[dreg:$0x1] =	wrdreg $0xFFFFFFFF  }
0xc1: {  	_ =	task.clear_ibuf [dreg:s6], $0x2FFFF;
	_ =	strace $0x9FFFFFFF  }
0xc2: {  	(tm) =	ssettm $0x7FFFFFFF  }
0xc3: {  	_ =	shalt  }
tec
execute0_lowered:
.L_overlay_start_1:
0x0: {  	(tag) =	ssettag $0x1  }
0x1: {  	s0 =	rddreg [dreg:$0x0]  }
0x2: {  	s2 =	rddreg [dreg:$0x1];
	s1 =	srdreg.scid  }
0x3: {  	s8 =	stileid.u32;
	s3 =	simm.s32 $0x0;
	s28 =	simm.s32 $0x4  }
0x4: {  	s29 =	simm.s32 $0x50;
	s30 =	simm.s32 $0x7620;
	s1 =	sand.u32 $0x1, s1  }
0x5: {  	s4 =	sshll.u32 s8, $0x1;
	[smem:$0x7FF] =	sst s3;
	s14 =	smul.u32 $0x13880, s8  }
0x6: {  	s4 =	sor.u32 s1, s4;
	s6 =	ssub.s32 $0x2, s1;
	s1 =	smul.u32 $0x138800, s1  }
0x7: {  	s31 =	simm.s32 $0x2;
	_ =	strace $0x8000004D;
	s5 =	smul.u32 $0x4E2, s4  }
0x8: {  	s4 =	sadd.s32 $0x65A00, s0;
	s7 =	sshrl.u32 s6, $0x1;
	s26 =	sadd.s32 $0x2800, s14  }
0x9: {  	s15 =	sadd.s32 $0x5000, s14;
	s16 =	sadd.s32 $0x7800, s14;
	s17 =	sadd.s32 $0xA000, s14  }
0xa: {  	s18 =	sadd.s32 $0xC800, s14;
	s20 =	sadd.s32 $0xF000, s14;
	s21 =	sadd.s32 $0x11800, s14  }
0xb: {  	s6 =	ssub.s32 s6, s7;
	s7 =	sadd.s32 s14, s2;
	s8 =	sadd.s32 s26, s2  }
0xc: {  	s9 =	sadd.s32 s15, s2;
	s10 =	sadd.s32 s16, s2;
	s11 =	sadd.s32 s17, s2  }
0xd: {  	s12 =	sadd.s32 s18, s2;
	s13 =	sadd.s32 s20, s2;
	s19 =	sadd.s32 s14, s1  }
0xe: {  	s14 =	sadd.s32 s21, s2;
	s15 =	sadd.s32 s1, s15;
	s5 =	sadd.s32 s5, s0  }
0xf: {  	s22 =	sadd.s32 s1, s17;
	s0 =	sadd.s32 $0x8CC00, s0;
	s25 =	sadd.s32 $0x3C00, s5  }
0x10: {  	s19 =	sshrl.u32 s19, $0x3;
	s5 =	sadd.s32 $0xDA00, s5;
	[dreg:$0x3] =	wrdreg s25  }
0x11: {  	s19 =	sadd.s32 s0, s19;
	[dreg:$0x4] =	wrdreg s5;
	s5 =	sadd.s32 s1, s26  }
0x12: {  	[dreg:$0x5] =	wrdreg s19;
	s19 =	sadd.s32 s1, s16;
	s16 =	sshrl.u32 s22, $0x3  }
0x13: {  	s25 =	sadd.s32 s1, s18;
	s26 =	sadd.s32 s1, s20;
	s1 =	sadd.s32 s1, s21  }
0x14: {  	s5 =	sshrl.u32 s5, $0x3;
	s24 =	sadd.s32 s0, s16;
	s1 =	sshrl.u32 s1, $0x3  }
0x15: {  	s16 =	simm.s32 $0x0;
	s5 =	sadd.s32 s0, s5;
	[dreg:$0x9] =	wrdreg s24  }
0x16: {  	s22 =	sadd.s32 s0, s1;
	[dreg:$0x6] =	wrdreg s5;
	s5 =	sshrl.u32 s15, $0x3  }
0x17: {  	s24 =	simm.s32 $0x7;
	s15 =	sshrl.u32 s19, $0x3;
	s5 =	sadd.s32 s0, s5  }
0x18: {  	s1 =	simm.s32 $0x1;
	s23 =	sadd.s32 s0, s15;
	[dreg:$0x7] =	wrdreg s5  }
0x19: {  	s15 =	sshrl.u32 s26, $0x3;
	s26 =	simm.s32 $0x4E20;
	[dreg:$0x8] =	wrdreg s23  }
0x1a: {  	s5 =	sshrl.u32 s25, $0x3;
	s21 =	sadd.s32 s0, s15;
	s23 =	smax.u32 s6, $0x1  }
0x1b: {  	s25 =	simm.s32 $0x2710;
	s6 =	simm.s32 $0x3;
	s15 =	simm.s32 $0x6  }
0x1c: {  	v0 =	vimm.f32 $0.0e+00;
	s20 =	sadd.s32 s0, s5;
	s0 =	simm.s32 $0x9E20;
	s5 =	simm.s32 $0x5  }
.LBB2_1:
0x1d: {  	s17 =	rddreg [dreg:$0x3]  }
0x1e: {  	[tilespmem:s3], [sflag:$0x7] =	stream.linear.gather [hbm4b:s17+s3], $0x2710, $0x38;
	[tilespmem:$0x1FEA0] =	vst v63  }
0x1f: {  	_ =	swait.ge [sflag:s24], $0x2710  }
0x20: {  	[sflag:s24] =	ssyncset.done $0x0  }
0x21: {  	s19 =	rddreg [dreg:$0x4];
	[sflag:s24] =	ssyncadd.s32 $0xFFFFD8F0  }
0x22: {  	[tilespmem:s25], [sflag:$0x7] =	stream.linear.gather [hbm4b:s19+s3], $0x2710, $0x38;
	[tilespmem:$0x1FEA0] =	vst v63  }
0x23: {  	_ =	swait.ge [sflag:s24], $0x2710  }
0x24: {  	[sflag:s24] =	ssyncset.done $0x0  }
0x25: {  	s18 =	simm.s32 $0x200;
	s17 =	simm.s32 $0x0;
	[sflag:s24] =	ssyncadd.s32 $0xFFFFD8F0  }
.LBB2_2:
0x26: {  	p0 =	sne.s32 s18, $0x9E00;
	[tilespmem:s17+$0x4E90] =	vst v0  }
0x27: {  	[tilespmem:s17+$0x4E20] =	vst v0  }
0x28: {  	[tilespmem:s17+$0x4E30] =	vst v0  }
.Ltmp0:
0x29: {  	[tilespmem:s17+$0x4E40] =	vst v0;
	(pc) =	sbr.rel @p0 .LBB2_2-.Ltmp0, $4  }
0x2a: {  	[tilespmem:s17+$0x4E50] =	vst v0  }
0x2b: {  	[tilespmem:s17+$0x4E60] =	vst v0  }
0x2c: {  	[tilespmem:s17+$0x4E70] =	vst v0  }
0x2d: {  	[tilespmem:s17+$0x4E80] =	vst v0;
	s17 =	sshra.s32 s18, $0x2;
	s18 =	sadd.s32 $0x200, s18  }
0x2e: {  	[tilespmem:s17+$0x4E90] =	vst v0  }
0x2f: {  	[tilespmem:s17+$0x4E20] =	vst v0  }
0x30: {  	[tilespmem:s17+$0x4E30] =	vst v0  }
0x31: {  	[tilespmem:s17+$0x4E40] =	vst v0  }
0x32: {  	[tilespmem:s17+$0x4E50] =	vst v0  }
0x33: {  	[tilespmem:s17+$0x4E60] =	vst v0  }
0x34: {  	[tilespmem:s17+$0x4E70] =	vst v0  }
0x35: {  	[tilespmem:s17+$0x4E80] =	vst v0  }
0x36: {  	[spmem:s7] =	stream.linear.scatter [tilespmem:s26], [sflag:$0x4], $0x2800, $0x38;
	[tilespmem:$0x1FEA0] =	vst v63  }
0x37: {  	_ = 	snop  }
0x38: {  	[spmem:s8] =	stream.linear.scatter [tilespmem:s26], [sflag:$0x4], $0x2800, $0x38;
	[tilespmem:$0x1FEA0] =	vst v63  }
0x39: {  	_ = 	snop  }
0x3a: {  	[spmem:s9] =	stream.linear.scatter [tilespmem:s26], [sflag:$0x4], $0x2800, $0x38;
	[tilespmem:$0x1FEA0] =	vst v63  }
0x3b: {  	_ = 	snop  }
0x3c: {  	[spmem:s10] =	stream.linear.scatter [tilespmem:s26], [sflag:$0x4], $0x2800, $0x38;
	[tilespmem:$0x1FEA0] =	vst v63  }
0x3d: {  	_ = 	snop  }
0x3e: {  	[spmem:s11] =	stream.linear.scatter [tilespmem:s26], [sflag:$0x4], $0x2800, $0x38;
	[tilespmem:$0x1FEA0] =	vst v63  }
0x3f: {  	_ = 	snop  }
0x40: {  	[spmem:s12] =	stream.linear.scatter [tilespmem:s26], [sflag:$0x4], $0x2800, $0x38;
	[tilespmem:$0x1FEA0] =	vst v63  }
0x41: {  	_ = 	snop  }
0x42: {  	[spmem:s13] =	stream.linear.scatter [tilespmem:s26], [sflag:$0x4], $0x2800, $0x38;
	[tilespmem:$0x1FEA0] =	vst v63  }
0x43: {  	_ = 	snop  }
0x44: {  	[spmem:s14] =	stream.linear.scatter [tilespmem:s26], [sflag:$0x4], $0x2080, $0x38;
	[tilespmem:$0x1FEA0] =	vst v63  }
0x45: {  	_ =	swait.ge [sflag:s28], $0x2800  }
0x46: {  	[sflag:s28] =	ssyncset.done $0x0  }
0x47: {  	[sflag:s28] =	ssyncadd.s32 $0xFFFFD800  }
0x48: {  	_ =	swait.ge [sflag:s28], $0x2800  }
0x49: {  	[sflag:s28] =	ssyncset.done $0x0  }
0x4a: {  	[sflag:s28] =	ssyncadd.s32 $0xFFFFD800  }
0x4b: {  	_ =	swait.ge [sflag:s28], $0x2800  }
0x4c: {  	[sflag:s28] =	ssyncset.done $0x0  }
0x4d: {  	[sflag:s28] =	ssyncadd.s32 $0xFFFFD800  }
0x4e: {  	_ =	swait.ge [sflag:s28], $0x2800  }
0x4f: {  	[sflag:s28] =	ssyncset.done $0x0  }
0x50: {  	[sflag:s28] =	ssyncadd.s32 $0xFFFFD800  }
0x51: {  	_ =	swait.ge [sflag:s28], $0x2800  }
0x52: {  	[sflag:s28] =	ssyncset.done $0x0  }
0x53: {  	[sflag:s28] =	ssyncadd.s32 $0xFFFFD800  }
0x54: {  	_ =	swait.ge [sflag:s28], $0x2800  }
0x55: {  	[sflag:s28] =	ssyncset.done $0x0  }
0x56: {  	[sflag:s28] =	ssyncadd.s32 $0xFFFFD800  }
0x57: {  	_ =	swait.ge [sflag:s28], $0x2800  }
0x58: {  	[sflag:s28] =	ssyncset.done $0x0  }
0x59: {  	[sflag:s28] =	ssyncadd.s32 $0xFFFFD800  }
0x5a: {  	_ =	swait.ge [sflag:s28], $0x2080  }
0x5b: {  	[sflag:s28] =	ssyncset.done $0x0  }
0x5c: {  	[sflag:s28] =	ssyncadd.s32 $0xFFFFDF80  }
0x5d: {  	s19 =	simm.s32 $0x0;
	[bflag:$0x0] =	sbarrier.arrive $0xFFFF  }
0x5e: {  	[tilespmem:s26], [sflag:$0x1] =	stream.indirect.gather [hbm4b:s4+s29], $0x80, s19, s29, $0xb8;
	[tilespmem:$0x1FEA0] =	vst v63  }
0x5f: {  	_ = 	snop  }
0x60: {  	[tilespmem:s30], [sflag:$0x2] =	stream.indirect.gather [hbm4b:s4+s29], $0x80, s29, s29, $0xb8;
	[tilespmem:$0x1FEA0] =	vst v63  }
0x61: {  	s18 =	simm.s32 $0xA0  }
0x62: {  	[tilespmem:s0], [sflag:$0x3] =	stream.indirect.gather [hbm4b:s4+s29], $0x80, s18, s29, $0xb8;
	[tilespmem:$0x1FEA0] =	vst v63  }
0x63: {  	_ =	swait.ge [sflag:s1], $0x2800  }
0x64: {  	[sflag:s1] =	ssyncset.done $0x0  }
0x65: {  	[sflag:s1] =	ssyncadd.s32 $0xFFFFD800  }
0x66: {  	[spmem:s2] =	stream.indirect.scatter.add.f32 [tilespmem:s26], [sflag:$0x4], $0x80, s25, s29, $0xb8;
	[tilespmem:$0x1FEA0] =	vst v63  }
0x67: {  	_ =	swait.ge [sflag:s28], $0x2800  }
0x68: {  	[sflag:s28] =	ssyncset.done $0x0  }
0x69: {  	s19 =	simm.s32 $0xF0;
	[sflag:s28] =	ssyncadd.s32 $0xFFFFD800  }
0x6a: {  	[tilespmem:s26], [sflag:$0x1] =	stream.indirect.gather [hbm4b:s4+s29], $0x80, s19, s29, $0xb8;
	[tilespmem:$0x1FEA0] =	vst v63  }
0x6b: {  	_ =	swait.ge [sflag:s31], $0x2800  }
0x6c: {  	[sflag:s31] =	ssyncset.done $0x0  }
0x6d: {  	s18 =	simm.s32 $0x2760;
	[sflag:s31] =	ssyncadd.s32 $0xFFFFD800  }
0x6e: {  	[spmem:s2] =	stream.indirect.scatter.add.f32 [tilespmem:s30], [sflag:$0x5], $0x80, s18, s29, $0xb8;
	[tilespmem:$0x1FEA0] =	vst v63  }
0x6f: {  	_ =	swait.ge [sflag:s5], $0x2800  }
0x70: {  	[sflag:s5] =	ssyncset.done $0x0  }
0x71: {  	s19 =	simm.s32 $0x140;
	[sflag:s5] =	ssyncadd.s32 $0xFFFFD800  }
0x72: {  	[tilespmem:s30], [sflag:$0x2] =	stream.indirect.gather [hbm4b:s4+s29], $0x80, s19, s29, $0xb8;
	[tilespmem:$0x1FEA0] =	vst v63  }
0x73: {  	_ =	swait.ge [sflag:s6], $0x2800  }
0x74: {  	[sflag:s6] =	ssyncset.done $0x0  }
0x75: {  	s18 =	simm.s32 $0x27B0;
	[sflag:s6] =	ssyncadd.s32 $0xFFFFD800  }
0x76: {  	[spmem:s2] =	stream.indirect.scatter.add.f32 [tilespmem:s0], [sflag:$0x6], $0x80, s18, s29, $0xb8;
	[tilespmem:$0x1FEA0] =	vst v63  }
0x77: {  	_ =	swait.ge [sflag:s15], $0x2800  }
0x78: {  	[sflag:s15] =	ssyncset.done $0x0  }
0x79: {  	s19 =	simm.s32 $0x190;
	[sflag:s15] =	ssyncadd.s32 $0xFFFFD800  }
0x7a: {  	[tilespmem:s0], [sflag:$0x3] =	stream.indirect.gather [hbm4b:s4+s29], $0x80, s19, s29, $0xb8;
	[tilespmem:$0x1FEA0] =	vst v63  }
0x7b: {  	_ =	swait.ge [sflag:s1], $0x2800  }
0x7c: {  	[sflag:s1] =	ssyncset.done $0x0  }
0x7d: {  	s18 =	simm.s32 $0x2800;
	[sflag:s1] =	ssyncadd.s32 $0xFFFFD800  }
0x7e: {  	[spmem:s2] =	stream.indirect.scatter.add.f32 [tilespmem:s26], [sflag:$0x4], $0x80, s18, s29, $0xb8;
	[tilespmem:$0x1FEA0] =	vst v63  }
0x7f: {  	_ =	swait.ge [sflag:s28], $0x2800  }
0x80: {  	[sflag:s28] =	ssyncset.done $0x0  }
0x81: {  	s19 =	simm.s32 $0x1E0;
	[sflag:s28] =	ssyncadd.s32 $0xFFFFD800  }
0x82: {  	[tilespmem:s26], [sflag:$0x1] =	stream.indirect.gather [hbm4b:s4+s29], $0x80, s19, s29, $0xb8;
	[tilespmem:$0x1FEA0] =	vst v63  }
0x83: {  	_ =	swait.ge [sflag:s31], $0x2800  }
0x84: {  	[sflag:s31] =	ssyncset.done $0x0  }
0x85: {  	s18 =	simm.s32 $0x2850;
	[sflag:s31] =	ssyncadd.s32 $0xFFFFD800  }
0x86: {  	[spmem:s2] =	stream.indirect.scatter.add.f32 [tilespmem:s30], [sflag:$0x5], $0x80, s18, s29, $0xb8;
	[tilespmem:$0x1FEA0] =	vst v63  }
0x87: {  	_ =	swait.ge [sflag:s5], $0x2800  }
0x88: {  	[sflag:s5] =	ssyncset.done $0x0  }
0x89: {  	s19 =	simm.s32 $0x230;
	[sflag:s5] =	ssyncadd.s32 $0xFFFFD800  }
0x8a: {  	[tilespmem:s30], [sflag:$0x2] =	stream.indirect.gather [hbm4b:s4+s29], $0x80, s19, s29, $0xb8;
	[tilespmem:$0x1FEA0] =	vst v63  }
0x8b: {  	_ =	swait.ge [sflag:s6], $0x2800  }
0x8c: {  	[sflag:s6] =	ssyncset.done $0x0  }
0x8d: {  	s17 =	simm.s32 $0x3C0;
	s18 =	simm.s32 $0x28A0;
	[sflag:s6] =	ssyncadd.s32 $0xFFFFD800  }
.LBB2_4:
0x8e: {  	[spmem:s2] =	stream.indirect.scatter.add.f32 [tilespmem:s0], [sflag:$0x6], $0x80, s18, s29, $0xb8;
	[tilespmem:$0x1FEA0] =	vst v63  }
0x8f: {  	s18 =	smov.u32 s17  }
0x90: {  	p0 =	sne.s32 s17, $0x9240;
	s17 =	sadd.s32 $0x3C0, s17;
	_ =	swait.ge [sflag:s15], $0x2800  }
0x91: {  	s18 =	sshra.s32 s18, $0x2;
	[sflag:s15] =	ssyncset.done $0x0  }
0x92: {  	s19 =	sadd.s32 $0x190, s18;
	[sflag:s15] =	ssyncadd.s32 $0xFFFFD800  }
0x93: {  	[tilespmem:s0], [sflag:$0x3] =	stream.indirect.gather [hbm4b:s4+s29], $0x80, s19, s29, $0xb8;
	[tilespmem:$0x1FEA0] =	vst v63  }
0x94: {  	_ =	swait.ge [sflag:s1], $0x2800  }
0x95: {  	[sflag:s1] =	ssyncset.done $0x0  }
0x96: {  	s19 =	sadd.s32 $0x2800, s18;
	[sflag:s1] =	ssyncadd.s32 $0xFFFFD800  }
0x97: {  	[spmem:s2] =	stream.indirect.scatter.add.f32 [tilespmem:s26], [sflag:$0x4], $0x80, s19, s29, $0xb8;
	[tilespmem:$0x1FEA0] =	vst v63  }
0x98: {  	_ =	swait.ge [sflag:s28], $0x2800  }
0x99: {  	[sflag:s28] =	ssyncset.done $0x0  }
0x9a: {  	s19 =	sadd.s32 $0x1E0, s18;
	[sflag:s28] =	ssyncadd.s32 $0xFFFFD800  }
0x9b: {  	[tilespmem:s26], [sflag:$0x1] =	stream.indirect.gather [hbm4b:s4+s29], $0x80, s19, s29, $0xb8;
	[tilespmem:$0x1FEA0] =	vst v63  }
0x9c: {  	_ =	swait.ge [sflag:s31], $0x2800  }
0x9d: {  	[sflag:s31] =	ssyncset.done $0x0  }
0x9e: {  	s19 =	sadd.s32 $0x2850, s18;
	[sflag:s31] =	ssyncadd.s32 $0xFFFFD800  }
0x9f: {  	[spmem:s2] =	stream.indirect.scatter.add.f32 [tilespmem:s30], [sflag:$0x5], $0x80, s19, s29, $0xb8;
	[tilespmem:$0x1FEA0] =	vst v63  }
0xa0: {  	_ =	swait.ge [sflag:s5], $0x2800  }
0xa1: {  	[sflag:s5] =	ssyncset.done $0x0  }
.Ltmp1:
0xa2: {  	s19 =	sadd.s32 $0x230, s18;
	[sflag:s5] =	ssyncadd.s32 $0xFFFFD800;
	(pc) =	sbr.rel @p0 .LBB2_4-.Ltmp1, $4  }
0xa3: {  	[tilespmem:s30], [sflag:$0x2] =	stream.indirect.gather [hbm4b:s4+s29], $0x80, s19, s29, $0xb8;
	[tilespmem:$0x1FEA0] =	vst v63  }
0xa4: {  	_ =	swait.ge [sflag:s6], $0x2800  }
0xa5: {  	[sflag:s6] =	ssyncset.done $0x0  }
0xa6: {  	s18 =	sadd.s32 $0x28A0, s18;
	[sflag:s6] =	ssyncadd.s32 $0xFFFFD800  }
0xa7: {  	[spmem:s2] =	stream.indirect.scatter.add.f32 [tilespmem:s0], [sflag:$0x6], $0x80, s18, s29, $0xb8;
	[tilespmem:$0x1FEA0] =	vst v63  }
0xa8: {  	_ =	swait.ge [sflag:s15], $0x2800  }
0xa9: {  	[sflag:s15] =	ssyncset.done $0x0  }
0xaa: {  	[sflag:s15] =	ssyncadd.s32 $0xFFFFD800  }
0xab: {  	_ =	swait.ge [sflag:s1], $0x2800  }
0xac: {  	[sflag:s1] =	ssyncset.done $0x0  }
0xad: {  	s17 =	simm.s32 $0x4D80;
	[sflag:s1] =	ssyncadd.s32 $0xFFFFD800  }
0xae: {  	[spmem:s2] =	stream.indirect.scatter.add.f32 [tilespmem:s26], [sflag:$0x4], $0x80, s17, s29, $0xb8;
	[tilespmem:$0x1FEA0] =	vst v63  }
0xaf: {  	_ =	swait.ge [sflag:s28], $0x2800  }
0xb0: {  	[sflag:s28] =	ssyncset.done $0x0  }
0xb1: {  	[sflag:s28] =	ssyncadd.s32 $0xFFFFD800  }
0xb2: {  	_ =	swait.ge [sflag:s31], $0x2800  }
0xb3: {  	[sflag:s31] =	ssyncset.done $0x0  }
0xb4: {  	s18 =	simm.s32 $0x4DD0;
	[sflag:s31] =	ssyncadd.s32 $0xFFFFD800  }
0xb5: {  	[spmem:s2] =	stream.indirect.scatter.add.f32 [tilespmem:s30], [sflag:$0x5], $0x80, s18, s29, $0xb8;
	[tilespmem:$0x1FEA0] =	vst v63  }
0xb6: {  	_ =	swait.ge [sflag:s5], $0x2800  }
0xb7: {  	[sflag:s5] =	ssyncset.done $0x0  }
0xb8: {  	[sflag:s5] =	ssyncadd.s32 $0xFFFFD800  }
0xb9: {  	[bflag:$0x0] =	sbarrier.arrive $0xFFFF  }
0xba: {  	[tilespmem:s26], [sflag:$0x1] =	stream.linear.gather [spmem:s7], $0x2800, $0x38;
	[tilespmem:$0x1FEA0] =	vst v63  }
0xbb: {  	_ =	swait.ge [sflag:s1], $0x2800  }
0xbc: {  	[sflag:s1] =	ssyncset.done $0x0  }
0xbd: {  	s19 =	rddreg [dreg:$0x5];
	[sflag:s1] =	ssyncadd.s32 $0xFFFFD800  }
0xbe: {  	[hbm4b:s19+s3] =	stream.linear.scatter [tilespmem:s26], [sflag:$0x4], $0x2800, $0x38;
	[tilespmem:$0x1FEA0] =	vst v63  }
0xbf: {  	_ = 	snop  }
0xc0: {  	[tilespmem:s30], [sflag:$0x2] =	stream.linear.gather [spmem:s8], $0x2800, $0x38;
	[tilespmem:$0x1FEA0] =	vst v63  }
0xc1: {  	_ =	swait.ge [sflag:s31], $0x2800  }
0xc2: {  	[sflag:s31] =	ssyncset.done $0x0  }
0xc3: {  	s18 =	rddreg [dreg:$0x6];
	[sflag:s31] =	ssyncadd.s32 $0xFFFFD800  }
0xc4: {  	[hbm4b:s18+s3] =	stream.linear.scatter [tilespmem:s30], [sflag:$0x5], $0x2800, $0x38;
	[tilespmem:$0x1FEA0] =	vst v63  }
0xc5: {  	_ = 	snop  }
0xc6: {  	[tilespmem:s0], [sflag:$0x3] =	stream.linear.gather [spmem:s9], $0x2800, $0x38;
	[tilespmem:$0x1FEA0] =	vst v63  }
0xc7: {  	_ =	swait.ge [sflag:s6], $0x2800  }
0xc8: {  	[sflag:s6] =	ssyncset.done $0x0  }
0xc9: {  	s19 =	rddreg [dreg:$0x7];
	[sflag:s6] =	ssyncadd.s32 $0xFFFFD800  }
0xca: {  	[hbm4b:s19+s3] =	stream.linear.scatter [tilespmem:s0], [sflag:$0x6], $0x2800, $0x38;
	[tilespmem:$0x1FEA0] =	vst v63  }
0xcb: {  	_ =	swait.ge [sflag:s28], $0x2800  }
0xcc: {  	[sflag:s28] =	ssyncset.done $0x0  }
0xcd: {  	[sflag:s28] =	ssyncadd.s32 $0xFFFFD800  }
0xce: {  	[tilespmem:s26], [sflag:$0x1] =	stream.linear.gather [spmem:s10], $0x2800, $0x38;
	[tilespmem:$0x1FEA0] =	vst v63  }
0xcf: {  	_ =	swait.ge [sflag:s1], $0x2800  }
0xd0: {  	[sflag:s1] =	ssyncset.done $0x0  }
0xd1: {  	s18 =	rddreg [dreg:$0x8];
	[sflag:s1] =	ssyncadd.s32 $0xFFFFD800  }
0xd2: {  	[hbm4b:s18+s3] =	stream.linear.scatter [tilespmem:s26], [sflag:$0x4], $0x2800, $0x38;
	[tilespmem:$0x1FEA0] =	vst v63  }
0xd3: {  	_ =	swait.ge [sflag:s5], $0x2800  }
0xd4: {  	[sflag:s5] =	ssyncset.done $0x0  }
0xd5: {  	[sflag:s5] =	ssyncadd.s32 $0xFFFFD800  }
0xd6: {  	[tilespmem:s30], [sflag:$0x2] =	stream.linear.gather [spmem:s11], $0x2800, $0x38;
	[tilespmem:$0x1FEA0] =	vst v63  }
0xd7: {  	_ =	swait.ge [sflag:s31], $0x2800  }
0xd8: {  	[sflag:s31] =	ssyncset.done $0x0  }
0xd9: {  	s19 =	rddreg [dreg:$0x9];
	[sflag:s31] =	ssyncadd.s32 $0xFFFFD800  }
0xda: {  	[hbm4b:s19+s3] =	stream.linear.scatter [tilespmem:s30], [sflag:$0x5], $0x2800, $0x38;
	[tilespmem:$0x1FEA0] =	vst v63  }
0xdb: {  	_ =	swait.ge [sflag:s15], $0x2800  }
0xdc: {  	[sflag:s15] =	ssyncset.done $0x0  }
0xdd: {  	[sflag:s15] =	ssyncadd.s32 $0xFFFFD800  }
0xde: {  	[tilespmem:s0], [sflag:$0x3] =	stream.linear.gather [spmem:s12], $0x2800, $0x38;
	[tilespmem:$0x1FEA0] =	vst v63  }
0xdf: {  	_ =	swait.ge [sflag:s6], $0x2800  }
0xe0: {  	[sflag:s6] =	ssyncset.done $0x0  }
0xe1: {  	[sflag:s6] =	ssyncadd.s32 $0xFFFFD800  }
0xe2: {  	[hbm4b:s20+s3] =	stream.linear.scatter [tilespmem:s0], [sflag:$0x6], $0x2800, $0x38;
	[tilespmem:$0x1FEA0] =	vst v63  }
0xe3: {  	_ =	swait.ge [sflag:s28], $0x2800  }
0xe4: {  	[sflag:s28] =	ssyncset.done $0x0  }
0xe5: {  	[sflag:s28] =	ssyncadd.s32 $0xFFFFD800  }
0xe6: {  	[tilespmem:s26], [sflag:$0x1] =	stream.linear.gather [spmem:s13], $0x2800, $0x38;
	[tilespmem:$0x1FEA0] =	vst v63  }
0xe7: {  	_ =	swait.ge [sflag:s1], $0x2800  }
0xe8: {  	[sflag:s1] =	ssyncset.done $0x0  }
0xe9: {  	[sflag:s1] =	ssyncadd.s32 $0xFFFFD800  }
0xea: {  	[hbm4b:s21+s3] =	stream.linear.scatter [tilespmem:s26], [sflag:$0x4], $0x2800, $0x38;
	[tilespmem:$0x1FEA0] =	vst v63  }
0xeb: {  	_ =	swait.ge [sflag:s5], $0x2800  }
0xec: {  	[sflag:s5] =	ssyncset.done $0x0  }
0xed: {  	[sflag:s5] =	ssyncadd.s32 $0xFFFFD800  }
0xee: {  	[tilespmem:s30], [sflag:$0x2] =	stream.linear.gather [spmem:s14], $0x2080, $0x38;
	[tilespmem:$0x1FEA0] =	vst v63  }
0xef: {  	_ =	swait.ge [sflag:s31], $0x2080  }
0xf0: {  	[sflag:s31] =	ssyncset.done $0x0  }
0xf1: {  	[sflag:s31] =	ssyncadd.s32 $0xFFFFDF80  }
0xf2: {  	[hbm4b:s22+s3] =	stream.linear.scatter [tilespmem:s30], [sflag:$0x5], $0x2080, $0x38;
	[tilespmem:$0x1FEA0] =	vst v63  }
0xf3: {  	_ =	swait.ge [sflag:s15], $0x2800  }
0xf4: {  	[sflag:s15] =	ssyncset.done $0x0  }
0xf5: {  	s16 =	sadd.s32 $0x1, s16;
	[sflag:s15] =	ssyncadd.s32 $0xFFFFD800  }
0xf6: {  	p0 =	sne.s32 s16, s23;
	_ =	swait.ge [sflag:s28], $0x2800  }
.Ltmp2:
0xf7: {  	[sflag:s28] =	ssyncset.done $0x0;
	(pc) =	sbr.rel @p0 .LBB2_1-.Ltmp2, $4  }
0xf8: {  	[sflag:s28] =	ssyncadd.s32 $0xFFFFD800  }
0xf9: {  	_ =	swait.ge [sflag:s5], $0x2080  }
0xfa: {  	[sflag:s5] =	ssyncset.done $0x0  }
0xfb: {  	[sflag:s5] =	ssyncadd.s32 $0xFFFFDF80  }
0xfc: {  	_ =	sfence.sel $0x180000  }
0xfd: {  	[bflag:$0x0] =	sbarrier.arrive $0xFFFF  }
0xfe: {  	_ =	strace $0x9000004D  }
0xff: {  	s0 =	stileid.u32;
	[bflag:$0x2] =	sbarrier.arrive $0xFFFF  }
0x100: {  	p0 =	sne.s32 s0, $0x0;
	s0 =	rddreg [dreg:$0x2]  }
0x101: {  	s0 =	sadd.s32 @!p0 $0x100000, s0  }
0x102: {  	[sflag:s0] =	ssyncadd.tile.s32 @!p0 $0x1;
	_ =	shalt  }
.Lfunc_end2:
_tile_overlayer_lowered:
.L_overlay_start_2:
0x103: {  	(tag) =	ssettag $0x2  }
0x104: {  	s0 =	rddreg [dreg:$0x0];
	s2 =	stileid.u32  }
0x105: {  	s1 =	rddreg [dreg:$0x1];
	p0 =	sne.s32 s2, $0x0  }
0x106: {  	s3 =	rddreg [dreg:$0x2];
	[bflag:$0x3] =	sbarrier.arrive $0xFFFF;
	s2 =	simm.s32 @!p0 $0x1C07  }
0x107: {  	[timem:s3], [sflag:s2] =	dma.local @!p0 [hbm:s0], s1  }
0x108: {  	s0 =	simm.s32 @!p0 $0x7  }
0x109: {  	_ =	swait.ge @!p0 [sflag:s0], s1  }
0x10a: {  	s1 =	ssub.s32 @!p0 $0x0, s1;
	[sflag:s0] =	ssyncset.done @!p0 $0x0  }
0x10b: {  	[sflag:s0] =	ssyncadd.s32 @!p0 s1  }
0x10c: {  	[bflag:$0x3] =	sbarrier.arrive $0xFFFF  }
0x10d: {  	_ =	shalt  }

// kernel: kernel.8.cloned.1.call-start
scs
__scs_entry_jumppad:
0x0: {  	(pc) =	sbr.rel $0x88, $3  }
0x1: {  	(tag) =	ssettag $0x0;
	lr =	simm.s32 $0x1  }
0x2: {  	[smem:$0x3F94] =	sst lr;
	_ =	strace $0xD0000000  }
0x3: {  	_ = 	snop  }
0x4: {  	_ = 	snop  }
0x5: {  	_ = 	snop  }
0x6: {  	_ = 	snop  }
0x7: {  	_ = 	snop  }
__scs_overlays_trampoline_lowered:
0x8: {  	[smem:$0x3FA3] =	sst s0  }
0x9: {  	[smem:$0x3FA4] =	sst s1  }
0xa: {  	[smem:$0x3FA5] =	sst s2  }
0xb: {  	[smem:$0x3FA6] =	sst s3  }
0xc: {  	[smem:$0x3FA7] =	sst s4  }
0xd: {  	[smem:$0x3FA8] =	sst s5  }
0xe: {  	[smem:$0x3FA9] =	sst s6  }
0xf: {  	[smem:$0x3FAA] =	sst s7  }
0x10: {  	[smem:$0x3FAB] =	sst s8  }
0x11: {  	[smem:$0x3FAC] =	sst s9;
	s0 =	simm.s32 @!p0 $0x0  }
0x12: {  	s1 =	sld [smem:$0x3F92];
	s0 =	simm.s32 @p0 $0x1  }
0x13: {  	[smem:$0x3FAD] =	sst s0;
	s0 =	simm.s32 @!p1 $0x0  }
0x14: {  	s2 =	sld [smem:$0x3F91];
	s0 =	simm.s32 @p1 $0x1  }
0x15: {  	[smem:$0x3FAE] =	sst s0;
	s0 =	simm.s32 @!p2 $0x0  }
0x16: {  	s3 =	sld [smem:$0x3FDB];
	s0 =	simm.s32 @p2 $0x1  }
0x17: {  	s4 =	simm.s32 $0x1BF5;
	[smem:$0x3FB0] =	sst s0  }
0x18: {  	s0 =	sld [smem:$0x3F93];
	_ =	swait.ge [sflag:s4], $0x0  }
0x19: {  	s7 =	sld [smem:$0x3F94]  }
0x1a: {  	s8 =	sadd.s32 $0xFFFFE003, lr  }
0x1b: {  	s9 =	sadd.s32 $0xFFFFFEF7, lr;
	s5 =	simm.s32 $0xFFFFFFFF;
	p2 =	slt.u32 s8, $0xFFFFF086  }
0x1c: {  	p1 =	slt.u32 s9, $0xF7A;
	s5 =	simm.s32 @!p2 $0x0  }
0x1d: {  	s5 =	simm.s32 @p1 $0x1;
	p0 =	seq.s32 s7, s2  }
0x1e: {  	s7 =	smul.u32 @!p0 $0xF7A, s2;
	p2 =	seq.s32 @!p0 s5, $0x0  }
0x1f: {  	s9 =	smul.u32 $0xF7A, s1;
	s8 =	simm.s32 @!p0 $0x1BF5;
	p2 =	por !p2, p0  }
0x20: {  	[sflag:s8] =	ssyncset.s32 @!p0 $0xFFFFF086;
	s6 =	sadd.s32 @!p0 s3, s7;
	s7 =	simm.s32 @!p0 $0x108  }
0x21: {  	s3 =	sadd.s32 s3, s9;
	s6 =	sadd.s32 @!p0 $0x88, s6;
	s7 =	simm.s32 @p2 $0x1082  }
0x22: {  	[simem:s7], [sflag:s8] =	dma.local @!p0 [hbm:s6], $0xF7A  }
0x23: {  	s9 =	sor.u32 $0xD0000000, s2;
	s6 =	simm.s32 $0x108;
	_ =	swait.ge @!p0 [sflag:s8], $0x0  }
0x24: {  	s3 =	sadd.s32 $0x88, s3;
	s6 =	simm.s32 @!p1 $0x1082;
	[sflag:s4] =	ssyncset.s32 $0xFFFFF086  }
0x25: {  	[simem:s6], [sflag:s4] =	dma.local [hbm:s3], $0xF7A  }
0x26: {  	[smem:$0x3F94] =	sst s1;
	(tag) =	ssettag s2;
	_ =	strace s9  }
0x27: {  	s1 =	sld [smem:$0x3FA4]  }
0x28: {  	s2 =	sld [smem:$0x3FA5]  }
0x29: {  	s4 =	sld [smem:$0x3FA7]  }
0x2a: {  	p0 =	seq.s32 s5, $0x0;
	s5 =	sld [smem:$0x3FA8]  }
0x2b: {  	s6 =	sld [smem:$0x3FA9]  }
0x2c: {  	s7 =	sld [smem:$0x3FAA]  }
0x2d: {  	s3 =	simm.s32 $0x108;
	s8 =	sld [smem:$0x3FAB]  }
0x2e: {  	s3 =	simm.s32 @!p0 $0x1082;
	s9 =	sld [smem:$0x3FAC]  }
0x2f: {  	lr =	sadd.s32 s0, s3;
	s0 =	sld [smem:$0x3FA3]  }
0x30: {  	s3 =	sld [smem:$0x3FA6]  }
0x31: {  	[smem:$0x3FAF] =	sst s10  }
0x32: {  	s10 =	sld [smem:$0x3FAD];
	_ =	sdelay $0x3  }
0x33: {  	p0 =	seq.s32 s10, $0x1;
	s10 =	sld [smem:$0x3FAF];
	_ =	sdelay $0x3  }
0x34: {  	[smem:$0x3FAF] =	sst s10  }
0x35: {  	s10 =	sld [smem:$0x3FAE];
	_ =	sdelay $0x3  }
0x36: {  	p1 =	seq.s32 s10, $0x1;
	s10 =	sld [smem:$0x3FAF];
	_ =	sdelay $0x3  }
0x37: {  	[smem:$0x3FAF] =	sst s10  }
0x38: {  	s10 =	sld [smem:$0x3FB0]  }
0x39: {  	_ = 	snop;
	(pc) =	sbr.ind lr, $3  }
0x3a: {  	_ = 	snop  }
0x3b: {  	_ = 	snop  }
0x3c: {  	p2 =	seq.s32 s10, $0x1;
	s10 =	sld [smem:$0x3FAF]  }
0x3d: {  	_ =	shalt  }
0x3e: {  	_ =	shalt  }
0x3f: {  	_ =	shalt  }
0x40: {  	_ =	shalt  }
0x41: {  	_ =	shalt  }
0x42: {  	_ =	shalt  }
0x43: {  	_ =	shalt  }
0x44: {  	_ =	shalt  }
0x45: {  	_ =	shalt  }
0x46: {  	_ =	shalt  }
0x47: {  	_ =	shalt  }
0x48: {  	_ =	shalt  }
0x49: {  	_ =	shalt  }
0x4a: {  	_ =	shalt  }
0x4b: {  	_ =	shalt  }
0x4c: {  	_ =	shalt  }
0x4d: {  	_ =	shalt  }
0x4e: {  	_ =	shalt  }
0x4f: {  	_ =	shalt  }
0x50: {  	_ =	shalt  }
0x51: {  	_ =	shalt  }
0x52: {  	_ =	shalt  }
0x53: {  	_ =	shalt  }
0x54: {  	_ =	shalt  }
0x55: {  	_ =	shalt  }
0x56: {  	_ =	shalt  }
0x57: {  	_ =	shalt  }
0x58: {  	_ =	shalt  }
0x59: {  	_ =	shalt  }
0x5a: {  	_ =	shalt  }
0x5b: {  	_ =	shalt  }
0x5c: {  	_ =	shalt  }
0x5d: {  	_ =	shalt  }
0x5e: {  	_ =	shalt  }
0x5f: {  	_ =	shalt  }
0x60: {  	_ =	shalt  }
0x61: {  	_ =	shalt  }
0x62: {  	_ =	shalt  }
0x63: {  	_ =	shalt  }
0x64: {  	_ =	shalt  }
0x65: {  	_ =	shalt  }
0x66: {  	_ =	shalt  }
0x67: {  	_ =	shalt  }
0x68: {  	_ =	shalt  }
0x69: {  	_ =	shalt  }
0x6a: {  	_ =	shalt  }
0x6b: {  	_ =	shalt  }
0x6c: {  	_ =	shalt  }
0x6d: {  	_ =	shalt  }
0x6e: {  	_ =	shalt  }
0x6f: {  	_ =	shalt  }
0x70: {  	_ =	shalt  }
0x71: {  	_ =	shalt  }
0x72: {  	_ =	shalt  }
0x73: {  	_ =	shalt  }
0x74: {  	_ =	shalt  }
0x75: {  	_ =	shalt  }
0x76: {  	_ =	shalt  }
0x77: {  	_ =	shalt  }
0x78: {  	_ =	shalt  }
0x79: {  	_ =	shalt  }
0x7a: {  	_ =	shalt  }
0x7b: {  	_ =	shalt  }
0x7c: {  	_ =	shalt  }
0x7d: {  	_ =	shalt  }
0x7e: {  	_ =	shalt  }
0x7f: {  	_ =	shalt  }
0x80: {  	_ =	shalt  }
0x81: {  	_ =	shalt  }
0x82: {  	_ =	shalt  }
0x83: {  	_ =	shalt  }
0x84: {  	_ =	shalt  }
0x85: {  	_ =	shalt  }
0x86: {  	_ =	shalt  }
0x87: {  	_ =	shalt  }
.Lfunc_end0:
.L_simem_size_0:
called_computation_lowered:
.L_overlay_start_0:
0x88: {  	s2 =	sld [smem:$0x3FD9]  }
0x89: {  	s3 =	sld [smem:$0x3FFE];
	_ =	sdelay $0x1  }
0x8a: {  	s1 =	srdreg.scid  }
0x8b: {  	s0 =	sand.u32 $0x1, s1  }
0x8c: {  	s16 =	sshll.u32 s0, $0xA;
	s2 =	sadd.s32 s3, s2  }
0x8d: {  	s2 =	sadd.s32 s2, s16  }
0x8e: {  	[smem:$0x3FBB] =	sst s2  }
0x8f: {  	_ = 	snop  }
0x90: {  	(tm) =	ssettm $0x1  }
0x91: {  	s17 =	sld [smem:$0x3FFB];
	_ =	sdelay $0x3  }
0x92: {  	_ =	strace s17  }
0x93: {  	s2 =	sld [smem:$0x3FFC];
	_ =	sdelay $0x3  }
0x94: {  	_ =	strace s2  }
0x95: {  	s2 =	sld [smem:$0x3FFD];
	_ =	sdelay $0x3  }
0x96: {  	_ =	strace s2  }
0x97: {  	_ =	strace $0x8FFFFFFF  }
0x98: {  	s18 =	sld [smem:$0x3FDB];
	_ =	sdelay $0x1  }
0x99: {  	s19 =	simm.s32 $_scs_section_size  }
0x9a: {  	s4 =	simm.s32 $_size__tile_overlayer_lowered;
	s5 =	simm.s32 $_tile_overlayer_lowered  }
0x9b: {  	s22 =	simm.s32 $0x1BFF;
	s21 =	sshll.u32 s5, $0x1;
	s2 =	sadd.s32 s19, s18  }
0x9c: {  	s6 =	simm.s32 $0x0;
	s20 =	sshll.u32 s4, $0x1;
	s4 =	sadd.s32 s21, s2  }
0x9d: {  	[timem:s6], [sflag:s22] =	dma.local [hbm:s4], s20  }
0x9e: {  	_ =	swait.ge [sflag:s22], s20  }
0x9f: {  	s3 =	ssub.s32 $0x0, s20;
	[sflag:s22] =	ssyncset.done $0x0  }
0xa0: {  	[sflag:s22] =	ssyncadd.s32 s3;
	_ =	sdelay $0x1  }
0xa1: {  	s23 =	simm.s32 $0x1B8B  }
0xa2: {  	_ =	swait.ge [sflag:s23], $0x1  }
0xa3: {  	[sflag:s23] =	ssyncset.done $0x0  }
0xa4: {  	s25 =	simm.s32 $0x1B8E;
	s24 =	sld [smem:$0x3FFE];
	[sflag:s23] =	ssyncadd.s32 $0xFFFFFFFF  }
0xa5: {  	s26 =	simm.s32 $execute0_lowered;
	[smem:$0x3FD2] =	sst s25  }
0xa6: {  	s4 =	sshll.u32 s26, $0x1;
	_ =	strace $0x80000046;
	[dreg:$0x1] =	wrdreg $0xFFFFFFFF  }
0xa7: {  	s28 =	simm.s32 $_size_execute0_lowered;
	s2 =	sadd.s32 s2, s4;
	[dreg:$0x0] =	wrdreg $0x0  }
0xa8: {  	s4 =	sshll.u32 s28, $0x1;
	[dreg:$0x2] =	wrdreg s2  }
0xa9: {  	[dreg:$0x3] =	wrdreg s4  }
0xaa: {  	[dreg:$0x4] =	wrdreg $0xC0  }
0xab: {  	_ =	task [dreg:s6], $0x5FFFF  }
0xac: {  	[dreg:$0x1] =	wrdreg $0xFFFFFFFF  }
0xad: {  	[dreg:$0x0] =	wrdreg $0x60  }
0xae: {  	[dreg:$0x2] =	wrdreg s24  }
0xaf: {  	[dreg:$0x3] =	wrdreg $0x53200  }
0xb0: {  	[dreg:$0x4] =	wrdreg $0x9  }
0xb1: {  	_ =	task.clear_ibuf [dreg:s6], $0x5FFFF;
	_ =	strace $0x90000046  }
0xb2: {  	s29 =	simm.s32 $0x9;
	_ =	strace $0x80000048  }
0xb3: {  	_ =	swait.ge [sflag:s29], $0x1  }
0xb4: {  	[sflag:s29] =	ssyncadd.s32 $0xFFFFFFFF  }
0xb5: {  	_ =	strace $0x90000048  }
0xb6: {  	_ =	sfence  }
0xb7: {  	s30 =	sld [smem:$0x0];
	_ =	sdelay $0x2  }
0xb8: {  	s31 =	sshll.u32 s1, $0xD;
	s1 =	sshrl.u32 s1, $0x2  }
0xb9: {  	s3 =	sand.u32 $0x4000, s31;
	s1 =	sadd.s32 s1, s30  }
0xba: {  	s0 =	sor.u32 s3, s0;
	s1 =	sshll.u32 s1, $0x11  }
0xbb: {  	s0 =	sor.u32 s1, s0  }
0xbc: {  	s0 =	sadd.s32 $0x8F2B, s0  }
0xbd: {  	[sflag:s0] =	ssyncadd.remote.s32 $0x1  }
0xbe: {  	_ =	sfence.sel $0xFFFF  }
0xbf: {  	[dreg:$0x0] =	wrdreg $0xFFFFFFFF;
	(pc) =	sbr.abs _section_cstart, $3  }
0xc0: {  	[dreg:$0x1] =	wrdreg $0xFFFFFFFF  }
0xc1: {  	_ =	task.clear_ibuf [dreg:s6], $0x2FFFF;
	_ =	strace $0x9FFFFFFF  }
0xc2: {  	(tm) =	ssettm $0x7FFFFFFF  }
0xc3: {  	_ =	shalt  }
tec
execute0_lowered:
.L_overlay_start_1:
0x0: {  	(tag) =	ssettag $0x1  }
0x1: {  	s4 =	rddreg [dreg:$0x0]  }
0x2: {  	s2 =	rddreg [dreg:$0x1]  }
0x3: {  	s0 =	rddreg [dreg:$0x2];
	s3 =	srdreg.scid  }
0x4: {  	s1 =	stileid.u32;
	s10 =	simm.s32 $0x1;
	s11 =	simm.s32 $0x50  }
0x5: {  	s12 =	simm.s32 $0x2710;
	s13 =	simm.s32 $0x0;
	s5 =	sand.u32 $0x1, s3  }
0x6: {  	s6 =	sshll.u32 s1, $0x1;
	s7 =	smul.u32 $0x2710, s1;
	s3 =	simm.s32 $0x0  }
0x7: {  	s6 =	sor.u32 s5, s6;
	s8 =	smul.u32 $0x27100, s5;
	s5 =	ssub.s32 $0x2, s5  }
0x8: {  	[smem:$0x7FF] =	sst s3;
	s6 =	smul.u32 $0x4E2, s6;
	s9 =	sshrl.u32 s5, $0x1  }
0x9: {  	_ =	strace $0x80000047;
	s8 =	sadd.s32 s7, s8;
	s9 =	ssub.s32 s5, s9  }
0xa: {  	s5 =	sadd.s32 s7, s2;
	s6 =	sadd.s32 s6, s4;
	s8 =	sshrl.u32 s8, $0x3  }
0xb: {  	s7 =	smax.u32 s9, $0x1;
	s9 =	simm.s32 $0x2;
	s8 =	sadd.s32 s8, s4  }
0xc: {  	v0 =	vimm.f32 $1.000000000e+00;
	v1 =	vimm.f32 $0.0e+00;
	s4 =	sadd.s32 $0xDA00, s6;
	s6 =	sadd.s32 $0x17800, s8;
	s8 =	simm.s32 $0x2C10  }
.LBB2_1:
0xd: {  	[tilespmem:s3], [sflag:$0x1] =	stream.linear.gather [hbm4b:s4+s3], $0x2710, $0x38;
	[tilespmem:$0x7A30] =	vst v63  }
0xe: {  	s14 =	simm.s32 $0x0  }
.LBB2_2:
0xf: {  	p0 =	sne.s32 s14, $0x13C0  }
.Ltmp0:
0x10: {  	_ = 	snop;
	(pc) =	sbr.rel @p0 .LBB2_2-.Ltmp0, $3  }
0x11: {  	_ =	sdelay $0x1  }
0x12: {  	s15 =	sshra.s32 s14, $0x2  }
0x13: {  	s14 =	sadd.s32 $0x40, s14;
	[tilespmem:s15+$0x2710] =	vst v0  }
0x14: {  	s14 =	simm.s32 $0x40;
	s15 =	simm.s32 $0x0  }
.LBB2_4:
0x15: {  	p0 =	sne.s32 s14, $0x9C00;
	[tilespmem:s15+$0x2C10] =	vst v1;
	s15 =	smov.u32 s14;
	s14 =	sadd.s32 $0x40, s14  }
.Ltmp1:
0x16: {  	(pc) =	sbr.rel @p0 .LBB2_4-.Ltmp1, $2  }
0x17: {  	_ =	sdelay $0x2  }
0x18: {  	s15 =	sshra.s32 s15, $0x2  }
0x19: {  	[tilespmem:s15+$0x2C10] =	vst v1  }
0x1a: {  	[spmem:s5] =	stream.linear.scatter [tilespmem:s8], [sflag:$0x2], $0x2710, $0x38;
	[tilespmem:$0x7A30] =	vst v63  }
0x1b: {  	_ =	swait.ge [sflag:s9], $0x2710  }
0x1c: {  	[sflag:s9] =	ssyncset.done $0x0  }
0x1d: {  	[sflag:s9] =	ssyncadd.s32 $0xFFFFD8F0  }
0x1e: {  	_ =	swait.ge [sflag:s10], $0x2710  }
0x1f: {  	[sflag:s10] =	ssyncset.done $0x0  }
0x20: {  	[sflag:s10] =	ssyncadd.s32 $0xFFFFD8F0  }
0x21: {  	s14 =	simm.s32 $0x0;
	[bflag:$0x0] =	sbarrier.arrive $0xFFFF  }
.LBB2_6:
0x22: {  	p0 =	sne.s32 s14, $0x9B00  }
.Ltmp2:
0x23: {  	_ = 	snop;
	(pc) =	sbr.rel @p0 .LBB2_6-.Ltmp2, $3  }
0x24: {  	_ =	sdelay $0x1  }
0x25: {  	s15 =	sshra.s32 s14, $0x2;
	s14 =	sadd.s32 $0x140, s14  }
0x26: {  	[spmem:s2] =	stream.indirect.scatter.add.f32 [tilespmem:s12], [sflag:$0x1], $0x10, s15, s11, $0xb8;
	[tilespmem:$0x7A30] =	vst v63  }
0x27: {  	_ =	swait.ge [sflag:s10], $0x500  }
0x28: {  	s14 =	simm.s32 $0x7C;
	[sflag:s10] =	ssyncset.done $0x0  }
.LBB2_8:
0x29: {  	p0 =	sne.s32 s14, $0x1;
	s14 =	sadd.s32 $0xFFFFFFFF, s14;
	[sflag:s10] =	ssyncadd.s32 $0xFFFFFB00  }
.Ltmp3:
0x2a: {  	(pc) =	sbr.rel @p0 .LBB2_8-.Ltmp3, $3  }
0x2b: {  	_ =	sdelay $0x1  }
0x2c: {  	_ =	swait.ge [sflag:s10], $0x500  }
0x2d: {  	[sflag:s10] =	ssyncset.done $0x0  }
0x2e: {  	[sflag:s10] =	ssyncadd.s32 $0xFFFFFB00  }
0x2f: {  	[bflag:$0x0] =	sbarrier.arrive $0xFFFF  }
0x30: {  	[tilespmem:s8], [sflag:$0x2] =	stream.linear.gather [spmem:s5], $0x2710, $0x38;
	[tilespmem:$0x7A30] =	vst v63  }
0x31: {  	s13 =	sadd.s32 $0x1, s13;
	_ =	swait.ge [sflag:s9], $0x2710  }
0x32: {  	p0 =	sne.s32 s13, s7;
	[sflag:s9] =	ssyncset.done $0x0  }
.Ltmp4:
0x33: {  	[sflag:s9] =	ssyncadd.s32 $0xFFFFD8F0;
	(pc) =	sbr.rel @p0 .LBB2_1-.Ltmp4, $4  }
0x34: {  	[hbm4b:s6+s3] =	stream.linear.scatter [tilespmem:s8], [sflag:$0x2], $0x2710, $0x38;
	[tilespmem:$0x7A30] =	vst v63  }
0x35: {  	_ =	swait.ge [sflag:s9], $0x2710  }
0x36: {  	[sflag:s9] =	ssyncset.done $0x0  }
0x37: {  	[sflag:s9] =	ssyncadd.s32 $0xFFFFD8F0  }
0x38: {  	_ =	sfence.sel $0x180000  }
0x39: {  	[bflag:$0x0] =	sbarrier.arrive $0xFFFF  }
0x3a: {  	p0 =	sne.s32 s1, $0x0;
	_ =	strace $0x90000047  }
0x3b: {  	s0 =	sadd.s32 @!p0 $0x100000, s0;
	[bflag:$0x2] =	sbarrier.arrive $0xFFFF  }
0x3c: {  	[sflag:s0] =	ssyncadd.tile.s32 @!p0 $0x1;
	_ =	shalt  }
.Lfunc_end2:
_tile_overlayer_lowered:
.L_overlay_start_2:
0x3d: {  	(tag) =	ssettag $0x2  }
0x3e: {  	s0 =	rddreg [dreg:$0x0];
	s2 =	stileid.u32  }
0x3f: {  	s1 =	rddreg [dreg:$0x1];
	p0 =	sne.s32 s2, $0x0  }
0x40: {  	s3 =	rddreg [dreg:$0x2];
	[bflag:$0x3] =	sbarrier.arrive $0xFFFF;
	s2 =	simm.s32 @!p0 $0x1C02  }
0x41: {  	[timem:s3], [sflag:s2] =	dma.local @!p0 [hbm:s0], s1  }
0x42: {  	s0 =	simm.s32 @!p0 $0x2  }
0x43: {  	_ =	swait.ge @!p0 [sflag:s0], s1  }
0x44: {  	s1 =	ssub.s32 @!p0 $0x0, s1;
	[sflag:s0] =	ssyncset.done @!p0 $0x0  }
0x45: {  	[sflag:s0] =	ssyncadd.s32 @!p0 s1  }
0x46: {  	[bflag:$0x3] =	sbarrier.arrive $0xFFFF  }
0x47: {  	_ =	shalt  }

</sc_bundles>
